<compile_context>
chip_gen: v7x
topology: tpu7x:2x2x1
jax: 0.10.2.dev20260603
libtpu: 0.0.44.dev20260713+nightly
codegen_flags: <defaults>
</compile_context>

<pallas_src>
import functools
import math

import jax
import jax.numpy as jnp
from jax import lax
from jax.experimental import pallas as pl
from jax.experimental.pallas import tpu as pltpu
from jax.experimental.pallas import tpu_sc as plsc

N = 10000
E = 320000
D = 128
H = 4
HD = D // H
NR = 64

NC = 2
NS = 16
NW = NC * NS
L = 16

N_PAD = 10240
RW = N_PAD // NW

EW = E // NW
GR2 = 200
NCH2 = EW // GR2

CH = 3200
NCH4 = E // CH
GR4 = 128
MCAP = 3264

BE = 3200
BN = 2048

_mesh = plsc.VectorSubcoreMesh(core_axis_name="c", subcore_axis_name="s")


def _wid():
    return lax.axis_index("s") * NC + lax.axis_index("c")


def _q_body(x_ref, wq_ref, q_ref):
    q_ref[...] = jnp.dot(x_ref[...], wq_ref[...],
                         preferred_element_type=jnp.float32)


def _q_proj(x, Wq):
    return pl.pallas_call(
        _q_body,
        out_shape=jax.ShapeDtypeStruct((N, D), jnp.float32),
    )(x, Wq)


@functools.partial(
    pl.kernel,
    out_type=(jax.ShapeDtypeStruct((E, D), jnp.float32),
              jax.ShapeDtypeStruct((E, D), jnp.float32)),
    mesh=_mesh,
    scratch_types=[
        pltpu.VMEM((GR2,), jnp.int32),
        pltpu.VMEM((GR2,), jnp.int32),
        pltpu.VMEM((GR2,), jnp.int32),
        pltpu.VMEM((GR2, D), jnp.float32),
        pltpu.VMEM((GR2, D), jnp.float32),
        pltpu.VMEM((GR2, D), jnp.float32),
        pltpu.SemaphoreType.DMA,
        pltpu.SemaphoreType.DMA,
        pltpu.SemaphoreType.DMA,
    ],
)
def _sc_gather(x_hbm, q_hbm, r_hbm, src_hbm, dst_hbm, et_hbm,
               msg_hbm, qd_hbm, isrc_v, iet_v, idst_v,
               xs_v, rel_v, qd_v, sem_a, sem_b, sem_c):
    ebase = _wid() * EW

    def chunk(c, carry):
        off = ebase + c * GR2
        hs = pltpu.async_copy(src_hbm.at[pl.ds(off, GR2)], isrc_v, sem_a)
        he = pltpu.async_copy(et_hbm.at[pl.ds(off, GR2)], iet_v, sem_b)
        hd = pltpu.async_copy(dst_hbm.at[pl.ds(off, GR2)], idst_v, sem_c)
        hs.wait()
        g1 = pltpu.async_copy(x_hbm.at[isrc_v], xs_v, sem_a)
        he.wait()
        g2 = pltpu.async_copy(r_hbm.at[iet_v], rel_v, sem_b)
        hd.wait()
        g3 = pltpu.async_copy(q_hbm.at[idst_v], qd_v, sem_c)
        g1.wait()
        g2.wait()

        def row(r, carry2):
            for f in range(D // L):
                sl = pl.ds(f * L, L)
                xs_v[r, sl] = xs_v[r, sl] * rel_v[r, sl]
            return carry2

        lax.fori_loop(0, GR2, row, 0)
        pltpu.sync_copy(xs_v, msg_hbm.at[pl.ds(off, GR2)])
        g3.wait()
        pltpu.sync_copy(qd_v, qd_hbm.at[pl.ds(off, GR2)])
        return carry

    lax.fori_loop(0, NCH2, chunk, 0)


def _attn_body(msg_ref, qd_ref, wk_ref, wv_ref, p_ref, sv_ref):
    msg = msg_ref[...]
    k = jnp.dot(msg, wk_ref[...], preferred_element_type=jnp.float32)
    v = jnp.dot(msg, wv_ref[...], preferred_element_type=jnp.float32)
    a = qd_ref[...] * k
    asum = jnp.dot(a, p_ref[...], preferred_element_type=jnp.float32)
    w = jax.nn.sigmoid(asum * (1.0 / math.sqrt(HD)))
    sv_ref[...] = w * v


def _attn(msg, qd, Wk, Wv, P):
    grid = (E // BE,)
    return pl.pallas_call(
        _attn_body,
        grid=grid,
        in_specs=[
            pl.BlockSpec((BE, D), lambda i: (i, 0)),
            pl.BlockSpec((BE, D), lambda i: (i, 0)),
            pl.BlockSpec((D, D), lambda i: (0, 0)),
            pl.BlockSpec((D, D), lambda i: (0, 0)),
            pl.BlockSpec((D, D), lambda i: (0, 0)),
        ],
        out_specs=pl.BlockSpec((BE, D), lambda i: (i, 0)),
        out_shape=jax.ShapeDtypeStruct((E, D), jnp.float32),
        compiler_params=pltpu.CompilerParams(
            dimension_semantics=("parallel",)),
    )(msg, qd, Wk, Wv, P)


@functools.partial(
    pl.kernel,
    out_type=(jax.ShapeDtypeStruct((N_PAD, D), jnp.float32),
              jax.ShapeDtypeStruct((N_PAD, D), jnp.float32),
              jax.ShapeDtypeStruct((N_PAD,), jnp.float32)),
    mesh=_mesh,
    scratch_types=[
        pltpu.VMEM((RW, D), jnp.float32),
        pltpu.VMEM((RW, D), jnp.float32),
        pltpu.VMEM((RW + L,), jnp.float32),
        pltpu.VMEM((CH + L,), jnp.int32),
        pltpu.VMEM((CH + L,), jnp.int32),
        pltpu.VMEM((MCAP,), jnp.int32),
        pltpu.VMEM((MCAP,), jnp.int32),
        pltpu.VMEM((GR4 + L,), jnp.int32),
        pltpu.VMEM((GR4 + L,), jnp.int32),
        pltpu.VMEM((GR4, D), jnp.float32),
        pltpu.VMEM((GR4, D), jnp.float32),
        pltpu.SemaphoreType.DMA,
        pltpu.SemaphoreType.DMA,
        pltpu.SemaphoreType.DMA,
        pltpu.SemaphoreType.DMA,
        pltpu.SemaphoreType.DMA,
        pltpu.SemaphoreType.DMA,
    ],
)
def _sc_scatter(dst_hbm, sv_hbm, s_hbm, m_hbm, deg_hbm,
                s_v, m_v, deg_v, dstc_a, dstc_b, midx_a, midx_b,
                dval_a, dval_b, rows_a, rows_b,
                sem_la, sem_lb, sem_ga, sem_gb, sem_da, sem_db):
    base = _wid() * RW
    zeroes = jnp.zeros((L,), jnp.float32)
    neginf = jnp.full((L,), -3.0e38, jnp.float32)
    izeroes = jnp.zeros((L,), jnp.int32)
    one_hot0 = jnp.where(lax.iota(jnp.int32, L) == 0, 1.0, 0.0
                         ).astype(jnp.float32)

    def init_row(i, carry):
        for f in range(D // L):
            s_v[i, pl.ds(f * L, L)] = zeroes
            m_v[i, pl.ds(f * L, L)] = neginf
        return carry

    lax.fori_loop(0, RW, init_row, 0)

    def init_deg(i, carry):
        deg_v[pl.ds(i * L, L)] = zeroes
        return carry

    lax.fori_loop(0, (RW + L) // L, init_deg, 0)

    def init_midx(i, carry):
        midx_a[pl.ds(i * L, L)] = izeroes
        midx_b[pl.ds(i * L, L)] = izeroes
        return carry

    lax.fori_loop(0, MCAP // L, init_midx, 0)

    def compact(c, dstc_v, midx_v):
        def grp(i, nm):
            d = dstc_v[pl.ds(i * L, L)]
            ld = d - base
            mki = jnp.where((ld >= 0) & (ld < RW), 1, 0).astype(jnp.int32)
            egrp = c * CH + i * L
            for j in range(L):
                midx_v[pl.ds(nm, L)] = jnp.full((L,), egrp + j, jnp.int32)
                nm = nm + mki[j]
            return nm

        return lax.fori_loop(0, CH // L, grp, jnp.int32(0))

    def start_gather(g, midx_v, rows_v, dval_v, sem_g, sem_d):
        hr = pltpu.async_copy(sv_hbm.at[midx_v.at[pl.ds(g * GR4, GR4)]],
                              rows_v, sem_g)
        hd = pltpu.async_copy(dst_hbm.at[midx_v.at[pl.ds(g * GR4, GR4)]],
                              dval_v.at[pl.ds(0, GR4)], sem_d)
        return hr, hd

    def process_rows(nrow, rows_v, dval_v):
        def rowfn(k2, carry3):
            l = dval_v[pl.ds(k2, L)][0] - base
            for f in range(D // L):
                sl = pl.ds(f * L, L)
                rv = rows_v[k2, sl]
                s_v[l, sl] = s_v[l, sl] + rv
                m_v[l, sl] = jnp.maximum(m_v[l, sl], rv)
            dsl = pl.ds(l, L)
            deg_v[dsl] = deg_v[dsl] + one_hot0
            return carry3

        lax.fori_loop(0, nrow, rowfn, 0)

    def process_chunk(nm, midx_v, rows_v, dval_v, sem_g, sem_d):
        process_rows(jnp.minimum(nm, GR4), rows_v, dval_v)
        ngr = (nm + GR4 - 1) // GR4

        def extra(gi, carry2):
            hr, hd = start_gather(gi, midx_v, rows_v, dval_v, sem_g, sem_d)
            hr.wait()
            hd.wait()
            process_rows(jnp.minimum(nm - gi * GR4, GR4), rows_v, dval_v)
            return carry2

        lax.fori_loop(1, jnp.maximum(ngr, 1), extra, 0)

    def pair(p, carry):
        ca = 2 * p
        cb = 2 * p + 1
        hla = pltpu.async_copy(dst_hbm.at[pl.ds(ca * CH, CH)],
                               dstc_a.at[pl.ds(0, CH)], sem_la)
        hlb = pltpu.async_copy(dst_hbm.at[pl.ds(cb * CH, CH)],
                               dstc_b.at[pl.ds(0, CH)], sem_lb)
        hla.wait()
        nma = compact(ca, dstc_a, midx_a)
        hra, hda = start_gather(0, midx_a, rows_a, dval_a, sem_ga, sem_da)
        hlb.wait()
        nmb = compact(cb, dstc_b, midx_b)
        hrb, hdb = start_gather(0, midx_b, rows_b, dval_b, sem_gb, sem_db)
        hra.wait()
        hda.wait()
        process_chunk(nma, midx_a, rows_a, dval_a, sem_ga, sem_da)
        hrb.wait()
        hdb.wait()
        process_chunk(nmb, midx_b, rows_b, dval_b, sem_gb, sem_db)
        return carry

    lax.fori_loop(0, NCH4 // 2, pair, 0)
    pltpu.sync_copy(s_v, s_hbm.at[pl.ds(base, RW)])
    pltpu.sync_copy(m_v, m_hbm.at[pl.ds(base, RW)])
    pltpu.sync_copy(deg_v.at[pl.ds(0, RW)], deg_hbm.at[pl.ds(base, RW)])


def _epi_body(x_ref, s_ref, m_ref, deg_ref, a_ref, b_ref, c_ref, d_ref,
              g_ref, bt_ref, o_ref):
    S = s_ref[...]
    degb = deg_ref[...]
    M = jnp.where(degb == 0.0, 0.0, m_ref[...])
    sc = 1.0 / jnp.sqrt(jnp.maximum(degb, 1.0))
    c1 = (jnp.dot(S, a_ref[...], preferred_element_type=jnp.float32)
          + jnp.dot(M, c_ref[...], preferred_element_type=jnp.float32))
    c2 = (jnp.dot(S, b_ref[...], preferred_element_type=jnp.float32)
          + jnp.dot(M, d_ref[...], preferred_element_type=jnp.float32))
    h = x_ref[...] + c1 + sc * c2
    mu = jnp.mean(h, axis=1, keepdims=True)
    var = jnp.mean((h - mu) * (h - mu), axis=1, keepdims=True)
    o_ref[...] = ((h - mu) / jnp.sqrt(var + 1e-5)) * g_ref[...] + bt_ref[...]


def _epilogue(x, S, M, deg, A, B, C, Dm, gamma, beta):
    grid = (N_PAD // BN,)
    blk = lambda i: (i, 0)
    zero = lambda i: (0, 0)
    return pl.pallas_call(
        _epi_body,
        grid=grid,
        in_specs=[
            pl.BlockSpec((BN, D), blk),
            pl.BlockSpec((BN, D), blk),
            pl.BlockSpec((BN, D), blk),
            pl.BlockSpec((BN, D), blk),
            pl.BlockSpec((D, D), zero),
            pl.BlockSpec((D, D), zero),
            pl.BlockSpec((D, D), zero),
            pl.BlockSpec((D, D), zero),
            pl.BlockSpec((1, D), zero),
            pl.BlockSpec((1, D), zero),
        ],
        out_specs=pl.BlockSpec((BN, D), blk),
        out_shape=jax.ShapeDtypeStruct((N_PAD, D), jnp.float32),
        compiler_params=pltpu.CompilerParams(
            dimension_semantics=("parallel",)),
    )(x, S, M, deg, A, B, C, Dm, gamma, beta)


def kernel(x, edge_index, edge_type, Wq, Wk, Wv, R, W_o, ln_gamma, ln_beta):
    src = edge_index[0].astype(jnp.int32)
    dst = edge_index[1].astype(jnp.int32)
    et = edge_type.astype(jnp.int32)

    A = W_o[0:D] + W_o[D:3 * D:2]
    B = W_o[D + 1:3 * D:2]
    C = W_o[3 * D:5 * D:2]
    Dm = W_o[3 * D + 1:5 * D:2]
    P = jnp.kron(jnp.eye(H, dtype=jnp.float32),
                 jnp.ones((HD, HD), dtype=jnp.float32))

    q = _q_proj(x, Wq)
    msg, qd = _sc_gather(x, q, R, src, dst, et)
    sv = _attn(msg, qd, Wk, Wv, P)
    S, M, deg = _sc_scatter(dst, sv)
    x_pad = jnp.pad(x, ((0, N_PAD - N), (0, 0)))
    degb = jnp.broadcast_to(deg[:, None], (N_PAD, D))
    out = _epilogue(x_pad, S, M, degb, A, B, C, Dm,
                    ln_gamma.reshape(1, D), ln_beta.reshape(1, D))
    return out[:N]

# --- scband reference (transcript-rebuilt; emitter-appended) ---
"""Pipeline reference for scband-rel-attn-ent-pna-block-84559316123892 (READ-ONLY COPY).

The authoritative reference and input builder live on the scoring server;
editing this copy changes nothing except your own understanding.
"""

import jax, jax.numpy as jnp
import numpy as np

N_NODES = 10000
N_EDGES = 320000
D = 128
N_HEADS = 4
N_RELS = 64


def setup_inputs(seed: int = 0) -> dict:
    key = jax.random.key(seed)
    ks = [jax.random.fold_in(key, i) for i in range(10)]
    x = jax.random.normal(ks[0], (N_NODES, D), dtype=jnp.float32)
    edge_index = jax.random.randint(ks[1], (2, N_EDGES), 0, N_NODES, dtype=jnp.int64)
    edge_type = jax.random.randint(ks[2], (N_EDGES,), 0, N_RELS, dtype=jnp.int64)
    s = 1.0 / np.sqrt(D)
    Wq = jax.random.normal(ks[3], (D, D), dtype=jnp.float32) * s
    Wk = jax.random.normal(ks[4], (D, D), dtype=jnp.float32) * s
    Wv = jax.random.normal(ks[5], (D, D), dtype=jnp.float32) * s
    R = jax.random.normal(ks[6], (N_RELS, D), dtype=jnp.float32)
    W_o = jax.random.normal(ks[7], (5 * D, D), dtype=jnp.float32) * (1.0 / np.sqrt(5 * D))
    ln_gamma = jnp.ones((D,), dtype=jnp.float32)
    ln_beta = jnp.zeros((D,), dtype=jnp.float32)
    return {"x": x, "edge_index": edge_index, "edge_type": edge_type,
            "Wq": Wq, "Wk": Wk, "Wv": Wv, "R": R, "W_o": W_o,
            "ln_gamma": ln_gamma, "ln_beta": ln_beta}


def reference(x, edge_index, edge_type, Wq, Wk, Wv, R, W_o, ln_gamma, ln_beta):
    N, d = x.shape
    H = N_HEADS
    hd = d // H
    src = edge_index[0]
    dst = edge_index[1]
    # KGE op (DistMult): message = ent * rel, gathered per edge
    rel = jnp.take(R, edge_type, axis=0)
    msg = jnp.take(x, src, axis=0) * rel
    # projections
    q = x @ Wq
    k = msg @ Wk
    v = msg @ Wv
    # scatter multi-head attention (sigmoid compute)
    qe = jnp.take(q, dst, axis=0).reshape(-1, H, hd)
    ke = k.reshape(-1, H, hd)
    alphas = jnp.sum(qe * ke, axis=-1) / jnp.sqrt(jnp.asarray(hd, x.dtype))
    weights = jax.nn.sigmoid(alphas)
    scaled_v = (weights[..., None] * v.reshape(-1, H, hd)).reshape(-1, d)
    agg_attn = jnp.zeros((N, d), x.dtype).at[dst].add(scaled_v)
    # simple_pna over scaled values: scalars=[origin, scaled(1/sqrt(deg))], aggs=[sum, max]
    deg = jnp.zeros((N,), x.dtype).at[dst].add(jnp.ones((scaled_v.shape[0],), x.dtype))
    v_scale = (1.0 / jnp.sqrt(jnp.maximum(deg, 1.0)))[dst]
    pna_parts = []
    for scalar in ('origin', 'scaled'):
        vv = scaled_v if scalar == 'origin' else scaled_v * v_scale[:, None]
        s_sum = jnp.zeros((N, d), x.dtype).at[dst].add(vv)
        s_max = jnp.full((N, d), -jnp.inf, x.dtype).at[dst].max(vv)
        s_max = jnp.where(jnp.isinf(s_max), jnp.zeros_like(s_max), s_max)
        pna_parts.append(jnp.concatenate([s_sum, s_max], axis=-1))
    pna = jnp.stack(pna_parts, axis=-1).reshape(N, -1)
    combined = jnp.concatenate([agg_attn, pna], axis=-1) @ W_o
    # gated residue norm (no gate): LayerNorm(residual + update)
    h = x + combined
    mu = jnp.mean(h, axis=-1, keepdims=True)
    var = jnp.var(h, axis=-1, keepdims=True)
    out = (h - mu) / jnp.sqrt(var + 1e-5) * ln_gamma + ln_beta
    return out

if __name__ == "__main__":
    import jax
    _d = setup_inputs()
    print(jax.jit(kernel)(*tuple(_d.values())))

</pallas_src>

<mosaic_0001>
#map = affine_map<(d0, d1) -> (0)>
#map1 = affine_map<(d0, d1) -> (0, 0)>
module attributes {stable_mosaic.version = 14 : i64} {
  func.func @_sc_scatter(%arg0: i32, %arg1: i32, %arg2: memref<320000xi32, #tpu.memory_space<hbm>>, %arg3: memref<320000x128xf32, #tpu.memory_space<hbm>>, %arg4: memref<10240x128xf32, #tpu.memory_space<hbm>>, %arg5: memref<10240x128xf32, #tpu.memory_space<hbm>>, %arg6: memref<10240xf32, #tpu.memory_space<hbm>>, %arg7: memref<320x128xf32, #tpu.memory_space<vmem>>, %arg8: memref<320x128xf32, #tpu.memory_space<vmem>>, %arg9: memref<336xf32, #tpu.memory_space<vmem>>, %arg10: memref<3216xi32, #tpu.memory_space<vmem>>, %arg11: memref<3216xi32, #tpu.memory_space<vmem>>, %arg12: memref<3264xi32, #tpu.memory_space<vmem>>, %arg13: memref<3264xi32, #tpu.memory_space<vmem>>, %arg14: memref<144xi32, #tpu.memory_space<vmem>>, %arg15: memref<144xi32, #tpu.memory_space<vmem>>, %arg16: memref<128x128xf32, #tpu.memory_space<vmem>>, %arg17: memref<128x128xf32, #tpu.memory_space<vmem>>, %arg18: memref<!tpu.dma_semaphore, #tpu.memory_space<semaphore_mem>>, %arg19: memref<!tpu.dma_semaphore, #tpu.memory_space<semaphore_mem>>, %arg20: memref<!tpu.dma_semaphore, #tpu.memory_space<semaphore_mem>>, %arg21: memref<!tpu.dma_semaphore, #tpu.memory_space<semaphore_mem>>, %arg22: memref<!tpu.dma_semaphore, #tpu.memory_space<semaphore_mem>>, %arg23: memref<!tpu.dma_semaphore, #tpu.memory_space<semaphore_mem>>) attributes {dimension_semantics = [#tpu.dimension_semantics<core_parallel>, #tpu.dimension_semantics<subcore_parallel>], iteration_bounds = array<i64: 2, 16>, scalar_prefetch = 0 : i64, scratch_operands = 17 : i64, tpu.core_type = #tpu.core_type<sc_vector_subcore>, window_params = [{transform_indices = #map}, {transform_indices = #map1}, {transform_indices = #map1}, {transform_indices = #map1}, {transform_indices = #map}]} {
    %mul3A = arith.constant 2 : i32
    %mul3A_0 = arith.muli %arg1, %mul3A : i32
    %add3A = arith.addi %mul3A_0, %arg0 : i32
    %mul3A_1 = arith.constant 320 : i32
    %mul3A_2 = arith.muli %add3A, %mul3A_1 : i32
    %broadcast_in_dim3A = arith.constant 0.000000e+00 : f32
    %broadcast_in_dim3A_3 = vector.broadcast %broadcast_in_dim3A : f32 to vector<16xf32>
    %broadcast_in_dim3A_4 = arith.constant -3.000000e+38 : f32
    %broadcast_in_dim3A_5 = vector.broadcast %broadcast_in_dim3A_4 : f32 to vector<16xf32>
    %broadcast_in_dim3A_6 = arith.constant 0 : i32
    %broadcast_in_dim3A_7 = vector.broadcast %broadcast_in_dim3A_6 : i32 to vector<16xi32>
    %iota3A = tpu.iota {dimensions = array<i32: 0>} : vector<16xi32>
    %eq3A = arith.constant 0 : i32
    %eq3A_8 = vector.broadcast %eq3A : i32 to vector<16xi32>
    %eq3A_9 = arith.cmpi eq, %iota3A, %eq3A_8 : vector<16xi32>
    %jit3A = arith.constant 1.000000e+00 : f32
    %jit3A_10 = arith.constant 0.000000e+00 : f32
    %broadcast_in_dim3A_11 = vector.broadcast %jit3A : f32 to vector<16xf32>
    %broadcast_in_dim3A_12 = vector.broadcast %jit3A_10 : f32 to vector<16xf32>
    %select_n3A = arith.select %eq3A_9, %broadcast_in_dim3A_11, %broadcast_in_dim3A_12 : vector<16xi1>, vector<16xf32>
    %scan3A = arith.constant 0 : i32
    %scan3A_13 = arith.constant 0 : i32
    %scan3A_14 = arith.constant 320 : i32
    %scan3A_15 = arith.addi %scan3A_13, %scan3A_14 : i32
    %scan3A_16 = arith.constant 1 : i32
    scf.for %scan3A_36 = %scan3A_13 to %scan3A_15 step %scan3A_16  : i32 {
      %swap3A = arith.index_cast %scan3A_36 : i32 to index
      %swap3A_37 = arith.constant 0 : index
      %swap3A_38 = tpu.vector_load %arg7[%swap3A, %swap3A_37] {strides = array<i32>} : memref<320x128xf32, #tpu.memory_space<vmem>>, vector<1x16xf32>,
      %swap3A_39 = vector.shape_cast %swap3A_38 : vector<1x16xf32> to vector<16xf32>
      %swap3A_40 = vector.shape_cast %broadcast_in_dim3A_3 : vector<16xf32> to vector<1x16xf32>
      tpu.vector_store %arg7[%swap3A, %swap3A_37], %swap3A_40 {strides = array<i32>} : memref<320x128xf32, #tpu.memory_space<vmem>>, vector<1x16xf32>,
      %swap3A_41 = arith.index_cast %scan3A_36 : i32 to index
      %swap3A_42 = arith.constant 0 : index
      %swap3A_43 = tpu.vector_load %arg8[%swap3A_41, %swap3A_42] {strides = array<i32>} : memref<320x128xf32, #tpu.memory_space<vmem>>, vector<1x16xf32>,
      %swap3A_44 = vector.shape_cast %swap3A_43 : vector<1x16xf32> to vector<16xf32>
      %swap3A_45 = vector.shape_cast %broadcast_in_dim3A_5 : vector<16xf32> to vector<1x16xf32>
      tpu.vector_store %arg8[%swap3A_41, %swap3A_42], %swap3A_45 {strides = array<i32>} : memref<320x128xf32, #tpu.memory_space<vmem>>, vector<1x16xf32>,
      %swap3A_46 = arith.index_cast %scan3A_36 : i32 to index
      %swap3A_47 = arith.constant 16 : index
      %swap3A_48 = tpu.vector_load %arg7[%swap3A_46, %swap3A_47] {strides = array<i32>} : memref<320x128xf32, #tpu.memory_space<vmem>>, vector<1x16xf32>,
      %swap3A_49 = vector.shape_cast %swap3A_48 : vector<1x16xf32> to vector<16xf32>
      %swap3A_50 = vector.shape_cast %broadcast_in_dim3A_3 : vector<16xf32> to vector<1x16xf32>
      tpu.vector_store %arg7[%swap3A_46, %swap3A_47], %swap3A_50 {strides = array<i32>} : memref<320x128xf32, #tpu.memory_space<vmem>>, vector<1x16xf32>,
      %swap3A_51 = arith.index_cast %scan3A_36 : i32 to index
      %swap3A_52 = arith.constant 16 : index
      %swap3A_53 = tpu.vector_load %arg8[%swap3A_51, %swap3A_52] {strides = array<i32>} : memref<320x128xf32, #tpu.memory_space<vmem>>, vector<1x16xf32>,
      %swap3A_54 = vector.shape_cast %swap3A_53 : vector<1x16xf32> to vector<16xf32>
      %swap3A_55 = vector.shape_cast %broadcast_in_dim3A_5 : vector<16xf32> to vector<1x16xf32>
      tpu.vector_store %arg8[%swap3A_51, %swap3A_52], %swap3A_55 {strides = array<i32>} : memref<320x128xf32, #tpu.memory_space<vmem>>, vector<1x16xf32>,
      %swap3A_56 = arith.index_cast %scan3A_36 : i32 to index
      %swap3A_57 = arith.constant 32 : index
      %swap3A_58 = tpu.vector_load %arg7[%swap3A_56, %swap3A_57] {strides = array<i32>} : memref<320x128xf32, #tpu.memory_space<vmem>>, vector<1x16xf32>,
      %swap3A_59 = vector.shape_cast %swap3A_58 : vector<1x16xf32> to vector<16xf32>
      %swap3A_60 = vector.shape_cast %broadcast_in_dim3A_3 : vector<16xf32> to vector<1x16xf32>
      tpu.vector_store %arg7[%swap3A_56, %swap3A_57], %swap3A_60 {strides = array<i32>} : memref<320x128xf32, #tpu.memory_space<vmem>>, vector<1x16xf32>,
      %swap3A_61 = arith.index_cast %scan3A_36 : i32 to index
      %swap3A_62 = arith.constant 32 : index
      %swap3A_63 = tpu.vector_load %arg8[%swap3A_61, %swap3A_62] {strides = array<i32>} : memref<320x128xf32, #tpu.memory_space<vmem>>, vector<1x16xf32>,
      %swap3A_64 = vector.shape_cast %swap3A_63 : vector<1x16xf32> to vector<16xf32>
      %swap3A_65 = vector.shape_cast %broadcast_in_dim3A_5 : vector<16xf32> to vector<1x16xf32>
      tpu.vector_store %arg8[%swap3A_61, %swap3A_62], %swap3A_65 {strides = array<i32>} : memref<320x128xf32, #tpu.memory_space<vmem>>, vector<1x16xf32>,
      %swap3A_66 = arith.index_cast %scan3A_36 : i32 to index
      %swap3A_67 = arith.constant 48 : index
      %swap3A_68 = tpu.vector_load %arg7[%swap3A_66, %swap3A_67] {strides = array<i32>} : memref<320x128xf32, #tpu.memory_space<vmem>>, vector<1x16xf32>,
      %swap3A_69 = vector.shape_cast %swap3A_68 : vector<1x16xf32> to vector<16xf32>
      %swap3A_70 = vector.shape_cast %broadcast_in_dim3A_3 : vector<16xf32> to vector<1x16xf32>
      tpu.vector_store %arg7[%swap3A_66, %swap3A_67], %swap3A_70 {strides = array<i32>} : memref<320x128xf32, #tpu.memory_space<vmem>>, vector<1x16xf32>,
      %swap3A_71 = arith.index_cast %scan3A_36 : i32 to index
      %swap3A_72 = arith.constant 48 : index
      %swap3A_73 = tpu.vector_load %arg8[%swap3A_71, %swap3A_72] {strides = array<i32>} : memref<320x128xf32, #tpu.memory_space<vmem>>, vector<1x16xf32>,
      %swap3A_74 = vector.shape_cast %swap3A_73 : vector<1x16xf32> to vector<16xf32>
      %swap3A_75 = vector.shape_cast %broadcast_in_dim3A_5 : vector<16xf32> to vector<1x16xf32>
      tpu.vector_store %arg8[%swap3A_71, %swap3A_72], %swap3A_75 {strides = array<i32>} : memref<320x128xf32, #tpu.memory_space<vmem>>, vector<1x16xf32>,
      %swap3A_76 = arith.index_cast %scan3A_36 : i32 to index
      %swap3A_77 = arith.constant 64 : index
      %swap3A_78 = tpu.vector_load %arg7[%swap3A_76, %swap3A_77] {strides = array<i32>} : memref<320x128xf32, #tpu.memory_space<vmem>>, vector<1x16xf32>,
      %swap3A_79 = vector.shape_cast %swap3A_78 : vector<1x16xf32> to vector<16xf32>
      %swap3A_80 = vector.shape_cast %broadcast_in_dim3A_3 : vector<16xf32> to vector<1x16xf32>
      tpu.vector_store %arg7[%swap3A_76, %swap3A_77], %swap3A_80 {strides = array<i32>} : memref<320x128xf32, #tpu.memory_space<vmem>>, vector<1x16xf32>,
      %swap3A_81 = arith.index_cast %scan3A_36 : i32 to index
      %swap3A_82 = arith.constant 64 : index
      %swap3A_83 = tpu.vector_load %arg8[%swap3A_81, %swap3A_82] {strides = array<i32>} : memref<320x128xf32, #tpu.memory_space<vmem>>, vector<1x16xf32>,
      %swap3A_84 = vector.shape_cast %swap3A_83 : vector<1x16xf32> to vector<16xf32>
      %swap3A_85 = vector.shape_cast %broadcast_in_dim3A_5 : vector<16xf32> to vector<1x16xf32>
      tpu.vector_store %arg8[%swap3A_81, %swap3A_82], %swap3A_85 {strides = array<i32>} : memref<320x128xf32, #tpu.memory_space<vmem>>, vector<1x16xf32>,
      %swap3A_86 = arith.index_cast %scan3A_36 : i32 to index
      %swap3A_87 = arith.constant 80 : index
      %swap3A_88 = tpu.vector_load %arg7[%swap3A_86, %swap3A_87] {strides = array<i32>} : memref<320x128xf32, #tpu.memory_space<vmem>>, vector<1x16xf32>,
      %swap3A_89 = vector.shape_cast %swap3A_88 : vector<1x16xf32> to vector<16xf32>
      %swap3A_90 = vector.shape_cast %broadcast_in_dim3A_3 : vector<16xf32> to vector<1x16xf32>
      tpu.vector_store %arg7[%swap3A_86, %swap3A_87], %swap3A_90 {strides = array<i32>} : memref<320x128xf32, #tpu.memory_space<vmem>>, vector<1x16xf32>,
      %swap3A_91 = arith.index_cast %scan3A_36 : i32 to index
      %swap3A_92 = arith.constant 80 : index
      %swap3A_93 = tpu.vector_load %arg8[%swap3A_91, %swap3A_92] {strides = array<i32>} : memref<320x128xf32, #tpu.memory_space<vmem>>, vector<1x16xf32>,
      %swap3A_94 = vector.shape_cast %swap3A_93 : vector<1x16xf32> to vector<16xf32>
      %swap3A_95 = vector.shape_cast %broadcast_in_dim3A_5 : vector<16xf32> to vector<1x16xf32>
      tpu.vector_store %arg8[%swap3A_91, %swap3A_92], %swap3A_95 {strides = array<i32>} : memref<320x128xf32, #tpu.memory_space<vmem>>, vector<1x16xf32>,
      %swap3A_96 = arith.index_cast %scan3A_36 : i32 to index
      %swap3A_97 = arith.constant 96 : index
      %swap3A_98 = tpu.vector_load %arg7[%swap3A_96, %swap3A_97] {strides = array<i32>} : memref<320x128xf32, #tpu.memory_space<vmem>>, vector<1x16xf32>,
      %swap3A_99 = vector.shape_cast %swap3A_98 : vector<1x16xf32> to vector<16xf32>
      %swap3A_100 = vector.shape_cast %broadcast_in_dim3A_3 : vector<16xf32> to vector<1x16xf32>
      tpu.vector_store %arg7[%swap3A_96, %swap3A_97], %swap3A_100 {strides = array<i32>} : memref<320x128xf32, #tpu.memory_space<vmem>>, vector<1x16xf32>,
      %swap3A_101 = arith.index_cast %scan3A_36 : i32 to index
      %swap3A_102 = arith.constant 96 : index
      %swap3A_103 = tpu.vector_load %arg8[%swap3A_101, %swap3A_102] {strides = array<i32>} : memref<320x128xf32, #tpu.memory_space<vmem>>, vector<1x16xf32>,
      %swap3A_104 = vector.shape_cast %swap3A_103 : vector<1x16xf32> to vector<16xf32>
      %swap3A_105 = vector.shape_cast %broadcast_in_dim3A_5 : vector<16xf32> to vector<1x16xf32>
      tpu.vector_store %arg8[%swap3A_101, %swap3A_102], %swap3A_105 {strides = array<i32>} : memref<320x128xf32, #tpu.memory_space<vmem>>, vector<1x16xf32>,
      %swap3A_106 = arith.index_cast %scan3A_36 : i32 to index
      %swap3A_107 = arith.constant 112 : index
      %swap3A_108 = tpu.vector_load %arg7[%swap3A_106, %swap3A_107] {strides = array<i32>} : memref<320x128xf32, #tpu.memory_space<vmem>>, vector<1x16xf32>,
      %swap3A_109 = vector.shape_cast %swap3A_108 : vector<1x16xf32> to vector<16xf32>
      %swap3A_110 = vector.shape_cast %broadcast_in_dim3A_3 : vector<16xf32> to vector<1x16xf32>
      tpu.vector_store %arg7[%swap3A_106, %swap3A_107], %swap3A_110 {strides = array<i32>} : memref<320x128xf32, #tpu.memory_space<vmem>>, vector<1x16xf32>,
      %swap3A_111 = arith.index_cast %scan3A_36 : i32 to index
      %swap3A_112 = arith.constant 112 : index
      %swap3A_113 = tpu.vector_load %arg8[%swap3A_111, %swap3A_112] {strides = array<i32>} : memref<320x128xf32, #tpu.memory_space<vmem>>, vector<1x16xf32>,
      %swap3A_114 = vector.shape_cast %swap3A_113 : vector<1x16xf32> to vector<16xf32>
      %swap3A_115 = vector.shape_cast %broadcast_in_dim3A_5 : vector<16xf32> to vector<1x16xf32>
      tpu.vector_store %arg8[%swap3A_111, %swap3A_112], %swap3A_115 {strides = array<i32>} : memref<320x128xf32, #tpu.memory_space<vmem>>, vector<1x16xf32>,
    }
    %scan3A_17 = arith.constant 320 : i32
    %scan3A_18 = arith.constant 0 : i32
    %scan3A_19 = arith.constant 0 : i32
    %scan3A_20 = arith.constant 21 : i32
    %scan3A_21 = arith.addi %scan3A_19, %scan3A_20 : i32
    %scan3A_22 = arith.constant 1 : i32
    scf.for %scan3A_36 = %scan3A_19 to %scan3A_21 step %scan3A_22  : i32 {
      %mul3A_37 = arith.constant 16 : i32
      %mul3A_38 = arith.muli %scan3A_36, %mul3A_37 : i32
      %swap3A = arith.index_cast %mul3A_38 : i32 to index
      %swap3A_39 = tpu.vector_load %arg9[%swap3A] {strides = array<i32>} : memref<336xf32, #tpu.memory_space<vmem>>, vector<16xf32>,
      %swap3A_40 = vector.shape_cast %swap3A_39 : vector<16xf32> to vector<16xf32>
      %swap3A_41 = vector.shape_cast %broadcast_in_dim3A_3 : vector<16xf32> to vector<16xf32>
      tpu.vector_store %arg9[%swap3A], %swap3A_41 {strides = array<i32>} : memref<336xf32, #tpu.memory_space<vmem>>, vector<16xf32>,
    }
    %scan3A_23 = arith.constant 21 : i32
    %scan3A_24 = arith.constant 0 : i32
    %scan3A_25 = arith.constant 0 : i32
    %scan3A_26 = arith.constant 204 : i32
    %scan3A_27 = arith.addi %scan3A_25, %scan3A_26 : i32
    %scan3A_28 = arith.constant 1 : i32
    scf.for %scan3A_36 = %scan3A_25 to %scan3A_27 step %scan3A_28  : i32 {
      %mul3A_37 = arith.constant 16 : i32
      %mul3A_38 = arith.muli %scan3A_36, %mul3A_37 : i32
      %swap3A = arith.index_cast %mul3A_38 : i32 to index
      %swap3A_39 = tpu.vector_load %arg12[%swap3A] {strides = array<i32>} : memref<3264xi32, #tpu.memory_space<vmem>>, vector<16xi32>,
      %swap3A_40 = vector.shape_cast %swap3A_39 : vector<16xi32> to vector<16xi32>
      %swap3A_41 = vector.shape_cast %broadcast_in_dim3A_7 : vector<16xi32> to vector<16xi32>
      tpu.vector_store %arg12[%swap3A], %swap3A_41 {strides = array<i32>} : memref<3264xi32, #tpu.memory_space<vmem>>, vector<16xi32>,
      %mul3A_42 = arith.constant 16 : i32
      %mul3A_43 = arith.muli %scan3A_36, %mul3A_42 : i32
      %swap3A_44 = arith.index_cast %mul3A_43 : i32 to index
      %swap3A_45 = tpu.vector_load %arg13[%swap3A_44] {strides = array<i32>} : memref<3264xi32, #tpu.memory_space<vmem>>, vector<16xi32>,
      %swap3A_46 = vector.shape_cast %swap3A_45 : vector<16xi32> to vector<16xi32>
      %swap3A_47 = vector.shape_cast %broadcast_in_dim3A_7 : vector<16xi32> to vector<16xi32>
      tpu.vector_store %arg13[%swap3A_44], %swap3A_47 {strides = array<i32>} : memref<3264xi32, #tpu.memory_space<vmem>>, vector<16xi32>,
    }
    %scan3A_29 = arith.constant 204 : i32
    %scan3A_30 = arith.constant 0 : i32
    %scan3A_31 = arith.constant 0 : i32
    %scan3A_32 = arith.constant 50 : i32
    %scan3A_33 = arith.addi %scan3A_31, %scan3A_32 : i32
    %scan3A_34 = arith.constant 1 : i32
    scf.for %scan3A_36 = %scan3A_31 to %scan3A_33 step %scan3A_34  : i32 {
      %mul3A_37 = arith.constant 2 : i32
      %mul3A_38 = arith.muli %mul3A_37, %scan3A_36 : i32
      %mul3A_39 = arith.constant 2 : i32
      %mul3A_40 = arith.muli %mul3A_39, %scan3A_36 : i32
      %add3A_41 = arith.constant 1 : i32
      %add3A_42 = arith.addi %mul3A_40, %add3A_41 : i32
      %mul3A_43 = arith.constant 3200 : i32
      %mul3A_44 = arith.muli %mul3A_38, %mul3A_43 : i32
      %dma_start3A = arith.constant 0 : i32
      %dma_start3A_45 = tpu.memref_slice %arg10[%dma_start3A] : memref<3216xi32, #tpu.memory_space<vmem>> -> memref<3200xi32, #tpu.memory_space<vmem>>
      %dma_start3A_46 = tpu.memref_slice %arg2[%mul3A_44] : memref<320000xi32, #tpu.memory_space<hbm>> -> memref<3200xi32, #tpu.memory_space<hbm>>
      %dma_start3A_47 = arith.constant 0 : i32
      %dma_start3A_48 = tpu.memref_slice %arg10[%dma_start3A_47] : memref<3216xi32, #tpu.memory_space<vmem>> -> memref<3200xi32, #tpu.memory_space<vmem>>
      %dma_start3A_49 = tpu.memref_slice %arg2[%mul3A_44] : memref<320000xi32, #tpu.memory_space<hbm>> -> memref<3200xi32, #tpu.memory_space<hbm>>
      tpu.enqueue_dma source(%dma_start3A_49 : memref<3200xi32, #tpu.memory_space<hbm>>) target(%dma_start3A_48 : memref<3200xi32, #tpu.memory_space<vmem>>) target_semaphore(%arg18 : memref<!tpu.dma_semaphore, #tpu.memory_space<semaphore_mem>>)
      %mul3A_50 = arith.constant 3200 : i32
      %mul3A_51 = arith.muli %add3A_42, %mul3A_50 : i32
      %dma_start3A_52 = arith.constant 0 : i32
      %dma_start3A_53 = tpu.memref_slice %arg11[%dma_start3A_52] : memref<3216xi32, #tpu.memory_space<vmem>> -> memref<3200xi32, #tpu.memory_space<vmem>>
      %dma_start3A_54 = tpu.memref_slice %arg2[%mul3A_51] : memref<320000xi32, #tpu.memory_space<hbm>> -> memref<3200xi32, #tpu.memory_space<hbm>>
      %dma_start3A_55 = arith.constant 0 : i32
      %dma_start3A_56 = tpu.memref_slice %arg11[%dma_start3A_55] : memref<3216xi32, #tpu.memory_space<vmem>> -> memref<3200xi32, #tpu.memory_space<vmem>>
      %dma_start3A_57 = tpu.memref_slice %arg2[%mul3A_51] : memref<320000xi32, #tpu.memory_space<hbm>> -> memref<3200xi32, #tpu.memory_space<hbm>>
      tpu.enqueue_dma source(%dma_start3A_57 : memref<3200xi32, #tpu.memory_space<hbm>>) target(%dma_start3A_56 : memref<3200xi32, #tpu.memory_space<vmem>>) target_semaphore(%arg19 : memref<!tpu.dma_semaphore, #tpu.memory_space<semaphore_mem>>)
      %dma_wait3A = arith.constant 0 : i32
      %dma_wait3A_58 = tpu.memref_slice %arg10[%dma_wait3A] : memref<3216xi32, #tpu.memory_space<vmem>> -> memref<3200xi32, #tpu.memory_space<vmem>>
      %dma_wait3A_59 = tpu.memref_slice %arg2[%mul3A_44] : memref<320000xi32, #tpu.memory_space<hbm>> -> memref<3200xi32, #tpu.memory_space<hbm>>
      %dma_wait3A_60 = arith.constant 0 : i32
      %dma_wait3A_61 = tpu.memref_slice %arg10[%dma_wait3A_60] : memref<3216xi32, #tpu.memory_space<vmem>> -> memref<3200xi32, #tpu.memory_space<vmem>>
      %dma_wait3A_62 = tpu.memref_slice %arg2[%mul3A_44] : memref<320000xi32, #tpu.memory_space<hbm>> -> memref<3200xi32, #tpu.memory_space<hbm>>
      tpu.wait_dma2 semaphore(%arg18 : memref<!tpu.dma_semaphore, #tpu.memory_space<semaphore_mem>>) src(%dma_wait3A_62 : memref<3200xi32, #tpu.memory_space<hbm>>) dst(%dma_wait3A_61 : memref<3200xi32, #tpu.memory_space<vmem>>)
      %scan3A_63 = arith.constant 0 : i32
      %scan3A_64 = arith.constant 0 : i32
      %scan3A_65 = arith.constant 200 : i32
      %scan3A_66 = arith.addi %scan3A_64, %scan3A_65 : i32
      %scan3A_67 = arith.constant 1 : i32
      %scan3A_68 = scf.for %scan3A_222 = %scan3A_64 to %scan3A_66 step %scan3A_67 iter_args(%scan3A_223 = %scan3A_63) -> (i32)  : i32 {
        %mul3A_224 = arith.constant 16 : i32
        %mul3A_225 = arith.muli %scan3A_222, %mul3A_224 : i32
        %get3A = arith.index_cast %mul3A_225 : i32 to index
        %get3A_226 = tpu.vector_load %arg10[%get3A] {strides = array<i32>} : memref<3216xi32, #tpu.memory_space<vmem>>, vector<16xi32>,
        %get3A_227 = vector.shape_cast %get3A_226 : vector<16xi32> to vector<16xi32>
        %sub3A_228 = vector.broadcast %mul3A_2 : i32 to vector<16xi32>
        %sub3A_229 = arith.subi %get3A_227, %sub3A_228 : vector<16xi32>
        %ge3A = arith.constant 0 : i32
        %ge3A_230 = vector.broadcast %ge3A : i32 to vector<16xi32>
        %ge3A_231 = arith.cmpi sge, %sub3A_229, %ge3A_230 : vector<16xi32>
        %lt3A = arith.constant 320 : i32
        %lt3A_232 = vector.broadcast %lt3A : i32 to vector<16xi32>
        %lt3A_233 = arith.cmpi slt, %sub3A_229, %lt3A_232 : vector<16xi32>
        %and3A_234 = arith.andi %ge3A_231, %lt3A_233 : vector<16xi1>
        %jit3A_235 = arith.constant 1 : i32
        %jit3A_236 = arith.constant 0 : i32
        %broadcast_in_dim3A_237 = vector.broadcast %jit3A_235 : i32 to vector<16xi32>
        %broadcast_in_dim3A_238 = vector.broadcast %jit3A_236 : i32 to vector<16xi32>
        %select_n3A_239 = arith.select %and3A_234, %broadcast_in_dim3A_237, %broadcast_in_dim3A_238 : vector<16xi1>, vector<16xi32>
        %mul3A_240 = arith.constant 3200 : i32
        %mul3A_241 = arith.muli %mul3A_38, %mul3A_240 : i32
        %mul3A_242 = arith.constant 16 : i32
        %mul3A_243 = arith.muli %scan3A_222, %mul3A_242 : i32
        %add3A_244 = arith.addi %mul3A_241, %mul3A_243 : i32
        %add3A_245 = arith.constant 0 : i32
        %add3A_246 = arith.addi %add3A_244, %add3A_245 : i32
        %broadcast_in_dim3A_247 = vector.broadcast %add3A_246 : i32 to vector<16xi32>
        %swap3A = arith.index_cast %scan3A_223 : i32 to index
        %swap3A_248 = tpu.vector_load %arg12[%swap3A] {strides = array<i32>} : memref<3264xi32, #tpu.memory_space<vmem>>, vector<16xi32>,
        %swap3A_249 = vector.shape_cast %swap3A_248 : vector<16xi32> to vector<16xi32>
        %swap3A_250 = vector.shape_cast %broadcast_in_dim3A_247 : vector<16xi32> to vector<16xi32>
        tpu.vector_store %arg12[%swap3A], %swap3A_250 {strides = array<i32>} : memref<3264xi32, #tpu.memory_space<vmem>>, vector<16xi32>,
        %slice3A = vector.extract_strided_slice %select_n3A_239 {offsets = [0], sizes = [1], strides = [1]} : vector<16xi32> to vector<1xi32>
        %squeeze3A = vector.extract %slice3A[0] : i32 from vector<1xi32>
        %add3A_251 = arith.addi %scan3A_223, %squeeze3A : i32
        %add3A_252 = arith.constant 1 : i32
        %add3A_253 = arith.addi %add3A_244, %add3A_252 : i32
        %broadcast_in_dim3A_254 = vector.broadcast %add3A_253 : i32 to vector<16xi32>
        %swap3A_255 = arith.index_cast %add3A_251 : i32 to index
        %swap3A_256 = tpu.vector_load %arg12[%swap3A_255] {strides = array<i32>} : memref<3264xi32, #tpu.memory_space<vmem>>, vector<16xi32>,
        %swap3A_257 = vector.shape_cast %swap3A_256 : vector<16xi32> to vector<16xi32>
        %swap3A_258 = vector.shape_cast %broadcast_in_dim3A_254 : vector<16xi32> to vector<16xi32>
        tpu.vector_store %arg12[%swap3A_255], %swap3A_258 {strides = array<i32>} : memref<3264xi32, #tpu.memory_space<vmem>>, vector<16xi32>,
        %slice3A_259 = vector.extract_strided_slice %select_n3A_239 {offsets = [1], sizes = [1], strides = [1]} : vector<16xi32> to vector<1xi32>
        %squeeze3A_260 = vector.extract %slice3A_259[0] : i32 from vector<1xi32>
        %add3A_261 = arith.addi %add3A_251, %squeeze3A_260 : i32
        %add3A_262 = arith.constant 2 : i32
        %add3A_263 = arith.addi %add3A_244, %add3A_262 : i32
        %broadcast_in_dim3A_264 = vector.broadcast %add3A_263 : i32 to vector<16xi32>
        %swap3A_265 = arith.index_cast %add3A_261 : i32 to index
        %swap3A_266 = tpu.vector_load %arg12[%swap3A_265] {strides = array<i32>} : memref<3264xi32, #tpu.memory_space<vmem>>, vector<16xi32>,
        %swap3A_267 = vector.shape_cast %swap3A_266 : vector<16xi32> to vector<16xi32>
        %swap3A_268 = vector.shape_cast %broadcast_in_dim3A_264 : vector<16xi32> to vector<16xi32>
        tpu.vector_store %arg12[%swap3A_265], %swap3A_268 {strides = array<i32>} : memref<3264xi32, #tpu.memory_space<vmem>>, vector<16xi32>,
        %slice3A_269 = vector.extract_strided_slice %select_n3A_239 {offsets = [2], sizes = [1], strides = [1]} : vector<16xi32> to vector<1xi32>
        %squeeze3A_270 = vector.extract %slice3A_269[0] : i32 from vector<1xi32>
        %add3A_271 = arith.addi %add3A_261, %squeeze3A_270 : i32
        %add3A_272 = arith.constant 3 : i32
        %add3A_273 = arith.addi %add3A_244, %add3A_272 : i32
        %broadcast_in_dim3A_274 = vector.broadcast %add3A_273 : i32 to vector<16xi32>
        %swap3A_275 = arith.index_cast %add3A_271 : i32 to index
        %swap3A_276 = tpu.vector_load %arg12[%swap3A_275] {strides = array<i32>} : memref<3264xi32, #tpu.memory_space<vmem>>, vector<16xi32>,
        %swap3A_277 = vector.shape_cast %swap3A_276 : vector<16xi32> to vector<16xi32>
        %swap3A_278 = vector.shape_cast %broadcast_in_dim3A_274 : vector<16xi32> to vector<16xi32>
        tpu.vector_store %arg12[%swap3A_275], %swap3A_278 {strides = array<i32>} : memref<3264xi32, #tpu.memory_space<vmem>>, vector<16xi32>,
        %slice3A_279 = vector.extract_strided_slice %select_n3A_239 {offsets = [3], sizes = [1], strides = [1]} : vector<16xi32> to vector<1xi32>
        %squeeze3A_280 = vector.extract %slice3A_279[0] : i32 from vector<1xi32>
        %add3A_281 = arith.addi %add3A_271, %squeeze3A_280 : i32
        %add3A_282 = arith.constant 4 : i32
        %add3A_283 = arith.addi %add3A_244, %add3A_282 : i32
        %broadcast_in_dim3A_284 = vector.broadcast %add3A_283 : i32 to vector<16xi32>
        %swap3A_285 = arith.index_cast %add3A_281 : i32 to index
        %swap3A_286 = tpu.vector_load %arg12[%swap3A_285] {strides = array<i32>} : memref<3264xi32, #tpu.memory_space<vmem>>, vector<16xi32>,
        %swap3A_287 = vector.shape_cast %swap3A_286 : vector<16xi32> to vector<16xi32>
        %swap3A_288 = vector.shape_cast %broadcast_in_dim3A_284 : vector<16xi32> to vector<16xi32>
        tpu.vector_store %arg12[%swap3A_285], %swap3A_288 {strides = array<i32>} : memref<3264xi32, #tpu.memory_space<vmem>>, vector<16xi32>,
        %slice3A_289 = vector.extract_strided_slice %select_n3A_239 {offsets = [4], sizes = [1], strides = [1]} : vector<16xi32> to vector<1xi32>
        %squeeze3A_290 = vector.extract %slice3A_289[0] : i32 from vector<1xi32>
        %add3A_291 = arith.addi %add3A_281, %squeeze3A_290 : i32
        %add3A_292 = arith.constant 5 : i32
        %add3A_293 = arith.addi %add3A_244, %add3A_292 : i32
        %broadcast_in_dim3A_294 = vector.broadcast %add3A_293 : i32 to vector<16xi32>
        %swap3A_295 = arith.index_cast %add3A_291 : i32 to index
        %swap3A_296 = tpu.vector_load %arg12[%swap3A_295] {strides = array<i32>} : memref<3264xi32, #tpu.memory_space<vmem>>, vector<16xi32>,
        %swap3A_297 = vector.shape_cast %swap3A_296 : vector<16xi32> to vector<16xi32>
        %swap3A_298 = vector.shape_cast %broadcast_in_dim3A_294 : vector<16xi32> to vector<16xi32>
        tpu.vector_store %arg12[%swap3A_295], %swap3A_298 {strides = array<i32>} : memref<3264xi32, #tpu.memory_space<vmem>>, vector<16xi32>,
        %slice3A_299 = vector.extract_strided_slice %select_n3A_239 {offsets = [5], sizes = [1], strides = [1]} : vector<16xi32> to vector<1xi32>
        %squeeze3A_300 = vector.extract %slice3A_299[0] : i32 from vector<1xi32>
        %add3A_301 = arith.addi %add3A_291, %squeeze3A_300 : i32
        %add3A_302 = arith.constant 6 : i32
        %add3A_303 = arith.addi %add3A_244, %add3A_302 : i32
        %broadcast_in_dim3A_304 = vector.broadcast %add3A_303 : i32 to vector<16xi32>
        %swap3A_305 = arith.index_cast %add3A_301 : i32 to index
        %swap3A_306 = tpu.vector_load %arg12[%swap3A_305] {strides = array<i32>} : memref<3264xi32, #tpu.memory_space<vmem>>, vector<16xi32>,
        %swap3A_307 = vector.shape_cast %swap3A_306 : vector<16xi32> to vector<16xi32>
        %swap3A_308 = vector.shape_cast %broadcast_in_dim3A_304 : vector<16xi32> to vector<16xi32>
        tpu.vector_store %arg12[%swap3A_305], %swap3A_308 {strides = array<i32>} : memref<3264xi32, #tpu.memory_space<vmem>>, vector<16xi32>,
        %slice3A_309 = vector.extract_strided_slice %select_n3A_239 {offsets = [6], sizes = [1], strides = [1]} : vector<16xi32> to vector<1xi32>
        %squeeze3A_310 = vector.extract %slice3A_309[0] : i32 from vector<1xi32>
        %add3A_311 = arith.addi %add3A_301, %squeeze3A_310 : i32
        %add3A_312 = arith.constant 7 : i32
        %add3A_313 = arith.addi %add3A_244, %add3A_312 : i32
        %broadcast_in_dim3A_314 = vector.broadcast %add3A_313 : i32 to vector<16xi32>
        %swap3A_315 = arith.index_cast %add3A_311 : i32 to index
        %swap3A_316 = tpu.vector_load %arg12[%swap3A_315] {strides = array<i32>} : memref<3264xi32, #tpu.memory_space<vmem>>, vector<16xi32>,
        %swap3A_317 = vector.shape_cast %swap3A_316 : vector<16xi32> to vector<16xi32>
        %swap3A_318 = vector.shape_cast %broadcast_in_dim3A_314 : vector<16xi32> to vector<16xi32>
        tpu.vector_store %arg12[%swap3A_315], %swap3A_318 {strides = array<i32>} : memref<3264xi32, #tpu.memory_space<vmem>>, vector<16xi32>,
        %slice3A_319 = vector.extract_strided_slice %select_n3A_239 {offsets = [7], sizes = [1], strides = [1]} : vector<16xi32> to vector<1xi32>
        %squeeze3A_320 = vector.extract %slice3A_319[0] : i32 from vector<1xi32>
        %add3A_321 = arith.addi %add3A_311, %squeeze3A_320 : i32
        %add3A_322 = arith.constant 8 : i32
        %add3A_323 = arith.addi %add3A_244, %add3A_322 : i32
        %broadcast_in_dim3A_324 = vector.broadcast %add3A_323 : i32 to vector<16xi32>
        %swap3A_325 = arith.index_cast %add3A_321 : i32 to index
        %swap3A_326 = tpu.vector_load %arg12[%swap3A_325] {strides = array<i32>} : memref<3264xi32, #tpu.memory_space<vmem>>, vector<16xi32>,
        %swap3A_327 = vector.shape_cast %swap3A_326 : vector<16xi32> to vector<16xi32>
        %swap3A_328 = vector.shape_cast %broadcast_in_dim3A_324 : vector<16xi32> to vector<16xi32>
        tpu.vector_store %arg12[%swap3A_325], %swap3A_328 {strides = array<i32>} : memref<3264xi32, #tpu.memory_space<vmem>>, vector<16xi32>,
        %slice3A_329 = vector.extract_strided_slice %select_n3A_239 {offsets = [8], sizes = [1], strides = [1]} : vector<16xi32> to vector<1xi32>
        %squeeze3A_330 = vector.extract %slice3A_329[0] : i32 from vector<1xi32>
        %add3A_331 = arith.addi %add3A_321, %squeeze3A_330 : i32
        %add3A_332 = arith.constant 9 : i32
        %add3A_333 = arith.addi %add3A_244, %add3A_332 : i32
        %broadcast_in_dim3A_334 = vector.broadcast %add3A_333 : i32 to vector<16xi32>
        %swap3A_335 = arith.index_cast %add3A_331 : i32 to index
        %swap3A_336 = tpu.vector_load %arg12[%swap3A_335] {strides = array<i32>} : memref<3264xi32, #tpu.memory_space<vmem>>, vector<16xi32>,
        %swap3A_337 = vector.shape_cast %swap3A_336 : vector<16xi32> to vector<16xi32>
        %swap3A_338 = vector.shape_cast %broadcast_in_dim3A_334 : vector<16xi32> to vector<16xi32>
        tpu.vector_store %arg12[%swap3A_335], %swap3A_338 {strides = array<i32>} : memref<3264xi32, #tpu.memory_space<vmem>>, vector<16xi32>,
        %slice3A_339 = vector.extract_strided_slice %select_n3A_239 {offsets = [9], sizes = [1], strides = [1]} : vector<16xi32> to vector<1xi32>
        %squeeze3A_340 = vector.extract %slice3A_339[0] : i32 from vector<1xi32>
        %add3A_341 = arith.addi %add3A_331, %squeeze3A_340 : i32
        %add3A_342 = arith.constant 10 : i32
        %add3A_343 = arith.addi %add3A_244, %add3A_342 : i32
        %broadcast_in_dim3A_344 = vector.broadcast %add3A_343 : i32 to vector<16xi32>
        %swap3A_345 = arith.index_cast %add3A_341 : i32 to index
        %swap3A_346 = tpu.vector_load %arg12[%swap3A_345] {strides = array<i32>} : memref<3264xi32, #tpu.memory_space<vmem>>, vector<16xi32>,
        %swap3A_347 = vector.shape_cast %swap3A_346 : vector<16xi32> to vector<16xi32>
        %swap3A_348 = vector.shape_cast %broadcast_in_dim3A_344 : vector<16xi32> to vector<16xi32>
        tpu.vector_store %arg12[%swap3A_345], %swap3A_348 {strides = array<i32>} : memref<3264xi32, #tpu.memory_space<vmem>>, vector<16xi32>,
        %slice3A_349 = vector.extract_strided_slice %select_n3A_239 {offsets = [10], sizes = [1], strides = [1]} : vector<16xi32> to vector<1xi32>
        %squeeze3A_350 = vector.extract %slice3A_349[0] : i32 from vector<1xi32>
        %add3A_351 = arith.addi %add3A_341, %squeeze3A_350 : i32
        %add3A_352 = arith.constant 11 : i32
        %add3A_353 = arith.addi %add3A_244, %add3A_352 : i32
        %broadcast_in_dim3A_354 = vector.broadcast %add3A_353 : i32 to vector<16xi32>
        %swap3A_355 = arith.index_cast %add3A_351 : i32 to index
        %swap3A_356 = tpu.vector_load %arg12[%swap3A_355] {strides = array<i32>} : memref<3264xi32, #tpu.memory_space<vmem>>, vector<16xi32>,
        %swap3A_357 = vector.shape_cast %swap3A_356 : vector<16xi32> to vector<16xi32>
        %swap3A_358 = vector.shape_cast %broadcast_in_dim3A_354 : vector<16xi32> to vector<16xi32>
        tpu.vector_store %arg12[%swap3A_355], %swap3A_358 {strides = array<i32>} : memref<3264xi32, #tpu.memory_space<vmem>>, vector<16xi32>,
        %slice3A_359 = vector.extract_strided_slice %select_n3A_239 {offsets = [11], sizes = [1], strides = [1]} : vector<16xi32> to vector<1xi32>
        %squeeze3A_360 = vector.extract %slice3A_359[0] : i32 from vector<1xi32>
        %add3A_361 = arith.addi %add3A_351, %squeeze3A_360 : i32
        %add3A_362 = arith.constant 12 : i32
        %add3A_363 = arith.addi %add3A_244, %add3A_362 : i32
        %broadcast_in_dim3A_364 = vector.broadcast %add3A_363 : i32 to vector<16xi32>
        %swap3A_365 = arith.index_cast %add3A_361 : i32 to index
        %swap3A_366 = tpu.vector_load %arg12[%swap3A_365] {strides = array<i32>} : memref<3264xi32, #tpu.memory_space<vmem>>, vector<16xi32>,
        %swap3A_367 = vector.shape_cast %swap3A_366 : vector<16xi32> to vector<16xi32>
        %swap3A_368 = vector.shape_cast %broadcast_in_dim3A_364 : vector<16xi32> to vector<16xi32>
        tpu.vector_store %arg12[%swap3A_365], %swap3A_368 {strides = array<i32>} : memref<3264xi32, #tpu.memory_space<vmem>>, vector<16xi32>,
        %slice3A_369 = vector.extract_strided_slice %select_n3A_239 {offsets = [12], sizes = [1], strides = [1]} : vector<16xi32> to vector<1xi32>
        %squeeze3A_370 = vector.extract %slice3A_369[0] : i32 from vector<1xi32>
        %add3A_371 = arith.addi %add3A_361, %squeeze3A_370 : i32
        %add3A_372 = arith.constant 13 : i32
        %add3A_373 = arith.addi %add3A_244, %add3A_372 : i32
        %broadcast_in_dim3A_374 = vector.broadcast %add3A_373 : i32 to vector<16xi32>
        %swap3A_375 = arith.index_cast %add3A_371 : i32 to index
        %swap3A_376 = tpu.vector_load %arg12[%swap3A_375] {strides = array<i32>} : memref<3264xi32, #tpu.memory_space<vmem>>, vector<16xi32>,
        %swap3A_377 = vector.shape_cast %swap3A_376 : vector<16xi32> to vector<16xi32>
        %swap3A_378 = vector.shape_cast %broadcast_in_dim3A_374 : vector<16xi32> to vector<16xi32>
        tpu.vector_store %arg12[%swap3A_375], %swap3A_378 {strides = array<i32>} : memref<3264xi32, #tpu.memory_space<vmem>>, vector<16xi32>,
        %slice3A_379 = vector.extract_strided_slice %select_n3A_239 {offsets = [13], sizes = [1], strides = [1]} : vector<16xi32> to vector<1xi32>
        %squeeze3A_380 = vector.extract %slice3A_379[0] : i32 from vector<1xi32>
        %add3A_381 = arith.addi %add3A_371, %squeeze3A_380 : i32
        %add3A_382 = arith.constant 14 : i32
        %add3A_383 = arith.addi %add3A_244, %add3A_382 : i32
        %broadcast_in_dim3A_384 = vector.broadcast %add3A_383 : i32 to vector<16xi32>
        %swap3A_385 = arith.index_cast %add3A_381 : i32 to index
        %swap3A_386 = tpu.vector_load %arg12[%swap3A_385] {strides = array<i32>} : memref<3264xi32, #tpu.memory_space<vmem>>, vector<16xi32>,
        %swap3A_387 = vector.shape_cast %swap3A_386 : vector<16xi32> to vector<16xi32>
        %swap3A_388 = vector.shape_cast %broadcast_in_dim3A_384 : vector<16xi32> to vector<16xi32>
        tpu.vector_store %arg12[%swap3A_385], %swap3A_388 {strides = array<i32>} : memref<3264xi32, #tpu.memory_space<vmem>>, vector<16xi32>,
        %slice3A_389 = vector.extract_strided_slice %select_n3A_239 {offsets = [14], sizes = [1], strides = [1]} : vector<16xi32> to vector<1xi32>
        %squeeze3A_390 = vector.extract %slice3A_389[0] : i32 from vector<1xi32>
        %add3A_391 = arith.addi %add3A_381, %squeeze3A_390 : i32
        %add3A_392 = arith.constant 15 : i32
        %add3A_393 = arith.addi %add3A_244, %add3A_392 : i32
        %broadcast_in_dim3A_394 = vector.broadcast %add3A_393 : i32 to vector<16xi32>
        %swap3A_395 = arith.index_cast %add3A_391 : i32 to index
        %swap3A_396 = tpu.vector_load %arg12[%swap3A_395] {strides = array<i32>} : memref<3264xi32, #tpu.memory_space<vmem>>, vector<16xi32>,
        %swap3A_397 = vector.shape_cast %swap3A_396 : vector<16xi32> to vector<16xi32>
        %swap3A_398 = vector.shape_cast %broadcast_in_dim3A_394 : vector<16xi32> to vector<16xi32>
        tpu.vector_store %arg12[%swap3A_395], %swap3A_398 {strides = array<i32>} : memref<3264xi32, #tpu.memory_space<vmem>>, vector<16xi32>,
        %slice3A_399 = vector.extract_strided_slice %select_n3A_239 {offsets = [15], sizes = [1], strides = [1]} : vector<16xi32> to vector<1xi32>
        %squeeze3A_400 = vector.extract %slice3A_399[0] : i32 from vector<1xi32>
        %add3A_401 = arith.addi %add3A_391, %squeeze3A_400 : i32
        scf.yield %add3A_401 : i32
      }
      %scan3A_69 = arith.constant 200 : i32
      %dma_start3A_70 = arith.constant 0 : i32
      %dma_start3A_71 = tpu.memref_slice %arg12[%dma_start3A_70] : memref<3264xi32, #tpu.memory_space<vmem>> -> memref<128xi32, #tpu.memory_space<vmem>>
      %dma_start3A_72 = arith.constant 0 : i32
      %dma_start3A_73 = arith.constant 0 : i32
      %dma_start3A_74 = tpu.memref_slice %arg3[%dma_start3A_72, %dma_start3A_73] : memref<320000x128xf32, #tpu.memory_space<hbm>> -> memref<320000x128xf32, #tpu.memory_space<hbm>>
      tpu.enqueue_indirect_dma source(%dma_start3A_74 : memref<320000x128xf32, #tpu.memory_space<hbm>>) target(%arg16 : memref<128x128xf32, #tpu.memory_space<vmem>>) offsets(%dma_start3A_71 : memref<128xi32, #tpu.memory_space<vmem>>) semaphore(%arg20 : memref<!tpu.dma_semaphore, #tpu.memory_space<semaphore_mem>>)
      %dma_start3A_75 = arith.constant 0 : i32
      %dma_start3A_76 = tpu.memref_slice %arg14[%dma_start3A_75] : memref<144xi32, #tpu.memory_space<vmem>> -> memref<128xi32, #tpu.memory_space<vmem>>
      %dma_start3A_77 = arith.constant 0 : i32
      %dma_start3A_78 = tpu.memref_slice %arg12[%dma_start3A_77] : memref<3264xi32, #tpu.memory_space<vmem>> -> memref<128xi32, #tpu.memory_space<vmem>>
      %dma_start3A_79 = arith.constant 0 : i32
      %dma_start3A_80 = tpu.memref_slice %arg2[%dma_start3A_79] : memref<320000xi32, #tpu.memory_space<hbm>> -> memref<320000xi32, #tpu.memory_space<hbm>>
      tpu.enqueue_indirect_dma source(%dma_start3A_80 : memref<320000xi32, #tpu.memory_space<hbm>>) target(%dma_start3A_76 : memref<128xi32, #tpu.memory_space<vmem>>) offsets(%dma_start3A_78 : memref<128xi32, #tpu.memory_space<vmem>>) semaphore(%arg22 : memref<!tpu.dma_semaphore, #tpu.memory_space<semaphore_mem>>)
      %dma_wait3A_81 = arith.constant 0 : i32
      %dma_wait3A_82 = tpu.memref_slice %arg11[%dma_wait3A_81] : memref<3216xi32, #tpu.memory_space<vmem>> -> memref<3200xi32, #tpu.memory_space<vmem>>
      %dma_wait3A_83 = tpu.memref_slice %arg2[%mul3A_51] : memref<320000xi32, #tpu.memory_space<hbm>> -> memref<3200xi32, #tpu.memory_space<hbm>>
      %dma_wait3A_84 = arith.constant 0 : i32
      %dma_wait3A_85 = tpu.memref_slice %arg11[%dma_wait3A_84] : memref<3216xi32, #tpu.memory_space<vmem>> -> memref<3200xi32, #tpu.memory_space<vmem>>
      %dma_wait3A_86 = tpu.memref_slice %arg2[%mul3A_51] : memref<320000xi32, #tpu.memory_space<hbm>> -> memref<3200xi32, #tpu.memory_space<hbm>>
      tpu.wait_dma2 semaphore(%arg19 : memref<!tpu.dma_semaphore, #tpu.memory_space<semaphore_mem>>) src(%dma_wait3A_86 : memref<3200xi32, #tpu.memory_space<hbm>>) dst(%dma_wait3A_85 : memref<3200xi32, #tpu.memory_space<vmem>>)
      %scan3A_87 = arith.constant 0 : i32
      %scan3A_88 = arith.constant 0 : i32
      %scan3A_89 = arith.constant 200 : i32
      %scan3A_90 = arith.addi %scan3A_88, %scan3A_89 : i32
      %scan3A_91 = arith.constant 1 : i32
      %scan3A_92 = scf.for %scan3A_222 = %scan3A_88 to %scan3A_90 step %scan3A_91 iter_args(%scan3A_223 = %scan3A_87) -> (i32)  : i32 {
        %mul3A_224 = arith.constant 16 : i32
        %mul3A_225 = arith.muli %scan3A_222, %mul3A_224 : i32
        %get3A = arith.index_cast %mul3A_225 : i32 to index
        %get3A_226 = tpu.vector_load %arg11[%get3A] {strides = array<i32>} : memref<3216xi32, #tpu.memory_space<vmem>>, vector<16xi32>,
        %get3A_227 = vector.shape_cast %get3A_226 : vector<16xi32> to vector<16xi32>
        %sub3A_228 = vector.broadcast %mul3A_2 : i32 to vector<16xi32>
        %sub3A_229 = arith.subi %get3A_227, %sub3A_228 : vector<16xi32>
        %ge3A = arith.constant 0 : i32
        %ge3A_230 = vector.broadcast %ge3A : i32 to vector<16xi32>
        %ge3A_231 = arith.cmpi sge, %sub3A_229, %ge3A_230 : vector<16xi32>
        %lt3A = arith.constant 320 : i32
        %lt3A_232 = vector.broadcast %lt3A : i32 to vector<16xi32>
        %lt3A_233 = arith.cmpi slt, %sub3A_229, %lt3A_232 : vector<16xi32>
        %and3A_234 = arith.andi %ge3A_231, %lt3A_233 : vector<16xi1>
        %jit3A_235 = arith.constant 1 : i32
        %jit3A_236 = arith.constant 0 : i32
        %broadcast_in_dim3A_237 = vector.broadcast %jit3A_235 : i32 to vector<16xi32>
        %broadcast_in_dim3A_238 = vector.broadcast %jit3A_236 : i32 to vector<16xi32>
        %select_n3A_239 = arith.select %and3A_234, %broadcast_in_dim3A_237, %broadcast_in_dim3A_238 : vector<16xi1>, vector<16xi32>
        %mul3A_240 = arith.constant 3200 : i32
        %mul3A_241 = arith.muli %add3A_42, %mul3A_240 : i32
        %mul3A_242 = arith.constant 16 : i32
        %mul3A_243 = arith.muli %scan3A_222, %mul3A_242 : i32
        %add3A_244 = arith.addi %mul3A_241, %mul3A_243 : i32
        %add3A_245 = arith.constant 0 : i32
        %add3A_246 = arith.addi %add3A_244, %add3A_245 : i32
        %broadcast_in_dim3A_247 = vector.broadcast %add3A_246 : i32 to vector<16xi32>
        %swap3A = arith.index_cast %scan3A_223 : i32 to index
        %swap3A_248 = tpu.vector_load %arg13[%swap3A] {strides = array<i32>} : memref<3264xi32, #tpu.memory_space<vmem>>, vector<16xi32>,
        %swap3A_249 = vector.shape_cast %swap3A_248 : vector<16xi32> to vector<16xi32>
        %swap3A_250 = vector.shape_cast %broadcast_in_dim3A_247 : vector<16xi32> to vector<16xi32>
        tpu.vector_store %arg13[%swap3A], %swap3A_250 {strides = array<i32>} : memref<3264xi32, #tpu.memory_space<vmem>>, vector<16xi32>,
        %slice3A = vector.extract_strided_slice %select_n3A_239 {offsets = [0], sizes = [1], strides = [1]} : vector<16xi32> to vector<1xi32>
        %squeeze3A = vector.extract %slice3A[0] : i32 from vector<1xi32>
        %add3A_251 = arith.addi %scan3A_223, %squeeze3A : i32
        %add3A_252 = arith.constant 1 : i32
        %add3A_253 = arith.addi %add3A_244, %add3A_252 : i32
        %broadcast_in_dim3A_254 = vector.broadcast %add3A_253 : i32 to vector<16xi32>
        %swap3A_255 = arith.index_cast %add3A_251 : i32 to index
        %swap3A_256 = tpu.vector_load %arg13[%swap3A_255] {strides = array<i32>} : memref<3264xi32, #tpu.memory_space<vmem>>, vector<16xi32>,
        %swap3A_257 = vector.shape_cast %swap3A_256 : vector<16xi32> to vector<16xi32>
        %swap3A_258 = vector.shape_cast %broadcast_in_dim3A_254 : vector<16xi32> to vector<16xi32>
        tpu.vector_store %arg13[%swap3A_255], %swap3A_258 {strides = array<i32>} : memref<3264xi32, #tpu.memory_space<vmem>>, vector<16xi32>,
        %slice3A_259 = vector.extract_strided_slice %select_n3A_239 {offsets = [1], sizes = [1], strides = [1]} : vector<16xi32> to vector<1xi32>
        %squeeze3A_260 = vector.extract %slice3A_259[0] : i32 from vector<1xi32>
        %add3A_261 = arith.addi %add3A_251, %squeeze3A_260 : i32
        %add3A_262 = arith.constant 2 : i32
        %add3A_263 = arith.addi %add3A_244, %add3A_262 : i32
        %broadcast_in_dim3A_264 = vector.broadcast %add3A_263 : i32 to vector<16xi32>
        %swap3A_265 = arith.index_cast %add3A_261 : i32 to index
        %swap3A_266 = tpu.vector_load %arg13[%swap3A_265] {strides = array<i32>} : memref<3264xi32, #tpu.memory_space<vmem>>, vector<16xi32>,
        %swap3A_267 = vector.shape_cast %swap3A_266 : vector<16xi32> to vector<16xi32>
        %swap3A_268 = vector.shape_cast %broadcast_in_dim3A_264 : vector<16xi32> to vector<16xi32>
        tpu.vector_store %arg13[%swap3A_265], %swap3A_268 {strides = array<i32>} : memref<3264xi32, #tpu.memory_space<vmem>>, vector<16xi32>,
        %slice3A_269 = vector.extract_strided_slice %select_n3A_239 {offsets = [2], sizes = [1], strides = [1]} : vector<16xi32> to vector<1xi32>
        %squeeze3A_270 = vector.extract %slice3A_269[0] : i32 from vector<1xi32>
        %add3A_271 = arith.addi %add3A_261, %squeeze3A_270 : i32
        %add3A_272 = arith.constant 3 : i32
        %add3A_273 = arith.addi %add3A_244, %add3A_272 : i32
        %broadcast_in_dim3A_274 = vector.broadcast %add3A_273 : i32 to vector<16xi32>
        %swap3A_275 = arith.index_cast %add3A_271 : i32 to index
        %swap3A_276 = tpu.vector_load %arg13[%swap3A_275] {strides = array<i32>} : memref<3264xi32, #tpu.memory_space<vmem>>, vector<16xi32>,
        %swap3A_277 = vector.shape_cast %swap3A_276 : vector<16xi32> to vector<16xi32>
        %swap3A_278 = vector.shape_cast %broadcast_in_dim3A_274 : vector<16xi32> to vector<16xi32>
        tpu.vector_store %arg13[%swap3A_275], %swap3A_278 {strides = array<i32>} : memref<3264xi32, #tpu.memory_space<vmem>>, vector<16xi32>,
        %slice3A_279 = vector.extract_strided_slice %select_n3A_239 {offsets = [3], sizes = [1], strides = [1]} : vector<16xi32> to vector<1xi32>
        %squeeze3A_280 = vector.extract %slice3A_279[0] : i32 from vector<1xi32>
        %add3A_281 = arith.addi %add3A_271, %squeeze3A_280 : i32
        %add3A_282 = arith.constant 4 : i32
        %add3A_283 = arith.addi %add3A_244, %add3A_282 : i32
        %broadcast_in_dim3A_284 = vector.broadcast %add3A_283 : i32 to vector<16xi32>
        %swap3A_285 = arith.index_cast %add3A_281 : i32 to index
        %swap3A_286 = tpu.vector_load %arg13[%swap3A_285] {strides = array<i32>} : memref<3264xi32, #tpu.memory_space<vmem>>, vector<16xi32>,
        %swap3A_287 = vector.shape_cast %swap3A_286 : vector<16xi32> to vector<16xi32>
        %swap3A_288 = vector.shape_cast %broadcast_in_dim3A_284 : vector<16xi32> to vector<16xi32>
        tpu.vector_store %arg13[%swap3A_285], %swap3A_288 {strides = array<i32>} : memref<3264xi32, #tpu.memory_space<vmem>>, vector<16xi32>,
        %slice3A_289 = vector.extract_strided_slice %select_n3A_239 {offsets = [4], sizes = [1], strides = [1]} : vector<16xi32> to vector<1xi32>
        %squeeze3A_290 = vector.extract %slice3A_289[0] : i32 from vector<1xi32>
        %add3A_291 = arith.addi %add3A_281, %squeeze3A_290 : i32
        %add3A_292 = arith.constant 5 : i32
        %add3A_293 = arith.addi %add3A_244, %add3A_292 : i32
        %broadcast_in_dim3A_294 = vector.broadcast %add3A_293 : i32 to vector<16xi32>
        %swap3A_295 = arith.index_cast %add3A_291 : i32 to index
        %swap3A_296 = tpu.vector_load %arg13[%swap3A_295] {strides = array<i32>} : memref<3264xi32, #tpu.memory_space<vmem>>, vector<16xi32>,
        %swap3A_297 = vector.shape_cast %swap3A_296 : vector<16xi32> to vector<16xi32>
        %swap3A_298 = vector.shape_cast %broadcast_in_dim3A_294 : vector<16xi32> to vector<16xi32>
        tpu.vector_store %arg13[%swap3A_295], %swap3A_298 {strides = array<i32>} : memref<3264xi32, #tpu.memory_space<vmem>>, vector<16xi32>,
        %slice3A_299 = vector.extract_strided_slice %select_n3A_239 {offsets = [5], sizes = [1], strides = [1]} : vector<16xi32> to vector<1xi32>
        %squeeze3A_300 = vector.extract %slice3A_299[0] : i32 from vector<1xi32>
        %add3A_301 = arith.addi %add3A_291, %squeeze3A_300 : i32
        %add3A_302 = arith.constant 6 : i32
        %add3A_303 = arith.addi %add3A_244, %add3A_302 : i32
        %broadcast_in_dim3A_304 = vector.broadcast %add3A_303 : i32 to vector<16xi32>
        %swap3A_305 = arith.index_cast %add3A_301 : i32 to index
        %swap3A_306 = tpu.vector_load %arg13[%swap3A_305] {strides = array<i32>} : memref<3264xi32, #tpu.memory_space<vmem>>, vector<16xi32>,
        %swap3A_307 = vector.shape_cast %swap3A_306 : vector<16xi32> to vector<16xi32>
        %swap3A_308 = vector.shape_cast %broadcast_in_dim3A_304 : vector<16xi32> to vector<16xi32>
        tpu.vector_store %arg13[%swap3A_305], %swap3A_308 {strides = array<i32>} : memref<3264xi32, #tpu.memory_space<vmem>>, vector<16xi32>,
        %slice3A_309 = vector.extract_strided_slice %select_n3A_239 {offsets = [6], sizes = [1], strides = [1]} : vector<16xi32> to vector<1xi32>
        %squeeze3A_310 = vector.extract %slice3A_309[0] : i32 from vector<1xi32>
        %add3A_311 = arith.addi %add3A_301, %squeeze3A_310 : i32
        %add3A_312 = arith.constant 7 : i32
        %add3A_313 = arith.addi %add3A_244, %add3A_312 : i32
        %broadcast_in_dim3A_314 = vector.broadcast %add3A_313 : i32 to vector<16xi32>
        %swap3A_315 = arith.index_cast %add3A_311 : i32 to index
        %swap3A_316 = tpu.vector_load %arg13[%swap3A_315] {strides = array<i32>} : memref<3264xi32, #tpu.memory_space<vmem>>, vector<16xi32>,
        %swap3A_317 = vector.shape_cast %swap3A_316 : vector<16xi32> to vector<16xi32>
        %swap3A_318 = vector.shape_cast %broadcast_in_dim3A_314 : vector<16xi32> to vector<16xi32>
        tpu.vector_store %arg13[%swap3A_315], %swap3A_318 {strides = array<i32>} : memref<3264xi32, #tpu.memory_space<vmem>>, vector<16xi32>,
        %slice3A_319 = vector.extract_strided_slice %select_n3A_239 {offsets = [7], sizes = [1], strides = [1]} : vector<16xi32> to vector<1xi32>
        %squeeze3A_320 = vector.extract %slice3A_319[0] : i32 from vector<1xi32>
        %add3A_321 = arith.addi %add3A_311, %squeeze3A_320 : i32
        %add3A_322 = arith.constant 8 : i32
        %add3A_323 = arith.addi %add3A_244, %add3A_322 : i32
        %broadcast_in_dim3A_324 = vector.broadcast %add3A_323 : i32 to vector<16xi32>
        %swap3A_325 = arith.index_cast %add3A_321 : i32 to index
        %swap3A_326 = tpu.vector_load %arg13[%swap3A_325] {strides = array<i32>} : memref<3264xi32, #tpu.memory_space<vmem>>, vector<16xi32>,
        %swap3A_327 = vector.shape_cast %swap3A_326 : vector<16xi32> to vector<16xi32>
        %swap3A_328 = vector.shape_cast %broadcast_in_dim3A_324 : vector<16xi32> to vector<16xi32>
        tpu.vector_store %arg13[%swap3A_325], %swap3A_328 {strides = array<i32>} : memref<3264xi32, #tpu.memory_space<vmem>>, vector<16xi32>,
        %slice3A_329 = vector.extract_strided_slice %select_n3A_239 {offsets = [8], sizes = [1], strides = [1]} : vector<16xi32> to vector<1xi32>
        %squeeze3A_330 = vector.extract %slice3A_329[0] : i32 from vector<1xi32>
        %add3A_331 = arith.addi %add3A_321, %squeeze3A_330 : i32
        %add3A_332 = arith.constant 9 : i32
        %add3A_333 = arith.addi %add3A_244, %add3A_332 : i32
        %broadcast_in_dim3A_334 = vector.broadcast %add3A_333 : i32 to vector<16xi32>
        %swap3A_335 = arith.index_cast %add3A_331 : i32 to index
        %swap3A_336 = tpu.vector_load %arg13[%swap3A_335] {strides = array<i32>} : memref<3264xi32, #tpu.memory_space<vmem>>, vector<16xi32>,
        %swap3A_337 = vector.shape_cast %swap3A_336 : vector<16xi32> to vector<16xi32>
        %swap3A_338 = vector.shape_cast %broadcast_in_dim3A_334 : vector<16xi32> to vector<16xi32>
        tpu.vector_store %arg13[%swap3A_335], %swap3A_338 {strides = array<i32>} : memref<3264xi32, #tpu.memory_space<vmem>>, vector<16xi32>,
        %slice3A_339 = vector.extract_strided_slice %select_n3A_239 {offsets = [9], sizes = [1], strides = [1]} : vector<16xi32> to vector<1xi32>
        %squeeze3A_340 = vector.extract %slice3A_339[0] : i32 from vector<1xi32>
        %add3A_341 = arith.addi %add3A_331, %squeeze3A_340 : i32
        %add3A_342 = arith.constant 10 : i32
        %add3A_343 = arith.addi %add3A_244, %add3A_342 : i32
        %broadcast_in_dim3A_344 = vector.broadcast %add3A_343 : i32 to vector<16xi32>
        %swap3A_345 = arith.index_cast %add3A_341 : i32 to index
        %swap3A_346 = tpu.vector_load %arg13[%swap3A_345] {strides = array<i32>} : memref<3264xi32, #tpu.memory_space<vmem>>, vector<16xi32>,
        %swap3A_347 = vector.shape_cast %swap3A_346 : vector<16xi32> to vector<16xi32>
        %swap3A_348 = vector.shape_cast %broadcast_in_dim3A_344 : vector<16xi32> to vector<16xi32>
        tpu.vector_store %arg13[%swap3A_345], %swap3A_348 {strides = array<i32>} : memref<3264xi32, #tpu.memory_space<vmem>>, vector<16xi32>,
        %slice3A_349 = vector.extract_strided_slice %select_n3A_239 {offsets = [10], sizes = [1], strides = [1]} : vector<16xi32> to vector<1xi32>
        %squeeze3A_350 = vector.extract %slice3A_349[0] : i32 from vector<1xi32>
        %add3A_351 = arith.addi %add3A_341, %squeeze3A_350 : i32
        %add3A_352 = arith.constant 11 : i32
        %add3A_353 = arith.addi %add3A_244, %add3A_352 : i32
        %broadcast_in_dim3A_354 = vector.broadcast %add3A_353 : i32 to vector<16xi32>
        %swap3A_355 = arith.index_cast %add3A_351 : i32 to index
        %swap3A_356 = tpu.vector_load %arg13[%swap3A_355] {strides = array<i32>} : memref<3264xi32, #tpu.memory_space<vmem>>, vector<16xi32>,
        %swap3A_357 = vector.shape_cast %swap3A_356 : vector<16xi32> to vector<16xi32>
        %swap3A_358 = vector.shape_cast %broadcast_in_dim3A_354 : vector<16xi32> to vector<16xi32>
        tpu.vector_store %arg13[%swap3A_355], %swap3A_358 {strides = array<i32>} : memref<3264xi32, #tpu.memory_space<vmem>>, vector<16xi32>,
        %slice3A_359 = vector.extract_strided_slice %select_n3A_239 {offsets = [11], sizes = [1], strides = [1]} : vector<16xi32> to vector<1xi32>
        %squeeze3A_360 = vector.extract %slice3A_359[0] : i32 from vector<1xi32>
        %add3A_361 = arith.addi %add3A_351, %squeeze3A_360 : i32
        %add3A_362 = arith.constant 12 : i32
        %add3A_363 = arith.addi %add3A_244, %add3A_362 : i32
        %broadcast_in_dim3A_364 = vector.broadcast %add3A_363 : i32 to vector<16xi32>
        %swap3A_365 = arith.index_cast %add3A_361 : i32 to index
        %swap3A_366 = tpu.vector_load %arg13[%swap3A_365] {strides = array<i32>} : memref<3264xi32, #tpu.memory_space<vmem>>, vector<16xi32>,
        %swap3A_367 = vector.shape_cast %swap3A_366 : vector<16xi32> to vector<16xi32>
        %swap3A_368 = vector.shape_cast %broadcast_in_dim3A_364 : vector<16xi32> to vector<16xi32>
        tpu.vector_store %arg13[%swap3A_365], %swap3A_368 {strides = array<i32>} : memref<3264xi32, #tpu.memory_space<vmem>>, vector<16xi32>,
        %slice3A_369 = vector.extract_strided_slice %select_n3A_239 {offsets = [12], sizes = [1], strides = [1]} : vector<16xi32> to vector<1xi32>
        %squeeze3A_370 = vector.extract %slice3A_369[0] : i32 from vector<1xi32>
        %add3A_371 = arith.addi %add3A_361, %squeeze3A_370 : i32
        %add3A_372 = arith.constant 13 : i32
        %add3A_373 = arith.addi %add3A_244, %add3A_372 : i32
        %broadcast_in_dim3A_374 = vector.broadcast %add3A_373 : i32 to vector<16xi32>
        %swap3A_375 = arith.index_cast %add3A_371 : i32 to index
        %swap3A_376 = tpu.vector_load %arg13[%swap3A_375] {strides = array<i32>} : memref<3264xi32, #tpu.memory_space<vmem>>, vector<16xi32>,
        %swap3A_377 = vector.shape_cast %swap3A_376 : vector<16xi32> to vector<16xi32>
        %swap3A_378 = vector.shape_cast %broadcast_in_dim3A_374 : vector<16xi32> to vector<16xi32>
        tpu.vector_store %arg13[%swap3A_375], %swap3A_378 {strides = array<i32>} : memref<3264xi32, #tpu.memory_space<vmem>>, vector<16xi32>,
        %slice3A_379 = vector.extract_strided_slice %select_n3A_239 {offsets = [13], sizes = [1], strides = [1]} : vector<16xi32> to vector<1xi32>
        %squeeze3A_380 = vector.extract %slice3A_379[0] : i32 from vector<1xi32>
        %add3A_381 = arith.addi %add3A_371, %squeeze3A_380 : i32
        %add3A_382 = arith.constant 14 : i32
        %add3A_383 = arith.addi %add3A_244, %add3A_382 : i32
        %broadcast_in_dim3A_384 = vector.broadcast %add3A_383 : i32 to vector<16xi32>
        %swap3A_385 = arith.index_cast %add3A_381 : i32 to index
        %swap3A_386 = tpu.vector_load %arg13[%swap3A_385] {strides = array<i32>} : memref<3264xi32, #tpu.memory_space<vmem>>, vector<16xi32>,
        %swap3A_387 = vector.shape_cast %swap3A_386 : vector<16xi32> to vector<16xi32>
        %swap3A_388 = vector.shape_cast %broadcast_in_dim3A_384 : vector<16xi32> to vector<16xi32>
        tpu.vector_store %arg13[%swap3A_385], %swap3A_388 {strides = array<i32>} : memref<3264xi32, #tpu.memory_space<vmem>>, vector<16xi32>,
        %slice3A_389 = vector.extract_strided_slice %select_n3A_239 {offsets = [14], sizes = [1], strides = [1]} : vector<16xi32> to vector<1xi32>
        %squeeze3A_390 = vector.extract %slice3A_389[0] : i32 from vector<1xi32>
        %add3A_391 = arith.addi %add3A_381, %squeeze3A_390 : i32
        %add3A_392 = arith.constant 15 : i32
        %add3A_393 = arith.addi %add3A_244, %add3A_392 : i32
        %broadcast_in_dim3A_394 = vector.broadcast %add3A_393 : i32 to vector<16xi32>
        %swap3A_395 = arith.index_cast %add3A_391 : i32 to index
        %swap3A_396 = tpu.vector_load %arg13[%swap3A_395] {strides = array<i32>} : memref<3264xi32, #tpu.memory_space<vmem>>, vector<16xi32>,
        %swap3A_397 = vector.shape_cast %swap3A_396 : vector<16xi32> to vector<16xi32>
        %swap3A_398 = vector.shape_cast %broadcast_in_dim3A_394 : vector<16xi32> to vector<16xi32>
        tpu.vector_store %arg13[%swap3A_395], %swap3A_398 {strides = array<i32>} : memref<3264xi32, #tpu.memory_space<vmem>>, vector<16xi32>,
        %slice3A_399 = vector.extract_strided_slice %select_n3A_239 {offsets = [15], sizes = [1], strides = [1]} : vector<16xi32> to vector<1xi32>
        %squeeze3A_400 = vector.extract %slice3A_399[0] : i32 from vector<1xi32>
        %add3A_401 = arith.addi %add3A_391, %squeeze3A_400 : i32
        scf.yield %add3A_401 : i32
      }
      %scan3A_93 = arith.constant 200 : i32
      %dma_start3A_94 = arith.constant 0 : i32
      %dma_start3A_95 = tpu.memref_slice %arg13[%dma_start3A_94] : memref<3264xi32, #tpu.memory_space<vmem>> -> memref<128xi32, #tpu.memory_space<vmem>>
      %dma_start3A_96 = arith.constant 0 : i32
      %dma_start3A_97 = arith.constant 0 : i32
      %dma_start3A_98 = tpu.memref_slice %arg3[%dma_start3A_96, %dma_start3A_97] : memref<320000x128xf32, #tpu.memory_space<hbm>> -> memref<320000x128xf32, #tpu.memory_space<hbm>>
      tpu.enqueue_indirect_dma source(%dma_start3A_98 : memref<320000x128xf32, #tpu.memory_space<hbm>>) target(%arg17 : memref<128x128xf32, #tpu.memory_space<vmem>>) offsets(%dma_start3A_95 : memref<128xi32, #tpu.memory_space<vmem>>) semaphore(%arg21 : memref<!tpu.dma_semaphore, #tpu.memory_space<semaphore_mem>>)
      %dma_start3A_99 = arith.constant 0 : i32
      %dma_start3A_100 = tpu.memref_slice %arg15[%dma_start3A_99] : memref<144xi32, #tpu.memory_space<vmem>> -> memref<128xi32, #tpu.memory_space<vmem>>
      %dma_start3A_101 = arith.constant 0 : i32
      %dma_start3A_102 = tpu.memref_slice %arg13[%dma_start3A_101] : memref<3264xi32, #tpu.memory_space<vmem>> -> memref<128xi32, #tpu.memory_space<vmem>>
      %dma_start3A_103 = arith.constant 0 : i32
      %dma_start3A_104 = tpu.memref_slice %arg2[%dma_start3A_103] : memref<320000xi32, #tpu.memory_space<hbm>> -> memref<320000xi32, #tpu.memory_space<hbm>>
      tpu.enqueue_indirect_dma source(%dma_start3A_104 : memref<320000xi32, #tpu.memory_space<hbm>>) target(%dma_start3A_100 : memref<128xi32, #tpu.memory_space<vmem>>) offsets(%dma_start3A_102 : memref<128xi32, #tpu.memory_space<vmem>>) semaphore(%arg23 : memref<!tpu.dma_semaphore, #tpu.memory_space<semaphore_mem>>)
      %dma_wait3A_105 = arith.constant 0 : i32
      %dma_wait3A_106 = tpu.memref_slice %arg12[%dma_wait3A_105] : memref<3264xi32, #tpu.memory_space<vmem>> -> memref<128xi32, #tpu.memory_space<vmem>>
      %dma_wait3A_107 = arith.constant 0 : i32
      %dma_wait3A_108 = arith.constant 0 : i32
      %dma_wait3A_109 = tpu.memref_slice %arg3[%dma_wait3A_107, %dma_wait3A_108] : memref<320000x128xf32, #tpu.memory_space<hbm>> -> memref<320000x128xf32, #tpu.memory_space<hbm>>
      tpu.wait_indirect_dma semaphore(%arg20 : memref<!tpu.dma_semaphore, #tpu.memory_space<semaphore_mem>>) src(%dma_wait3A_109 : memref<320000x128xf32, #tpu.memory_space<hbm>>) dst(%arg16 : memref<128x128xf32, #tpu.memory_space<vmem>>)
      %dma_wait3A_110 = arith.constant 0 : i32
      %dma_wait3A_111 = tpu.memref_slice %arg14[%dma_wait3A_110] : memref<144xi32, #tpu.memory_space<vmem>> -> memref<128xi32, #tpu.memory_space<vmem>>
      %dma_wait3A_112 = arith.constant 0 : i32
      %dma_wait3A_113 = tpu.memref_slice %arg12[%dma_wait3A_112] : memref<3264xi32, #tpu.memory_space<vmem>> -> memref<128xi32, #tpu.memory_space<vmem>>
      %dma_wait3A_114 = arith.constant 0 : i32
      %dma_wait3A_115 = tpu.memref_slice %arg2[%dma_wait3A_114] : memref<320000xi32, #tpu.memory_space<hbm>> -> memref<320000xi32, #tpu.memory_space<hbm>>
      tpu.wait_indirect_dma semaphore(%arg22 : memref<!tpu.dma_semaphore, #tpu.memory_space<semaphore_mem>>) src(%dma_wait3A_115 : memref<320000xi32, #tpu.memory_space<hbm>>) dst(%dma_wait3A_111 : memref<128xi32, #tpu.memory_space<vmem>>)
      %min3A = arith.constant 128 : i32
      %min3A_116 = arith.minsi %scan3A_68, %min3A : i32
      %while3A = arith.constant 0 : i32
      %while3A_117 = arith.constant 0 : i32
      %while3A_118 = arith.subi %min3A_116, %while3A_117 : i32
      %while3A_119 = arith.addi %while3A_117, %while3A_118 : i32
      %while3A_120 = arith.constant 1 : i32
      %while3A_121 = arith.divsi %while3A_118, %while3A_120 : i32
      %while3A_122 = arith.muli %while3A_121, %while3A_120 : i32
      %while3A_123 = arith.addi %while3A_117, %while3A_122 : i32
      %while3A_124 = arith.constant 1 : i32
      scf.for %while3A_222 = %while3A_117 to %while3A_123 step %while3A_124  : i32 {
        %get3A = arith.index_cast %while3A_222 : i32 to index
        %get3A_223 = tpu.vector_load %arg14[%get3A] {strides = array<i32>} : memref<144xi32, #tpu.memory_space<vmem>>, vector<16xi32>,
        %get3A_224 = vector.shape_cast %get3A_223 : vector<16xi32> to vector<16xi32>
        %slice3A = vector.extract_strided_slice %get3A_224 {offsets = [0], sizes = [1], strides = [1]} : vector<16xi32> to vector<1xi32>
        %squeeze3A = vector.extract %slice3A[0] : i32 from vector<1xi32>
        %sub3A_225 = arith.subi %squeeze3A, %mul3A_2 : i32
        %get3A_226 = arith.index_cast %while3A_222 : i32 to index
        %get3A_227 = arith.constant 0 : index
        %get3A_228 = tpu.vector_load %arg16[%get3A_226, %get3A_227] {strides = array<i32>} : memref<128x128xf32, #tpu.memory_space<vmem>>, vector<1x16xf32>,
        %get3A_229 = vector.shape_cast %get3A_228 : vector<1x16xf32> to vector<16xf32>
        %get3A_230 = arith.index_cast %sub3A_225 : i32 to index
        %get3A_231 = arith.constant 0 : index
        %get3A_232 = tpu.vector_load %arg7[%get3A_230, %get3A_231] {strides = array<i32>} : memref<320x128xf32, #tpu.memory_space<vmem>>, vector<1x16xf32>,
        %get3A_233 = vector.shape_cast %get3A_232 : vector<1x16xf32> to vector<16xf32>
        %add3A_234 = arith.addf %get3A_233, %get3A_229 : vector<16xf32>
        %swap3A = arith.index_cast %sub3A_225 : i32 to index
        %swap3A_235 = arith.constant 0 : index
        %swap3A_236 = tpu.vector_load %arg7[%swap3A, %swap3A_235] {strides = array<i32>} : memref<320x128xf32, #tpu.memory_space<vmem>>, vector<1x16xf32>,
        %swap3A_237 = vector.shape_cast %swap3A_236 : vector<1x16xf32> to vector<16xf32>
        %swap3A_238 = vector.shape_cast %add3A_234 : vector<16xf32> to vector<1x16xf32>
        tpu.vector_store %arg7[%swap3A, %swap3A_235], %swap3A_238 {strides = array<i32>} : memref<320x128xf32, #tpu.memory_space<vmem>>, vector<1x16xf32>,
        %get3A_239 = arith.index_cast %sub3A_225 : i32 to index
        %get3A_240 = arith.constant 0 : index
        %get3A_241 = tpu.vector_load %arg8[%get3A_239, %get3A_240] {strides = array<i32>} : memref<320x128xf32, #tpu.memory_space<vmem>>, vector<1x16xf32>,
        %get3A_242 = vector.shape_cast %get3A_241 : vector<1x16xf32> to vector<16xf32>
        %max3A_243 = arith.maximumf %get3A_242, %get3A_229 : vector<16xf32>
        %swap3A_244 = arith.index_cast %sub3A_225 : i32 to index
        %swap3A_245 = arith.constant 0 : index
        %swap3A_246 = tpu.vector_load %arg8[%swap3A_244, %swap3A_245] {strides = array<i32>} : memref<320x128xf32, #tpu.memory_space<vmem>>, vector<1x16xf32>,
        %swap3A_247 = vector.shape_cast %swap3A_246 : vector<1x16xf32> to vector<16xf32>
        %swap3A_248 = vector.shape_cast %max3A_243 : vector<16xf32> to vector<1x16xf32>
        tpu.vector_store %arg8[%swap3A_244, %swap3A_245], %swap3A_248 {strides = array<i32>} : memref<320x128xf32, #tpu.memory_space<vmem>>, vector<1x16xf32>,
        %get3A_249 = arith.index_cast %while3A_222 : i32 to index
        %get3A_250 = arith.constant 16 : index
        %get3A_251 = tpu.vector_load %arg16[%get3A_249, %get3A_250] {strides = array<i32>} : memref<128x128xf32, #tpu.memory_space<vmem>>, vector<1x16xf32>,
        %get3A_252 = vector.shape_cast %get3A_251 : vector<1x16xf32> to vector<16xf32>
        %get3A_253 = arith.index_cast %sub3A_225 : i32 to index
        %get3A_254 = arith.constant 16 : index
        %get3A_255 = tpu.vector_load %arg7[%get3A_253, %get3A_254] {strides = array<i32>} : memref<320x128xf32, #tpu.memory_space<vmem>>, vector<1x16xf32>,
        %get3A_256 = vector.shape_cast %get3A_255 : vector<1x16xf32> to vector<16xf32>
        %add3A_257 = arith.addf %get3A_256, %get3A_252 : vector<16xf32>
        %swap3A_258 = arith.index_cast %sub3A_225 : i32 to index
        %swap3A_259 = arith.constant 16 : index
        %swap3A_260 = tpu.vector_load %arg7[%swap3A_258, %swap3A_259] {strides = array<i32>} : memref<320x128xf32, #tpu.memory_space<vmem>>, vector<1x16xf32>,
        %swap3A_261 = vector.shape_cast %swap3A_260 : vector<1x16xf32> to vector<16xf32>
        %swap3A_262 = vector.shape_cast %add3A_257 : vector<16xf32> to vector<1x16xf32>
        tpu.vector_store %arg7[%swap3A_258, %swap3A_259], %swap3A_262 {strides = array<i32>} : memref<320x128xf32, #tpu.memory_space<vmem>>, vector<1x16xf32>,
        %get3A_263 = arith.index_cast %sub3A_225 : i32 to index
        %get3A_264 = arith.constant 16 : index
        %get3A_265 = tpu.vector_load %arg8[%get3A_263, %get3A_264] {strides = array<i32>} : memref<320x128xf32, #tpu.memory_space<vmem>>, vector<1x16xf32>,
        %get3A_266 = vector.shape_cast %get3A_265 : vector<1x16xf32> to vector<16xf32>
        %max3A_267 = arith.maximumf %get3A_266, %get3A_252 : vector<16xf32>
        %swap3A_268 = arith.index_cast %sub3A_225 : i32 to index
        %swap3A_269 = arith.constant 16 : index
        %swap3A_270 = tpu.vector_load %arg8[%swap3A_268, %swap3A_269] {strides = array<i32>} : memref<320x128xf32, #tpu.memory_space<vmem>>, vector<1x16xf32>,
        %swap3A_271 = vector.shape_cast %swap3A_270 : vector<1x16xf32> to vector<16xf32>
        %swap3A_272 = vector.shape_cast %max3A_267 : vector<16xf32> to vector<1x16xf32>
        tpu.vector_store %arg8[%swap3A_268, %swap3A_269], %swap3A_272 {strides = array<i32>} : memref<320x128xf32, #tpu.memory_space<vmem>>, vector<1x16xf32>,
        %get3A_273 = arith.index_cast %while3A_222 : i32 to index
        %get3A_274 = arith.constant 32 : index
        %get3A_275 = tpu.vector_load %arg16[%get3A_273, %get3A_274] {strides = array<i32>} : memref<128x128xf32, #tpu.memory_space<vmem>>, vector<1x16xf32>,
        %get3A_276 = vector.shape_cast %get3A_275 : vector<1x16xf32> to vector<16xf32>
        %get3A_277 = arith.index_cast %sub3A_225 : i32 to index
        %get3A_278 = arith.constant 32 : index
        %get3A_279 = tpu.vector_load %arg7[%get3A_277, %get3A_278] {strides = array<i32>} : memref<320x128xf32, #tpu.memory_space<vmem>>, vector<1x16xf32>,
        %get3A_280 = vector.shape_cast %get3A_279 : vector<1x16xf32> to vector<16xf32>
        %add3A_281 = arith.addf %get3A_280, %get3A_276 : vector<16xf32>
        %swap3A_282 = arith.index_cast %sub3A_225 : i32 to index
        %swap3A_283 = arith.constant 32 : index
        %swap3A_284 = tpu.vector_load %arg7[%swap3A_282, %swap3A_283] {strides = array<i32>} : memref<320x128xf32, #tpu.memory_space<vmem>>, vector<1x16xf32>,
        %swap3A_285 = vector.shape_cast %swap3A_284 : vector<1x16xf32> to vector<16xf32>
        %swap3A_286 = vector.shape_cast %add3A_281 : vector<16xf32> to vector<1x16xf32>
        tpu.vector_store %arg7[%swap3A_282, %swap3A_283], %swap3A_286 {strides = array<i32>} : memref<320x128xf32, #tpu.memory_space<vmem>>, vector<1x16xf32>,
        %get3A_287 = arith.index_cast %sub3A_225 : i32 to index
        %get3A_288 = arith.constant 32 : index
        %get3A_289 = tpu.vector_load %arg8[%get3A_287, %get3A_288] {strides = array<i32>} : memref<320x128xf32, #tpu.memory_space<vmem>>, vector<1x16xf32>,
        %get3A_290 = vector.shape_cast %get3A_289 : vector<1x16xf32> to vector<16xf32>
        %max3A_291 = arith.maximumf %get3A_290, %get3A_276 : vector<16xf32>
        %swap3A_292 = arith.index_cast %sub3A_225 : i32 to index
        %swap3A_293 = arith.constant 32 : index
        %swap3A_294 = tpu.vector_load %arg8[%swap3A_292, %swap3A_293] {strides = array<i32>} : memref<320x128xf32, #tpu.memory_space<vmem>>, vector<1x16xf32>,
        %swap3A_295 = vector.shape_cast %swap3A_294 : vector<1x16xf32> to vector<16xf32>
        %swap3A_296 = vector.shape_cast %max3A_291 : vector<16xf32> to vector<1x16xf32>
        tpu.vector_store %arg8[%swap3A_292, %swap3A_293], %swap3A_296 {strides = array<i32>} : memref<320x128xf32, #tpu.memory_space<vmem>>, vector<1x16xf32>,
        %get3A_297 = arith.index_cast %while3A_222 : i32 to index
        %get3A_298 = arith.constant 48 : index
        %get3A_299 = tpu.vector_load %arg16[%get3A_297, %get3A_298] {strides = array<i32>} : memref<128x128xf32, #tpu.memory_space<vmem>>, vector<1x16xf32>,
        %get3A_300 = vector.shape_cast %get3A_299 : vector<1x16xf32> to vector<16xf32>
        %get3A_301 = arith.index_cast %sub3A_225 : i32 to index
        %get3A_302 = arith.constant 48 : index
        %get3A_303 = tpu.vector_load %arg7[%get3A_301, %get3A_302] {strides = array<i32>} : memref<320x128xf32, #tpu.memory_space<vmem>>, vector<1x16xf32>,
        %get3A_304 = vector.shape_cast %get3A_303 : vector<1x16xf32> to vector<16xf32>
        %add3A_305 = arith.addf %get3A_304, %get3A_300 : vector<16xf32>
        %swap3A_306 = arith.index_cast %sub3A_225 : i32 to index
        %swap3A_307 = arith.constant 48 : index
        %swap3A_308 = tpu.vector_load %arg7[%swap3A_306, %swap3A_307] {strides = array<i32>} : memref<320x128xf32, #tpu.memory_space<vmem>>, vector<1x16xf32>,
        %swap3A_309 = vector.shape_cast %swap3A_308 : vector<1x16xf32> to vector<16xf32>
        %swap3A_310 = vector.shape_cast %add3A_305 : vector<16xf32> to vector<1x16xf32>
        tpu.vector_store %arg7[%swap3A_306, %swap3A_307], %swap3A_310 {strides = array<i32>} : memref<320x128xf32, #tpu.memory_space<vmem>>, vector<1x16xf32>,
        %get3A_311 = arith.index_cast %sub3A_225 : i32 to index
        %get3A_312 = arith.constant 48 : index
        %get3A_313 = tpu.vector_load %arg8[%get3A_311, %get3A_312] {strides = array<i32>} : memref<320x128xf32, #tpu.memory_space<vmem>>, vector<1x16xf32>,
        %get3A_314 = vector.shape_cast %get3A_313 : vector<1x16xf32> to vector<16xf32>
        %max3A_315 = arith.maximumf %get3A_314, %get3A_300 : vector<16xf32>
        %swap3A_316 = arith.index_cast %sub3A_225 : i32 to index
        %swap3A_317 = arith.constant 48 : index
        %swap3A_318 = tpu.vector_load %arg8[%swap3A_316, %swap3A_317] {strides = array<i32>} : memref<320x128xf32, #tpu.memory_space<vmem>>, vector<1x16xf32>,
        %swap3A_319 = vector.shape_cast %swap3A_318 : vector<1x16xf32> to vector<16xf32>
        %swap3A_320 = vector.shape_cast %max3A_315 : vector<16xf32> to vector<1x16xf32>
        tpu.vector_store %arg8[%swap3A_316, %swap3A_317], %swap3A_320 {strides = array<i32>} : memref<320x128xf32, #tpu.memory_space<vmem>>, vector<1x16xf32>,
        %get3A_321 = arith.index_cast %while3A_222 : i32 to index
        %get3A_322 = arith.constant 64 : index
        %get3A_323 = tpu.vector_load %arg16[%get3A_321, %get3A_322] {strides = array<i32>} : memref<128x128xf32, #tpu.memory_space<vmem>>, vector<1x16xf32>,
        %get3A_324 = vector.shape_cast %get3A_323 : vector<1x16xf32> to vector<16xf32>
        %get3A_325 = arith.index_cast %sub3A_225 : i32 to index
        %get3A_326 = arith.constant 64 : index
        %get3A_327 = tpu.vector_load %arg7[%get3A_325, %get3A_326] {strides = array<i32>} : memref<320x128xf32, #tpu.memory_space<vmem>>, vector<1x16xf32>,
        %get3A_328 = vector.shape_cast %get3A_327 : vector<1x16xf32> to vector<16xf32>
        %add3A_329 = arith.addf %get3A_328, %get3A_324 : vector<16xf32>
        %swap3A_330 = arith.index_cast %sub3A_225 : i32 to index
        %swap3A_331 = arith.constant 64 : index
        %swap3A_332 = tpu.vector_load %arg7[%swap3A_330, %swap3A_331] {strides = array<i32>} : memref<320x128xf32, #tpu.memory_space<vmem>>, vector<1x16xf32>,
        %swap3A_333 = vector.shape_cast %swap3A_332 : vector<1x16xf32> to vector<16xf32>
        %swap3A_334 = vector.shape_cast %add3A_329 : vector<16xf32> to vector<1x16xf32>
        tpu.vector_store %arg7[%swap3A_330, %swap3A_331], %swap3A_334 {strides = array<i32>} : memref<320x128xf32, #tpu.memory_space<vmem>>, vector<1x16xf32>,
        %get3A_335 = arith.index_cast %sub3A_225 : i32 to index
        %get3A_336 = arith.constant 64 : index
        %get3A_337 = tpu.vector_load %arg8[%get3A_335, %get3A_336] {strides = array<i32>} : memref<320x128xf32, #tpu.memory_space<vmem>>, vector<1x16xf32>,
        %get3A_338 = vector.shape_cast %get3A_337 : vector<1x16xf32> to vector<16xf32>
        %max3A_339 = arith.maximumf %get3A_338, %get3A_324 : vector<16xf32>
        %swap3A_340 = arith.index_cast %sub3A_225 : i32 to index
        %swap3A_341 = arith.constant 64 : index
        %swap3A_342 = tpu.vector_load %arg8[%swap3A_340, %swap3A_341] {strides = array<i32>} : memref<320x128xf32, #tpu.memory_space<vmem>>, vector<1x16xf32>,
        %swap3A_343 = vector.shape_cast %swap3A_342 : vector<1x16xf32> to vector<16xf32>
        %swap3A_344 = vector.shape_cast %max3A_339 : vector<16xf32> to vector<1x16xf32>
        tpu.vector_store %arg8[%swap3A_340, %swap3A_341], %swap3A_344 {strides = array<i32>} : memref<320x128xf32, #tpu.memory_space<vmem>>, vector<1x16xf32>,
        %get3A_345 = arith.index_cast %while3A_222 : i32 to index
        %get3A_346 = arith.constant 80 : index
        %get3A_347 = tpu.vector_load %arg16[%get3A_345, %get3A_346] {strides = array<i32>} : memref<128x128xf32, #tpu.memory_space<vmem>>, vector<1x16xf32>,
        %get3A_348 = vector.shape_cast %get3A_347 : vector<1x16xf32> to vector<16xf32>
        %get3A_349 = arith.index_cast %sub3A_225 : i32 to index
        %get3A_350 = arith.constant 80 : index
        %get3A_351 = tpu.vector_load %arg7[%get3A_349, %get3A_350] {strides = array<i32>} : memref<320x128xf32, #tpu.memory_space<vmem>>, vector<1x16xf32>,
        %get3A_352 = vector.shape_cast %get3A_351 : vector<1x16xf32> to vector<16xf32>
        %add3A_353 = arith.addf %get3A_352, %get3A_348 : vector<16xf32>
        %swap3A_354 = arith.index_cast %sub3A_225 : i32 to index
        %swap3A_355 = arith.constant 80 : index
        %swap3A_356 = tpu.vector_load %arg7[%swap3A_354, %swap3A_355] {strides = array<i32>} : memref<320x128xf32, #tpu.memory_space<vmem>>, vector<1x16xf32>,
        %swap3A_357 = vector.shape_cast %swap3A_356 : vector<1x16xf32> to vector<16xf32>
        %swap3A_358 = vector.shape_cast %add3A_353 : vector<16xf32> to vector<1x16xf32>
        tpu.vector_store %arg7[%swap3A_354, %swap3A_355], %swap3A_358 {strides = array<i32>} : memref<320x128xf32, #tpu.memory_space<vmem>>, vector<1x16xf32>,
        %get3A_359 = arith.index_cast %sub3A_225 : i32 to index
        %get3A_360 = arith.constant 80 : index
        %get3A_361 = tpu.vector_load %arg8[%get3A_359, %get3A_360] {strides = array<i32>} : memref<320x128xf32, #tpu.memory_space<vmem>>, vector<1x16xf32>,
        %get3A_362 = vector.shape_cast %get3A_361 : vector<1x16xf32> to vector<16xf32>
        %max3A_363 = arith.maximumf %get3A_362, %get3A_348 : vector<16xf32>
        %swap3A_364 = arith.index_cast %sub3A_225 : i32 to index
        %swap3A_365 = arith.constant 80 : index
        %swap3A_366 = tpu.vector_load %arg8[%swap3A_364, %swap3A_365] {strides = array<i32>} : memref<320x128xf32, #tpu.memory_space<vmem>>, vector<1x16xf32>,
        %swap3A_367 = vector.shape_cast %swap3A_366 : vector<1x16xf32> to vector<16xf32>
        %swap3A_368 = vector.shape_cast %max3A_363 : vector<16xf32> to vector<1x16xf32>
        tpu.vector_store %arg8[%swap3A_364, %swap3A_365], %swap3A_368 {strides = array<i32>} : memref<320x128xf32, #tpu.memory_space<vmem>>, vector<1x16xf32>,
        %get3A_369 = arith.index_cast %while3A_222 : i32 to index
        %get3A_370 = arith.constant 96 : index
        %get3A_371 = tpu.vector_load %arg16[%get3A_369, %get3A_370] {strides = array<i32>} : memref<128x128xf32, #tpu.memory_space<vmem>>, vector<1x16xf32>,
        %get3A_372 = vector.shape_cast %get3A_371 : vector<1x16xf32> to vector<16xf32>
        %get3A_373 = arith.index_cast %sub3A_225 : i32 to index
        %get3A_374 = arith.constant 96 : index
        %get3A_375 = tpu.vector_load %arg7[%get3A_373, %get3A_374] {strides = array<i32>} : memref<320x128xf32, #tpu.memory_space<vmem>>, vector<1x16xf32>,
        %get3A_376 = vector.shape_cast %get3A_375 : vector<1x16xf32> to vector<16xf32>
        %add3A_377 = arith.addf %get3A_376, %get3A_372 : vector<16xf32>
        %swap3A_378 = arith.index_cast %sub3A_225 : i32 to index
        %swap3A_379 = arith.constant 96 : index
        %swap3A_380 = tpu.vector_load %arg7[%swap3A_378, %swap3A_379] {strides = array<i32>} : memref<320x128xf32, #tpu.memory_space<vmem>>, vector<1x16xf32>,
        %swap3A_381 = vector.shape_cast %swap3A_380 : vector<1x16xf32> to vector<16xf32>
        %swap3A_382 = vector.shape_cast %add3A_377 : vector<16xf32> to vector<1x16xf32>
        tpu.vector_store %arg7[%swap3A_378, %swap3A_379], %swap3A_382 {strides = array<i32>} : memref<320x128xf32, #tpu.memory_space<vmem>>, vector<1x16xf32>,
        %get3A_383 = arith.index_cast %sub3A_225 : i32 to index
        %get3A_384 = arith.constant 96 : index
        %get3A_385 = tpu.vector_load %arg8[%get3A_383, %get3A_384] {strides = array<i32>} : memref<320x128xf32, #tpu.memory_space<vmem>>, vector<1x16xf32>,
        %get3A_386 = vector.shape_cast %get3A_385 : vector<1x16xf32> to vector<16xf32>
        %max3A_387 = arith.maximumf %get3A_386, %get3A_372 : vector<16xf32>
        %swap3A_388 = arith.index_cast %sub3A_225 : i32 to index
        %swap3A_389 = arith.constant 96 : index
        %swap3A_390 = tpu.vector_load %arg8[%swap3A_388, %swap3A_389] {strides = array<i32>} : memref<320x128xf32, #tpu.memory_space<vmem>>, vector<1x16xf32>,
        %swap3A_391 = vector.shape_cast %swap3A_390 : vector<1x16xf32> to vector<16xf32>
        %swap3A_392 = vector.shape_cast %max3A_387 : vector<16xf32> to vector<1x16xf32>
        tpu.vector_store %arg8[%swap3A_388, %swap3A_389], %swap3A_392 {strides = array<i32>} : memref<320x128xf32, #tpu.memory_space<vmem>>, vector<1x16xf32>,
        %get3A_393 = arith.index_cast %while3A_222 : i32 to index
        %get3A_394 = arith.constant 112 : index
        %get3A_395 = tpu.vector_load %arg16[%get3A_393, %get3A_394] {strides = array<i32>} : memref<128x128xf32, #tpu.memory_space<vmem>>, vector<1x16xf32>,
        %get3A_396 = vector.shape_cast %get3A_395 : vector<1x16xf32> to vector<16xf32>
        %get3A_397 = arith.index_cast %sub3A_225 : i32 to index
        %get3A_398 = arith.constant 112 : index
        %get3A_399 = tpu.vector_load %arg7[%get3A_397, %get3A_398] {strides = array<i32>} : memref<320x128xf32, #tpu.memory_space<vmem>>, vector<1x16xf32>,
        %get3A_400 = vector.shape_cast %get3A_399 : vector<1x16xf32> to vector<16xf32>
        %add3A_401 = arith.addf %get3A_400, %get3A_396 : vector<16xf32>
        %swap3A_402 = arith.index_cast %sub3A_225 : i32 to index
        %swap3A_403 = arith.constant 112 : index
        %swap3A_404 = tpu.vector_load %arg7[%swap3A_402, %swap3A_403] {strides = array<i32>} : memref<320x128xf32, #tpu.memory_space<vmem>>, vector<1x16xf32>,
        %swap3A_405 = vector.shape_cast %swap3A_404 : vector<1x16xf32> to vector<16xf32>
        %swap3A_406 = vector.shape_cast %add3A_401 : vector<16xf32> to vector<1x16xf32>
        tpu.vector_store %arg7[%swap3A_402, %swap3A_403], %swap3A_406 {strides = array<i32>} : memref<320x128xf32, #tpu.memory_space<vmem>>, vector<1x16xf32>,
        %get3A_407 = arith.index_cast %sub3A_225 : i32 to index
        %get3A_408 = arith.constant 112 : index
        %get3A_409 = tpu.vector_load %arg8[%get3A_407, %get3A_408] {strides = array<i32>} : memref<320x128xf32, #tpu.memory_space<vmem>>, vector<1x16xf32>,
        %get3A_410 = vector.shape_cast %get3A_409 : vector<1x16xf32> to vector<16xf32>
        %max3A_411 = arith.maximumf %get3A_410, %get3A_396 : vector<16xf32>
        %swap3A_412 = arith.index_cast %sub3A_225 : i32 to index
        %swap3A_413 = arith.constant 112 : index
        %swap3A_414 = tpu.vector_load %arg8[%swap3A_412, %swap3A_413] {strides = array<i32>} : memref<320x128xf32, #tpu.memory_space<vmem>>, vector<1x16xf32>,
        %swap3A_415 = vector.shape_cast %swap3A_414 : vector<1x16xf32> to vector<16xf32>
        %swap3A_416 = vector.shape_cast %max3A_411 : vector<16xf32> to vector<1x16xf32>
        tpu.vector_store %arg8[%swap3A_412, %swap3A_413], %swap3A_416 {strides = array<i32>} : memref<320x128xf32, #tpu.memory_space<vmem>>, vector<1x16xf32>,
        %get3A_417 = arith.index_cast %sub3A_225 : i32 to index
        %get3A_418 = tpu.vector_load %arg9[%get3A_417] {strides = array<i32>} : memref<336xf32, #tpu.memory_space<vmem>>, vector<16xf32>,
        %get3A_419 = vector.shape_cast %get3A_418 : vector<16xf32> to vector<16xf32>
        %add3A_420 = arith.addf %get3A_419, %select_n3A : vector<16xf32>
        %swap3A_421 = arith.index_cast %sub3A_225 : i32 to index
        %swap3A_422 = tpu.vector_load %arg9[%swap3A_421] {strides = array<i32>} : memref<336xf32, #tpu.memory_space<vmem>>, vector<16xf32>,
        %swap3A_423 = vector.shape_cast %swap3A_422 : vector<16xf32> to vector<16xf32>
        %swap3A_424 = vector.shape_cast %add3A_420 : vector<16xf32> to vector<16xf32>
        tpu.vector_store %arg9[%swap3A_421], %swap3A_424 {strides = array<i32>} : memref<336xf32, #tpu.memory_space<vmem>>, vector<16xf32>,
      }
      %while3A_125 = arith.constant 1 : i32
      scf.for %while3A_222 = %while3A_123 to %while3A_119 step %while3A_125  : i32 {
        %get3A = arith.index_cast %while3A_222 : i32 to index
        %get3A_223 = tpu.vector_load %arg14[%get3A] {strides = array<i32>} : memref<144xi32, #tpu.memory_space<vmem>>, vector<16xi32>,
        %get3A_224 = vector.shape_cast %get3A_223 : vector<16xi32> to vector<16xi32>
        %slice3A = vector.extract_strided_slice %get3A_224 {offsets = [0], sizes = [1], strides = [1]} : vector<16xi32> to vector<1xi32>
        %squeeze3A = vector.extract %slice3A[0] : i32 from vector<1xi32>
        %sub3A_225 = arith.subi %squeeze3A, %mul3A_2 : i32
        %get3A_226 = arith.index_cast %while3A_222 : i32 to index
        %get3A_227 = arith.constant 0 : index
        %get3A_228 = tpu.vector_load %arg16[%get3A_226, %get3A_227] {strides = array<i32>} : memref<128x128xf32, #tpu.memory_space<vmem>>, vector<1x16xf32>,
        %get3A_229 = vector.shape_cast %get3A_228 : vector<1x16xf32> to vector<16xf32>
        %get3A_230 = arith.index_cast %sub3A_225 : i32 to index
        %get3A_231 = arith.constant 0 : index
        %get3A_232 = tpu.vector_load %arg7[%get3A_230, %get3A_231] {strides = array<i32>} : memref<320x128xf32, #tpu.memory_space<vmem>>, vector<1x16xf32>,
        %get3A_233 = vector.shape_cast %get3A_232 : vector<1x16xf32> to vector<16xf32>
        %add3A_234 = arith.addf %get3A_233, %get3A_229 : vector<16xf32>
        %swap3A = arith.index_cast %sub3A_225 : i32 to index
        %swap3A_235 = arith.constant 0 : index
        %swap3A_236 = tpu.vector_load %arg7[%swap3A, %swap3A_235] {strides = array<i32>} : memref<320x128xf32, #tpu.memory_space<vmem>>, vector<1x16xf32>,
        %swap3A_237 = vector.shape_cast %swap3A_236 : vector<1x16xf32> to vector<16xf32>
        %swap3A_238 = vector.shape_cast %add3A_234 : vector<16xf32> to vector<1x16xf32>
        tpu.vector_store %arg7[%swap3A, %swap3A_235], %swap3A_238 {strides = array<i32>} : memref<320x128xf32, #tpu.memory_space<vmem>>, vector<1x16xf32>,
        %get3A_239 = arith.index_cast %sub3A_225 : i32 to index
        %get3A_240 = arith.constant 0 : index
        %get3A_241 = tpu.vector_load %arg8[%get3A_239, %get3A_240] {strides = array<i32>} : memref<320x128xf32, #tpu.memory_space<vmem>>, vector<1x16xf32>,
        %get3A_242 = vector.shape_cast %get3A_241 : vector<1x16xf32> to vector<16xf32>
        %max3A_243 = arith.maximumf %get3A_242, %get3A_229 : vector<16xf32>
        %swap3A_244 = arith.index_cast %sub3A_225 : i32 to index
        %swap3A_245 = arith.constant 0 : index
        %swap3A_246 = tpu.vector_load %arg8[%swap3A_244, %swap3A_245] {strides = array<i32>} : memref<320x128xf32, #tpu.memory_space<vmem>>, vector<1x16xf32>,
        %swap3A_247 = vector.shape_cast %swap3A_246 : vector<1x16xf32> to vector<16xf32>
        %swap3A_248 = vector.shape_cast %max3A_243 : vector<16xf32> to vector<1x16xf32>
        tpu.vector_store %arg8[%swap3A_244, %swap3A_245], %swap3A_248 {strides = array<i32>} : memref<320x128xf32, #tpu.memory_space<vmem>>, vector<1x16xf32>,
        %get3A_249 = arith.index_cast %while3A_222 : i32 to index
        %get3A_250 = arith.constant 16 : index
        %get3A_251 = tpu.vector_load %arg16[%get3A_249, %get3A_250] {strides = array<i32>} : memref<128x128xf32, #tpu.memory_space<vmem>>, vector<1x16xf32>,
        %get3A_252 = vector.shape_cast %get3A_251 : vector<1x16xf32> to vector<16xf32>
        %get3A_253 = arith.index_cast %sub3A_225 : i32 to index
        %get3A_254 = arith.constant 16 : index
        %get3A_255 = tpu.vector_load %arg7[%get3A_253, %get3A_254] {strides = array<i32>} : memref<320x128xf32, #tpu.memory_space<vmem>>, vector<1x16xf32>,
        %get3A_256 = vector.shape_cast %get3A_255 : vector<1x16xf32> to vector<16xf32>
        %add3A_257 = arith.addf %get3A_256, %get3A_252 : vector<16xf32>
        %swap3A_258 = arith.index_cast %sub3A_225 : i32 to index
        %swap3A_259 = arith.constant 16 : index
        %swap3A_260 = tpu.vector_load %arg7[%swap3A_258, %swap3A_259] {strides = array<i32>} : memref<320x128xf32, #tpu.memory_space<vmem>>, vector<1x16xf32>,
        %swap3A_261 = vector.shape_cast %swap3A_260 : vector<1x16xf32> to vector<16xf32>
        %swap3A_262 = vector.shape_cast %add3A_257 : vector<16xf32> to vector<1x16xf32>
        tpu.vector_store %arg7[%swap3A_258, %swap3A_259], %swap3A_262 {strides = array<i32>} : memref<320x128xf32, #tpu.memory_space<vmem>>, vector<1x16xf32>,
        %get3A_263 = arith.index_cast %sub3A_225 : i32 to index
        %get3A_264 = arith.constant 16 : index
        %get3A_265 = tpu.vector_load %arg8[%get3A_263, %get3A_264] {strides = array<i32>} : memref<320x128xf32, #tpu.memory_space<vmem>>, vector<1x16xf32>,
        %get3A_266 = vector.shape_cast %get3A_265 : vector<1x16xf32> to vector<16xf32>
        %max3A_267 = arith.maximumf %get3A_266, %get3A_252 : vector<16xf32>
        %swap3A_268 = arith.index_cast %sub3A_225 : i32 to index
        %swap3A_269 = arith.constant 16 : index
        %swap3A_270 = tpu.vector_load %arg8[%swap3A_268, %swap3A_269] {strides = array<i32>} : memref<320x128xf32, #tpu.memory_space<vmem>>, vector<1x16xf32>,
        %swap3A_271 = vector.shape_cast %swap3A_270 : vector<1x16xf32> to vector<16xf32>
        %swap3A_272 = vector.shape_cast %max3A_267 : vector<16xf32> to vector<1x16xf32>
        tpu.vector_store %arg8[%swap3A_268, %swap3A_269], %swap3A_272 {strides = array<i32>} : memref<320x128xf32, #tpu.memory_space<vmem>>, vector<1x16xf32>,
        %get3A_273 = arith.index_cast %while3A_222 : i32 to index
        %get3A_274 = arith.constant 32 : index
        %get3A_275 = tpu.vector_load %arg16[%get3A_273, %get3A_274] {strides = array<i32>} : memref<128x128xf32, #tpu.memory_space<vmem>>, vector<1x16xf32>,
        %get3A_276 = vector.shape_cast %get3A_275 : vector<1x16xf32> to vector<16xf32>
        %get3A_277 = arith.index_cast %sub3A_225 : i32 to index
        %get3A_278 = arith.constant 32 : index
        %get3A_279 = tpu.vector_load %arg7[%get3A_277, %get3A_278] {strides = array<i32>} : memref<320x128xf32, #tpu.memory_space<vmem>>, vector<1x16xf32>,
        %get3A_280 = vector.shape_cast %get3A_279 : vector<1x16xf32> to vector<16xf32>
        %add3A_281 = arith.addf %get3A_280, %get3A_276 : vector<16xf32>
        %swap3A_282 = arith.index_cast %sub3A_225 : i32 to index
        %swap3A_283 = arith.constant 32 : index
        %swap3A_284 = tpu.vector_load %arg7[%swap3A_282, %swap3A_283] {strides = array<i32>} : memref<320x128xf32, #tpu.memory_space<vmem>>, vector<1x16xf32>,
        %swap3A_285 = vector.shape_cast %swap3A_284 : vector<1x16xf32> to vector<16xf32>
        %swap3A_286 = vector.shape_cast %add3A_281 : vector<16xf32> to vector<1x16xf32>
        tpu.vector_store %arg7[%swap3A_282, %swap3A_283], %swap3A_286 {strides = array<i32>} : memref<320x128xf32, #tpu.memory_space<vmem>>, vector<1x16xf32>,
        %get3A_287 = arith.index_cast %sub3A_225 : i32 to index
        %get3A_288 = arith.constant 32 : index
        %get3A_289 = tpu.vector_load %arg8[%get3A_287, %get3A_288] {strides = array<i32>} : memref<320x128xf32, #tpu.memory_space<vmem>>, vector<1x16xf32>,
        %get3A_290 = vector.shape_cast %get3A_289 : vector<1x16xf32> to vector<16xf32>
        %max3A_291 = arith.maximumf %get3A_290, %get3A_276 : vector<16xf32>
        %swap3A_292 = arith.index_cast %sub3A_225 : i32 to index
        %swap3A_293 = arith.constant 32 : index
        %swap3A_294 = tpu.vector_load %arg8[%swap3A_292, %swap3A_293] {strides = array<i32>} : memref<320x128xf32, #tpu.memory_space<vmem>>, vector<1x16xf32>,
        %swap3A_295 = vector.shape_cast %swap3A_294 : vector<1x16xf32> to vector<16xf32>
        %swap3A_296 = vector.shape_cast %max3A_291 : vector<16xf32> to vector<1x16xf32>
        tpu.vector_store %arg8[%swap3A_292, %swap3A_293], %swap3A_296 {strides = array<i32>} : memref<320x128xf32, #tpu.memory_space<vmem>>, vector<1x16xf32>,
        %get3A_297 = arith.index_cast %while3A_222 : i32 to index
        %get3A_298 = arith.constant 48 : index
        %get3A_299 = tpu.vector_load %arg16[%get3A_297, %get3A_298] {strides = array<i32>} : memref<128x128xf32, #tpu.memory_space<vmem>>, vector<1x16xf32>,
        %get3A_300 = vector.shape_cast %get3A_299 : vector<1x16xf32> to vector<16xf32>
        %get3A_301 = arith.index_cast %sub3A_225 : i32 to index
        %get3A_302 = arith.constant 48 : index
        %get3A_303 = tpu.vector_load %arg7[%get3A_301, %get3A_302] {strides = array<i32>} : memref<320x128xf32, #tpu.memory_space<vmem>>, vector<1x16xf32>,
        %get3A_304 = vector.shape_cast %get3A_303 : vector<1x16xf32> to vector<16xf32>
        %add3A_305 = arith.addf %get3A_304, %get3A_300 : vector<16xf32>
        %swap3A_306 = arith.index_cast %sub3A_225 : i32 to index
        %swap3A_307 = arith.constant 48 : index
        %swap3A_308 = tpu.vector_load %arg7[%swap3A_306, %swap3A_307] {strides = array<i32>} : memref<320x128xf32, #tpu.memory_space<vmem>>, vector<1x16xf32>,
        %swap3A_309 = vector.shape_cast %swap3A_308 : vector<1x16xf32> to vector<16xf32>
        %swap3A_310 = vector.shape_cast %add3A_305 : vector<16xf32> to vector<1x16xf32>
        tpu.vector_store %arg7[%swap3A_306, %swap3A_307], %swap3A_310 {strides = array<i32>} : memref<320x128xf32, #tpu.memory_space<vmem>>, vector<1x16xf32>,
        %get3A_311 = arith.index_cast %sub3A_225 : i32 to index
        %get3A_312 = arith.constant 48 : index
        %get3A_313 = tpu.vector_load %arg8[%get3A_311, %get3A_312] {strides = array<i32>} : memref<320x128xf32, #tpu.memory_space<vmem>>, vector<1x16xf32>,
        %get3A_314 = vector.shape_cast %get3A_313 : vector<1x16xf32> to vector<16xf32>
        %max3A_315 = arith.maximumf %get3A_314, %get3A_300 : vector<16xf32>
        %swap3A_316 = arith.index_cast %sub3A_225 : i32 to index
        %swap3A_317 = arith.constant 48 : index
        %swap3A_318 = tpu.vector_load %arg8[%swap3A_316, %swap3A_317] {strides = array<i32>} : memref<320x128xf32, #tpu.memory_space<vmem>>, vector<1x16xf32>,
        %swap3A_319 = vector.shape_cast %swap3A_318 : vector<1x16xf32> to vector<16xf32>
        %swap3A_320 = vector.shape_cast %max3A_315 : vector<16xf32> to vector<1x16xf32>
        tpu.vector_store %arg8[%swap3A_316, %swap3A_317], %swap3A_320 {strides = array<i32>} : memref<320x128xf32, #tpu.memory_space<vmem>>, vector<1x16xf32>,
        %get3A_321 = arith.index_cast %while3A_222 : i32 to index
        %get3A_322 = arith.constant 64 : index
        %get3A_323 = tpu.vector_load %arg16[%get3A_321, %get3A_322] {strides = array<i32>} : memref<128x128xf32, #tpu.memory_space<vmem>>, vector<1x16xf32>,
        %get3A_324 = vector.shape_cast %get3A_323 : vector<1x16xf32> to vector<16xf32>
        %get3A_325 = arith.index_cast %sub3A_225 : i32 to index
        %get3A_326 = arith.constant 64 : index
        %get3A_327 = tpu.vector_load %arg7[%get3A_325, %get3A_326] {strides = array<i32>} : memref<320x128xf32, #tpu.memory_space<vmem>>, vector<1x16xf32>,
        %get3A_328 = vector.shape_cast %get3A_327 : vector<1x16xf32> to vector<16xf32>
        %add3A_329 = arith.addf %get3A_328, %get3A_324 : vector<16xf32>
        %swap3A_330 = arith.index_cast %sub3A_225 : i32 to index
        %swap3A_331 = arith.constant 64 : index
        %swap3A_332 = tpu.vector_load %arg7[%swap3A_330, %swap3A_331] {strides = array<i32>} : memref<320x128xf32, #tpu.memory_space<vmem>>, vector<1x16xf32>,
        %swap3A_333 = vector.shape_cast %swap3A_332 : vector<1x16xf32> to vector<16xf32>
        %swap3A_334 = vector.shape_cast %add3A_329 : vector<16xf32> to vector<1x16xf32>
        tpu.vector_store %arg7[%swap3A_330, %swap3A_331], %swap3A_334 {strides = array<i32>} : memref<320x128xf32, #tpu.memory_space<vmem>>, vector<1x16xf32>,
        %get3A_335 = arith.index_cast %sub3A_225 : i32 to index
        %get3A_336 = arith.constant 64 : index
        %get3A_337 = tpu.vector_load %arg8[%get3A_335, %get3A_336] {strides = array<i32>} : memref<320x128xf32, #tpu.memory_space<vmem>>, vector<1x16xf32>,
        %get3A_338 = vector.shape_cast %get3A_337 : vector<1x16xf32> to vector<16xf32>
        %max3A_339 = arith.maximumf %get3A_338, %get3A_324 : vector<16xf32>
        %swap3A_340 = arith.index_cast %sub3A_225 : i32 to index
        %swap3A_341 = arith.constant 64 : index
        %swap3A_342 = tpu.vector_load %arg8[%swap3A_340, %swap3A_341] {strides = array<i32>} : memref<320x128xf32, #tpu.memory_space<vmem>>, vector<1x16xf32>,
        %swap3A_343 = vector.shape_cast %swap3A_342 : vector<1x16xf32> to vector<16xf32>
        %swap3A_344 = vector.shape_cast %max3A_339 : vector<16xf32> to vector<1x16xf32>
        tpu.vector_store %arg8[%swap3A_340, %swap3A_341], %swap3A_344 {strides = array<i32>} : memref<320x128xf32, #tpu.memory_space<vmem>>, vector<1x16xf32>,
        %get3A_345 = arith.index_cast %while3A_222 : i32 to index
        %get3A_346 = arith.constant 80 : index
        %get3A_347 = tpu.vector_load %arg16[%get3A_345, %get3A_346] {strides = array<i32>} : memref<128x128xf32, #tpu.memory_space<vmem>>, vector<1x16xf32>,
        %get3A_348 = vector.shape_cast %get3A_347 : vector<1x16xf32> to vector<16xf32>
        %get3A_349 = arith.index_cast %sub3A_225 : i32 to index
        %get3A_350 = arith.constant 80 : index
        %get3A_351 = tpu.vector_load %arg7[%get3A_349, %get3A_350] {strides = array<i32>} : memref<320x128xf32, #tpu.memory_space<vmem>>, vector<1x16xf32>,
        %get3A_352 = vector.shape_cast %get3A_351 : vector<1x16xf32> to vector<16xf32>
        %add3A_353 = arith.addf %get3A_352, %get3A_348 : vector<16xf32>
        %swap3A_354 = arith.index_cast %sub3A_225 : i32 to index
        %swap3A_355 = arith.constant 80 : index
        %swap3A_356 = tpu.vector_load %arg7[%swap3A_354, %swap3A_355] {strides = array<i32>} : memref<320x128xf32, #tpu.memory_space<vmem>>, vector<1x16xf32>,
        %swap3A_357 = vector.shape_cast %swap3A_356 : vector<1x16xf32> to vector<16xf32>
        %swap3A_358 = vector.shape_cast %add3A_353 : vector<16xf32> to vector<1x16xf32>
        tpu.vector_store %arg7[%swap3A_354, %swap3A_355], %swap3A_358 {strides = array<i32>} : memref<320x128xf32, #tpu.memory_space<vmem>>, vector<1x16xf32>,
        %get3A_359 = arith.index_cast %sub3A_225 : i32 to index
        %get3A_360 = arith.constant 80 : index
        %get3A_361 = tpu.vector_load %arg8[%get3A_359, %get3A_360] {strides = array<i32>} : memref<320x128xf32, #tpu.memory_space<vmem>>, vector<1x16xf32>,
        %get3A_362 = vector.shape_cast %get3A_361 : vector<1x16xf32> to vector<16xf32>
        %max3A_363 = arith.maximumf %get3A_362, %get3A_348 : vector<16xf32>
        %swap3A_364 = arith.index_cast %sub3A_225 : i32 to index
        %swap3A_365 = arith.constant 80 : index
        %swap3A_366 = tpu.vector_load %arg8[%swap3A_364, %swap3A_365] {strides = array<i32>} : memref<320x128xf32, #tpu.memory_space<vmem>>, vector<1x16xf32>,
        %swap3A_367 = vector.shape_cast %swap3A_366 : vector<1x16xf32> to vector<16xf32>
        %swap3A_368 = vector.shape_cast %max3A_363 : vector<16xf32> to vector<1x16xf32>
        tpu.vector_store %arg8[%swap3A_364, %swap3A_365], %swap3A_368 {strides = array<i32>} : memref<320x128xf32, #tpu.memory_space<vmem>>, vector<1x16xf32>,
        %get3A_369 = arith.index_cast %while3A_222 : i32 to index
        %get3A_370 = arith.constant 96 : index
        %get3A_371 = tpu.vector_load %arg16[%get3A_369, %get3A_370] {strides = array<i32>} : memref<128x128xf32, #tpu.memory_space<vmem>>, vector<1x16xf32>,
        %get3A_372 = vector.shape_cast %get3A_371 : vector<1x16xf32> to vector<16xf32>
        %get3A_373 = arith.index_cast %sub3A_225 : i32 to index
        %get3A_374 = arith.constant 96 : index
        %get3A_375 = tpu.vector_load %arg7[%get3A_373, %get3A_374] {strides = array<i32>} : memref<320x128xf32, #tpu.memory_space<vmem>>, vector<1x16xf32>,
        %get3A_376 = vector.shape_cast %get3A_375 : vector<1x16xf32> to vector<16xf32>
        %add3A_377 = arith.addf %get3A_376, %get3A_372 : vector<16xf32>
        %swap3A_378 = arith.index_cast %sub3A_225 : i32 to index
        %swap3A_379 = arith.constant 96 : index
        %swap3A_380 = tpu.vector_load %arg7[%swap3A_378, %swap3A_379] {strides = array<i32>} : memref<320x128xf32, #tpu.memory_space<vmem>>, vector<1x16xf32>,
        %swap3A_381 = vector.shape_cast %swap3A_380 : vector<1x16xf32> to vector<16xf32>
        %swap3A_382 = vector.shape_cast %add3A_377 : vector<16xf32> to vector<1x16xf32>
        tpu.vector_store %arg7[%swap3A_378, %swap3A_379], %swap3A_382 {strides = array<i32>} : memref<320x128xf32, #tpu.memory_space<vmem>>, vector<1x16xf32>,
        %get3A_383 = arith.index_cast %sub3A_225 : i32 to index
        %get3A_384 = arith.constant 96 : index
        %get3A_385 = tpu.vector_load %arg8[%get3A_383, %get3A_384] {strides = array<i32>} : memref<320x128xf32, #tpu.memory_space<vmem>>, vector<1x16xf32>,
        %get3A_386 = vector.shape_cast %get3A_385 : vector<1x16xf32> to vector<16xf32>
        %max3A_387 = arith.maximumf %get3A_386, %get3A_372 : vector<16xf32>
        %swap3A_388 = arith.index_cast %sub3A_225 : i32 to index
        %swap3A_389 = arith.constant 96 : index
        %swap3A_390 = tpu.vector_load %arg8[%swap3A_388, %swap3A_389] {strides = array<i32>} : memref<320x128xf32, #tpu.memory_space<vmem>>, vector<1x16xf32>,
        %swap3A_391 = vector.shape_cast %swap3A_390 : vector<1x16xf32> to vector<16xf32>
        %swap3A_392 = vector.shape_cast %max3A_387 : vector<16xf32> to vector<1x16xf32>
        tpu.vector_store %arg8[%swap3A_388, %swap3A_389], %swap3A_392 {strides = array<i32>} : memref<320x128xf32, #tpu.memory_space<vmem>>, vector<1x16xf32>,
        %get3A_393 = arith.index_cast %while3A_222 : i32 to index
        %get3A_394 = arith.constant 112 : index
        %get3A_395 = tpu.vector_load %arg16[%get3A_393, %get3A_394] {strides = array<i32>} : memref<128x128xf32, #tpu.memory_space<vmem>>, vector<1x16xf32>,
        %get3A_396 = vector.shape_cast %get3A_395 : vector<1x16xf32> to vector<16xf32>
        %get3A_397 = arith.index_cast %sub3A_225 : i32 to index
        %get3A_398 = arith.constant 112 : index
        %get3A_399 = tpu.vector_load %arg7[%get3A_397, %get3A_398] {strides = array<i32>} : memref<320x128xf32, #tpu.memory_space<vmem>>, vector<1x16xf32>,
        %get3A_400 = vector.shape_cast %get3A_399 : vector<1x16xf32> to vector<16xf32>
        %add3A_401 = arith.addf %get3A_400, %get3A_396 : vector<16xf32>
        %swap3A_402 = arith.index_cast %sub3A_225 : i32 to index
        %swap3A_403 = arith.constant 112 : index
        %swap3A_404 = tpu.vector_load %arg7[%swap3A_402, %swap3A_403] {strides = array<i32>} : memref<320x128xf32, #tpu.memory_space<vmem>>, vector<1x16xf32>,
        %swap3A_405 = vector.shape_cast %swap3A_404 : vector<1x16xf32> to vector<16xf32>
        %swap3A_406 = vector.shape_cast %add3A_401 : vector<16xf32> to vector<1x16xf32>
        tpu.vector_store %arg7[%swap3A_402, %swap3A_403], %swap3A_406 {strides = array<i32>} : memref<320x128xf32, #tpu.memory_space<vmem>>, vector<1x16xf32>,
        %get3A_407 = arith.index_cast %sub3A_225 : i32 to index
        %get3A_408 = arith.constant 112 : index
        %get3A_409 = tpu.vector_load %arg8[%get3A_407, %get3A_408] {strides = array<i32>} : memref<320x128xf32, #tpu.memory_space<vmem>>, vector<1x16xf32>,
        %get3A_410 = vector.shape_cast %get3A_409 : vector<1x16xf32> to vector<16xf32>
        %max3A_411 = arith.maximumf %get3A_410, %get3A_396 : vector<16xf32>
        %swap3A_412 = arith.index_cast %sub3A_225 : i32 to index
        %swap3A_413 = arith.constant 112 : index
        %swap3A_414 = tpu.vector_load %arg8[%swap3A_412, %swap3A_413] {strides = array<i32>} : memref<320x128xf32, #tpu.memory_space<vmem>>, vector<1x16xf32>,
        %swap3A_415 = vector.shape_cast %swap3A_414 : vector<1x16xf32> to vector<16xf32>
        %swap3A_416 = vector.shape_cast %max3A_411 : vector<16xf32> to vector<1x16xf32>
        tpu.vector_store %arg8[%swap3A_412, %swap3A_413], %swap3A_416 {strides = array<i32>} : memref<320x128xf32, #tpu.memory_space<vmem>>, vector<1x16xf32>,
        %get3A_417 = arith.index_cast %sub3A_225 : i32 to index
        %get3A_418 = tpu.vector_load %arg9[%get3A_417] {strides = array<i32>} : memref<336xf32, #tpu.memory_space<vmem>>, vector<16xf32>,
        %get3A_419 = vector.shape_cast %get3A_418 : vector<16xf32> to vector<16xf32>
        %add3A_420 = arith.addf %get3A_419, %select_n3A : vector<16xf32>
        %swap3A_421 = arith.index_cast %sub3A_225 : i32 to index
        %swap3A_422 = tpu.vector_load %arg9[%swap3A_421] {strides = array<i32>} : memref<336xf32, #tpu.memory_space<vmem>>, vector<16xf32>,
        %swap3A_423 = vector.shape_cast %swap3A_422 : vector<16xf32> to vector<16xf32>
        %swap3A_424 = vector.shape_cast %add3A_420 : vector<16xf32> to vector<16xf32>
        tpu.vector_store %arg9[%swap3A_421], %swap3A_424 {strides = array<i32>} : memref<336xf32, #tpu.memory_space<vmem>>, vector<16xf32>,
      }
      %add3A_126 = arith.constant 128 : i32
      %add3A_127 = arith.addi %scan3A_68, %add3A_126 : i32
      %sub3A = arith.constant 1 : i32
      %sub3A_128 = arith.subi %add3A_127, %sub3A : i32
      %jit3A_129 = arith.constant 128 : i32
      %div3A = arith.divsi %sub3A_128, %jit3A_129 : i32
      %sign3A = arith.constant 0 : i32
      %sign3A_130 = arith.cmpi sgt, %sub3A_128, %sign3A : i32
      %sign3A_131 = arith.extui %sign3A_130 : i1 to i32
      %sign3A_132 = arith.constant 0 : i32
      %sign3A_133 = arith.cmpi slt, %sub3A_128, %sign3A_132 : i32
      %sign3A_134 = arith.extui %sign3A_133 : i1 to i32
      %sign3A_135 = arith.subi %sign3A_131, %sign3A_134 : i32
      %sign3A_136 = arith.constant 0 : i32
      %sign3A_137 = arith.cmpi sgt, %jit3A_129, %sign3A_136 : i32
      %sign3A_138 = arith.extui %sign3A_137 : i1 to i32
      %sign3A_139 = arith.constant 0 : i32
      %sign3A_140 = arith.cmpi slt, %jit3A_129, %sign3A_139 : i32
      %sign3A_141 = arith.extui %sign3A_140 : i1 to i32
      %sign3A_142 = arith.subi %sign3A_138, %sign3A_141 : i32
      %ne3A = arith.cmpi ne, %sign3A_135, %sign3A_142 : i32
      %rem3A = arith.remsi %sub3A_128, %jit3A_129 : i32
      %ne3A_143 = arith.constant 0 : i32
      %ne3A_144 = arith.cmpi ne, %rem3A, %ne3A_143 : i32
      %and3A = arith.andi %ne3A, %ne3A_144 : i1
      %sub3A_145 = arith.constant 1 : i32
      %sub3A_146 = arith.subi %div3A, %sub3A_145 : i32
      %select_n3A_147 = arith.select %and3A, %sub3A_146, %div3A : i32
      %max3A = arith.constant 1 : i32
      %max3A_148 = arith.maxsi %select_n3A_147, %max3A : i32
      %while3A_149 = arith.constant 0 : i32
      %while3A_150 = arith.constant 1 : i32
      %while3A_151 = arith.subi %max3A_148, %while3A_150 : i32
      %while3A_152 = arith.addi %while3A_150, %while3A_151 : i32
      %while3A_153 = arith.constant 1 : i32
      %while3A_154 = arith.divsi %while3A_151, %while3A_153 : i32
      %while3A_155 = arith.muli %while3A_154, %while3A_153 : i32
      %while3A_156 = arith.addi %while3A_150, %while3A_155 : i32
      %while3A_157 = arith.constant 1 : i32
      scf.for %while3A_222 = %while3A_150 to %while3A_156 step %while3A_157  : i32 {
        %mul3A_223 = arith.constant 128 : i32
        %mul3A_224 = arith.muli %while3A_222, %mul3A_223 : i32
        %dma_start3A_225 = tpu.memref_slice %arg12[%mul3A_224] : memref<3264xi32, #tpu.memory_space<vmem>> -> memref<128xi32, #tpu.memory_space<vmem>>
        %dma_start3A_226 = arith.constant 0 : i32
        %dma_start3A_227 = arith.constant 0 : i32
        %dma_start3A_228 = tpu.memref_slice %arg3[%dma_start3A_226, %dma_start3A_227] : memref<320000x128xf32, #tpu.memory_space<hbm>> -> memref<320000x128xf32, #tpu.memory_space<hbm>>
        tpu.enqueue_indirect_dma source(%dma_start3A_228 : memref<320000x128xf32, #tpu.memory_space<hbm>>) target(%arg16 : memref<128x128xf32, #tpu.memory_space<vmem>>) offsets(%dma_start3A_225 : memref<128xi32, #tpu.memory_space<vmem>>) semaphore(%arg20 : memref<!tpu.dma_semaphore, #tpu.memory_space<semaphore_mem>>)
        %mul3A_229 = arith.constant 128 : i32
        %mul3A_230 = arith.muli %while3A_222, %mul3A_229 : i32
        %dma_start3A_231 = arith.constant 0 : i32
        %dma_start3A_232 = tpu.memref_slice %arg14[%dma_start3A_231] : memref<144xi32, #tpu.memory_space<vmem>> -> memref<128xi32, #tpu.memory_space<vmem>>
        %dma_start3A_233 = tpu.memref_slice %arg12[%mul3A_230] : memref<3264xi32, #tpu.memory_space<vmem>> -> memref<128xi32, #tpu.memory_space<vmem>>
        %dma_start3A_234 = arith.constant 0 : i32
        %dma_start3A_235 = tpu.memref_slice %arg2[%dma_start3A_234] : memref<320000xi32, #tpu.memory_space<hbm>> -> memref<320000xi32, #tpu.memory_space<hbm>>
        tpu.enqueue_indirect_dma source(%dma_start3A_235 : memref<320000xi32, #tpu.memory_space<hbm>>) target(%dma_start3A_232 : memref<128xi32, #tpu.memory_space<vmem>>) offsets(%dma_start3A_233 : memref<128xi32, #tpu.memory_space<vmem>>) semaphore(%arg22 : memref<!tpu.dma_semaphore, #tpu.memory_space<semaphore_mem>>)
        %dma_wait3A_236 = tpu.memref_slice %arg12[%mul3A_224] : memref<3264xi32, #tpu.memory_space<vmem>> -> memref<128xi32, #tpu.memory_space<vmem>>
        %dma_wait3A_237 = arith.constant 0 : i32
        %dma_wait3A_238 = arith.constant 0 : i32
        %dma_wait3A_239 = tpu.memref_slice %arg3[%dma_wait3A_237, %dma_wait3A_238] : memref<320000x128xf32, #tpu.memory_space<hbm>> -> memref<320000x128xf32, #tpu.memory_space<hbm>>
        tpu.wait_indirect_dma semaphore(%arg20 : memref<!tpu.dma_semaphore, #tpu.memory_space<semaphore_mem>>) src(%dma_wait3A_239 : memref<320000x128xf32, #tpu.memory_space<hbm>>) dst(%arg16 : memref<128x128xf32, #tpu.memory_space<vmem>>)
        %dma_wait3A_240 = arith.constant 0 : i32
        %dma_wait3A_241 = tpu.memref_slice %arg14[%dma_wait3A_240] : memref<144xi32, #tpu.memory_space<vmem>> -> memref<128xi32, #tpu.memory_space<vmem>>
        %dma_wait3A_242 = tpu.memref_slice %arg12[%mul3A_230] : memref<3264xi32, #tpu.memory_space<vmem>> -> memref<128xi32, #tpu.memory_space<vmem>>
        %dma_wait3A_243 = arith.constant 0 : i32
        %dma_wait3A_244 = tpu.memref_slice %arg2[%dma_wait3A_243] : memref<320000xi32, #tpu.memory_space<hbm>> -> memref<320000xi32, #tpu.memory_space<hbm>>
        tpu.wait_indirect_dma semaphore(%arg22 : memref<!tpu.dma_semaphore, #tpu.memory_space<semaphore_mem>>) src(%dma_wait3A_244 : memref<320000xi32, #tpu.memory_space<hbm>>) dst(%dma_wait3A_241 : memref<128xi32, #tpu.memory_space<vmem>>)
        %mul3A_245 = arith.constant 128 : i32
        %mul3A_246 = arith.muli %while3A_222, %mul3A_245 : i32
        %sub3A_247 = arith.subi %scan3A_68, %mul3A_246 : i32
        %min3A_248 = arith.constant 128 : i32
        %min3A_249 = arith.minsi %sub3A_247, %min3A_248 : i32
        %while3A_250 = arith.constant 0 : i32
        %while3A_251 = arith.constant 0 : i32
        %while3A_252 = arith.subi %min3A_249, %while3A_251 : i32
        %while3A_253 = arith.addi %while3A_251, %while3A_252 : i32
        %while3A_254 = arith.constant 1 : i32
        %while3A_255 = arith.divsi %while3A_252, %while3A_254 : i32
        %while3A_256 = arith.muli %while3A_255, %while3A_254 : i32
        %while3A_257 = arith.addi %while3A_251, %while3A_256 : i32
        %while3A_258 = arith.constant 1 : i32
        scf.for %while3A_260 = %while3A_251 to %while3A_257 step %while3A_258  : i32 {
          %get3A = arith.index_cast %while3A_260 : i32 to index
          %get3A_261 = tpu.vector_load %arg14[%get3A] {strides = array<i32>} : memref<144xi32, #tpu.memory_space<vmem>>, vector<16xi32>,
          %get3A_262 = vector.shape_cast %get3A_261 : vector<16xi32> to vector<16xi32>
          %slice3A = vector.extract_strided_slice %get3A_262 {offsets = [0], sizes = [1], strides = [1]} : vector<16xi32> to vector<1xi32>
          %squeeze3A = vector.extract %slice3A[0] : i32 from vector<1xi32>
          %sub3A_263 = arith.subi %squeeze3A, %mul3A_2 : i32
          %get3A_264 = arith.index_cast %while3A_260 : i32 to index
          %get3A_265 = arith.constant 0 : index
          %get3A_266 = tpu.vector_load %arg16[%get3A_264, %get3A_265] {strides = array<i32>} : memref<128x128xf32, #tpu.memory_space<vmem>>, vector<1x16xf32>,
          %get3A_267 = vector.shape_cast %get3A_266 : vector<1x16xf32> to vector<16xf32>
          %get3A_268 = arith.index_cast %sub3A_263 : i32 to index
          %get3A_269 = arith.constant 0 : index
          %get3A_270 = tpu.vector_load %arg7[%get3A_268, %get3A_269] {strides = array<i32>} : memref<320x128xf32, #tpu.memory_space<vmem>>, vector<1x16xf32>,
          %get3A_271 = vector.shape_cast %get3A_270 : vector<1x16xf32> to vector<16xf32>
          %add3A_272 = arith.addf %get3A_271, %get3A_267 : vector<16xf32>
          %swap3A = arith.index_cast %sub3A_263 : i32 to index
          %swap3A_273 = arith.constant 0 : index
          %swap3A_274 = tpu.vector_load %arg7[%swap3A, %swap3A_273] {strides = array<i32>} : memref<320x128xf32, #tpu.memory_space<vmem>>, vector<1x16xf32>,
          %swap3A_275 = vector.shape_cast %swap3A_274 : vector<1x16xf32> to vector<16xf32>
          %swap3A_276 = vector.shape_cast %add3A_272 : vector<16xf32> to vector<1x16xf32>
          tpu.vector_store %arg7[%swap3A, %swap3A_273], %swap3A_276 {strides = array<i32>} : memref<320x128xf32, #tpu.memory_space<vmem>>, vector<1x16xf32>,
          %get3A_277 = arith.index_cast %sub3A_263 : i32 to index
          %get3A_278 = arith.constant 0 : index
          %get3A_279 = tpu.vector_load %arg8[%get3A_277, %get3A_278] {strides = array<i32>} : memref<320x128xf32, #tpu.memory_space<vmem>>, vector<1x16xf32>,
          %get3A_280 = vector.shape_cast %get3A_279 : vector<1x16xf32> to vector<16xf32>
          %max3A_281 = arith.maximumf %get3A_280, %get3A_267 : vector<16xf32>
          %swap3A_282 = arith.index_cast %sub3A_263 : i32 to index
          %swap3A_283 = arith.constant 0 : index
          %swap3A_284 = tpu.vector_load %arg8[%swap3A_282, %swap3A_283] {strides = array<i32>} : memref<320x128xf32, #tpu.memory_space<vmem>>, vector<1x16xf32>,
          %swap3A_285 = vector.shape_cast %swap3A_284 : vector<1x16xf32> to vector<16xf32>
          %swap3A_286 = vector.shape_cast %max3A_281 : vector<16xf32> to vector<1x16xf32>
          tpu.vector_store %arg8[%swap3A_282, %swap3A_283], %swap3A_286 {strides = array<i32>} : memref<320x128xf32, #tpu.memory_space<vmem>>, vector<1x16xf32>,
          %get3A_287 = arith.index_cast %while3A_260 : i32 to index
          %get3A_288 = arith.constant 16 : index
          %get3A_289 = tpu.vector_load %arg16[%get3A_287, %get3A_288] {strides = array<i32>} : memref<128x128xf32, #tpu.memory_space<vmem>>, vector<1x16xf32>,
          %get3A_290 = vector.shape_cast %get3A_289 : vector<1x16xf32> to vector<16xf32>
          %get3A_291 = arith.index_cast %sub3A_263 : i32 to index
          %get3A_292 = arith.constant 16 : index
          %get3A_293 = tpu.vector_load %arg7[%get3A_291, %get3A_292] {strides = array<i32>} : memref<320x128xf32, #tpu.memory_space<vmem>>, vector<1x16xf32>,
          %get3A_294 = vector.shape_cast %get3A_293 : vector<1x16xf32> to vector<16xf32>
          %add3A_295 = arith.addf %get3A_294, %get3A_290 : vector<16xf32>
          %swap3A_296 = arith.index_cast %sub3A_263 : i32 to index
          %swap3A_297 = arith.constant 16 : index
          %swap3A_298 = tpu.vector_load %arg7[%swap3A_296, %swap3A_297] {strides = array<i32>} : memref<320x128xf32, #tpu.memory_space<vmem>>, vector<1x16xf32>,
          %swap3A_299 = vector.shape_cast %swap3A_298 : vector<1x16xf32> to vector<16xf32>
          %swap3A_300 = vector.shape_cast %add3A_295 : vector<16xf32> to vector<1x16xf32>
          tpu.vector_store %arg7[%swap3A_296, %swap3A_297], %swap3A_300 {strides = array<i32>} : memref<320x128xf32, #tpu.memory_space<vmem>>, vector<1x16xf32>,
          %get3A_301 = arith.index_cast %sub3A_263 : i32 to index
          %get3A_302 = arith.constant 16 : index
          %get3A_303 = tpu.vector_load %arg8[%get3A_301, %get3A_302] {strides = array<i32>} : memref<320x128xf32, #tpu.memory_space<vmem>>, vector<1x16xf32>,
          %get3A_304 = vector.shape_cast %get3A_303 : vector<1x16xf32> to vector<16xf32>
          %max3A_305 = arith.maximumf %get3A_304, %get3A_290 : vector<16xf32>
          %swap3A_306 = arith.index_cast %sub3A_263 : i32 to index
          %swap3A_307 = arith.constant 16 : index
          %swap3A_308 = tpu.vector_load %arg8[%swap3A_306, %swap3A_307] {strides = array<i32>} : memref<320x128xf32, #tpu.memory_space<vmem>>, vector<1x16xf32>,
          %swap3A_309 = vector.shape_cast %swap3A_308 : vector<1x16xf32> to vector<16xf32>
          %swap3A_310 = vector.shape_cast %max3A_305 : vector<16xf32> to vector<1x16xf32>
          tpu.vector_store %arg8[%swap3A_306, %swap3A_307], %swap3A_310 {strides = array<i32>} : memref<320x128xf32, #tpu.memory_space<vmem>>, vector<1x16xf32>,
          %get3A_311 = arith.index_cast %while3A_260 : i32 to index
          %get3A_312 = arith.constant 32 : index
          %get3A_313 = tpu.vector_load %arg16[%get3A_311, %get3A_312] {strides = array<i32>} : memref<128x128xf32, #tpu.memory_space<vmem>>, vector<1x16xf32>,
          %get3A_314 = vector.shape_cast %get3A_313 : vector<1x16xf32> to vector<16xf32>
          %get3A_315 = arith.index_cast %sub3A_263 : i32 to index
          %get3A_316 = arith.constant 32 : index
          %get3A_317 = tpu.vector_load %arg7[%get3A_315, %get3A_316] {strides = array<i32>} : memref<320x128xf32, #tpu.memory_space<vmem>>, vector<1x16xf32>,
          %get3A_318 = vector.shape_cast %get3A_317 : vector<1x16xf32> to vector<16xf32>
          %add3A_319 = arith.addf %get3A_318, %get3A_314 : vector<16xf32>
          %swap3A_320 = arith.index_cast %sub3A_263 : i32 to index
          %swap3A_321 = arith.constant 32 : index
          %swap3A_322 = tpu.vector_load %arg7[%swap3A_320, %swap3A_321] {strides = array<i32>} : memref<320x128xf32, #tpu.memory_space<vmem>>, vector<1x16xf32>,
          %swap3A_323 = vector.shape_cast %swap3A_322 : vector<1x16xf32> to vector<16xf32>
          %swap3A_324 = vector.shape_cast %add3A_319 : vector<16xf32> to vector<1x16xf32>
          tpu.vector_store %arg7[%swap3A_320, %swap3A_321], %swap3A_324 {strides = array<i32>} : memref<320x128xf32, #tpu.memory_space<vmem>>, vector<1x16xf32>,
          %get3A_325 = arith.index_cast %sub3A_263 : i32 to index
          %get3A_326 = arith.constant 32 : index
          %get3A_327 = tpu.vector_load %arg8[%get3A_325, %get3A_326] {strides = array<i32>} : memref<320x128xf32, #tpu.memory_space<vmem>>, vector<1x16xf32>,
          %get3A_328 = vector.shape_cast %get3A_327 : vector<1x16xf32> to vector<16xf32>
          %max3A_329 = arith.maximumf %get3A_328, %get3A_314 : vector<16xf32>
          %swap3A_330 = arith.index_cast %sub3A_263 : i32 to index
          %swap3A_331 = arith.constant 32 : index
          %swap3A_332 = tpu.vector_load %arg8[%swap3A_330, %swap3A_331] {strides = array<i32>} : memref<320x128xf32, #tpu.memory_space<vmem>>, vector<1x16xf32>,
          %swap3A_333 = vector.shape_cast %swap3A_332 : vector<1x16xf32> to vector<16xf32>
          %swap3A_334 = vector.shape_cast %max3A_329 : vector<16xf32> to vector<1x16xf32>
          tpu.vector_store %arg8[%swap3A_330, %swap3A_331], %swap3A_334 {strides = array<i32>} : memref<320x128xf32, #tpu.memory_space<vmem>>, vector<1x16xf32>,
          %get3A_335 = arith.index_cast %while3A_260 : i32 to index
          %get3A_336 = arith.constant 48 : index
          %get3A_337 = tpu.vector_load %arg16[%get3A_335, %get3A_336] {strides = array<i32>} : memref<128x128xf32, #tpu.memory_space<vmem>>, vector<1x16xf32>,
          %get3A_338 = vector.shape_cast %get3A_337 : vector<1x16xf32> to vector<16xf32>
          %get3A_339 = arith.index_cast %sub3A_263 : i32 to index
          %get3A_340 = arith.constant 48 : index
          %get3A_341 = tpu.vector_load %arg7[%get3A_339, %get3A_340] {strides = array<i32>} : memref<320x128xf32, #tpu.memory_space<vmem>>, vector<1x16xf32>,
          %get3A_342 = vector.shape_cast %get3A_341 : vector<1x16xf32> to vector<16xf32>
          %add3A_343 = arith.addf %get3A_342, %get3A_338 : vector<16xf32>
          %swap3A_344 = arith.index_cast %sub3A_263 : i32 to index
          %swap3A_345 = arith.constant 48 : index
          %swap3A_346 = tpu.vector_load %arg7[%swap3A_344, %swap3A_345] {strides = array<i32>} : memref<320x128xf32, #tpu.memory_space<vmem>>, vector<1x16xf32>,
          %swap3A_347 = vector.shape_cast %swap3A_346 : vector<1x16xf32> to vector<16xf32>
          %swap3A_348 = vector.shape_cast %add3A_343 : vector<16xf32> to vector<1x16xf32>
          tpu.vector_store %arg7[%swap3A_344, %swap3A_345], %swap3A_348 {strides = array<i32>} : memref<320x128xf32, #tpu.memory_space<vmem>>, vector<1x16xf32>,
          %get3A_349 = arith.index_cast %sub3A_263 : i32 to index
          %get3A_350 = arith.constant 48 : index
          %get3A_351 = tpu.vector_load %arg8[%get3A_349, %get3A_350] {strides = array<i32>} : memref<320x128xf32, #tpu.memory_space<vmem>>, vector<1x16xf32>,
          %get3A_352 = vector.shape_cast %get3A_351 : vector<1x16xf32> to vector<16xf32>
          %max3A_353 = arith.maximumf %get3A_352, %get3A_338 : vector<16xf32>
          %swap3A_354 = arith.index_cast %sub3A_263 : i32 to index
          %swap3A_355 = arith.constant 48 : index
          %swap3A_356 = tpu.vector_load %arg8[%swap3A_354, %swap3A_355] {strides = array<i32>} : memref<320x128xf32, #tpu.memory_space<vmem>>, vector<1x16xf32>,
          %swap3A_357 = vector.shape_cast %swap3A_356 : vector<1x16xf32> to vector<16xf32>
          %swap3A_358 = vector.shape_cast %max3A_353 : vector<16xf32> to vector<1x16xf32>
          tpu.vector_store %arg8[%swap3A_354, %swap3A_355], %swap3A_358 {strides = array<i32>} : memref<320x128xf32, #tpu.memory_space<vmem>>, vector<1x16xf32>,
          %get3A_359 = arith.index_cast %while3A_260 : i32 to index
          %get3A_360 = arith.constant 64 : index
          %get3A_361 = tpu.vector_load %arg16[%get3A_359, %get3A_360] {strides = array<i32>} : memref<128x128xf32, #tpu.memory_space<vmem>>, vector<1x16xf32>,
          %get3A_362 = vector.shape_cast %get3A_361 : vector<1x16xf32> to vector<16xf32>
          %get3A_363 = arith.index_cast %sub3A_263 : i32 to index
          %get3A_364 = arith.constant 64 : index
          %get3A_365 = tpu.vector_load %arg7[%get3A_363, %get3A_364] {strides = array<i32>} : memref<320x128xf32, #tpu.memory_space<vmem>>, vector<1x16xf32>,
          %get3A_366 = vector.shape_cast %get3A_365 : vector<1x16xf32> to vector<16xf32>
          %add3A_367 = arith.addf %get3A_366, %get3A_362 : vector<16xf32>
          %swap3A_368 = arith.index_cast %sub3A_263 : i32 to index
          %swap3A_369 = arith.constant 64 : index
          %swap3A_370 = tpu.vector_load %arg7[%swap3A_368, %swap3A_369] {strides = array<i32>} : memref<320x128xf32, #tpu.memory_space<vmem>>, vector<1x16xf32>,
          %swap3A_371 = vector.shape_cast %swap3A_370 : vector<1x16xf32> to vector<16xf32>
          %swap3A_372 = vector.shape_cast %add3A_367 : vector<16xf32> to vector<1x16xf32>
          tpu.vector_store %arg7[%swap3A_368, %swap3A_369], %swap3A_372 {strides = array<i32>} : memref<320x128xf32, #tpu.memory_space<vmem>>, vector<1x16xf32>,
          %get3A_373 = arith.index_cast %sub3A_263 : i32 to index
          %get3A_374 = arith.constant 64 : index
          %get3A_375 = tpu.vector_load %arg8[%get3A_373, %get3A_374] {strides = array<i32>} : memref<320x128xf32, #tpu.memory_space<vmem>>, vector<1x16xf32>,
          %get3A_376 = vector.shape_cast %get3A_375 : vector<1x16xf32> to vector<16xf32>
          %max3A_377 = arith.maximumf %get3A_376, %get3A_362 : vector<16xf32>
          %swap3A_378 = arith.index_cast %sub3A_263 : i32 to index
          %swap3A_379 = arith.constant 64 : index
          %swap3A_380 = tpu.vector_load %arg8[%swap3A_378, %swap3A_379] {strides = array<i32>} : memref<320x128xf32, #tpu.memory_space<vmem>>, vector<1x16xf32>,
          %swap3A_381 = vector.shape_cast %swap3A_380 : vector<1x16xf32> to vector<16xf32>
          %swap3A_382 = vector.shape_cast %max3A_377 : vector<16xf32> to vector<1x16xf32>
          tpu.vector_store %arg8[%swap3A_378, %swap3A_379], %swap3A_382 {strides = array<i32>} : memref<320x128xf32, #tpu.memory_space<vmem>>, vector<1x16xf32>,
          %get3A_383 = arith.index_cast %while3A_260 : i32 to index
          %get3A_384 = arith.constant 80 : index
          %get3A_385 = tpu.vector_load %arg16[%get3A_383, %get3A_384] {strides = array<i32>} : memref<128x128xf32, #tpu.memory_space<vmem>>, vector<1x16xf32>,
          %get3A_386 = vector.shape_cast %get3A_385 : vector<1x16xf32> to vector<16xf32>
          %get3A_387 = arith.index_cast %sub3A_263 : i32 to index
          %get3A_388 = arith.constant 80 : index
          %get3A_389 = tpu.vector_load %arg7[%get3A_387, %get3A_388] {strides = array<i32>} : memref<320x128xf32, #tpu.memory_space<vmem>>, vector<1x16xf32>,
          %get3A_390 = vector.shape_cast %get3A_389 : vector<1x16xf32> to vector<16xf32>
          %add3A_391 = arith.addf %get3A_390, %get3A_386 : vector<16xf32>
          %swap3A_392 = arith.index_cast %sub3A_263 : i32 to index
          %swap3A_393 = arith.constant 80 : index
          %swap3A_394 = tpu.vector_load %arg7[%swap3A_392, %swap3A_393] {strides = array<i32>} : memref<320x128xf32, #tpu.memory_space<vmem>>, vector<1x16xf32>,
          %swap3A_395 = vector.shape_cast %swap3A_394 : vector<1x16xf32> to vector<16xf32>
          %swap3A_396 = vector.shape_cast %add3A_391 : vector<16xf32> to vector<1x16xf32>
          tpu.vector_store %arg7[%swap3A_392, %swap3A_393], %swap3A_396 {strides = array<i32>} : memref<320x128xf32, #tpu.memory_space<vmem>>, vector<1x16xf32>,
          %get3A_397 = arith.index_cast %sub3A_263 : i32 to index
          %get3A_398 = arith.constant 80 : index
          %get3A_399 = tpu.vector_load %arg8[%get3A_397, %get3A_398] {strides = array<i32>} : memref<320x128xf32, #tpu.memory_space<vmem>>, vector<1x16xf32>,
          %get3A_400 = vector.shape_cast %get3A_399 : vector<1x16xf32> to vector<16xf32>
          %max3A_401 = arith.maximumf %get3A_400, %get3A_386 : vector<16xf32>
          %swap3A_402 = arith.index_cast %sub3A_263 : i32 to index
          %swap3A_403 = arith.constant 80 : index
          %swap3A_404 = tpu.vector_load %arg8[%swap3A_402, %swap3A_403] {strides = array<i32>} : memref<320x128xf32, #tpu.memory_space<vmem>>, vector<1x16xf32>,
          %swap3A_405 = vector.shape_cast %swap3A_404 : vector<1x16xf32> to vector<16xf32>
          %swap3A_406 = vector.shape_cast %max3A_401 : vector<16xf32> to vector<1x16xf32>
          tpu.vector_store %arg8[%swap3A_402, %swap3A_403], %swap3A_406 {strides = array<i32>} : memref<320x128xf32, #tpu.memory_space<vmem>>, vector<1x16xf32>,
          %get3A_407 = arith.index_cast %while3A_260 : i32 to index
          %get3A_408 = arith.constant 96 : index
          %get3A_409 = tpu.vector_load %arg16[%get3A_407, %get3A_408] {strides = array<i32>} : memref<128x128xf32, #tpu.memory_space<vmem>>, vector<1x16xf32>,
          %get3A_410 = vector.shape_cast %get3A_409 : vector<1x16xf32> to vector<16xf32>
          %get3A_411 = arith.index_cast %sub3A_263 : i32 to index
          %get3A_412 = arith.constant 96 : index
          %get3A_413 = tpu.vector_load %arg7[%get3A_411, %get3A_412] {strides = array<i32>} : memref<320x128xf32, #tpu.memory_space<vmem>>, vector<1x16xf32>,
          %get3A_414 = vector.shape_cast %get3A_413 : vector<1x16xf32> to vector<16xf32>
          %add3A_415 = arith.addf %get3A_414, %get3A_410 : vector<16xf32>
          %swap3A_416 = arith.index_cast %sub3A_263 : i32 to index
          %swap3A_417 = arith.constant 96 : index
          %swap3A_418 = tpu.vector_load %arg7[%swap3A_416, %swap3A_417] {strides = array<i32>} : memref<320x128xf32, #tpu.memory_space<vmem>>, vector<1x16xf32>,
          %swap3A_419 = vector.shape_cast %swap3A_418 : vector<1x16xf32> to vector<16xf32>
          %swap3A_420 = vector.shape_cast %add3A_415 : vector<16xf32> to vector<1x16xf32>
          tpu.vector_store %arg7[%swap3A_416, %swap3A_417], %swap3A_420 {strides = array<i32>} : memref<320x128xf32, #tpu.memory_space<vmem>>, vector<1x16xf32>,
          %get3A_421 = arith.index_cast %sub3A_263 : i32 to index
          %get3A_422 = arith.constant 96 : index
          %get3A_423 = tpu.vector_load %arg8[%get3A_421, %get3A_422] {strides = array<i32>} : memref<320x128xf32, #tpu.memory_space<vmem>>, vector<1x16xf32>,
          %get3A_424 = vector.shape_cast %get3A_423 : vector<1x16xf32> to vector<16xf32>
          %max3A_425 = arith.maximumf %get3A_424, %get3A_410 : vector<16xf32>
          %swap3A_426 = arith.index_cast %sub3A_263 : i32 to index
          %swap3A_427 = arith.constant 96 : index
          %swap3A_428 = tpu.vector_load %arg8[%swap3A_426, %swap3A_427] {strides = array<i32>} : memref<320x128xf32, #tpu.memory_space<vmem>>, vector<1x16xf32>,
          %swap3A_429 = vector.shape_cast %swap3A_428 : vector<1x16xf32> to vector<16xf32>
          %swap3A_430 = vector.shape_cast %max3A_425 : vector<16xf32> to vector<1x16xf32>
          tpu.vector_store %arg8[%swap3A_426, %swap3A_427], %swap3A_430 {strides = array<i32>} : memref<320x128xf32, #tpu.memory_space<vmem>>, vector<1x16xf32>,
          %get3A_431 = arith.index_cast %while3A_260 : i32 to index
          %get3A_432 = arith.constant 112 : index
          %get3A_433 = tpu.vector_load %arg16[%get3A_431, %get3A_432] {strides = array<i32>} : memref<128x128xf32, #tpu.memory_space<vmem>>, vector<1x16xf32>,
          %get3A_434 = vector.shape_cast %get3A_433 : vector<1x16xf32> to vector<16xf32>
          %get3A_435 = arith.index_cast %sub3A_263 : i32 to index
          %get3A_436 = arith.constant 112 : index
          %get3A_437 = tpu.vector_load %arg7[%get3A_435, %get3A_436] {strides = array<i32>} : memref<320x128xf32, #tpu.memory_space<vmem>>, vector<1x16xf32>,
          %get3A_438 = vector.shape_cast %get3A_437 : vector<1x16xf32> to vector<16xf32>
          %add3A_439 = arith.addf %get3A_438, %get3A_434 : vector<16xf32>
          %swap3A_440 = arith.index_cast %sub3A_263 : i32 to index
          %swap3A_441 = arith.constant 112 : index
          %swap3A_442 = tpu.vector_load %arg7[%swap3A_440, %swap3A_441] {strides = array<i32>} : memref<320x128xf32, #tpu.memory_space<vmem>>, vector<1x16xf32>,
          %swap3A_443 = vector.shape_cast %swap3A_442 : vector<1x16xf32> to vector<16xf32>
          %swap3A_444 = vector.shape_cast %add3A_439 : vector<16xf32> to vector<1x16xf32>
          tpu.vector_store %arg7[%swap3A_440, %swap3A_441], %swap3A_444 {strides = array<i32>} : memref<320x128xf32, #tpu.memory_space<vmem>>, vector<1x16xf32>,
          %get3A_445 = arith.index_cast %sub3A_263 : i32 to index
          %get3A_446 = arith.constant 112 : index
          %get3A_447 = tpu.vector_load %arg8[%get3A_445, %get3A_446] {strides = array<i32>} : memref<320x128xf32, #tpu.memory_space<vmem>>, vector<1x16xf32>,
          %get3A_448 = vector.shape_cast %get3A_447 : vector<1x16xf32> to vector<16xf32>
          %max3A_449 = arith.maximumf %get3A_448, %get3A_434 : vector<16xf32>
          %swap3A_450 = arith.index_cast %sub3A_263 : i32 to index
          %swap3A_451 = arith.constant 112 : index
          %swap3A_452 = tpu.vector_load %arg8[%swap3A_450, %swap3A_451] {strides = array<i32>} : memref<320x128xf32, #tpu.memory_space<vmem>>, vector<1x16xf32>,
          %swap3A_453 = vector.shape_cast %swap3A_452 : vector<1x16xf32> to vector<16xf32>
          %swap3A_454 = vector.shape_cast %max3A_449 : vector<16xf32> to vector<1x16xf32>
          tpu.vector_store %arg8[%swap3A_450, %swap3A_451], %swap3A_454 {strides = array<i32>} : memref<320x128xf32, #tpu.memory_space<vmem>>, vector<1x16xf32>,
          %get3A_455 = arith.index_cast %sub3A_263 : i32 to index
          %get3A_456 = tpu.vector_load %arg9[%get3A_455] {strides = array<i32>} : memref<336xf32, #tpu.memory_space<vmem>>, vector<16xf32>,
          %get3A_457 = vector.shape_cast %get3A_456 : vector<16xf32> to vector<16xf32>
          %add3A_458 = arith.addf %get3A_457, %select_n3A : vector<16xf32>
          %swap3A_459 = arith.index_cast %sub3A_263 : i32 to index
          %swap3A_460 = tpu.vector_load %arg9[%swap3A_459] {strides = array<i32>} : memref<336xf32, #tpu.memory_space<vmem>>, vector<16xf32>,
          %swap3A_461 = vector.shape_cast %swap3A_460 : vector<16xf32> to vector<16xf32>
          %swap3A_462 = vector.shape_cast %add3A_458 : vector<16xf32> to vector<16xf32>
          tpu.vector_store %arg9[%swap3A_459], %swap3A_462 {strides = array<i32>} : memref<336xf32, #tpu.memory_space<vmem>>, vector<16xf32>,
        }
        %while3A_259 = arith.constant 1 : i32
        scf.for %while3A_260 = %while3A_257 to %while3A_253 step %while3A_259  : i32 {
          %get3A = arith.index_cast %while3A_260 : i32 to index
          %get3A_261 = tpu.vector_load %arg14[%get3A] {strides = array<i32>} : memref<144xi32, #tpu.memory_space<vmem>>, vector<16xi32>,
          %get3A_262 = vector.shape_cast %get3A_261 : vector<16xi32> to vector<16xi32>
          %slice3A = vector.extract_strided_slice %get3A_262 {offsets = [0], sizes = [1], strides = [1]} : vector<16xi32> to vector<1xi32>
          %squeeze3A = vector.extract %slice3A[0] : i32 from vector<1xi32>
          %sub3A_263 = arith.subi %squeeze3A, %mul3A_2 : i32
          %get3A_264 = arith.index_cast %while3A_260 : i32 to index
          %get3A_265 = arith.constant 0 : index
          %get3A_266 = tpu.vector_load %arg16[%get3A_264, %get3A_265] {strides = array<i32>} : memref<128x128xf32, #tpu.memory_space<vmem>>, vector<1x16xf32>,
          %get3A_267 = vector.shape_cast %get3A_266 : vector<1x16xf32> to vector<16xf32>
          %get3A_268 = arith.index_cast %sub3A_263 : i32 to index
          %get3A_269 = arith.constant 0 : index
          %get3A_270 = tpu.vector_load %arg7[%get3A_268, %get3A_269] {strides = array<i32>} : memref<320x128xf32, #tpu.memory_space<vmem>>, vector<1x16xf32>,
          %get3A_271 = vector.shape_cast %get3A_270 : vector<1x16xf32> to vector<16xf32>
          %add3A_272 = arith.addf %get3A_271, %get3A_267 : vector<16xf32>
          %swap3A = arith.index_cast %sub3A_263 : i32 to index
          %swap3A_273 = arith.constant 0 : index
          %swap3A_274 = tpu.vector_load %arg7[%swap3A, %swap3A_273] {strides = array<i32>} : memref<320x128xf32, #tpu.memory_space<vmem>>, vector<1x16xf32>,
          %swap3A_275 = vector.shape_cast %swap3A_274 : vector<1x16xf32> to vector<16xf32>
          %swap3A_276 = vector.shape_cast %add3A_272 : vector<16xf32> to vector<1x16xf32>
          tpu.vector_store %arg7[%swap3A, %swap3A_273], %swap3A_276 {strides = array<i32>} : memref<320x128xf32, #tpu.memory_space<vmem>>, vector<1x16xf32>,
          %get3A_277 = arith.index_cast %sub3A_263 : i32 to index
          %get3A_278 = arith.constant 0 : index
          %get3A_279 = tpu.vector_load %arg8[%get3A_277, %get3A_278] {strides = array<i32>} : memref<320x128xf32, #tpu.memory_space<vmem>>, vector<1x16xf32>,
          %get3A_280 = vector.shape_cast %get3A_279 : vector<1x16xf32> to vector<16xf32>
          %max3A_281 = arith.maximumf %get3A_280, %get3A_267 : vector<16xf32>
          %swap3A_282 = arith.index_cast %sub3A_263 : i32 to index
          %swap3A_283 = arith.constant 0 : index
          %swap3A_284 = tpu.vector_load %arg8[%swap3A_282, %swap3A_283] {strides = array<i32>} : memref<320x128xf32, #tpu.memory_space<vmem>>, vector<1x16xf32>,
          %swap3A_285 = vector.shape_cast %swap3A_284 : vector<1x16xf32> to vector<16xf32>
          %swap3A_286 = vector.shape_cast %max3A_281 : vector<16xf32> to vector<1x16xf32>
          tpu.vector_store %arg8[%swap3A_282, %swap3A_283], %swap3A_286 {strides = array<i32>} : memref<320x128xf32, #tpu.memory_space<vmem>>, vector<1x16xf32>,
          %get3A_287 = arith.index_cast %while3A_260 : i32 to index
          %get3A_288 = arith.constant 16 : index
          %get3A_289 = tpu.vector_load %arg16[%get3A_287, %get3A_288] {strides = array<i32>} : memref<128x128xf32, #tpu.memory_space<vmem>>, vector<1x16xf32>,
          %get3A_290 = vector.shape_cast %get3A_289 : vector<1x16xf32> to vector<16xf32>
          %get3A_291 = arith.index_cast %sub3A_263 : i32 to index
          %get3A_292 = arith.constant 16 : index
          %get3A_293 = tpu.vector_load %arg7[%get3A_291, %get3A_292] {strides = array<i32>} : memref<320x128xf32, #tpu.memory_space<vmem>>, vector<1x16xf32>,
          %get3A_294 = vector.shape_cast %get3A_293 : vector<1x16xf32> to vector<16xf32>
          %add3A_295 = arith.addf %get3A_294, %get3A_290 : vector<16xf32>
          %swap3A_296 = arith.index_cast %sub3A_263 : i32 to index
          %swap3A_297 = arith.constant 16 : index
          %swap3A_298 = tpu.vector_load %arg7[%swap3A_296, %swap3A_297] {strides = array<i32>} : memref<320x128xf32, #tpu.memory_space<vmem>>, vector<1x16xf32>,
          %swap3A_299 = vector.shape_cast %swap3A_298 : vector<1x16xf32> to vector<16xf32>
          %swap3A_300 = vector.shape_cast %add3A_295 : vector<16xf32> to vector<1x16xf32>
          tpu.vector_store %arg7[%swap3A_296, %swap3A_297], %swap3A_300 {strides = array<i32>} : memref<320x128xf32, #tpu.memory_space<vmem>>, vector<1x16xf32>,
          %get3A_301 = arith.index_cast %sub3A_263 : i32 to index
          %get3A_302 = arith.constant 16 : index
          %get3A_303 = tpu.vector_load %arg8[%get3A_301, %get3A_302] {strides = array<i32>} : memref<320x128xf32, #tpu.memory_space<vmem>>, vector<1x16xf32>,
          %get3A_304 = vector.shape_cast %get3A_303 : vector<1x16xf32> to vector<16xf32>
          %max3A_305 = arith.maximumf %get3A_304, %get3A_290 : vector<16xf32>
          %swap3A_306 = arith.index_cast %sub3A_263 : i32 to index
          %swap3A_307 = arith.constant 16 : index
          %swap3A_308 = tpu.vector_load %arg8[%swap3A_306, %swap3A_307] {strides = array<i32>} : memref<320x128xf32, #tpu.memory_space<vmem>>, vector<1x16xf32>,
          %swap3A_309 = vector.shape_cast %swap3A_308 : vector<1x16xf32> to vector<16xf32>
          %swap3A_310 = vector.shape_cast %max3A_305 : vector<16xf32> to vector<1x16xf32>
          tpu.vector_store %arg8[%swap3A_306, %swap3A_307], %swap3A_310 {strides = array<i32>} : memref<320x128xf32, #tpu.memory_space<vmem>>, vector<1x16xf32>,
          %get3A_311 = arith.index_cast %while3A_260 : i32 to index
          %get3A_312 = arith.constant 32 : index
          %get3A_313 = tpu.vector_load %arg16[%get3A_311, %get3A_312] {strides = array<i32>} : memref<128x128xf32, #tpu.memory_space<vmem>>, vector<1x16xf32>,
          %get3A_314 = vector.shape_cast %get3A_313 : vector<1x16xf32> to vector<16xf32>
          %get3A_315 = arith.index_cast %sub3A_263 : i32 to index
          %get3A_316 = arith.constant 32 : index
          %get3A_317 = tpu.vector_load %arg7[%get3A_315, %get3A_316] {strides = array<i32>} : memref<320x128xf32, #tpu.memory_space<vmem>>, vector<1x16xf32>,
          %get3A_318 = vector.shape_cast %get3A_317 : vector<1x16xf32> to vector<16xf32>
          %add3A_319 = arith.addf %get3A_318, %get3A_314 : vector<16xf32>
          %swap3A_320 = arith.index_cast %sub3A_263 : i32 to index
          %swap3A_321 = arith.constant 32 : index
          %swap3A_322 = tpu.vector_load %arg7[%swap3A_320, %swap3A_321] {strides = array<i32>} : memref<320x128xf32, #tpu.memory_space<vmem>>, vector<1x16xf32>,
          %swap3A_323 = vector.shape_cast %swap3A_322 : vector<1x16xf32> to vector<16xf32>
          %swap3A_324 = vector.shape_cast %add3A_319 : vector<16xf32> to vector<1x16xf32>
          tpu.vector_store %arg7[%swap3A_320, %swap3A_321], %swap3A_324 {strides = array<i32>} : memref<320x128xf32, #tpu.memory_space<vmem>>, vector<1x16xf32>,
          %get3A_325 = arith.index_cast %sub3A_263 : i32 to index
          %get3A_326 = arith.constant 32 : index
          %get3A_327 = tpu.vector_load %arg8[%get3A_325, %get3A_326] {strides = array<i32>} : memref<320x128xf32, #tpu.memory_space<vmem>>, vector<1x16xf32>,
          %get3A_328 = vector.shape_cast %get3A_327 : vector<1x16xf32> to vector<16xf32>
          %max3A_329 = arith.maximumf %get3A_328, %get3A_314 : vector<16xf32>
          %swap3A_330 = arith.index_cast %sub3A_263 : i32 to index
          %swap3A_331 = arith.constant 32 : index
          %swap3A_332 = tpu.vector_load %arg8[%swap3A_330, %swap3A_331] {strides = array<i32>} : memref<320x128xf32, #tpu.memory_space<vmem>>, vector<1x16xf32>,
          %swap3A_333 = vector.shape_cast %swap3A_332 : vector<1x16xf32> to vector<16xf32>
          %swap3A_334 = vector.shape_cast %max3A_329 : vector<16xf32> to vector<1x16xf32>
          tpu.vector_store %arg8[%swap3A_330, %swap3A_331], %swap3A_334 {strides = array<i32>} : memref<320x128xf32, #tpu.memory_space<vmem>>, vector<1x16xf32>,
          %get3A_335 = arith.index_cast %while3A_260 : i32 to index
          %get3A_336 = arith.constant 48 : index
          %get3A_337 = tpu.vector_load %arg16[%get3A_335, %get3A_336] {strides = array<i32>} : memref<128x128xf32, #tpu.memory_space<vmem>>, vector<1x16xf32>,
          %get3A_338 = vector.shape_cast %get3A_337 : vector<1x16xf32> to vector<16xf32>
          %get3A_339 = arith.index_cast %sub3A_263 : i32 to index
          %get3A_340 = arith.constant 48 : index
          %get3A_341 = tpu.vector_load %arg7[%get3A_339, %get3A_340] {strides = array<i32>} : memref<320x128xf32, #tpu.memory_space<vmem>>, vector<1x16xf32>,
          %get3A_342 = vector.shape_cast %get3A_341 : vector<1x16xf32> to vector<16xf32>
          %add3A_343 = arith.addf %get3A_342, %get3A_338 : vector<16xf32>
          %swap3A_344 = arith.index_cast %sub3A_263 : i32 to index
          %swap3A_345 = arith.constant 48 : index
          %swap3A_346 = tpu.vector_load %arg7[%swap3A_344, %swap3A_345] {strides = array<i32>} : memref<320x128xf32, #tpu.memory_space<vmem>>, vector<1x16xf32>,
          %swap3A_347 = vector.shape_cast %swap3A_346 : vector<1x16xf32> to vector<16xf32>
          %swap3A_348 = vector.shape_cast %add3A_343 : vector<16xf32> to vector<1x16xf32>
          tpu.vector_store %arg7[%swap3A_344, %swap3A_345], %swap3A_348 {strides = array<i32>} : memref<320x128xf32, #tpu.memory_space<vmem>>, vector<1x16xf32>,
          %get3A_349 = arith.index_cast %sub3A_263 : i32 to index
          %get3A_350 = arith.constant 48 : index
          %get3A_351 = tpu.vector_load %arg8[%get3A_349, %get3A_350] {strides = array<i32>} : memref<320x128xf32, #tpu.memory_space<vmem>>, vector<1x16xf32>,
          %get3A_352 = vector.shape_cast %get3A_351 : vector<1x16xf32> to vector<16xf32>
          %max3A_353 = arith.maximumf %get3A_352, %get3A_338 : vector<16xf32>
          %swap3A_354 = arith.index_cast %sub3A_263 : i32 to index
          %swap3A_355 = arith.constant 48 : index
          %swap3A_356 = tpu.vector_load %arg8[%swap3A_354, %swap3A_355] {strides = array<i32>} : memref<320x128xf32, #tpu.memory_space<vmem>>, vector<1x16xf32>,
          %swap3A_357 = vector.shape_cast %swap3A_356 : vector<1x16xf32> to vector<16xf32>
          %swap3A_358 = vector.shape_cast %max3A_353 : vector<16xf32> to vector<1x16xf32>
          tpu.vector_store %arg8[%swap3A_354, %swap3A_355], %swap3A_358 {strides = array<i32>} : memref<320x128xf32, #tpu.memory_space<vmem>>, vector<1x16xf32>,
          %get3A_359 = arith.index_cast %while3A_260 : i32 to index
          %get3A_360 = arith.constant 64 : index
          %get3A_361 = tpu.vector_load %arg16[%get3A_359, %get3A_360] {strides = array<i32>} : memref<128x128xf32, #tpu.memory_space<vmem>>, vector<1x16xf32>,
          %get3A_362 = vector.shape_cast %get3A_361 : vector<1x16xf32> to vector<16xf32>
          %get3A_363 = arith.index_cast %sub3A_263 : i32 to index
          %get3A_364 = arith.constant 64 : index
          %get3A_365 = tpu.vector_load %arg7[%get3A_363, %get3A_364] {strides = array<i32>} : memref<320x128xf32, #tpu.memory_space<vmem>>, vector<1x16xf32>,
          %get3A_366 = vector.shape_cast %get3A_365 : vector<1x16xf32> to vector<16xf32>
          %add3A_367 = arith.addf %get3A_366, %get3A_362 : vector<16xf32>
          %swap3A_368 = arith.index_cast %sub3A_263 : i32 to index
          %swap3A_369 = arith.constant 64 : index
          %swap3A_370 = tpu.vector_load %arg7[%swap3A_368, %swap3A_369] {strides = array<i32>} : memref<320x128xf32, #tpu.memory_space<vmem>>, vector<1x16xf32>,
          %swap3A_371 = vector.shape_cast %swap3A_370 : vector<1x16xf32> to vector<16xf32>
          %swap3A_372 = vector.shape_cast %add3A_367 : vector<16xf32> to vector<1x16xf32>
          tpu.vector_store %arg7[%swap3A_368, %swap3A_369], %swap3A_372 {strides = array<i32>} : memref<320x128xf32, #tpu.memory_space<vmem>>, vector<1x16xf32>,
          %get3A_373 = arith.index_cast %sub3A_263 : i32 to index
          %get3A_374 = arith.constant 64 : index
          %get3A_375 = tpu.vector_load %arg8[%get3A_373, %get3A_374] {strides = array<i32>} : memref<320x128xf32, #tpu.memory_space<vmem>>, vector<1x16xf32>,
          %get3A_376 = vector.shape_cast %get3A_375 : vector<1x16xf32> to vector<16xf32>
          %max3A_377 = arith.maximumf %get3A_376, %get3A_362 : vector<16xf32>
          %swap3A_378 = arith.index_cast %sub3A_263 : i32 to index
          %swap3A_379 = arith.constant 64 : index
          %swap3A_380 = tpu.vector_load %arg8[%swap3A_378, %swap3A_379] {strides = array<i32>} : memref<320x128xf32, #tpu.memory_space<vmem>>, vector<1x16xf32>,
          %swap3A_381 = vector.shape_cast %swap3A_380 : vector<1x16xf32> to vector<16xf32>
          %swap3A_382 = vector.shape_cast %max3A_377 : vector<16xf32> to vector<1x16xf32>
          tpu.vector_store %arg8[%swap3A_378, %swap3A_379], %swap3A_382 {strides = array<i32>} : memref<320x128xf32, #tpu.memory_space<vmem>>, vector<1x16xf32>,
          %get3A_383 = arith.index_cast %while3A_260 : i32 to index
          %get3A_384 = arith.constant 80 : index
          %get3A_385 = tpu.vector_load %arg16[%get3A_383, %get3A_384] {strides = array<i32>} : memref<128x128xf32, #tpu.memory_space<vmem>>, vector<1x16xf32>,
          %get3A_386 = vector.shape_cast %get3A_385 : vector<1x16xf32> to vector<16xf32>
          %get3A_387 = arith.index_cast %sub3A_263 : i32 to index
          %get3A_388 = arith.constant 80 : index
          %get3A_389 = tpu.vector_load %arg7[%get3A_387, %get3A_388] {strides = array<i32>} : memref<320x128xf32, #tpu.memory_space<vmem>>, vector<1x16xf32>,
          %get3A_390 = vector.shape_cast %get3A_389 : vector<1x16xf32> to vector<16xf32>
          %add3A_391 = arith.addf %get3A_390, %get3A_386 : vector<16xf32>
          %swap3A_392 = arith.index_cast %sub3A_263 : i32 to index
          %swap3A_393 = arith.constant 80 : index
          %swap3A_394 = tpu.vector_load %arg7[%swap3A_392, %swap3A_393] {strides = array<i32>} : memref<320x128xf32, #tpu.memory_space<vmem>>, vector<1x16xf32>,
          %swap3A_395 = vector.shape_cast %swap3A_394 : vector<1x16xf32> to vector<16xf32>
          %swap3A_396 = vector.shape_cast %add3A_391 : vector<16xf32> to vector<1x16xf32>
          tpu.vector_store %arg7[%swap3A_392, %swap3A_393], %swap3A_396 {strides = array<i32>} : memref<320x128xf32, #tpu.memory_space<vmem>>, vector<1x16xf32>,
          %get3A_397 = arith.index_cast %sub3A_263 : i32 to index
          %get3A_398 = arith.constant 80 : index
          %get3A_399 = tpu.vector_load %arg8[%get3A_397, %get3A_398] {strides = array<i32>} : memref<320x128xf32, #tpu.memory_space<vmem>>, vector<1x16xf32>,
          %get3A_400 = vector.shape_cast %get3A_399 : vector<1x16xf32> to vector<16xf32>
          %max3A_401 = arith.maximumf %get3A_400, %get3A_386 : vector<16xf32>
          %swap3A_402 = arith.index_cast %sub3A_263 : i32 to index
          %swap3A_403 = arith.constant 80 : index
          %swap3A_404 = tpu.vector_load %arg8[%swap3A_402, %swap3A_403] {strides = array<i32>} : memref<320x128xf32, #tpu.memory_space<vmem>>, vector<1x16xf32>,
          %swap3A_405 = vector.shape_cast %swap3A_404 : vector<1x16xf32> to vector<16xf32>
          %swap3A_406 = vector.shape_cast %max3A_401 : vector<16xf32> to vector<1x16xf32>
          tpu.vector_store %arg8[%swap3A_402, %swap3A_403], %swap3A_406 {strides = array<i32>} : memref<320x128xf32, #tpu.memory_space<vmem>>, vector<1x16xf32>,
          %get3A_407 = arith.index_cast %while3A_260 : i32 to index
          %get3A_408 = arith.constant 96 : index
          %get3A_409 = tpu.vector_load %arg16[%get3A_407, %get3A_408] {strides = array<i32>} : memref<128x128xf32, #tpu.memory_space<vmem>>, vector<1x16xf32>,
          %get3A_410 = vector.shape_cast %get3A_409 : vector<1x16xf32> to vector<16xf32>
          %get3A_411 = arith.index_cast %sub3A_263 : i32 to index
          %get3A_412 = arith.constant 96 : index
          %get3A_413 = tpu.vector_load %arg7[%get3A_411, %get3A_412] {strides = array<i32>} : memref<320x128xf32, #tpu.memory_space<vmem>>, vector<1x16xf32>,
          %get3A_414 = vector.shape_cast %get3A_413 : vector<1x16xf32> to vector<16xf32>
          %add3A_415 = arith.addf %get3A_414, %get3A_410 : vector<16xf32>
          %swap3A_416 = arith.index_cast %sub3A_263 : i32 to index
          %swap3A_417 = arith.constant 96 : index
          %swap3A_418 = tpu.vector_load %arg7[%swap3A_416, %swap3A_417] {strides = array<i32>} : memref<320x128xf32, #tpu.memory_space<vmem>>, vector<1x16xf32>,
          %swap3A_419 = vector.shape_cast %swap3A_418 : vector<1x16xf32> to vector<16xf32>
          %swap3A_420 = vector.shape_cast %add3A_415 : vector<16xf32> to vector<1x16xf32>
          tpu.vector_store %arg7[%swap3A_416, %swap3A_417], %swap3A_420 {strides = array<i32>} : memref<320x128xf32, #tpu.memory_space<vmem>>, vector<1x16xf32>,
          %get3A_421 = arith.index_cast %sub3A_263 : i32 to index
          %get3A_422 = arith.constant 96 : index
          %get3A_423 = tpu.vector_load %arg8[%get3A_421, %get3A_422] {strides = array<i32>} : memref<320x128xf32, #tpu.memory_space<vmem>>, vector<1x16xf32>,
          %get3A_424 = vector.shape_cast %get3A_423 : vector<1x16xf32> to vector<16xf32>
          %max3A_425 = arith.maximumf %get3A_424, %get3A_410 : vector<16xf32>
          %swap3A_426 = arith.index_cast %sub3A_263 : i32 to index
          %swap3A_427 = arith.constant 96 : index
          %swap3A_428 = tpu.vector_load %arg8[%swap3A_426, %swap3A_427] {strides = array<i32>} : memref<320x128xf32, #tpu.memory_space<vmem>>, vector<1x16xf32>,
          %swap3A_429 = vector.shape_cast %swap3A_428 : vector<1x16xf32> to vector<16xf32>
          %swap3A_430 = vector.shape_cast %max3A_425 : vector<16xf32> to vector<1x16xf32>
          tpu.vector_store %arg8[%swap3A_426, %swap3A_427], %swap3A_430 {strides = array<i32>} : memref<320x128xf32, #tpu.memory_space<vmem>>, vector<1x16xf32>,
          %get3A_431 = arith.index_cast %while3A_260 : i32 to index
          %get3A_432 = arith.constant 112 : index
          %get3A_433 = tpu.vector_load %arg16[%get3A_431, %get3A_432] {strides = array<i32>} : memref<128x128xf32, #tpu.memory_space<vmem>>, vector<1x16xf32>,
          %get3A_434 = vector.shape_cast %get3A_433 : vector<1x16xf32> to vector<16xf32>
          %get3A_435 = arith.index_cast %sub3A_263 : i32 to index
          %get3A_436 = arith.constant 112 : index
          %get3A_437 = tpu.vector_load %arg7[%get3A_435, %get3A_436] {strides = array<i32>} : memref<320x128xf32, #tpu.memory_space<vmem>>, vector<1x16xf32>,
          %get3A_438 = vector.shape_cast %get3A_437 : vector<1x16xf32> to vector<16xf32>
          %add3A_439 = arith.addf %get3A_438, %get3A_434 : vector<16xf32>
          %swap3A_440 = arith.index_cast %sub3A_263 : i32 to index
          %swap3A_441 = arith.constant 112 : index
          %swap3A_442 = tpu.vector_load %arg7[%swap3A_440, %swap3A_441] {strides = array<i32>} : memref<320x128xf32, #tpu.memory_space<vmem>>, vector<1x16xf32>,
          %swap3A_443 = vector.shape_cast %swap3A_442 : vector<1x16xf32> to vector<16xf32>
          %swap3A_444 = vector.shape_cast %add3A_439 : vector<16xf32> to vector<1x16xf32>
          tpu.vector_store %arg7[%swap3A_440, %swap3A_441], %swap3A_444 {strides = array<i32>} : memref<320x128xf32, #tpu.memory_space<vmem>>, vector<1x16xf32>,
          %get3A_445 = arith.index_cast %sub3A_263 : i32 to index
          %get3A_446 = arith.constant 112 : index
          %get3A_447 = tpu.vector_load %arg8[%get3A_445, %get3A_446] {strides = array<i32>} : memref<320x128xf32, #tpu.memory_space<vmem>>, vector<1x16xf32>,
          %get3A_448 = vector.shape_cast %get3A_447 : vector<1x16xf32> to vector<16xf32>
          %max3A_449 = arith.maximumf %get3A_448, %get3A_434 : vector<16xf32>
          %swap3A_450 = arith.index_cast %sub3A_263 : i32 to index
          %swap3A_451 = arith.constant 112 : index
          %swap3A_452 = tpu.vector_load %arg8[%swap3A_450, %swap3A_451] {strides = array<i32>} : memref<320x128xf32, #tpu.memory_space<vmem>>, vector<1x16xf32>,
          %swap3A_453 = vector.shape_cast %swap3A_452 : vector<1x16xf32> to vector<16xf32>
          %swap3A_454 = vector.shape_cast %max3A_449 : vector<16xf32> to vector<1x16xf32>
          tpu.vector_store %arg8[%swap3A_450, %swap3A_451], %swap3A_454 {strides = array<i32>} : memref<320x128xf32, #tpu.memory_space<vmem>>, vector<1x16xf32>,
          %get3A_455 = arith.index_cast %sub3A_263 : i32 to index
          %get3A_456 = tpu.vector_load %arg9[%get3A_455] {strides = array<i32>} : memref<336xf32, #tpu.memory_space<vmem>>, vector<16xf32>,
          %get3A_457 = vector.shape_cast %get3A_456 : vector<16xf32> to vector<16xf32>
          %add3A_458 = arith.addf %get3A_457, %select_n3A : vector<16xf32>
          %swap3A_459 = arith.index_cast %sub3A_263 : i32 to index
          %swap3A_460 = tpu.vector_load %arg9[%swap3A_459] {strides = array<i32>} : memref<336xf32, #tpu.memory_space<vmem>>, vector<16xf32>,
          %swap3A_461 = vector.shape_cast %swap3A_460 : vector<16xf32> to vector<16xf32>
          %swap3A_462 = vector.shape_cast %add3A_458 : vector<16xf32> to vector<16xf32>
          tpu.vector_store %arg9[%swap3A_459], %swap3A_462 {strides = array<i32>} : memref<336xf32, #tpu.memory_space<vmem>>, vector<16xf32>,
        }
      }
      %while3A_158 = arith.constant 1 : i32
      scf.for %while3A_222 = %while3A_156 to %while3A_152 step %while3A_158  : i32 {
        %mul3A_223 = arith.constant 128 : i32
        %mul3A_224 = arith.muli %while3A_222, %mul3A_223 : i32
        %dma_start3A_225 = tpu.memref_slice %arg12[%mul3A_224] : memref<3264xi32, #tpu.memory_space<vmem>> -> memref<128xi32, #tpu.memory_space<vmem>>
        %dma_start3A_226 = arith.constant 0 : i32
        %dma_start3A_227 = arith.constant 0 : i32
        %dma_start3A_228 = tpu.memref_slice %arg3[%dma_start3A_226, %dma_start3A_227] : memref<320000x128xf32, #tpu.memory_space<hbm>> -> memref<320000x128xf32, #tpu.memory_space<hbm>>
        tpu.enqueue_indirect_dma source(%dma_start3A_228 : memref<320000x128xf32, #tpu.memory_space<hbm>>) target(%arg16 : memref<128x128xf32, #tpu.memory_space<vmem>>) offsets(%dma_start3A_225 : memref<128xi32, #tpu.memory_space<vmem>>) semaphore(%arg20 : memref<!tpu.dma_semaphore, #tpu.memory_space<semaphore_mem>>)
        %mul3A_229 = arith.constant 128 : i32
        %mul3A_230 = arith.muli %while3A_222, %mul3A_229 : i32
        %dma_start3A_231 = arith.constant 0 : i32
        %dma_start3A_232 = tpu.memref_slice %arg14[%dma_start3A_231] : memref<144xi32, #tpu.memory_space<vmem>> -> memref<128xi32, #tpu.memory_space<vmem>>
        %dma_start3A_233 = tpu.memref_slice %arg12[%mul3A_230] : memref<3264xi32, #tpu.memory_space<vmem>> -> memref<128xi32, #tpu.memory_space<vmem>>
        %dma_start3A_234 = arith.constant 0 : i32
        %dma_start3A_235 = tpu.memref_slice %arg2[%dma_start3A_234] : memref<320000xi32, #tpu.memory_space<hbm>> -> memref<320000xi32, #tpu.memory_space<hbm>>
        tpu.enqueue_indirect_dma source(%dma_start3A_235 : memref<320000xi32, #tpu.memory_space<hbm>>) target(%dma_start3A_232 : memref<128xi32, #tpu.memory_space<vmem>>) offsets(%dma_start3A_233 : memref<128xi32, #tpu.memory_space<vmem>>) semaphore(%arg22 : memref<!tpu.dma_semaphore, #tpu.memory_space<semaphore_mem>>)
        %dma_wait3A_236 = tpu.memref_slice %arg12[%mul3A_224] : memref<3264xi32, #tpu.memory_space<vmem>> -> memref<128xi32, #tpu.memory_space<vmem>>
        %dma_wait3A_237 = arith.constant 0 : i32
        %dma_wait3A_238 = arith.constant 0 : i32
        %dma_wait3A_239 = tpu.memref_slice %arg3[%dma_wait3A_237, %dma_wait3A_238] : memref<320000x128xf32, #tpu.memory_space<hbm>> -> memref<320000x128xf32, #tpu.memory_space<hbm>>
        tpu.wait_indirect_dma semaphore(%arg20 : memref<!tpu.dma_semaphore, #tpu.memory_space<semaphore_mem>>) src(%dma_wait3A_239 : memref<320000x128xf32, #tpu.memory_space<hbm>>) dst(%arg16 : memref<128x128xf32, #tpu.memory_space<vmem>>)
        %dma_wait3A_240 = arith.constant 0 : i32
        %dma_wait3A_241 = tpu.memref_slice %arg14[%dma_wait3A_240] : memref<144xi32, #tpu.memory_space<vmem>> -> memref<128xi32, #tpu.memory_space<vmem>>
        %dma_wait3A_242 = tpu.memref_slice %arg12[%mul3A_230] : memref<3264xi32, #tpu.memory_space<vmem>> -> memref<128xi32, #tpu.memory_space<vmem>>
        %dma_wait3A_243 = arith.constant 0 : i32
        %dma_wait3A_244 = tpu.memref_slice %arg2[%dma_wait3A_243] : memref<320000xi32, #tpu.memory_space<hbm>> -> memref<320000xi32, #tpu.memory_space<hbm>>
        tpu.wait_indirect_dma semaphore(%arg22 : memref<!tpu.dma_semaphore, #tpu.memory_space<semaphore_mem>>) src(%dma_wait3A_244 : memref<320000xi32, #tpu.memory_space<hbm>>) dst(%dma_wait3A_241 : memref<128xi32, #tpu.memory_space<vmem>>)
        %mul3A_245 = arith.constant 128 : i32
        %mul3A_246 = arith.muli %while3A_222, %mul3A_245 : i32
        %sub3A_247 = arith.subi %scan3A_68, %mul3A_246 : i32
        %min3A_248 = arith.constant 128 : i32
        %min3A_249 = arith.minsi %sub3A_247, %min3A_248 : i32
        %while3A_250 = arith.constant 0 : i32
        %while3A_251 = arith.constant 0 : i32
        %while3A_252 = arith.subi %min3A_249, %while3A_251 : i32
        %while3A_253 = arith.addi %while3A_251, %while3A_252 : i32
        %while3A_254 = arith.constant 1 : i32
        %while3A_255 = arith.divsi %while3A_252, %while3A_254 : i32
        %while3A_256 = arith.muli %while3A_255, %while3A_254 : i32
        %while3A_257 = arith.addi %while3A_251, %while3A_256 : i32
        %while3A_258 = arith.constant 1 : i32
        scf.for %while3A_260 = %while3A_251 to %while3A_257 step %while3A_258  : i32 {
          %get3A = arith.index_cast %while3A_260 : i32 to index
          %get3A_261 = tpu.vector_load %arg14[%get3A] {strides = array<i32>} : memref<144xi32, #tpu.memory_space<vmem>>, vector<16xi32>,
          %get3A_262 = vector.shape_cast %get3A_261 : vector<16xi32> to vector<16xi32>
          %slice3A = vector.extract_strided_slice %get3A_262 {offsets = [0], sizes = [1], strides = [1]} : vector<16xi32> to vector<1xi32>
          %squeeze3A = vector.extract %slice3A[0] : i32 from vector<1xi32>
          %sub3A_263 = arith.subi %squeeze3A, %mul3A_2 : i32
          %get3A_264 = arith.index_cast %while3A_260 : i32 to index
          %get3A_265 = arith.constant 0 : index
          %get3A_266 = tpu.vector_load %arg16[%get3A_264, %get3A_265] {strides = array<i32>} : memref<128x128xf32, #tpu.memory_space<vmem>>, vector<1x16xf32>,
          %get3A_267 = vector.shape_cast %get3A_266 : vector<1x16xf32> to vector<16xf32>
          %get3A_268 = arith.index_cast %sub3A_263 : i32 to index
          %get3A_269 = arith.constant 0 : index
          %get3A_270 = tpu.vector_load %arg7[%get3A_268, %get3A_269] {strides = array<i32>} : memref<320x128xf32, #tpu.memory_space<vmem>>, vector<1x16xf32>,
          %get3A_271 = vector.shape_cast %get3A_270 : vector<1x16xf32> to vector<16xf32>
          %add3A_272 = arith.addf %get3A_271, %get3A_267 : vector<16xf32>
          %swap3A = arith.index_cast %sub3A_263 : i32 to index
          %swap3A_273 = arith.constant 0 : index
          %swap3A_274 = tpu.vector_load %arg7[%swap3A, %swap3A_273] {strides = array<i32>} : memref<320x128xf32, #tpu.memory_space<vmem>>, vector<1x16xf32>,
          %swap3A_275 = vector.shape_cast %swap3A_274 : vector<1x16xf32> to vector<16xf32>
          %swap3A_276 = vector.shape_cast %add3A_272 : vector<16xf32> to vector<1x16xf32>
          tpu.vector_store %arg7[%swap3A, %swap3A_273], %swap3A_276 {strides = array<i32>} : memref<320x128xf32, #tpu.memory_space<vmem>>, vector<1x16xf32>,
          %get3A_277 = arith.index_cast %sub3A_263 : i32 to index
          %get3A_278 = arith.constant 0 : index
          %get3A_279 = tpu.vector_load %arg8[%get3A_277, %get3A_278] {strides = array<i32>} : memref<320x128xf32, #tpu.memory_space<vmem>>, vector<1x16xf32>,
          %get3A_280 = vector.shape_cast %get3A_279 : vector<1x16xf32> to vector<16xf32>
          %max3A_281 = arith.maximumf %get3A_280, %get3A_267 : vector<16xf32>
          %swap3A_282 = arith.index_cast %sub3A_263 : i32 to index
          %swap3A_283 = arith.constant 0 : index
          %swap3A_284 = tpu.vector_load %arg8[%swap3A_282, %swap3A_283] {strides = array<i32>} : memref<320x128xf32, #tpu.memory_space<vmem>>, vector<1x16xf32>,
          %swap3A_285 = vector.shape_cast %swap3A_284 : vector<1x16xf32> to vector<16xf32>
          %swap3A_286 = vector.shape_cast %max3A_281 : vector<16xf32> to vector<1x16xf32>
          tpu.vector_store %arg8[%swap3A_282, %swap3A_283], %swap3A_286 {strides = array<i32>} : memref<320x128xf32, #tpu.memory_space<vmem>>, vector<1x16xf32>,
          %get3A_287 = arith.index_cast %while3A_260 : i32 to index
          %get3A_288 = arith.constant 16 : index
          %get3A_289 = tpu.vector_load %arg16[%get3A_287, %get3A_288] {strides = array<i32>} : memref<128x128xf32, #tpu.memory_space<vmem>>, vector<1x16xf32>,
          %get3A_290 = vector.shape_cast %get3A_289 : vector<1x16xf32> to vector<16xf32>
          %get3A_291 = arith.index_cast %sub3A_263 : i32 to index
          %get3A_292 = arith.constant 16 : index
          %get3A_293 = tpu.vector_load %arg7[%get3A_291, %get3A_292] {strides = array<i32>} : memref<320x128xf32, #tpu.memory_space<vmem>>, vector<1x16xf32>,
          %get3A_294 = vector.shape_cast %get3A_293 : vector<1x16xf32> to vector<16xf32>
          %add3A_295 = arith.addf %get3A_294, %get3A_290 : vector<16xf32>
          %swap3A_296 = arith.index_cast %sub3A_263 : i32 to index
          %swap3A_297 = arith.constant 16 : index
          %swap3A_298 = tpu.vector_load %arg7[%swap3A_296, %swap3A_297] {strides = array<i32>} : memref<320x128xf32, #tpu.memory_space<vmem>>, vector<1x16xf32>,
          %swap3A_299 = vector.shape_cast %swap3A_298 : vector<1x16xf32> to vector<16xf32>
          %swap3A_300 = vector.shape_cast %add3A_295 : vector<16xf32> to vector<1x16xf32>
          tpu.vector_store %arg7[%swap3A_296, %swap3A_297], %swap3A_300 {strides = array<i32>} : memref<320x128xf32, #tpu.memory_space<vmem>>, vector<1x16xf32>,
          %get3A_301 = arith.index_cast %sub3A_263 : i32 to index
          %get3A_302 = arith.constant 16 : index
          %get3A_303 = tpu.vector_load %arg8[%get3A_301, %get3A_302] {strides = array<i32>} : memref<320x128xf32, #tpu.memory_space<vmem>>, vector<1x16xf32>,
          %get3A_304 = vector.shape_cast %get3A_303 : vector<1x16xf32> to vector<16xf32>
          %max3A_305 = arith.maximumf %get3A_304, %get3A_290 : vector<16xf32>
          %swap3A_306 = arith.index_cast %sub3A_263 : i32 to index
          %swap3A_307 = arith.constant 16 : index
          %swap3A_308 = tpu.vector_load %arg8[%swap3A_306, %swap3A_307] {strides = array<i32>} : memref<320x128xf32, #tpu.memory_space<vmem>>, vector<1x16xf32>,
          %swap3A_309 = vector.shape_cast %swap3A_308 : vector<1x16xf32> to vector<16xf32>
          %swap3A_310 = vector.shape_cast %max3A_305 : vector<16xf32> to vector<1x16xf32>
          tpu.vector_store %arg8[%swap3A_306, %swap3A_307], %swap3A_310 {strides = array<i32>} : memref<320x128xf32, #tpu.memory_space<vmem>>, vector<1x16xf32>,
          %get3A_311 = arith.index_cast %while3A_260 : i32 to index
          %get3A_312 = arith.constant 32 : index
          %get3A_313 = tpu.vector_load %arg16[%get3A_311, %get3A_312] {strides = array<i32>} : memref<128x128xf32, #tpu.memory_space<vmem>>, vector<1x16xf32>,
          %get3A_314 = vector.shape_cast %get3A_313 : vector<1x16xf32> to vector<16xf32>
          %get3A_315 = arith.index_cast %sub3A_263 : i32 to index
          %get3A_316 = arith.constant 32 : index
          %get3A_317 = tpu.vector_load %arg7[%get3A_315, %get3A_316] {strides = array<i32>} : memref<320x128xf32, #tpu.memory_space<vmem>>, vector<1x16xf32>,
          %get3A_318 = vector.shape_cast %get3A_317 : vector<1x16xf32> to vector<16xf32>
          %add3A_319 = arith.addf %get3A_318, %get3A_314 : vector<16xf32>
          %swap3A_320 = arith.index_cast %sub3A_263 : i32 to index
          %swap3A_321 = arith.constant 32 : index
          %swap3A_322 = tpu.vector_load %arg7[%swap3A_320, %swap3A_321] {strides = array<i32>} : memref<320x128xf32, #tpu.memory_space<vmem>>, vector<1x16xf32>,
          %swap3A_323 = vector.shape_cast %swap3A_322 : vector<1x16xf32> to vector<16xf32>
          %swap3A_324 = vector.shape_cast %add3A_319 : vector<16xf32> to vector<1x16xf32>
          tpu.vector_store %arg7[%swap3A_320, %swap3A_321], %swap3A_324 {strides = array<i32>} : memref<320x128xf32, #tpu.memory_space<vmem>>, vector<1x16xf32>,
          %get3A_325 = arith.index_cast %sub3A_263 : i32 to index
          %get3A_326 = arith.constant 32 : index
          %get3A_327 = tpu.vector_load %arg8[%get3A_325, %get3A_326] {strides = array<i32>} : memref<320x128xf32, #tpu.memory_space<vmem>>, vector<1x16xf32>,
          %get3A_328 = vector.shape_cast %get3A_327 : vector<1x16xf32> to vector<16xf32>
          %max3A_329 = arith.maximumf %get3A_328, %get3A_314 : vector<16xf32>
          %swap3A_330 = arith.index_cast %sub3A_263 : i32 to index
          %swap3A_331 = arith.constant 32 : index
          %swap3A_332 = tpu.vector_load %arg8[%swap3A_330, %swap3A_331] {strides = array<i32>} : memref<320x128xf32, #tpu.memory_space<vmem>>, vector<1x16xf32>,
          %swap3A_333 = vector.shape_cast %swap3A_332 : vector<1x16xf32> to vector<16xf32>
          %swap3A_334 = vector.shape_cast %max3A_329 : vector<16xf32> to vector<1x16xf32>
          tpu.vector_store %arg8[%swap3A_330, %swap3A_331], %swap3A_334 {strides = array<i32>} : memref<320x128xf32, #tpu.memory_space<vmem>>, vector<1x16xf32>,
          %get3A_335 = arith.index_cast %while3A_260 : i32 to index
          %get3A_336 = arith.constant 48 : index
          %get3A_337 = tpu.vector_load %arg16[%get3A_335, %get3A_336] {strides = array<i32>} : memref<128x128xf32, #tpu.memory_space<vmem>>, vector<1x16xf32>,
          %get3A_338 = vector.shape_cast %get3A_337 : vector<1x16xf32> to vector<16xf32>
          %get3A_339 = arith.index_cast %sub3A_263 : i32 to index
          %get3A_340 = arith.constant 48 : index
          %get3A_341 = tpu.vector_load %arg7[%get3A_339, %get3A_340] {strides = array<i32>} : memref<320x128xf32, #tpu.memory_space<vmem>>, vector<1x16xf32>,
          %get3A_342 = vector.shape_cast %get3A_341 : vector<1x16xf32> to vector<16xf32>
          %add3A_343 = arith.addf %get3A_342, %get3A_338 : vector<16xf32>
          %swap3A_344 = arith.index_cast %sub3A_263 : i32 to index
          %swap3A_345 = arith.constant 48 : index
          %swap3A_346 = tpu.vector_load %arg7[%swap3A_344, %swap3A_345] {strides = array<i32>} : memref<320x128xf32, #tpu.memory_space<vmem>>, vector<1x16xf32>,
          %swap3A_347 = vector.shape_cast %swap3A_346 : vector<1x16xf32> to vector<16xf32>
          %swap3A_348 = vector.shape_cast %add3A_343 : vector<16xf32> to vector<1x16xf32>
          tpu.vector_store %arg7[%swap3A_344, %swap3A_345], %swap3A_348 {strides = array<i32>} : memref<320x128xf32, #tpu.memory_space<vmem>>, vector<1x16xf32>,
          %get3A_349 = arith.index_cast %sub3A_263 : i32 to index
          %get3A_350 = arith.constant 48 : index
          %get3A_351 = tpu.vector_load %arg8[%get3A_349, %get3A_350] {strides = array<i32>} : memref<320x128xf32, #tpu.memory_space<vmem>>, vector<1x16xf32>,
          %get3A_352 = vector.shape_cast %get3A_351 : vector<1x16xf32> to vector<16xf32>
          %max3A_353 = arith.maximumf %get3A_352, %get3A_338 : vector<16xf32>
          %swap3A_354 = arith.index_cast %sub3A_263 : i32 to index
          %swap3A_355 = arith.constant 48 : index
          %swap3A_356 = tpu.vector_load %arg8[%swap3A_354, %swap3A_355] {strides = array<i32>} : memref<320x128xf32, #tpu.memory_space<vmem>>, vector<1x16xf32>,
          %swap3A_357 = vector.shape_cast %swap3A_356 : vector<1x16xf32> to vector<16xf32>
          %swap3A_358 = vector.shape_cast %max3A_353 : vector<16xf32> to vector<1x16xf32>
          tpu.vector_store %arg8[%swap3A_354, %swap3A_355], %swap3A_358 {strides = array<i32>} : memref<320x128xf32, #tpu.memory_space<vmem>>, vector<1x16xf32>,
          %get3A_359 = arith.index_cast %while3A_260 : i32 to index
          %get3A_360 = arith.constant 64 : index
          %get3A_361 = tpu.vector_load %arg16[%get3A_359, %get3A_360] {strides = array<i32>} : memref<128x128xf32, #tpu.memory_space<vmem>>, vector<1x16xf32>,
          %get3A_362 = vector.shape_cast %get3A_361 : vector<1x16xf32> to vector<16xf32>
          %get3A_363 = arith.index_cast %sub3A_263 : i32 to index
          %get3A_364 = arith.constant 64 : index
          %get3A_365 = tpu.vector_load %arg7[%get3A_363, %get3A_364] {strides = array<i32>} : memref<320x128xf32, #tpu.memory_space<vmem>>, vector<1x16xf32>,
          %get3A_366 = vector.shape_cast %get3A_365 : vector<1x16xf32> to vector<16xf32>
          %add3A_367 = arith.addf %get3A_366, %get3A_362 : vector<16xf32>
          %swap3A_368 = arith.index_cast %sub3A_263 : i32 to index
          %swap3A_369 = arith.constant 64 : index
          %swap3A_370 = tpu.vector_load %arg7[%swap3A_368, %swap3A_369] {strides = array<i32>} : memref<320x128xf32, #tpu.memory_space<vmem>>, vector<1x16xf32>,
          %swap3A_371 = vector.shape_cast %swap3A_370 : vector<1x16xf32> to vector<16xf32>
          %swap3A_372 = vector.shape_cast %add3A_367 : vector<16xf32> to vector<1x16xf32>
          tpu.vector_store %arg7[%swap3A_368, %swap3A_369], %swap3A_372 {strides = array<i32>} : memref<320x128xf32, #tpu.memory_space<vmem>>, vector<1x16xf32>,
          %get3A_373 = arith.index_cast %sub3A_263 : i32 to index
          %get3A_374 = arith.constant 64 : index
          %get3A_375 = tpu.vector_load %arg8[%get3A_373, %get3A_374] {strides = array<i32>} : memref<320x128xf32, #tpu.memory_space<vmem>>, vector<1x16xf32>,
          %get3A_376 = vector.shape_cast %get3A_375 : vector<1x16xf32> to vector<16xf32>
          %max3A_377 = arith.maximumf %get3A_376, %get3A_362 : vector<16xf32>
          %swap3A_378 = arith.index_cast %sub3A_263 : i32 to index
          %swap3A_379 = arith.constant 64 : index
          %swap3A_380 = tpu.vector_load %arg8[%swap3A_378, %swap3A_379] {strides = array<i32>} : memref<320x128xf32, #tpu.memory_space<vmem>>, vector<1x16xf32>,
          %swap3A_381 = vector.shape_cast %swap3A_380 : vector<1x16xf32> to vector<16xf32>
          %swap3A_382 = vector.shape_cast %max3A_377 : vector<16xf32> to vector<1x16xf32>
          tpu.vector_store %arg8[%swap3A_378, %swap3A_379], %swap3A_382 {strides = array<i32>} : memref<320x128xf32, #tpu.memory_space<vmem>>, vector<1x16xf32>,
          %get3A_383 = arith.index_cast %while3A_260 : i32 to index
          %get3A_384 = arith.constant 80 : index
          %get3A_385 = tpu.vector_load %arg16[%get3A_383, %get3A_384] {strides = array<i32>} : memref<128x128xf32, #tpu.memory_space<vmem>>, vector<1x16xf32>,
          %get3A_386 = vector.shape_cast %get3A_385 : vector<1x16xf32> to vector<16xf32>
          %get3A_387 = arith.index_cast %sub3A_263 : i32 to index
          %get3A_388 = arith.constant 80 : index
          %get3A_389 = tpu.vector_load %arg7[%get3A_387, %get3A_388] {strides = array<i32>} : memref<320x128xf32, #tpu.memory_space<vmem>>, vector<1x16xf32>,
          %get3A_390 = vector.shape_cast %get3A_389 : vector<1x16xf32> to vector<16xf32>
          %add3A_391 = arith.addf %get3A_390, %get3A_386 : vector<16xf32>
          %swap3A_392 = arith.index_cast %sub3A_263 : i32 to index
          %swap3A_393 = arith.constant 80 : index
          %swap3A_394 = tpu.vector_load %arg7[%swap3A_392, %swap3A_393] {strides = array<i32>} : memref<320x128xf32, #tpu.memory_space<vmem>>, vector<1x16xf32>,
          %swap3A_395 = vector.shape_cast %swap3A_394 : vector<1x16xf32> to vector<16xf32>
          %swap3A_396 = vector.shape_cast %add3A_391 : vector<16xf32> to vector<1x16xf32>
          tpu.vector_store %arg7[%swap3A_392, %swap3A_393], %swap3A_396 {strides = array<i32>} : memref<320x128xf32, #tpu.memory_space<vmem>>, vector<1x16xf32>,
          %get3A_397 = arith.index_cast %sub3A_263 : i32 to index
          %get3A_398 = arith.constant 80 : index
          %get3A_399 = tpu.vector_load %arg8[%get3A_397, %get3A_398] {strides = array<i32>} : memref<320x128xf32, #tpu.memory_space<vmem>>, vector<1x16xf32>,
          %get3A_400 = vector.shape_cast %get3A_399 : vector<1x16xf32> to vector<16xf32>
          %max3A_401 = arith.maximumf %get3A_400, %get3A_386 : vector<16xf32>
          %swap3A_402 = arith.index_cast %sub3A_263 : i32 to index
          %swap3A_403 = arith.constant 80 : index
          %swap3A_404 = tpu.vector_load %arg8[%swap3A_402, %swap3A_403] {strides = array<i32>} : memref<320x128xf32, #tpu.memory_space<vmem>>, vector<1x16xf32>,
          %swap3A_405 = vector.shape_cast %swap3A_404 : vector<1x16xf32> to vector<16xf32>
          %swap3A_406 = vector.shape_cast %max3A_401 : vector<16xf32> to vector<1x16xf32>
          tpu.vector_store %arg8[%swap3A_402, %swap3A_403], %swap3A_406 {strides = array<i32>} : memref<320x128xf32, #tpu.memory_space<vmem>>, vector<1x16xf32>,
          %get3A_407 = arith.index_cast %while3A_260 : i32 to index
          %get3A_408 = arith.constant 96 : index
          %get3A_409 = tpu.vector_load %arg16[%get3A_407, %get3A_408] {strides = array<i32>} : memref<128x128xf32, #tpu.memory_space<vmem>>, vector<1x16xf32>,
          %get3A_410 = vector.shape_cast %get3A_409 : vector<1x16xf32> to vector<16xf32>
          %get3A_411 = arith.index_cast %sub3A_263 : i32 to index
          %get3A_412 = arith.constant 96 : index
          %get3A_413 = tpu.vector_load %arg7[%get3A_411, %get3A_412] {strides = array<i32>} : memref<320x128xf32, #tpu.memory_space<vmem>>, vector<1x16xf32>,
          %get3A_414 = vector.shape_cast %get3A_413 : vector<1x16xf32> to vector<16xf32>
          %add3A_415 = arith.addf %get3A_414, %get3A_410 : vector<16xf32>
          %swap3A_416 = arith.index_cast %sub3A_263 : i32 to index
          %swap3A_417 = arith.constant 96 : index
          %swap3A_418 = tpu.vector_load %arg7[%swap3A_416, %swap3A_417] {strides = array<i32>} : memref<320x128xf32, #tpu.memory_space<vmem>>, vector<1x16xf32>,
          %swap3A_419 = vector.shape_cast %swap3A_418 : vector<1x16xf32> to vector<16xf32>
          %swap3A_420 = vector.shape_cast %add3A_415 : vector<16xf32> to vector<1x16xf32>
          tpu.vector_store %arg7[%swap3A_416, %swap3A_417], %swap3A_420 {strides = array<i32>} : memref<320x128xf32, #tpu.memory_space<vmem>>, vector<1x16xf32>,
          %get3A_421 = arith.index_cast %sub3A_263 : i32 to index
          %get3A_422 = arith.constant 96 : index
          %get3A_423 = tpu.vector_load %arg8[%get3A_421, %get3A_422] {strides = array<i32>} : memref<320x128xf32, #tpu.memory_space<vmem>>, vector<1x16xf32>,
          %get3A_424 = vector.shape_cast %get3A_423 : vector<1x16xf32> to vector<16xf32>
          %max3A_425 = arith.maximumf %get3A_424, %get3A_410 : vector<16xf32>
          %swap3A_426 = arith.index_cast %sub3A_263 : i32 to index
          %swap3A_427 = arith.constant 96 : index
          %swap3A_428 = tpu.vector_load %arg8[%swap3A_426, %swap3A_427] {strides = array<i32>} : memref<320x128xf32, #tpu.memory_space<vmem>>, vector<1x16xf32>,
          %swap3A_429 = vector.shape_cast %swap3A_428 : vector<1x16xf32> to vector<16xf32>
          %swap3A_430 = vector.shape_cast %max3A_425 : vector<16xf32> to vector<1x16xf32>
          tpu.vector_store %arg8[%swap3A_426, %swap3A_427], %swap3A_430 {strides = array<i32>} : memref<320x128xf32, #tpu.memory_space<vmem>>, vector<1x16xf32>,
          %get3A_431 = arith.index_cast %while3A_260 : i32 to index
          %get3A_432 = arith.constant 112 : index
          %get3A_433 = tpu.vector_load %arg16[%get3A_431, %get3A_432] {strides = array<i32>} : memref<128x128xf32, #tpu.memory_space<vmem>>, vector<1x16xf32>,
          %get3A_434 = vector.shape_cast %get3A_433 : vector<1x16xf32> to vector<16xf32>
          %get3A_435 = arith.index_cast %sub3A_263 : i32 to index
          %get3A_436 = arith.constant 112 : index
          %get3A_437 = tpu.vector_load %arg7[%get3A_435, %get3A_436] {strides = array<i32>} : memref<320x128xf32, #tpu.memory_space<vmem>>, vector<1x16xf32>,
          %get3A_438 = vector.shape_cast %get3A_437 : vector<1x16xf32> to vector<16xf32>
          %add3A_439 = arith.addf %get3A_438, %get3A_434 : vector<16xf32>
          %swap3A_440 = arith.index_cast %sub3A_263 : i32 to index
          %swap3A_441 = arith.constant 112 : index
          %swap3A_442 = tpu.vector_load %arg7[%swap3A_440, %swap3A_441] {strides = array<i32>} : memref<320x128xf32, #tpu.memory_space<vmem>>, vector<1x16xf32>,
          %swap3A_443 = vector.shape_cast %swap3A_442 : vector<1x16xf32> to vector<16xf32>
          %swap3A_444 = vector.shape_cast %add3A_439 : vector<16xf32> to vector<1x16xf32>
          tpu.vector_store %arg7[%swap3A_440, %swap3A_441], %swap3A_444 {strides = array<i32>} : memref<320x128xf32, #tpu.memory_space<vmem>>, vector<1x16xf32>,
          %get3A_445 = arith.index_cast %sub3A_263 : i32 to index
          %get3A_446 = arith.constant 112 : index
          %get3A_447 = tpu.vector_load %arg8[%get3A_445, %get3A_446] {strides = array<i32>} : memref<320x128xf32, #tpu.memory_space<vmem>>, vector<1x16xf32>,
          %get3A_448 = vector.shape_cast %get3A_447 : vector<1x16xf32> to vector<16xf32>
          %max3A_449 = arith.maximumf %get3A_448, %get3A_434 : vector<16xf32>
          %swap3A_450 = arith.index_cast %sub3A_263 : i32 to index
          %swap3A_451 = arith.constant 112 : index
          %swap3A_452 = tpu.vector_load %arg8[%swap3A_450, %swap3A_451] {strides = array<i32>} : memref<320x128xf32, #tpu.memory_space<vmem>>, vector<1x16xf32>,
          %swap3A_453 = vector.shape_cast %swap3A_452 : vector<1x16xf32> to vector<16xf32>
          %swap3A_454 = vector.shape_cast %max3A_449 : vector<16xf32> to vector<1x16xf32>
          tpu.vector_store %arg8[%swap3A_450, %swap3A_451], %swap3A_454 {strides = array<i32>} : memref<320x128xf32, #tpu.memory_space<vmem>>, vector<1x16xf32>,
          %get3A_455 = arith.index_cast %sub3A_263 : i32 to index
          %get3A_456 = tpu.vector_load %arg9[%get3A_455] {strides = array<i32>} : memref<336xf32, #tpu.memory_space<vmem>>, vector<16xf32>,
          %get3A_457 = vector.shape_cast %get3A_456 : vector<16xf32> to vector<16xf32>
          %add3A_458 = arith.addf %get3A_457, %select_n3A : vector<16xf32>
          %swap3A_459 = arith.index_cast %sub3A_263 : i32 to index
          %swap3A_460 = tpu.vector_load %arg9[%swap3A_459] {strides = array<i32>} : memref<336xf32, #tpu.memory_space<vmem>>, vector<16xf32>,
          %swap3A_461 = vector.shape_cast %swap3A_460 : vector<16xf32> to vector<16xf32>
          %swap3A_462 = vector.shape_cast %add3A_458 : vector<16xf32> to vector<16xf32>
          tpu.vector_store %arg9[%swap3A_459], %swap3A_462 {strides = array<i32>} : memref<336xf32, #tpu.memory_space<vmem>>, vector<16xf32>,
        }
        %while3A_259 = arith.constant 1 : i32
        scf.for %while3A_260 = %while3A_257 to %while3A_253 step %while3A_259  : i32 {
          %get3A = arith.index_cast %while3A_260 : i32 to index
          %get3A_261 = tpu.vector_load %arg14[%get3A] {strides = array<i32>} : memref<144xi32, #tpu.memory_space<vmem>>, vector<16xi32>,
          %get3A_262 = vector.shape_cast %get3A_261 : vector<16xi32> to vector<16xi32>
          %slice3A = vector.extract_strided_slice %get3A_262 {offsets = [0], sizes = [1], strides = [1]} : vector<16xi32> to vector<1xi32>
          %squeeze3A = vector.extract %slice3A[0] : i32 from vector<1xi32>
          %sub3A_263 = arith.subi %squeeze3A, %mul3A_2 : i32
          %get3A_264 = arith.index_cast %while3A_260 : i32 to index
          %get3A_265 = arith.constant 0 : index
          %get3A_266 = tpu.vector_load %arg16[%get3A_264, %get3A_265] {strides = array<i32>} : memref<128x128xf32, #tpu.memory_space<vmem>>, vector<1x16xf32>,
          %get3A_267 = vector.shape_cast %get3A_266 : vector<1x16xf32> to vector<16xf32>
          %get3A_268 = arith.index_cast %sub3A_263 : i32 to index
          %get3A_269 = arith.constant 0 : index
          %get3A_270 = tpu.vector_load %arg7[%get3A_268, %get3A_269] {strides = array<i32>} : memref<320x128xf32, #tpu.memory_space<vmem>>, vector<1x16xf32>,
          %get3A_271 = vector.shape_cast %get3A_270 : vector<1x16xf32> to vector<16xf32>
          %add3A_272 = arith.addf %get3A_271, %get3A_267 : vector<16xf32>
          %swap3A = arith.index_cast %sub3A_263 : i32 to index
          %swap3A_273 = arith.constant 0 : index
          %swap3A_274 = tpu.vector_load %arg7[%swap3A, %swap3A_273] {strides = array<i32>} : memref<320x128xf32, #tpu.memory_space<vmem>>, vector<1x16xf32>,
          %swap3A_275 = vector.shape_cast %swap3A_274 : vector<1x16xf32> to vector<16xf32>
          %swap3A_276 = vector.shape_cast %add3A_272 : vector<16xf32> to vector<1x16xf32>
          tpu.vector_store %arg7[%swap3A, %swap3A_273], %swap3A_276 {strides = array<i32>} : memref<320x128xf32, #tpu.memory_space<vmem>>, vector<1x16xf32>,
          %get3A_277 = arith.index_cast %sub3A_263 : i32 to index
          %get3A_278 = arith.constant 0 : index
          %get3A_279 = tpu.vector_load %arg8[%get3A_277, %get3A_278] {strides = array<i32>} : memref<320x128xf32, #tpu.memory_space<vmem>>, vector<1x16xf32>,
          %get3A_280 = vector.shape_cast %get3A_279 : vector<1x16xf32> to vector<16xf32>
          %max3A_281 = arith.maximumf %get3A_280, %get3A_267 : vector<16xf32>
          %swap3A_282 = arith.index_cast %sub3A_263 : i32 to index
          %swap3A_283 = arith.constant 0 : index
          %swap3A_284 = tpu.vector_load %arg8[%swap3A_282, %swap3A_283] {strides = array<i32>} : memref<320x128xf32, #tpu.memory_space<vmem>>, vector<1x16xf32>,
          %swap3A_285 = vector.shape_cast %swap3A_284 : vector<1x16xf32> to vector<16xf32>
          %swap3A_286 = vector.shape_cast %max3A_281 : vector<16xf32> to vector<1x16xf32>
          tpu.vector_store %arg8[%swap3A_282, %swap3A_283], %swap3A_286 {strides = array<i32>} : memref<320x128xf32, #tpu.memory_space<vmem>>, vector<1x16xf32>,
          %get3A_287 = arith.index_cast %while3A_260 : i32 to index
          %get3A_288 = arith.constant 16 : index
          %get3A_289 = tpu.vector_load %arg16[%get3A_287, %get3A_288] {strides = array<i32>} : memref<128x128xf32, #tpu.memory_space<vmem>>, vector<1x16xf32>,
          %get3A_290 = vector.shape_cast %get3A_289 : vector<1x16xf32> to vector<16xf32>
          %get3A_291 = arith.index_cast %sub3A_263 : i32 to index
          %get3A_292 = arith.constant 16 : index
          %get3A_293 = tpu.vector_load %arg7[%get3A_291, %get3A_292] {strides = array<i32>} : memref<320x128xf32, #tpu.memory_space<vmem>>, vector<1x16xf32>,
          %get3A_294 = vector.shape_cast %get3A_293 : vector<1x16xf32> to vector<16xf32>
          %add3A_295 = arith.addf %get3A_294, %get3A_290 : vector<16xf32>
          %swap3A_296 = arith.index_cast %sub3A_263 : i32 to index
          %swap3A_297 = arith.constant 16 : index
          %swap3A_298 = tpu.vector_load %arg7[%swap3A_296, %swap3A_297] {strides = array<i32>} : memref<320x128xf32, #tpu.memory_space<vmem>>, vector<1x16xf32>,
          %swap3A_299 = vector.shape_cast %swap3A_298 : vector<1x16xf32> to vector<16xf32>
          %swap3A_300 = vector.shape_cast %add3A_295 : vector<16xf32> to vector<1x16xf32>
          tpu.vector_store %arg7[%swap3A_296, %swap3A_297], %swap3A_300 {strides = array<i32>} : memref<320x128xf32, #tpu.memory_space<vmem>>, vector<1x16xf32>,
          %get3A_301 = arith.index_cast %sub3A_263 : i32 to index
          %get3A_302 = arith.constant 16 : index
          %get3A_303 = tpu.vector_load %arg8[%get3A_301, %get3A_302] {strides = array<i32>} : memref<320x128xf32, #tpu.memory_space<vmem>>, vector<1x16xf32>,
          %get3A_304 = vector.shape_cast %get3A_303 : vector<1x16xf32> to vector<16xf32>
          %max3A_305 = arith.maximumf %get3A_304, %get3A_290 : vector<16xf32>
          %swap3A_306 = arith.index_cast %sub3A_263 : i32 to index
          %swap3A_307 = arith.constant 16 : index
          %swap3A_308 = tpu.vector_load %arg8[%swap3A_306, %swap3A_307] {strides = array<i32>} : memref<320x128xf32, #tpu.memory_space<vmem>>, vector<1x16xf32>,
          %swap3A_309 = vector.shape_cast %swap3A_308 : vector<1x16xf32> to vector<16xf32>
          %swap3A_310 = vector.shape_cast %max3A_305 : vector<16xf32> to vector<1x16xf32>
          tpu.vector_store %arg8[%swap3A_306, %swap3A_307], %swap3A_310 {strides = array<i32>} : memref<320x128xf32, #tpu.memory_space<vmem>>, vector<1x16xf32>,
          %get3A_311 = arith.index_cast %while3A_260 : i32 to index
          %get3A_312 = arith.constant 32 : index
          %get3A_313 = tpu.vector_load %arg16[%get3A_311, %get3A_312] {strides = array<i32>} : memref<128x128xf32, #tpu.memory_space<vmem>>, vector<1x16xf32>,
          %get3A_314 = vector.shape_cast %get3A_313 : vector<1x16xf32> to vector<16xf32>
          %get3A_315 = arith.index_cast %sub3A_263 : i32 to index
          %get3A_316 = arith.constant 32 : index
          %get3A_317 = tpu.vector_load %arg7[%get3A_315, %get3A_316] {strides = array<i32>} : memref<320x128xf32, #tpu.memory_space<vmem>>, vector<1x16xf32>,
          %get3A_318 = vector.shape_cast %get3A_317 : vector<1x16xf32> to vector<16xf32>
          %add3A_319 = arith.addf %get3A_318, %get3A_314 : vector<16xf32>
          %swap3A_320 = arith.index_cast %sub3A_263 : i32 to index
          %swap3A_321 = arith.constant 32 : index
          %swap3A_322 = tpu.vector_load %arg7[%swap3A_320, %swap3A_321] {strides = array<i32>} : memref<320x128xf32, #tpu.memory_space<vmem>>, vector<1x16xf32>,
          %swap3A_323 = vector.shape_cast %swap3A_322 : vector<1x16xf32> to vector<16xf32>
          %swap3A_324 = vector.shape_cast %add3A_319 : vector<16xf32> to vector<1x16xf32>
          tpu.vector_store %arg7[%swap3A_320, %swap3A_321], %swap3A_324 {strides = array<i32>} : memref<320x128xf32, #tpu.memory_space<vmem>>, vector<1x16xf32>,
          %get3A_325 = arith.index_cast %sub3A_263 : i32 to index
          %get3A_326 = arith.constant 32 : index
          %get3A_327 = tpu.vector_load %arg8[%get3A_325, %get3A_326] {strides = array<i32>} : memref<320x128xf32, #tpu.memory_space<vmem>>, vector<1x16xf32>,
          %get3A_328 = vector.shape_cast %get3A_327 : vector<1x16xf32> to vector<16xf32>
          %max3A_329 = arith.maximumf %get3A_328, %get3A_314 : vector<16xf32>
          %swap3A_330 = arith.index_cast %sub3A_263 : i32 to index
          %swap3A_331 = arith.constant 32 : index
          %swap3A_332 = tpu.vector_load %arg8[%swap3A_330, %swap3A_331] {strides = array<i32>} : memref<320x128xf32, #tpu.memory_space<vmem>>, vector<1x16xf32>,
          %swap3A_333 = vector.shape_cast %swap3A_332 : vector<1x16xf32> to vector<16xf32>
          %swap3A_334 = vector.shape_cast %max3A_329 : vector<16xf32> to vector<1x16xf32>
          tpu.vector_store %arg8[%swap3A_330, %swap3A_331], %swap3A_334 {strides = array<i32>} : memref<320x128xf32, #tpu.memory_space<vmem>>, vector<1x16xf32>,
          %get3A_335 = arith.index_cast %while3A_260 : i32 to index
          %get3A_336 = arith.constant 48 : index
          %get3A_337 = tpu.vector_load %arg16[%get3A_335, %get3A_336] {strides = array<i32>} : memref<128x128xf32, #tpu.memory_space<vmem>>, vector<1x16xf32>,
          %get3A_338 = vector.shape_cast %get3A_337 : vector<1x16xf32> to vector<16xf32>
          %get3A_339 = arith.index_cast %sub3A_263 : i32 to index
          %get3A_340 = arith.constant 48 : index
          %get3A_341 = tpu.vector_load %arg7[%get3A_339, %get3A_340] {strides = array<i32>} : memref<320x128xf32, #tpu.memory_space<vmem>>, vector<1x16xf32>,
          %get3A_342 = vector.shape_cast %get3A_341 : vector<1x16xf32> to vector<16xf32>
          %add3A_343 = arith.addf %get3A_342, %get3A_338 : vector<16xf32>
          %swap3A_344 = arith.index_cast %sub3A_263 : i32 to index
          %swap3A_345 = arith.constant 48 : index
          %swap3A_346 = tpu.vector_load %arg7[%swap3A_344, %swap3A_345] {strides = array<i32>} : memref<320x128xf32, #tpu.memory_space<vmem>>, vector<1x16xf32>,
          %swap3A_347 = vector.shape_cast %swap3A_346 : vector<1x16xf32> to vector<16xf32>
          %swap3A_348 = vector.shape_cast %add3A_343 : vector<16xf32> to vector<1x16xf32>
          tpu.vector_store %arg7[%swap3A_344, %swap3A_345], %swap3A_348 {strides = array<i32>} : memref<320x128xf32, #tpu.memory_space<vmem>>, vector<1x16xf32>,
          %get3A_349 = arith.index_cast %sub3A_263 : i32 to index
          %get3A_350 = arith.constant 48 : index
          %get3A_351 = tpu.vector_load %arg8[%get3A_349, %get3A_350] {strides = array<i32>} : memref<320x128xf32, #tpu.memory_space<vmem>>, vector<1x16xf32>,
          %get3A_352 = vector.shape_cast %get3A_351 : vector<1x16xf32> to vector<16xf32>
          %max3A_353 = arith.maximumf %get3A_352, %get3A_338 : vector<16xf32>
          %swap3A_354 = arith.index_cast %sub3A_263 : i32 to index
          %swap3A_355 = arith.constant 48 : index
          %swap3A_356 = tpu.vector_load %arg8[%swap3A_354, %swap3A_355] {strides = array<i32>} : memref<320x128xf32, #tpu.memory_space<vmem>>, vector<1x16xf32>,
          %swap3A_357 = vector.shape_cast %swap3A_356 : vector<1x16xf32> to vector<16xf32>
          %swap3A_358 = vector.shape_cast %max3A_353 : vector<16xf32> to vector<1x16xf32>
          tpu.vector_store %arg8[%swap3A_354, %swap3A_355], %swap3A_358 {strides = array<i32>} : memref<320x128xf32, #tpu.memory_space<vmem>>, vector<1x16xf32>,
          %get3A_359 = arith.index_cast %while3A_260 : i32 to index
          %get3A_360 = arith.constant 64 : index
          %get3A_361 = tpu.vector_load %arg16[%get3A_359, %get3A_360] {strides = array<i32>} : memref<128x128xf32, #tpu.memory_space<vmem>>, vector<1x16xf32>,
          %get3A_362 = vector.shape_cast %get3A_361 : vector<1x16xf32> to vector<16xf32>
          %get3A_363 = arith.index_cast %sub3A_263 : i32 to index
          %get3A_364 = arith.constant 64 : index
          %get3A_365 = tpu.vector_load %arg7[%get3A_363, %get3A_364] {strides = array<i32>} : memref<320x128xf32, #tpu.memory_space<vmem>>, vector<1x16xf32>,
          %get3A_366 = vector.shape_cast %get3A_365 : vector<1x16xf32> to vector<16xf32>
          %add3A_367 = arith.addf %get3A_366, %get3A_362 : vector<16xf32>
          %swap3A_368 = arith.index_cast %sub3A_263 : i32 to index
          %swap3A_369 = arith.constant 64 : index
          %swap3A_370 = tpu.vector_load %arg7[%swap3A_368, %swap3A_369] {strides = array<i32>} : memref<320x128xf32, #tpu.memory_space<vmem>>, vector<1x16xf32>,
          %swap3A_371 = vector.shape_cast %swap3A_370 : vector<1x16xf32> to vector<16xf32>
          %swap3A_372 = vector.shape_cast %add3A_367 : vector<16xf32> to vector<1x16xf32>
          tpu.vector_store %arg7[%swap3A_368, %swap3A_369], %swap3A_372 {strides = array<i32>} : memref<320x128xf32, #tpu.memory_space<vmem>>, vector<1x16xf32>,
          %get3A_373 = arith.index_cast %sub3A_263 : i32 to index
          %get3A_374 = arith.constant 64 : index
          %get3A_375 = tpu.vector_load %arg8[%get3A_373, %get3A_374] {strides = array<i32>} : memref<320x128xf32, #tpu.memory_space<vmem>>, vector<1x16xf32>,
          %get3A_376 = vector.shape_cast %get3A_375 : vector<1x16xf32> to vector<16xf32>
          %max3A_377 = arith.maximumf %get3A_376, %get3A_362 : vector<16xf32>
          %swap3A_378 = arith.index_cast %sub3A_263 : i32 to index
          %swap3A_379 = arith.constant 64 : index
          %swap3A_380 = tpu.vector_load %arg8[%swap3A_378, %swap3A_379] {strides = array<i32>} : memref<320x128xf32, #tpu.memory_space<vmem>>, vector<1x16xf32>,
          %swap3A_381 = vector.shape_cast %swap3A_380 : vector<1x16xf32> to vector<16xf32>
          %swap3A_382 = vector.shape_cast %max3A_377 : vector<16xf32> to vector<1x16xf32>
          tpu.vector_store %arg8[%swap3A_378, %swap3A_379], %swap3A_382 {strides = array<i32>} : memref<320x128xf32, #tpu.memory_space<vmem>>, vector<1x16xf32>,
          %get3A_383 = arith.index_cast %while3A_260 : i32 to index
          %get3A_384 = arith.constant 80 : index
          %get3A_385 = tpu.vector_load %arg16[%get3A_383, %get3A_384] {strides = array<i32>} : memref<128x128xf32, #tpu.memory_space<vmem>>, vector<1x16xf32>,
          %get3A_386 = vector.shape_cast %get3A_385 : vector<1x16xf32> to vector<16xf32>
          %get3A_387 = arith.index_cast %sub3A_263 : i32 to index
          %get3A_388 = arith.constant 80 : index
          %get3A_389 = tpu.vector_load %arg7[%get3A_387, %get3A_388] {strides = array<i32>} : memref<320x128xf32, #tpu.memory_space<vmem>>, vector<1x16xf32>,
          %get3A_390 = vector.shape_cast %get3A_389 : vector<1x16xf32> to vector<16xf32>
          %add3A_391 = arith.addf %get3A_390, %get3A_386 : vector<16xf32>
          %swap3A_392 = arith.index_cast %sub3A_263 : i32 to index
          %swap3A_393 = arith.constant 80 : index
          %swap3A_394 = tpu.vector_load %arg7[%swap3A_392, %swap3A_393] {strides = array<i32>} : memref<320x128xf32, #tpu.memory_space<vmem>>, vector<1x16xf32>,
          %swap3A_395 = vector.shape_cast %swap3A_394 : vector<1x16xf32> to vector<16xf32>
          %swap3A_396 = vector.shape_cast %add3A_391 : vector<16xf32> to vector<1x16xf32>
          tpu.vector_store %arg7[%swap3A_392, %swap3A_393], %swap3A_396 {strides = array<i32>} : memref<320x128xf32, #tpu.memory_space<vmem>>, vector<1x16xf32>,
          %get3A_397 = arith.index_cast %sub3A_263 : i32 to index
          %get3A_398 = arith.constant 80 : index
          %get3A_399 = tpu.vector_load %arg8[%get3A_397, %get3A_398] {strides = array<i32>} : memref<320x128xf32, #tpu.memory_space<vmem>>, vector<1x16xf32>,
          %get3A_400 = vector.shape_cast %get3A_399 : vector<1x16xf32> to vector<16xf32>
          %max3A_401 = arith.maximumf %get3A_400, %get3A_386 : vector<16xf32>
          %swap3A_402 = arith.index_cast %sub3A_263 : i32 to index
          %swap3A_403 = arith.constant 80 : index
          %swap3A_404 = tpu.vector_load %arg8[%swap3A_402, %swap3A_403] {strides = array<i32>} : memref<320x128xf32, #tpu.memory_space<vmem>>, vector<1x16xf32>,
          %swap3A_405 = vector.shape_cast %swap3A_404 : vector<1x16xf32> to vector<16xf32>
          %swap3A_406 = vector.shape_cast %max3A_401 : vector<16xf32> to vector<1x16xf32>
          tpu.vector_store %arg8[%swap3A_402, %swap3A_403], %swap3A_406 {strides = array<i32>} : memref<320x128xf32, #tpu.memory_space<vmem>>, vector<1x16xf32>,
          %get3A_407 = arith.index_cast %while3A_260 : i32 to index
          %get3A_408 = arith.constant 96 : index
          %get3A_409 = tpu.vector_load %arg16[%get3A_407, %get3A_408] {strides = array<i32>} : memref<128x128xf32, #tpu.memory_space<vmem>>, vector<1x16xf32>,
          %get3A_410 = vector.shape_cast %get3A_409 : vector<1x16xf32> to vector<16xf32>
          %get3A_411 = arith.index_cast %sub3A_263 : i32 to index
          %get3A_412 = arith.constant 96 : index
          %get3A_413 = tpu.vector_load %arg7[%get3A_411, %get3A_412] {strides = array<i32>} : memref<320x128xf32, #tpu.memory_space<vmem>>, vector<1x16xf32>,
          %get3A_414 = vector.shape_cast %get3A_413 : vector<1x16xf32> to vector<16xf32>
          %add3A_415 = arith.addf %get3A_414, %get3A_410 : vector<16xf32>
          %swap3A_416 = arith.index_cast %sub3A_263 : i32 to index
          %swap3A_417 = arith.constant 96 : index
          %swap3A_418 = tpu.vector_load %arg7[%swap3A_416, %swap3A_417] {strides = array<i32>} : memref<320x128xf32, #tpu.memory_space<vmem>>, vector<1x16xf32>,
          %swap3A_419 = vector.shape_cast %swap3A_418 : vector<1x16xf32> to vector<16xf32>
          %swap3A_420 = vector.shape_cast %add3A_415 : vector<16xf32> to vector<1x16xf32>
          tpu.vector_store %arg7[%swap3A_416, %swap3A_417], %swap3A_420 {strides = array<i32>} : memref<320x128xf32, #tpu.memory_space<vmem>>, vector<1x16xf32>,
          %get3A_421 = arith.index_cast %sub3A_263 : i32 to index
          %get3A_422 = arith.constant 96 : index
          %get3A_423 = tpu.vector_load %arg8[%get3A_421, %get3A_422] {strides = array<i32>} : memref<320x128xf32, #tpu.memory_space<vmem>>, vector<1x16xf32>,
          %get3A_424 = vector.shape_cast %get3A_423 : vector<1x16xf32> to vector<16xf32>
          %max3A_425 = arith.maximumf %get3A_424, %get3A_410 : vector<16xf32>
          %swap3A_426 = arith.index_cast %sub3A_263 : i32 to index
          %swap3A_427 = arith.constant 96 : index
          %swap3A_428 = tpu.vector_load %arg8[%swap3A_426, %swap3A_427] {strides = array<i32>} : memref<320x128xf32, #tpu.memory_space<vmem>>, vector<1x16xf32>,
          %swap3A_429 = vector.shape_cast %swap3A_428 : vector<1x16xf32> to vector<16xf32>
          %swap3A_430 = vector.shape_cast %max3A_425 : vector<16xf32> to vector<1x16xf32>
          tpu.vector_store %arg8[%swap3A_426, %swap3A_427], %swap3A_430 {strides = array<i32>} : memref<320x128xf32, #tpu.memory_space<vmem>>, vector<1x16xf32>,
          %get3A_431 = arith.index_cast %while3A_260 : i32 to index
          %get3A_432 = arith.constant 112 : index
          %get3A_433 = tpu.vector_load %arg16[%get3A_431, %get3A_432] {strides = array<i32>} : memref<128x128xf32, #tpu.memory_space<vmem>>, vector<1x16xf32>,
          %get3A_434 = vector.shape_cast %get3A_433 : vector<1x16xf32> to vector<16xf32>
          %get3A_435 = arith.index_cast %sub3A_263 : i32 to index
          %get3A_436 = arith.constant 112 : index
          %get3A_437 = tpu.vector_load %arg7[%get3A_435, %get3A_436] {strides = array<i32>} : memref<320x128xf32, #tpu.memory_space<vmem>>, vector<1x16xf32>,
          %get3A_438 = vector.shape_cast %get3A_437 : vector<1x16xf32> to vector<16xf32>
          %add3A_439 = arith.addf %get3A_438, %get3A_434 : vector<16xf32>
          %swap3A_440 = arith.index_cast %sub3A_263 : i32 to index
          %swap3A_441 = arith.constant 112 : index
          %swap3A_442 = tpu.vector_load %arg7[%swap3A_440, %swap3A_441] {strides = array<i32>} : memref<320x128xf32, #tpu.memory_space<vmem>>, vector<1x16xf32>,
          %swap3A_443 = vector.shape_cast %swap3A_442 : vector<1x16xf32> to vector<16xf32>
          %swap3A_444 = vector.shape_cast %add3A_439 : vector<16xf32> to vector<1x16xf32>
          tpu.vector_store %arg7[%swap3A_440, %swap3A_441], %swap3A_444 {strides = array<i32>} : memref<320x128xf32, #tpu.memory_space<vmem>>, vector<1x16xf32>,
          %get3A_445 = arith.index_cast %sub3A_263 : i32 to index
          %get3A_446 = arith.constant 112 : index
          %get3A_447 = tpu.vector_load %arg8[%get3A_445, %get3A_446] {strides = array<i32>} : memref<320x128xf32, #tpu.memory_space<vmem>>, vector<1x16xf32>,
          %get3A_448 = vector.shape_cast %get3A_447 : vector<1x16xf32> to vector<16xf32>
          %max3A_449 = arith.maximumf %get3A_448, %get3A_434 : vector<16xf32>
          %swap3A_450 = arith.index_cast %sub3A_263 : i32 to index
          %swap3A_451 = arith.constant 112 : index
          %swap3A_452 = tpu.vector_load %arg8[%swap3A_450, %swap3A_451] {strides = array<i32>} : memref<320x128xf32, #tpu.memory_space<vmem>>, vector<1x16xf32>,
          %swap3A_453 = vector.shape_cast %swap3A_452 : vector<1x16xf32> to vector<16xf32>
          %swap3A_454 = vector.shape_cast %max3A_449 : vector<16xf32> to vector<1x16xf32>
          tpu.vector_store %arg8[%swap3A_450, %swap3A_451], %swap3A_454 {strides = array<i32>} : memref<320x128xf32, #tpu.memory_space<vmem>>, vector<1x16xf32>,
          %get3A_455 = arith.index_cast %sub3A_263 : i32 to index
          %get3A_456 = tpu.vector_load %arg9[%get3A_455] {strides = array<i32>} : memref<336xf32, #tpu.memory_space<vmem>>, vector<16xf32>,
          %get3A_457 = vector.shape_cast %get3A_456 : vector<16xf32> to vector<16xf32>
          %add3A_458 = arith.addf %get3A_457, %select_n3A : vector<16xf32>
          %swap3A_459 = arith.index_cast %sub3A_263 : i32 to index
          %swap3A_460 = tpu.vector_load %arg9[%swap3A_459] {strides = array<i32>} : memref<336xf32, #tpu.memory_space<vmem>>, vector<16xf32>,
          %swap3A_461 = vector.shape_cast %swap3A_460 : vector<16xf32> to vector<16xf32>
          %swap3A_462 = vector.shape_cast %add3A_458 : vector<16xf32> to vector<16xf32>
          tpu.vector_store %arg9[%swap3A_459], %swap3A_462 {strides = array<i32>} : memref<336xf32, #tpu.memory_space<vmem>>, vector<16xf32>,
        }
      }
      %dma_wait3A_159 = arith.constant 0 : i32
      %dma_wait3A_160 = tpu.memref_slice %arg13[%dma_wait3A_159] : memref<3264xi32, #tpu.memory_space<vmem>> -> memref<128xi32, #tpu.memory_space<vmem>>
      %dma_wait3A_161 = arith.constant 0 : i32
      %dma_wait3A_162 = arith.constant 0 : i32
      %dma_wait3A_163 = tpu.memref_slice %arg3[%dma_wait3A_161, %dma_wait3A_162] : memref<320000x128xf32, #tpu.memory_space<hbm>> -> memref<320000x128xf32, #tpu.memory_space<hbm>>
      tpu.wait_indirect_dma semaphore(%arg21 : memref<!tpu.dma_semaphore, #tpu.memory_space<semaphore_mem>>) src(%dma_wait3A_163 : memref<320000x128xf32, #tpu.memory_space<hbm>>) dst(%arg17 : memref<128x128xf32, #tpu.memory_space<vmem>>)
      %dma_wait3A_164 = arith.constant 0 : i32
      %dma_wait3A_165 = tpu.memref_slice %arg15[%dma_wait3A_164] : memref<144xi32, #tpu.memory_space<vmem>> -> memref<128xi32, #tpu.memory_space<vmem>>
      %dma_wait3A_166 = arith.constant 0 : i32
      %dma_wait3A_167 = tpu.memref_slice %arg13[%dma_wait3A_166] : memref<3264xi32, #tpu.memory_space<vmem>> -> memref<128xi32, #tpu.memory_space<vmem>>
      %dma_wait3A_168 = arith.constant 0 : i32
      %dma_wait3A_169 = tpu.memref_slice %arg2[%dma_wait3A_168] : memref<320000xi32, #tpu.memory_space<hbm>> -> memref<320000xi32, #tpu.memory_space<hbm>>
      tpu.wait_indirect_dma semaphore(%arg23 : memref<!tpu.dma_semaphore, #tpu.memory_space<semaphore_mem>>) src(%dma_wait3A_169 : memref<320000xi32, #tpu.memory_space<hbm>>) dst(%dma_wait3A_165 : memref<128xi32, #tpu.memory_space<vmem>>)
      %min3A_170 = arith.constant 128 : i32
      %min3A_171 = arith.minsi %scan3A_92, %min3A_170 : i32
      %while3A_172 = arith.constant 0 : i32
      %while3A_173 = arith.constant 0 : i32
      %while3A_174 = arith.subi %min3A_171, %while3A_173 : i32
      %while3A_175 = arith.addi %while3A_173, %while3A_174 : i32
      %while3A_176 = arith.constant 1 : i32
      %while3A_177 = arith.divsi %while3A_174, %while3A_176 : i32
      %while3A_178 = arith.muli %while3A_177, %while3A_176 : i32
      %while3A_179 = arith.addi %while3A_173, %while3A_178 : i32
      %while3A_180 = arith.constant 1 : i32
      scf.for %while3A_222 = %while3A_173 to %while3A_179 step %while3A_180  : i32 {
        %get3A = arith.index_cast %while3A_222 : i32 to index
        %get3A_223 = tpu.vector_load %arg15[%get3A] {strides = array<i32>} : memref<144xi32, #tpu.memory_space<vmem>>, vector<16xi32>,
        %get3A_224 = vector.shape_cast %get3A_223 : vector<16xi32> to vector<16xi32>
        %slice3A = vector.extract_strided_slice %get3A_224 {offsets = [0], sizes = [1], strides = [1]} : vector<16xi32> to vector<1xi32>
        %squeeze3A = vector.extract %slice3A[0] : i32 from vector<1xi32>
        %sub3A_225 = arith.subi %squeeze3A, %mul3A_2 : i32
        %get3A_226 = arith.index_cast %while3A_222 : i32 to index
        %get3A_227 = arith.constant 0 : index
        %get3A_228 = tpu.vector_load %arg17[%get3A_226, %get3A_227] {strides = array<i32>} : memref<128x128xf32, #tpu.memory_space<vmem>>, vector<1x16xf32>,
        %get3A_229 = vector.shape_cast %get3A_228 : vector<1x16xf32> to vector<16xf32>
        %get3A_230 = arith.index_cast %sub3A_225 : i32 to index
        %get3A_231 = arith.constant 0 : index
        %get3A_232 = tpu.vector_load %arg7[%get3A_230, %get3A_231] {strides = array<i32>} : memref<320x128xf32, #tpu.memory_space<vmem>>, vector<1x16xf32>,
        %get3A_233 = vector.shape_cast %get3A_232 : vector<1x16xf32> to vector<16xf32>
        %add3A_234 = arith.addf %get3A_233, %get3A_229 : vector<16xf32>
        %swap3A = arith.index_cast %sub3A_225 : i32 to index
        %swap3A_235 = arith.constant 0 : index
        %swap3A_236 = tpu.vector_load %arg7[%swap3A, %swap3A_235] {strides = array<i32>} : memref<320x128xf32, #tpu.memory_space<vmem>>, vector<1x16xf32>,
        %swap3A_237 = vector.shape_cast %swap3A_236 : vector<1x16xf32> to vector<16xf32>
        %swap3A_238 = vector.shape_cast %add3A_234 : vector<16xf32> to vector<1x16xf32>
        tpu.vector_store %arg7[%swap3A, %swap3A_235], %swap3A_238 {strides = array<i32>} : memref<320x128xf32, #tpu.memory_space<vmem>>, vector<1x16xf32>,
        %get3A_239 = arith.index_cast %sub3A_225 : i32 to index
        %get3A_240 = arith.constant 0 : index
        %get3A_241 = tpu.vector_load %arg8[%get3A_239, %get3A_240] {strides = array<i32>} : memref<320x128xf32, #tpu.memory_space<vmem>>, vector<1x16xf32>,
        %get3A_242 = vector.shape_cast %get3A_241 : vector<1x16xf32> to vector<16xf32>
        %max3A_243 = arith.maximumf %get3A_242, %get3A_229 : vector<16xf32>
        %swap3A_244 = arith.index_cast %sub3A_225 : i32 to index
        %swap3A_245 = arith.constant 0 : index
        %swap3A_246 = tpu.vector_load %arg8[%swap3A_244, %swap3A_245] {strides = array<i32>} : memref<320x128xf32, #tpu.memory_space<vmem>>, vector<1x16xf32>,
        %swap3A_247 = vector.shape_cast %swap3A_246 : vector<1x16xf32> to vector<16xf32>
        %swap3A_248 = vector.shape_cast %max3A_243 : vector<16xf32> to vector<1x16xf32>
        tpu.vector_store %arg8[%swap3A_244, %swap3A_245], %swap3A_248 {strides = array<i32>} : memref<320x128xf32, #tpu.memory_space<vmem>>, vector<1x16xf32>,
        %get3A_249 = arith.index_cast %while3A_222 : i32 to index
        %get3A_250 = arith.constant 16 : index
        %get3A_251 = tpu.vector_load %arg17[%get3A_249, %get3A_250] {strides = array<i32>} : memref<128x128xf32, #tpu.memory_space<vmem>>, vector<1x16xf32>,
        %get3A_252 = vector.shape_cast %get3A_251 : vector<1x16xf32> to vector<16xf32>
        %get3A_253 = arith.index_cast %sub3A_225 : i32 to index
        %get3A_254 = arith.constant 16 : index
        %get3A_255 = tpu.vector_load %arg7[%get3A_253, %get3A_254] {strides = array<i32>} : memref<320x128xf32, #tpu.memory_space<vmem>>, vector<1x16xf32>,
        %get3A_256 = vector.shape_cast %get3A_255 : vector<1x16xf32> to vector<16xf32>
        %add3A_257 = arith.addf %get3A_256, %get3A_252 : vector<16xf32>
        %swap3A_258 = arith.index_cast %sub3A_225 : i32 to index
        %swap3A_259 = arith.constant 16 : index
        %swap3A_260 = tpu.vector_load %arg7[%swap3A_258, %swap3A_259] {strides = array<i32>} : memref<320x128xf32, #tpu.memory_space<vmem>>, vector<1x16xf32>,
        %swap3A_261 = vector.shape_cast %swap3A_260 : vector<1x16xf32> to vector<16xf32>
        %swap3A_262 = vector.shape_cast %add3A_257 : vector<16xf32> to vector<1x16xf32>
        tpu.vector_store %arg7[%swap3A_258, %swap3A_259], %swap3A_262 {strides = array<i32>} : memref<320x128xf32, #tpu.memory_space<vmem>>, vector<1x16xf32>,
        %get3A_263 = arith.index_cast %sub3A_225 : i32 to index
        %get3A_264 = arith.constant 16 : index
        %get3A_265 = tpu.vector_load %arg8[%get3A_263, %get3A_264] {strides = array<i32>} : memref<320x128xf32, #tpu.memory_space<vmem>>, vector<1x16xf32>,
        %get3A_266 = vector.shape_cast %get3A_265 : vector<1x16xf32> to vector<16xf32>
        %max3A_267 = arith.maximumf %get3A_266, %get3A_252 : vector<16xf32>
        %swap3A_268 = arith.index_cast %sub3A_225 : i32 to index
        %swap3A_269 = arith.constant 16 : index
        %swap3A_270 = tpu.vector_load %arg8[%swap3A_268, %swap3A_269] {strides = array<i32>} : memref<320x128xf32, #tpu.memory_space<vmem>>, vector<1x16xf32>,
        %swap3A_271 = vector.shape_cast %swap3A_270 : vector<1x16xf32> to vector<16xf32>
        %swap3A_272 = vector.shape_cast %max3A_267 : vector<16xf32> to vector<1x16xf32>
        tpu.vector_store %arg8[%swap3A_268, %swap3A_269], %swap3A_272 {strides = array<i32>} : memref<320x128xf32, #tpu.memory_space<vmem>>, vector<1x16xf32>,
        %get3A_273 = arith.index_cast %while3A_222 : i32 to index
        %get3A_274 = arith.constant 32 : index
        %get3A_275 = tpu.vector_load %arg17[%get3A_273, %get3A_274] {strides = array<i32>} : memref<128x128xf32, #tpu.memory_space<vmem>>, vector<1x16xf32>,
        %get3A_276 = vector.shape_cast %get3A_275 : vector<1x16xf32> to vector<16xf32>
        %get3A_277 = arith.index_cast %sub3A_225 : i32 to index
        %get3A_278 = arith.constant 32 : index
        %get3A_279 = tpu.vector_load %arg7[%get3A_277, %get3A_278] {strides = array<i32>} : memref<320x128xf32, #tpu.memory_space<vmem>>, vector<1x16xf32>,
        %get3A_280 = vector.shape_cast %get3A_279 : vector<1x16xf32> to vector<16xf32>
        %add3A_281 = arith.addf %get3A_280, %get3A_276 : vector<16xf32>
        %swap3A_282 = arith.index_cast %sub3A_225 : i32 to index
        %swap3A_283 = arith.constant 32 : index
        %swap3A_284 = tpu.vector_load %arg7[%swap3A_282, %swap3A_283] {strides = array<i32>} : memref<320x128xf32, #tpu.memory_space<vmem>>, vector<1x16xf32>,
        %swap3A_285 = vector.shape_cast %swap3A_284 : vector<1x16xf32> to vector<16xf32>
        %swap3A_286 = vector.shape_cast %add3A_281 : vector<16xf32> to vector<1x16xf32>
        tpu.vector_store %arg7[%swap3A_282, %swap3A_283], %swap3A_286 {strides = array<i32>} : memref<320x128xf32, #tpu.memory_space<vmem>>, vector<1x16xf32>,
        %get3A_287 = arith.index_cast %sub3A_225 : i32 to index
        %get3A_288 = arith.constant 32 : index
        %get3A_289 = tpu.vector_load %arg8[%get3A_287, %get3A_288] {strides = array<i32>} : memref<320x128xf32, #tpu.memory_space<vmem>>, vector<1x16xf32>,
        %get3A_290 = vector.shape_cast %get3A_289 : vector<1x16xf32> to vector<16xf32>
        %max3A_291 = arith.maximumf %get3A_290, %get3A_276 : vector<16xf32>
        %swap3A_292 = arith.index_cast %sub3A_225 : i32 to index
        %swap3A_293 = arith.constant 32 : index
        %swap3A_294 = tpu.vector_load %arg8[%swap3A_292, %swap3A_293] {strides = array<i32>} : memref<320x128xf32, #tpu.memory_space<vmem>>, vector<1x16xf32>,
        %swap3A_295 = vector.shape_cast %swap3A_294 : vector<1x16xf32> to vector<16xf32>
        %swap3A_296 = vector.shape_cast %max3A_291 : vector<16xf32> to vector<1x16xf32>
        tpu.vector_store %arg8[%swap3A_292, %swap3A_293], %swap3A_296 {strides = array<i32>} : memref<320x128xf32, #tpu.memory_space<vmem>>, vector<1x16xf32>,
        %get3A_297 = arith.index_cast %while3A_222 : i32 to index
        %get3A_298 = arith.constant 48 : index
        %get3A_299 = tpu.vector_load %arg17[%get3A_297, %get3A_298] {strides = array<i32>} : memref<128x128xf32, #tpu.memory_space<vmem>>, vector<1x16xf32>,
        %get3A_300 = vector.shape_cast %get3A_299 : vector<1x16xf32> to vector<16xf32>
        %get3A_301 = arith.index_cast %sub3A_225 : i32 to index
        %get3A_302 = arith.constant 48 : index
        %get3A_303 = tpu.vector_load %arg7[%get3A_301, %get3A_302] {strides = array<i32>} : memref<320x128xf32, #tpu.memory_space<vmem>>, vector<1x16xf32>,
        %get3A_304 = vector.shape_cast %get3A_303 : vector<1x16xf32> to vector<16xf32>
        %add3A_305 = arith.addf %get3A_304, %get3A_300 : vector<16xf32>
        %swap3A_306 = arith.index_cast %sub3A_225 : i32 to index
        %swap3A_307 = arith.constant 48 : index
        %swap3A_308 = tpu.vector_load %arg7[%swap3A_306, %swap3A_307] {strides = array<i32>} : memref<320x128xf32, #tpu.memory_space<vmem>>, vector<1x16xf32>,
        %swap3A_309 = vector.shape_cast %swap3A_308 : vector<1x16xf32> to vector<16xf32>
        %swap3A_310 = vector.shape_cast %add3A_305 : vector<16xf32> to vector<1x16xf32>
        tpu.vector_store %arg7[%swap3A_306, %swap3A_307], %swap3A_310 {strides = array<i32>} : memref<320x128xf32, #tpu.memory_space<vmem>>, vector<1x16xf32>,
        %get3A_311 = arith.index_cast %sub3A_225 : i32 to index
        %get3A_312 = arith.constant 48 : index
        %get3A_313 = tpu.vector_load %arg8[%get3A_311, %get3A_312] {strides = array<i32>} : memref<320x128xf32, #tpu.memory_space<vmem>>, vector<1x16xf32>,
        %get3A_314 = vector.shape_cast %get3A_313 : vector<1x16xf32> to vector<16xf32>
        %max3A_315 = arith.maximumf %get3A_314, %get3A_300 : vector<16xf32>
        %swap3A_316 = arith.index_cast %sub3A_225 : i32 to index
        %swap3A_317 = arith.constant 48 : index
        %swap3A_318 = tpu.vector_load %arg8[%swap3A_316, %swap3A_317] {strides = array<i32>} : memref<320x128xf32, #tpu.memory_space<vmem>>, vector<1x16xf32>,
        %swap3A_319 = vector.shape_cast %swap3A_318 : vector<1x16xf32> to vector<16xf32>
        %swap3A_320 = vector.shape_cast %max3A_315 : vector<16xf32> to vector<1x16xf32>
        tpu.vector_store %arg8[%swap3A_316, %swap3A_317], %swap3A_320 {strides = array<i32>} : memref<320x128xf32, #tpu.memory_space<vmem>>, vector<1x16xf32>,
        %get3A_321 = arith.index_cast %while3A_222 : i32 to index
        %get3A_322 = arith.constant 64 : index
        %get3A_323 = tpu.vector_load %arg17[%get3A_321, %get3A_322] {strides = array<i32>} : memref<128x128xf32, #tpu.memory_space<vmem>>, vector<1x16xf32>,
        %get3A_324 = vector.shape_cast %get3A_323 : vector<1x16xf32> to vector<16xf32>
        %get3A_325 = arith.index_cast %sub3A_225 : i32 to index
        %get3A_326 = arith.constant 64 : index
        %get3A_327 = tpu.vector_load %arg7[%get3A_325, %get3A_326] {strides = array<i32>} : memref<320x128xf32, #tpu.memory_space<vmem>>, vector<1x16xf32>,
        %get3A_328 = vector.shape_cast %get3A_327 : vector<1x16xf32> to vector<16xf32>
        %add3A_329 = arith.addf %get3A_328, %get3A_324 : vector<16xf32>
        %swap3A_330 = arith.index_cast %sub3A_225 : i32 to index
        %swap3A_331 = arith.constant 64 : index
        %swap3A_332 = tpu.vector_load %arg7[%swap3A_330, %swap3A_331] {strides = array<i32>} : memref<320x128xf32, #tpu.memory_space<vmem>>, vector<1x16xf32>,
        %swap3A_333 = vector.shape_cast %swap3A_332 : vector<1x16xf32> to vector<16xf32>
        %swap3A_334 = vector.shape_cast %add3A_329 : vector<16xf32> to vector<1x16xf32>
        tpu.vector_store %arg7[%swap3A_330, %swap3A_331], %swap3A_334 {strides = array<i32>} : memref<320x128xf32, #tpu.memory_space<vmem>>, vector<1x16xf32>,
        %get3A_335 = arith.index_cast %sub3A_225 : i32 to index
        %get3A_336 = arith.constant 64 : index
        %get3A_337 = tpu.vector_load %arg8[%get3A_335, %get3A_336] {strides = array<i32>} : memref<320x128xf32, #tpu.memory_space<vmem>>, vector<1x16xf32>,
        %get3A_338 = vector.shape_cast %get3A_337 : vector<1x16xf32> to vector<16xf32>
        %max3A_339 = arith.maximumf %get3A_338, %get3A_324 : vector<16xf32>
        %swap3A_340 = arith.index_cast %sub3A_225 : i32 to index
        %swap3A_341 = arith.constant 64 : index
        %swap3A_342 = tpu.vector_load %arg8[%swap3A_340, %swap3A_341] {strides = array<i32>} : memref<320x128xf32, #tpu.memory_space<vmem>>, vector<1x16xf32>,
        %swap3A_343 = vector.shape_cast %swap3A_342 : vector<1x16xf32> to vector<16xf32>
        %swap3A_344 = vector.shape_cast %max3A_339 : vector<16xf32> to vector<1x16xf32>
        tpu.vector_store %arg8[%swap3A_340, %swap3A_341], %swap3A_344 {strides = array<i32>} : memref<320x128xf32, #tpu.memory_space<vmem>>, vector<1x16xf32>,
        %get3A_345 = arith.index_cast %while3A_222 : i32 to index
        %get3A_346 = arith.constant 80 : index
        %get3A_347 = tpu.vector_load %arg17[%get3A_345, %get3A_346] {strides = array<i32>} : memref<128x128xf32, #tpu.memory_space<vmem>>, vector<1x16xf32>,
        %get3A_348 = vector.shape_cast %get3A_347 : vector<1x16xf32> to vector<16xf32>
        %get3A_349 = arith.index_cast %sub3A_225 : i32 to index
        %get3A_350 = arith.constant 80 : index
        %get3A_351 = tpu.vector_load %arg7[%get3A_349, %get3A_350] {strides = array<i32>} : memref<320x128xf32, #tpu.memory_space<vmem>>, vector<1x16xf32>,
        %get3A_352 = vector.shape_cast %get3A_351 : vector<1x16xf32> to vector<16xf32>
        %add3A_353 = arith.addf %get3A_352, %get3A_348 : vector<16xf32>
        %swap3A_354 = arith.index_cast %sub3A_225 : i32 to index
        %swap3A_355 = arith.constant 80 : index
        %swap3A_356 = tpu.vector_load %arg7[%swap3A_354, %swap3A_355] {strides = array<i32>} : memref<320x128xf32, #tpu.memory_space<vmem>>, vector<1x16xf32>,
        %swap3A_357 = vector.shape_cast %swap3A_356 : vector<1x16xf32> to vector<16xf32>
        %swap3A_358 = vector.shape_cast %add3A_353 : vector<16xf32> to vector<1x16xf32>
        tpu.vector_store %arg7[%swap3A_354, %swap3A_355], %swap3A_358 {strides = array<i32>} : memref<320x128xf32, #tpu.memory_space<vmem>>, vector<1x16xf32>,
        %get3A_359 = arith.index_cast %sub3A_225 : i32 to index
        %get3A_360 = arith.constant 80 : index
        %get3A_361 = tpu.vector_load %arg8[%get3A_359, %get3A_360] {strides = array<i32>} : memref<320x128xf32, #tpu.memory_space<vmem>>, vector<1x16xf32>,
        %get3A_362 = vector.shape_cast %get3A_361 : vector<1x16xf32> to vector<16xf32>
        %max3A_363 = arith.maximumf %get3A_362, %get3A_348 : vector<16xf32>
        %swap3A_364 = arith.index_cast %sub3A_225 : i32 to index
        %swap3A_365 = arith.constant 80 : index
        %swap3A_366 = tpu.vector_load %arg8[%swap3A_364, %swap3A_365] {strides = array<i32>} : memref<320x128xf32, #tpu.memory_space<vmem>>, vector<1x16xf32>,
        %swap3A_367 = vector.shape_cast %swap3A_366 : vector<1x16xf32> to vector<16xf32>
        %swap3A_368 = vector.shape_cast %max3A_363 : vector<16xf32> to vector<1x16xf32>
        tpu.vector_store %arg8[%swap3A_364, %swap3A_365], %swap3A_368 {strides = array<i32>} : memref<320x128xf32, #tpu.memory_space<vmem>>, vector<1x16xf32>,
        %get3A_369 = arith.index_cast %while3A_222 : i32 to index
        %get3A_370 = arith.constant 96 : index
        %get3A_371 = tpu.vector_load %arg17[%get3A_369, %get3A_370] {strides = array<i32>} : memref<128x128xf32, #tpu.memory_space<vmem>>, vector<1x16xf32>,
        %get3A_372 = vector.shape_cast %get3A_371 : vector<1x16xf32> to vector<16xf32>
        %get3A_373 = arith.index_cast %sub3A_225 : i32 to index
        %get3A_374 = arith.constant 96 : index
        %get3A_375 = tpu.vector_load %arg7[%get3A_373, %get3A_374] {strides = array<i32>} : memref<320x128xf32, #tpu.memory_space<vmem>>, vector<1x16xf32>,
        %get3A_376 = vector.shape_cast %get3A_375 : vector<1x16xf32> to vector<16xf32>
        %add3A_377 = arith.addf %get3A_376, %get3A_372 : vector<16xf32>
        %swap3A_378 = arith.index_cast %sub3A_225 : i32 to index
        %swap3A_379 = arith.constant 96 : index
        %swap3A_380 = tpu.vector_load %arg7[%swap3A_378, %swap3A_379] {strides = array<i32>} : memref<320x128xf32, #tpu.memory_space<vmem>>, vector<1x16xf32>,
        %swap3A_381 = vector.shape_cast %swap3A_380 : vector<1x16xf32> to vector<16xf32>
        %swap3A_382 = vector.shape_cast %add3A_377 : vector<16xf32> to vector<1x16xf32>
        tpu.vector_store %arg7[%swap3A_378, %swap3A_379], %swap3A_382 {strides = array<i32>} : memref<320x128xf32, #tpu.memory_space<vmem>>, vector<1x16xf32>,
        %get3A_383 = arith.index_cast %sub3A_225 : i32 to index
        %get3A_384 = arith.constant 96 : index
        %get3A_385 = tpu.vector_load %arg8[%get3A_383, %get3A_384] {strides = array<i32>} : memref<320x128xf32, #tpu.memory_space<vmem>>, vector<1x16xf32>,
        %get3A_386 = vector.shape_cast %get3A_385 : vector<1x16xf32> to vector<16xf32>
        %max3A_387 = arith.maximumf %get3A_386, %get3A_372 : vector<16xf32>
        %swap3A_388 = arith.index_cast %sub3A_225 : i32 to index
        %swap3A_389 = arith.constant 96 : index
        %swap3A_390 = tpu.vector_load %arg8[%swap3A_388, %swap3A_389] {strides = array<i32>} : memref<320x128xf32, #tpu.memory_space<vmem>>, vector<1x16xf32>,
        %swap3A_391 = vector.shape_cast %swap3A_390 : vector<1x16xf32> to vector<16xf32>
        %swap3A_392 = vector.shape_cast %max3A_387 : vector<16xf32> to vector<1x16xf32>
        tpu.vector_store %arg8[%swap3A_388, %swap3A_389], %swap3A_392 {strides = array<i32>} : memref<320x128xf32, #tpu.memory_space<vmem>>, vector<1x16xf32>,
        %get3A_393 = arith.index_cast %while3A_222 : i32 to index
        %get3A_394 = arith.constant 112 : index
        %get3A_395 = tpu.vector_load %arg17[%get3A_393, %get3A_394] {strides = array<i32>} : memref<128x128xf32, #tpu.memory_space<vmem>>, vector<1x16xf32>,
        %get3A_396 = vector.shape_cast %get3A_395 : vector<1x16xf32> to vector<16xf32>
        %get3A_397 = arith.index_cast %sub3A_225 : i32 to index
        %get3A_398 = arith.constant 112 : index
        %get3A_399 = tpu.vector_load %arg7[%get3A_397, %get3A_398] {strides = array<i32>} : memref<320x128xf32, #tpu.memory_space<vmem>>, vector<1x16xf32>,
        %get3A_400 = vector.shape_cast %get3A_399 : vector<1x16xf32> to vector<16xf32>
        %add3A_401 = arith.addf %get3A_400, %get3A_396 : vector<16xf32>
        %swap3A_402 = arith.index_cast %sub3A_225 : i32 to index
        %swap3A_403 = arith.constant 112 : index
        %swap3A_404 = tpu.vector_load %arg7[%swap3A_402, %swap3A_403] {strides = array<i32>} : memref<320x128xf32, #tpu.memory_space<vmem>>, vector<1x16xf32>,
        %swap3A_405 = vector.shape_cast %swap3A_404 : vector<1x16xf32> to vector<16xf32>
        %swap3A_406 = vector.shape_cast %add3A_401 : vector<16xf32> to vector<1x16xf32>
        tpu.vector_store %arg7[%swap3A_402, %swap3A_403], %swap3A_406 {strides = array<i32>} : memref<320x128xf32, #tpu.memory_space<vmem>>, vector<1x16xf32>,
        %get3A_407 = arith.index_cast %sub3A_225 : i32 to index
        %get3A_408 = arith.constant 112 : index
        %get3A_409 = tpu.vector_load %arg8[%get3A_407, %get3A_408] {strides = array<i32>} : memref<320x128xf32, #tpu.memory_space<vmem>>, vector<1x16xf32>,
        %get3A_410 = vector.shape_cast %get3A_409 : vector<1x16xf32> to vector<16xf32>
        %max3A_411 = arith.maximumf %get3A_410, %get3A_396 : vector<16xf32>
        %swap3A_412 = arith.index_cast %sub3A_225 : i32 to index
        %swap3A_413 = arith.constant 112 : index
        %swap3A_414 = tpu.vector_load %arg8[%swap3A_412, %swap3A_413] {strides = array<i32>} : memref<320x128xf32, #tpu.memory_space<vmem>>, vector<1x16xf32>,
        %swap3A_415 = vector.shape_cast %swap3A_414 : vector<1x16xf32> to vector<16xf32>
        %swap3A_416 = vector.shape_cast %max3A_411 : vector<16xf32> to vector<1x16xf32>
        tpu.vector_store %arg8[%swap3A_412, %swap3A_413], %swap3A_416 {strides = array<i32>} : memref<320x128xf32, #tpu.memory_space<vmem>>, vector<1x16xf32>,
        %get3A_417 = arith.index_cast %sub3A_225 : i32 to index
        %get3A_418 = tpu.vector_load %arg9[%get3A_417] {strides = array<i32>} : memref<336xf32, #tpu.memory_space<vmem>>, vector<16xf32>,
        %get3A_419 = vector.shape_cast %get3A_418 : vector<16xf32> to vector<16xf32>
        %add3A_420 = arith.addf %get3A_419, %select_n3A : vector<16xf32>
        %swap3A_421 = arith.index_cast %sub3A_225 : i32 to index
        %swap3A_422 = tpu.vector_load %arg9[%swap3A_421] {strides = array<i32>} : memref<336xf32, #tpu.memory_space<vmem>>, vector<16xf32>,
        %swap3A_423 = vector.shape_cast %swap3A_422 : vector<16xf32> to vector<16xf32>
        %swap3A_424 = vector.shape_cast %add3A_420 : vector<16xf32> to vector<16xf32>
        tpu.vector_store %arg9[%swap3A_421], %swap3A_424 {strides = array<i32>} : memref<336xf32, #tpu.memory_space<vmem>>, vector<16xf32>,
      }
      %while3A_181 = arith.constant 1 : i32
      scf.for %while3A_222 = %while3A_179 to %while3A_175 step %while3A_181  : i32 {
        %get3A = arith.index_cast %while3A_222 : i32 to index
        %get3A_223 = tpu.vector_load %arg15[%get3A] {strides = array<i32>} : memref<144xi32, #tpu.memory_space<vmem>>, vector<16xi32>,
        %get3A_224 = vector.shape_cast %get3A_223 : vector<16xi32> to vector<16xi32>
        %slice3A = vector.extract_strided_slice %get3A_224 {offsets = [0], sizes = [1], strides = [1]} : vector<16xi32> to vector<1xi32>
        %squeeze3A = vector.extract %slice3A[0] : i32 from vector<1xi32>
        %sub3A_225 = arith.subi %squeeze3A, %mul3A_2 : i32
        %get3A_226 = arith.index_cast %while3A_222 : i32 to index
        %get3A_227 = arith.constant 0 : index
        %get3A_228 = tpu.vector_load %arg17[%get3A_226, %get3A_227] {strides = array<i32>} : memref<128x128xf32, #tpu.memory_space<vmem>>, vector<1x16xf32>,
        %get3A_229 = vector.shape_cast %get3A_228 : vector<1x16xf32> to vector<16xf32>
        %get3A_230 = arith.index_cast %sub3A_225 : i32 to index
        %get3A_231 = arith.constant 0 : index
        %get3A_232 = tpu.vector_load %arg7[%get3A_230, %get3A_231] {strides = array<i32>} : memref<320x128xf32, #tpu.memory_space<vmem>>, vector<1x16xf32>,
        %get3A_233 = vector.shape_cast %get3A_232 : vector<1x16xf32> to vector<16xf32>
        %add3A_234 = arith.addf %get3A_233, %get3A_229 : vector<16xf32>
        %swap3A = arith.index_cast %sub3A_225 : i32 to index
        %swap3A_235 = arith.constant 0 : index
        %swap3A_236 = tpu.vector_load %arg7[%swap3A, %swap3A_235] {strides = array<i32>} : memref<320x128xf32, #tpu.memory_space<vmem>>, vector<1x16xf32>,
        %swap3A_237 = vector.shape_cast %swap3A_236 : vector<1x16xf32> to vector<16xf32>
        %swap3A_238 = vector.shape_cast %add3A_234 : vector<16xf32> to vector<1x16xf32>
        tpu.vector_store %arg7[%swap3A, %swap3A_235], %swap3A_238 {strides = array<i32>} : memref<320x128xf32, #tpu.memory_space<vmem>>, vector<1x16xf32>,
        %get3A_239 = arith.index_cast %sub3A_225 : i32 to index
        %get3A_240 = arith.constant 0 : index
        %get3A_241 = tpu.vector_load %arg8[%get3A_239, %get3A_240] {strides = array<i32>} : memref<320x128xf32, #tpu.memory_space<vmem>>, vector<1x16xf32>,
        %get3A_242 = vector.shape_cast %get3A_241 : vector<1x16xf32> to vector<16xf32>
        %max3A_243 = arith.maximumf %get3A_242, %get3A_229 : vector<16xf32>
        %swap3A_244 = arith.index_cast %sub3A_225 : i32 to index
        %swap3A_245 = arith.constant 0 : index
        %swap3A_246 = tpu.vector_load %arg8[%swap3A_244, %swap3A_245] {strides = array<i32>} : memref<320x128xf32, #tpu.memory_space<vmem>>, vector<1x16xf32>,
        %swap3A_247 = vector.shape_cast %swap3A_246 : vector<1x16xf32> to vector<16xf32>
        %swap3A_248 = vector.shape_cast %max3A_243 : vector<16xf32> to vector<1x16xf32>
        tpu.vector_store %arg8[%swap3A_244, %swap3A_245], %swap3A_248 {strides = array<i32>} : memref<320x128xf32, #tpu.memory_space<vmem>>, vector<1x16xf32>,
        %get3A_249 = arith.index_cast %while3A_222 : i32 to index
        %get3A_250 = arith.constant 16 : index
        %get3A_251 = tpu.vector_load %arg17[%get3A_249, %get3A_250] {strides = array<i32>} : memref<128x128xf32, #tpu.memory_space<vmem>>, vector<1x16xf32>,
        %get3A_252 = vector.shape_cast %get3A_251 : vector<1x16xf32> to vector<16xf32>
        %get3A_253 = arith.index_cast %sub3A_225 : i32 to index
        %get3A_254 = arith.constant 16 : index
        %get3A_255 = tpu.vector_load %arg7[%get3A_253, %get3A_254] {strides = array<i32>} : memref<320x128xf32, #tpu.memory_space<vmem>>, vector<1x16xf32>,
        %get3A_256 = vector.shape_cast %get3A_255 : vector<1x16xf32> to vector<16xf32>
        %add3A_257 = arith.addf %get3A_256, %get3A_252 : vector<16xf32>
        %swap3A_258 = arith.index_cast %sub3A_225 : i32 to index
        %swap3A_259 = arith.constant 16 : index
        %swap3A_260 = tpu.vector_load %arg7[%swap3A_258, %swap3A_259] {strides = array<i32>} : memref<320x128xf32, #tpu.memory_space<vmem>>, vector<1x16xf32>,
        %swap3A_261 = vector.shape_cast %swap3A_260 : vector<1x16xf32> to vector<16xf32>
        %swap3A_262 = vector.shape_cast %add3A_257 : vector<16xf32> to vector<1x16xf32>
        tpu.vector_store %arg7[%swap3A_258, %swap3A_259], %swap3A_262 {strides = array<i32>} : memref<320x128xf32, #tpu.memory_space<vmem>>, vector<1x16xf32>,
        %get3A_263 = arith.index_cast %sub3A_225 : i32 to index
        %get3A_264 = arith.constant 16 : index
        %get3A_265 = tpu.vector_load %arg8[%get3A_263, %get3A_264] {strides = array<i32>} : memref<320x128xf32, #tpu.memory_space<vmem>>, vector<1x16xf32>,
        %get3A_266 = vector.shape_cast %get3A_265 : vector<1x16xf32> to vector<16xf32>
        %max3A_267 = arith.maximumf %get3A_266, %get3A_252 : vector<16xf32>
        %swap3A_268 = arith.index_cast %sub3A_225 : i32 to index
        %swap3A_269 = arith.constant 16 : index
        %swap3A_270 = tpu.vector_load %arg8[%swap3A_268, %swap3A_269] {strides = array<i32>} : memref<320x128xf32, #tpu.memory_space<vmem>>, vector<1x16xf32>,
        %swap3A_271 = vector.shape_cast %swap3A_270 : vector<1x16xf32> to vector<16xf32>
        %swap3A_272 = vector.shape_cast %max3A_267 : vector<16xf32> to vector<1x16xf32>
        tpu.vector_store %arg8[%swap3A_268, %swap3A_269], %swap3A_272 {strides = array<i32>} : memref<320x128xf32, #tpu.memory_space<vmem>>, vector<1x16xf32>,
        %get3A_273 = arith.index_cast %while3A_222 : i32 to index
        %get3A_274 = arith.constant 32 : index
        %get3A_275 = tpu.vector_load %arg17[%get3A_273, %get3A_274] {strides = array<i32>} : memref<128x128xf32, #tpu.memory_space<vmem>>, vector<1x16xf32>,
        %get3A_276 = vector.shape_cast %get3A_275 : vector<1x16xf32> to vector<16xf32>
        %get3A_277 = arith.index_cast %sub3A_225 : i32 to index
        %get3A_278 = arith.constant 32 : index
        %get3A_279 = tpu.vector_load %arg7[%get3A_277, %get3A_278] {strides = array<i32>} : memref<320x128xf32, #tpu.memory_space<vmem>>, vector<1x16xf32>,
        %get3A_280 = vector.shape_cast %get3A_279 : vector<1x16xf32> to vector<16xf32>
        %add3A_281 = arith.addf %get3A_280, %get3A_276 : vector<16xf32>
        %swap3A_282 = arith.index_cast %sub3A_225 : i32 to index
        %swap3A_283 = arith.constant 32 : index
        %swap3A_284 = tpu.vector_load %arg7[%swap3A_282, %swap3A_283] {strides = array<i32>} : memref<320x128xf32, #tpu.memory_space<vmem>>, vector<1x16xf32>,
        %swap3A_285 = vector.shape_cast %swap3A_284 : vector<1x16xf32> to vector<16xf32>
        %swap3A_286 = vector.shape_cast %add3A_281 : vector<16xf32> to vector<1x16xf32>
        tpu.vector_store %arg7[%swap3A_282, %swap3A_283], %swap3A_286 {strides = array<i32>} : memref<320x128xf32, #tpu.memory_space<vmem>>, vector<1x16xf32>,
        %get3A_287 = arith.index_cast %sub3A_225 : i32 to index
        %get3A_288 = arith.constant 32 : index
        %get3A_289 = tpu.vector_load %arg8[%get3A_287, %get3A_288] {strides = array<i32>} : memref<320x128xf32, #tpu.memory_space<vmem>>, vector<1x16xf32>,
        %get3A_290 = vector.shape_cast %get3A_289 : vector<1x16xf32> to vector<16xf32>
        %max3A_291 = arith.maximumf %get3A_290, %get3A_276 : vector<16xf32>
        %swap3A_292 = arith.index_cast %sub3A_225 : i32 to index
        %swap3A_293 = arith.constant 32 : index
        %swap3A_294 = tpu.vector_load %arg8[%swap3A_292, %swap3A_293] {strides = array<i32>} : memref<320x128xf32, #tpu.memory_space<vmem>>, vector<1x16xf32>,
        %swap3A_295 = vector.shape_cast %swap3A_294 : vector<1x16xf32> to vector<16xf32>
        %swap3A_296 = vector.shape_cast %max3A_291 : vector<16xf32> to vector<1x16xf32>
        tpu.vector_store %arg8[%swap3A_292, %swap3A_293], %swap3A_296 {strides = array<i32>} : memref<320x128xf32, #tpu.memory_space<vmem>>, vector<1x16xf32>,
        %get3A_297 = arith.index_cast %while3A_222 : i32 to index
        %get3A_298 = arith.constant 48 : index
        %get3A_299 = tpu.vector_load %arg17[%get3A_297, %get3A_298] {strides = array<i32>} : memref<128x128xf32, #tpu.memory_space<vmem>>, vector<1x16xf32>,
        %get3A_300 = vector.shape_cast %get3A_299 : vector<1x16xf32> to vector<16xf32>
        %get3A_301 = arith.index_cast %sub3A_225 : i32 to index
        %get3A_302 = arith.constant 48 : index
        %get3A_303 = tpu.vector_load %arg7[%get3A_301, %get3A_302] {strides = array<i32>} : memref<320x128xf32, #tpu.memory_space<vmem>>, vector<1x16xf32>,
        %get3A_304 = vector.shape_cast %get3A_303 : vector<1x16xf32> to vector<16xf32>
        %add3A_305 = arith.addf %get3A_304, %get3A_300 : vector<16xf32>
        %swap3A_306 = arith.index_cast %sub3A_225 : i32 to index
        %swap3A_307 = arith.constant 48 : index
        %swap3A_308 = tpu.vector_load %arg7[%swap3A_306, %swap3A_307] {strides = array<i32>} : memref<320x128xf32, #tpu.memory_space<vmem>>, vector<1x16xf32>,
        %swap3A_309 = vector.shape_cast %swap3A_308 : vector<1x16xf32> to vector<16xf32>
        %swap3A_310 = vector.shape_cast %add3A_305 : vector<16xf32> to vector<1x16xf32>
        tpu.vector_store %arg7[%swap3A_306, %swap3A_307], %swap3A_310 {strides = array<i32>} : memref<320x128xf32, #tpu.memory_space<vmem>>, vector<1x16xf32>,
        %get3A_311 = arith.index_cast %sub3A_225 : i32 to index
        %get3A_312 = arith.constant 48 : index
        %get3A_313 = tpu.vector_load %arg8[%get3A_311, %get3A_312] {strides = array<i32>} : memref<320x128xf32, #tpu.memory_space<vmem>>, vector<1x16xf32>,
        %get3A_314 = vector.shape_cast %get3A_313 : vector<1x16xf32> to vector<16xf32>
        %max3A_315 = arith.maximumf %get3A_314, %get3A_300 : vector<16xf32>
        %swap3A_316 = arith.index_cast %sub3A_225 : i32 to index
        %swap3A_317 = arith.constant 48 : index
        %swap3A_318 = tpu.vector_load %arg8[%swap3A_316, %swap3A_317] {strides = array<i32>} : memref<320x128xf32, #tpu.memory_space<vmem>>, vector<1x16xf32>,
        %swap3A_319 = vector.shape_cast %swap3A_318 : vector<1x16xf32> to vector<16xf32>
        %swap3A_320 = vector.shape_cast %max3A_315 : vector<16xf32> to vector<1x16xf32>
        tpu.vector_store %arg8[%swap3A_316, %swap3A_317], %swap3A_320 {strides = array<i32>} : memref<320x128xf32, #tpu.memory_space<vmem>>, vector<1x16xf32>,
        %get3A_321 = arith.index_cast %while3A_222 : i32 to index
        %get3A_322 = arith.constant 64 : index
        %get3A_323 = tpu.vector_load %arg17[%get3A_321, %get3A_322] {strides = array<i32>} : memref<128x128xf32, #tpu.memory_space<vmem>>, vector<1x16xf32>,
        %get3A_324 = vector.shape_cast %get3A_323 : vector<1x16xf32> to vector<16xf32>
        %get3A_325 = arith.index_cast %sub3A_225 : i32 to index
        %get3A_326 = arith.constant 64 : index
        %get3A_327 = tpu.vector_load %arg7[%get3A_325, %get3A_326] {strides = array<i32>} : memref<320x128xf32, #tpu.memory_space<vmem>>, vector<1x16xf32>,
        %get3A_328 = vector.shape_cast %get3A_327 : vector<1x16xf32> to vector<16xf32>
        %add3A_329 = arith.addf %get3A_328, %get3A_324 : vector<16xf32>
        %swap3A_330 = arith.index_cast %sub3A_225 : i32 to index
        %swap3A_331 = arith.constant 64 : index
        %swap3A_332 = tpu.vector_load %arg7[%swap3A_330, %swap3A_331] {strides = array<i32>} : memref<320x128xf32, #tpu.memory_space<vmem>>, vector<1x16xf32>,
        %swap3A_333 = vector.shape_cast %swap3A_332 : vector<1x16xf32> to vector<16xf32>
        %swap3A_334 = vector.shape_cast %add3A_329 : vector<16xf32> to vector<1x16xf32>
        tpu.vector_store %arg7[%swap3A_330, %swap3A_331], %swap3A_334 {strides = array<i32>} : memref<320x128xf32, #tpu.memory_space<vmem>>, vector<1x16xf32>,
        %get3A_335 = arith.index_cast %sub3A_225 : i32 to index
        %get3A_336 = arith.constant 64 : index
        %get3A_337 = tpu.vector_load %arg8[%get3A_335, %get3A_336] {strides = array<i32>} : memref<320x128xf32, #tpu.memory_space<vmem>>, vector<1x16xf32>,
        %get3A_338 = vector.shape_cast %get3A_337 : vector<1x16xf32> to vector<16xf32>
        %max3A_339 = arith.maximumf %get3A_338, %get3A_324 : vector<16xf32>
        %swap3A_340 = arith.index_cast %sub3A_225 : i32 to index
        %swap3A_341 = arith.constant 64 : index
        %swap3A_342 = tpu.vector_load %arg8[%swap3A_340, %swap3A_341] {strides = array<i32>} : memref<320x128xf32, #tpu.memory_space<vmem>>, vector<1x16xf32>,
        %swap3A_343 = vector.shape_cast %swap3A_342 : vector<1x16xf32> to vector<16xf32>
        %swap3A_344 = vector.shape_cast %max3A_339 : vector<16xf32> to vector<1x16xf32>
        tpu.vector_store %arg8[%swap3A_340, %swap3A_341], %swap3A_344 {strides = array<i32>} : memref<320x128xf32, #tpu.memory_space<vmem>>, vector<1x16xf32>,
        %get3A_345 = arith.index_cast %while3A_222 : i32 to index
        %get3A_346 = arith.constant 80 : index
        %get3A_347 = tpu.vector_load %arg17[%get3A_345, %get3A_346] {strides = array<i32>} : memref<128x128xf32, #tpu.memory_space<vmem>>, vector<1x16xf32>,
        %get3A_348 = vector.shape_cast %get3A_347 : vector<1x16xf32> to vector<16xf32>
        %get3A_349 = arith.index_cast %sub3A_225 : i32 to index
        %get3A_350 = arith.constant 80 : index
        %get3A_351 = tpu.vector_load %arg7[%get3A_349, %get3A_350] {strides = array<i32>} : memref<320x128xf32, #tpu.memory_space<vmem>>, vector<1x16xf32>,
        %get3A_352 = vector.shape_cast %get3A_351 : vector<1x16xf32> to vector<16xf32>
        %add3A_353 = arith.addf %get3A_352, %get3A_348 : vector<16xf32>
        %swap3A_354 = arith.index_cast %sub3A_225 : i32 to index
        %swap3A_355 = arith.constant 80 : index
        %swap3A_356 = tpu.vector_load %arg7[%swap3A_354, %swap3A_355] {strides = array<i32>} : memref<320x128xf32, #tpu.memory_space<vmem>>, vector<1x16xf32>,
        %swap3A_357 = vector.shape_cast %swap3A_356 : vector<1x16xf32> to vector<16xf32>
        %swap3A_358 = vector.shape_cast %add3A_353 : vector<16xf32> to vector<1x16xf32>
        tpu.vector_store %arg7[%swap3A_354, %swap3A_355], %swap3A_358 {strides = array<i32>} : memref<320x128xf32, #tpu.memory_space<vmem>>, vector<1x16xf32>,
        %get3A_359 = arith.index_cast %sub3A_225 : i32 to index
        %get3A_360 = arith.constant 80 : index
        %get3A_361 = tpu.vector_load %arg8[%get3A_359, %get3A_360] {strides = array<i32>} : memref<320x128xf32, #tpu.memory_space<vmem>>, vector<1x16xf32>,
        %get3A_362 = vector.shape_cast %get3A_361 : vector<1x16xf32> to vector<16xf32>
        %max3A_363 = arith.maximumf %get3A_362, %get3A_348 : vector<16xf32>
        %swap3A_364 = arith.index_cast %sub3A_225 : i32 to index
        %swap3A_365 = arith.constant 80 : index
        %swap3A_366 = tpu.vector_load %arg8[%swap3A_364, %swap3A_365] {strides = array<i32>} : memref<320x128xf32, #tpu.memory_space<vmem>>, vector<1x16xf32>,
        %swap3A_367 = vector.shape_cast %swap3A_366 : vector<1x16xf32> to vector<16xf32>
        %swap3A_368 = vector.shape_cast %max3A_363 : vector<16xf32> to vector<1x16xf32>
        tpu.vector_store %arg8[%swap3A_364, %swap3A_365], %swap3A_368 {strides = array<i32>} : memref<320x128xf32, #tpu.memory_space<vmem>>, vector<1x16xf32>,
        %get3A_369 = arith.index_cast %while3A_222 : i32 to index
        %get3A_370 = arith.constant 96 : index
        %get3A_371 = tpu.vector_load %arg17[%get3A_369, %get3A_370] {strides = array<i32>} : memref<128x128xf32, #tpu.memory_space<vmem>>, vector<1x16xf32>,
        %get3A_372 = vector.shape_cast %get3A_371 : vector<1x16xf32> to vector<16xf32>
        %get3A_373 = arith.index_cast %sub3A_225 : i32 to index
        %get3A_374 = arith.constant 96 : index
        %get3A_375 = tpu.vector_load %arg7[%get3A_373, %get3A_374] {strides = array<i32>} : memref<320x128xf32, #tpu.memory_space<vmem>>, vector<1x16xf32>,
        %get3A_376 = vector.shape_cast %get3A_375 : vector<1x16xf32> to vector<16xf32>
        %add3A_377 = arith.addf %get3A_376, %get3A_372 : vector<16xf32>
        %swap3A_378 = arith.index_cast %sub3A_225 : i32 to index
        %swap3A_379 = arith.constant 96 : index
        %swap3A_380 = tpu.vector_load %arg7[%swap3A_378, %swap3A_379] {strides = array<i32>} : memref<320x128xf32, #tpu.memory_space<vmem>>, vector<1x16xf32>,
        %swap3A_381 = vector.shape_cast %swap3A_380 : vector<1x16xf32> to vector<16xf32>
        %swap3A_382 = vector.shape_cast %add3A_377 : vector<16xf32> to vector<1x16xf32>
        tpu.vector_store %arg7[%swap3A_378, %swap3A_379], %swap3A_382 {strides = array<i32>} : memref<320x128xf32, #tpu.memory_space<vmem>>, vector<1x16xf32>,
        %get3A_383 = arith.index_cast %sub3A_225 : i32 to index
        %get3A_384 = arith.constant 96 : index
        %get3A_385 = tpu.vector_load %arg8[%get3A_383, %get3A_384] {strides = array<i32>} : memref<320x128xf32, #tpu.memory_space<vmem>>, vector<1x16xf32>,
        %get3A_386 = vector.shape_cast %get3A_385 : vector<1x16xf32> to vector<16xf32>
        %max3A_387 = arith.maximumf %get3A_386, %get3A_372 : vector<16xf32>
        %swap3A_388 = arith.index_cast %sub3A_225 : i32 to index
        %swap3A_389 = arith.constant 96 : index
        %swap3A_390 = tpu.vector_load %arg8[%swap3A_388, %swap3A_389] {strides = array<i32>} : memref<320x128xf32, #tpu.memory_space<vmem>>, vector<1x16xf32>,
        %swap3A_391 = vector.shape_cast %swap3A_390 : vector<1x16xf32> to vector<16xf32>
        %swap3A_392 = vector.shape_cast %max3A_387 : vector<16xf32> to vector<1x16xf32>
        tpu.vector_store %arg8[%swap3A_388, %swap3A_389], %swap3A_392 {strides = array<i32>} : memref<320x128xf32, #tpu.memory_space<vmem>>, vector<1x16xf32>,
        %get3A_393 = arith.index_cast %while3A_222 : i32 to index
        %get3A_394 = arith.constant 112 : index
        %get3A_395 = tpu.vector_load %arg17[%get3A_393, %get3A_394] {strides = array<i32>} : memref<128x128xf32, #tpu.memory_space<vmem>>, vector<1x16xf32>,
        %get3A_396 = vector.shape_cast %get3A_395 : vector<1x16xf32> to vector<16xf32>
        %get3A_397 = arith.index_cast %sub3A_225 : i32 to index
        %get3A_398 = arith.constant 112 : index
        %get3A_399 = tpu.vector_load %arg7[%get3A_397, %get3A_398] {strides = array<i32>} : memref<320x128xf32, #tpu.memory_space<vmem>>, vector<1x16xf32>,
        %get3A_400 = vector.shape_cast %get3A_399 : vector<1x16xf32> to vector<16xf32>
        %add3A_401 = arith.addf %get3A_400, %get3A_396 : vector<16xf32>
        %swap3A_402 = arith.index_cast %sub3A_225 : i32 to index
        %swap3A_403 = arith.constant 112 : index
        %swap3A_404 = tpu.vector_load %arg7[%swap3A_402, %swap3A_403] {strides = array<i32>} : memref<320x128xf32, #tpu.memory_space<vmem>>, vector<1x16xf32>,
        %swap3A_405 = vector.shape_cast %swap3A_404 : vector<1x16xf32> to vector<16xf32>
        %swap3A_406 = vector.shape_cast %add3A_401 : vector<16xf32> to vector<1x16xf32>
        tpu.vector_store %arg7[%swap3A_402, %swap3A_403], %swap3A_406 {strides = array<i32>} : memref<320x128xf32, #tpu.memory_space<vmem>>, vector<1x16xf32>,
        %get3A_407 = arith.index_cast %sub3A_225 : i32 to index
        %get3A_408 = arith.constant 112 : index
        %get3A_409 = tpu.vector_load %arg8[%get3A_407, %get3A_408] {strides = array<i32>} : memref<320x128xf32, #tpu.memory_space<vmem>>, vector<1x16xf32>,
        %get3A_410 = vector.shape_cast %get3A_409 : vector<1x16xf32> to vector<16xf32>
        %max3A_411 = arith.maximumf %get3A_410, %get3A_396 : vector<16xf32>
        %swap3A_412 = arith.index_cast %sub3A_225 : i32 to index
        %swap3A_413 = arith.constant 112 : index
        %swap3A_414 = tpu.vector_load %arg8[%swap3A_412, %swap3A_413] {strides = array<i32>} : memref<320x128xf32, #tpu.memory_space<vmem>>, vector<1x16xf32>,
        %swap3A_415 = vector.shape_cast %swap3A_414 : vector<1x16xf32> to vector<16xf32>
        %swap3A_416 = vector.shape_cast %max3A_411 : vector<16xf32> to vector<1x16xf32>
        tpu.vector_store %arg8[%swap3A_412, %swap3A_413], %swap3A_416 {strides = array<i32>} : memref<320x128xf32, #tpu.memory_space<vmem>>, vector<1x16xf32>,
        %get3A_417 = arith.index_cast %sub3A_225 : i32 to index
        %get3A_418 = tpu.vector_load %arg9[%get3A_417] {strides = array<i32>} : memref<336xf32, #tpu.memory_space<vmem>>, vector<16xf32>,
        %get3A_419 = vector.shape_cast %get3A_418 : vector<16xf32> to vector<16xf32>
        %add3A_420 = arith.addf %get3A_419, %select_n3A : vector<16xf32>
        %swap3A_421 = arith.index_cast %sub3A_225 : i32 to index
        %swap3A_422 = tpu.vector_load %arg9[%swap3A_421] {strides = array<i32>} : memref<336xf32, #tpu.memory_space<vmem>>, vector<16xf32>,
        %swap3A_423 = vector.shape_cast %swap3A_422 : vector<16xf32> to vector<16xf32>
        %swap3A_424 = vector.shape_cast %add3A_420 : vector<16xf32> to vector<16xf32>
        tpu.vector_store %arg9[%swap3A_421], %swap3A_424 {strides = array<i32>} : memref<336xf32, #tpu.memory_space<vmem>>, vector<16xf32>,
      }
      %add3A_182 = arith.constant 128 : i32
      %add3A_183 = arith.addi %scan3A_92, %add3A_182 : i32
      %sub3A_184 = arith.constant 1 : i32
      %sub3A_185 = arith.subi %add3A_183, %sub3A_184 : i32
      %jit3A_186 = arith.constant 128 : i32
      %div3A_187 = arith.divsi %sub3A_185, %jit3A_186 : i32
      %sign3A_188 = arith.constant 0 : i32
      %sign3A_189 = arith.cmpi sgt, %sub3A_185, %sign3A_188 : i32
      %sign3A_190 = arith.extui %sign3A_189 : i1 to i32
      %sign3A_191 = arith.constant 0 : i32
      %sign3A_192 = arith.cmpi slt, %sub3A_185, %sign3A_191 : i32
      %sign3A_193 = arith.extui %sign3A_192 : i1 to i32
      %sign3A_194 = arith.subi %sign3A_190, %sign3A_193 : i32
      %sign3A_195 = arith.constant 0 : i32
      %sign3A_196 = arith.cmpi sgt, %jit3A_186, %sign3A_195 : i32
      %sign3A_197 = arith.extui %sign3A_196 : i1 to i32
      %sign3A_198 = arith.constant 0 : i32
      %sign3A_199 = arith.cmpi slt, %jit3A_186, %sign3A_198 : i32
      %sign3A_200 = arith.extui %sign3A_199 : i1 to i32
      %sign3A_201 = arith.subi %sign3A_197, %sign3A_200 : i32
      %ne3A_202 = arith.cmpi ne, %sign3A_194, %sign3A_201 : i32
      %rem3A_203 = arith.remsi %sub3A_185, %jit3A_186 : i32
      %ne3A_204 = arith.constant 0 : i32
      %ne3A_205 = arith.cmpi ne, %rem3A_203, %ne3A_204 : i32
      %and3A_206 = arith.andi %ne3A_202, %ne3A_205 : i1
      %sub3A_207 = arith.constant 1 : i32
      %sub3A_208 = arith.subi %div3A_187, %sub3A_207 : i32
      %select_n3A_209 = arith.select %and3A_206, %sub3A_208, %div3A_187 : i32
      %max3A_210 = arith.constant 1 : i32
      %max3A_211 = arith.maxsi %select_n3A_209, %max3A_210 : i32
      %while3A_212 = arith.constant 0 : i32
      %while3A_213 = arith.constant 1 : i32
      %while3A_214 = arith.subi %max3A_211, %while3A_213 : i32
      %while3A_215 = arith.addi %while3A_213, %while3A_214 : i32
      %while3A_216 = arith.constant 1 : i32
      %while3A_217 = arith.divsi %while3A_214, %while3A_216 : i32
      %while3A_218 = arith.muli %while3A_217, %while3A_216 : i32
      %while3A_219 = arith.addi %while3A_213, %while3A_218 : i32
      %while3A_220 = arith.constant 1 : i32
      scf.for %while3A_222 = %while3A_213 to %while3A_219 step %while3A_220  : i32 {
        %mul3A_223 = arith.constant 128 : i32
        %mul3A_224 = arith.muli %while3A_222, %mul3A_223 : i32
        %dma_start3A_225 = tpu.memref_slice %arg13[%mul3A_224] : memref<3264xi32, #tpu.memory_space<vmem>> -> memref<128xi32, #tpu.memory_space<vmem>>
        %dma_start3A_226 = arith.constant 0 : i32
        %dma_start3A_227 = arith.constant 0 : i32
        %dma_start3A_228 = tpu.memref_slice %arg3[%dma_start3A_226, %dma_start3A_227] : memref<320000x128xf32, #tpu.memory_space<hbm>> -> memref<320000x128xf32, #tpu.memory_space<hbm>>
        tpu.enqueue_indirect_dma source(%dma_start3A_228 : memref<320000x128xf32, #tpu.memory_space<hbm>>) target(%arg17 : memref<128x128xf32, #tpu.memory_space<vmem>>) offsets(%dma_start3A_225 : memref<128xi32, #tpu.memory_space<vmem>>) semaphore(%arg21 : memref<!tpu.dma_semaphore, #tpu.memory_space<semaphore_mem>>)
        %mul3A_229 = arith.constant 128 : i32
        %mul3A_230 = arith.muli %while3A_222, %mul3A_229 : i32
        %dma_start3A_231 = arith.constant 0 : i32
        %dma_start3A_232 = tpu.memref_slice %arg15[%dma_start3A_231] : memref<144xi32, #tpu.memory_space<vmem>> -> memref<128xi32, #tpu.memory_space<vmem>>
        %dma_start3A_233 = tpu.memref_slice %arg13[%mul3A_230] : memref<3264xi32, #tpu.memory_space<vmem>> -> memref<128xi32, #tpu.memory_space<vmem>>
        %dma_start3A_234 = arith.constant 0 : i32
        %dma_start3A_235 = tpu.memref_slice %arg2[%dma_start3A_234] : memref<320000xi32, #tpu.memory_space<hbm>> -> memref<320000xi32, #tpu.memory_space<hbm>>
        tpu.enqueue_indirect_dma source(%dma_start3A_235 : memref<320000xi32, #tpu.memory_space<hbm>>) target(%dma_start3A_232 : memref<128xi32, #tpu.memory_space<vmem>>) offsets(%dma_start3A_233 : memref<128xi32, #tpu.memory_space<vmem>>) semaphore(%arg23 : memref<!tpu.dma_semaphore, #tpu.memory_space<semaphore_mem>>)
        %dma_wait3A_236 = tpu.memref_slice %arg13[%mul3A_224] : memref<3264xi32, #tpu.memory_space<vmem>> -> memref<128xi32, #tpu.memory_space<vmem>>
        %dma_wait3A_237 = arith.constant 0 : i32
        %dma_wait3A_238 = arith.constant 0 : i32
        %dma_wait3A_239 = tpu.memref_slice %arg3[%dma_wait3A_237, %dma_wait3A_238] : memref<320000x128xf32, #tpu.memory_space<hbm>> -> memref<320000x128xf32, #tpu.memory_space<hbm>>
        tpu.wait_indirect_dma semaphore(%arg21 : memref<!tpu.dma_semaphore, #tpu.memory_space<semaphore_mem>>) src(%dma_wait3A_239 : memref<320000x128xf32, #tpu.memory_space<hbm>>) dst(%arg17 : memref<128x128xf32, #tpu.memory_space<vmem>>)
        %dma_wait3A_240 = arith.constant 0 : i32
        %dma_wait3A_241 = tpu.memref_slice %arg15[%dma_wait3A_240] : memref<144xi32, #tpu.memory_space<vmem>> -> memref<128xi32, #tpu.memory_space<vmem>>
        %dma_wait3A_242 = tpu.memref_slice %arg13[%mul3A_230] : memref<3264xi32, #tpu.memory_space<vmem>> -> memref<128xi32, #tpu.memory_space<vmem>>
        %dma_wait3A_243 = arith.constant 0 : i32
        %dma_wait3A_244 = tpu.memref_slice %arg2[%dma_wait3A_243] : memref<320000xi32, #tpu.memory_space<hbm>> -> memref<320000xi32, #tpu.memory_space<hbm>>
        tpu.wait_indirect_dma semaphore(%arg23 : memref<!tpu.dma_semaphore, #tpu.memory_space<semaphore_mem>>) src(%dma_wait3A_244 : memref<320000xi32, #tpu.memory_space<hbm>>) dst(%dma_wait3A_241 : memref<128xi32, #tpu.memory_space<vmem>>)
        %mul3A_245 = arith.constant 128 : i32
        %mul3A_246 = arith.muli %while3A_222, %mul3A_245 : i32
        %sub3A_247 = arith.subi %scan3A_92, %mul3A_246 : i32
        %min3A_248 = arith.constant 128 : i32
        %min3A_249 = arith.minsi %sub3A_247, %min3A_248 : i32
        %while3A_250 = arith.constant 0 : i32
        %while3A_251 = arith.constant 0 : i32
        %while3A_252 = arith.subi %min3A_249, %while3A_251 : i32
        %while3A_253 = arith.addi %while3A_251, %while3A_252 : i32
        %while3A_254 = arith.constant 1 : i32
        %while3A_255 = arith.divsi %while3A_252, %while3A_254 : i32
        %while3A_256 = arith.muli %while3A_255, %while3A_254 : i32
        %while3A_257 = arith.addi %while3A_251, %while3A_256 : i32
        %while3A_258 = arith.constant 1 : i32
        scf.for %while3A_260 = %while3A_251 to %while3A_257 step %while3A_258  : i32 {
          %get3A = arith.index_cast %while3A_260 : i32 to index
          %get3A_261 = tpu.vector_load %arg15[%get3A] {strides = array<i32>} : memref<144xi32, #tpu.memory_space<vmem>>, vector<16xi32>,
          %get3A_262 = vector.shape_cast %get3A_261 : vector<16xi32> to vector<16xi32>
          %slice3A = vector.extract_strided_slice %get3A_262 {offsets = [0], sizes = [1], strides = [1]} : vector<16xi32> to vector<1xi32>
          %squeeze3A = vector.extract %slice3A[0] : i32 from vector<1xi32>
          %sub3A_263 = arith.subi %squeeze3A, %mul3A_2 : i32
          %get3A_264 = arith.index_cast %while3A_260 : i32 to index
          %get3A_265 = arith.constant 0 : index
          %get3A_266 = tpu.vector_load %arg17[%get3A_264, %get3A_265] {strides = array<i32>} : memref<128x128xf32, #tpu.memory_space<vmem>>, vector<1x16xf32>,
          %get3A_267 = vector.shape_cast %get3A_266 : vector<1x16xf32> to vector<16xf32>
          %get3A_268 = arith.index_cast %sub3A_263 : i32 to index
          %get3A_269 = arith.constant 0 : index
          %get3A_270 = tpu.vector_load %arg7[%get3A_268, %get3A_269] {strides = array<i32>} : memref<320x128xf32, #tpu.memory_space<vmem>>, vector<1x16xf32>,
          %get3A_271 = vector.shape_cast %get3A_270 : vector<1x16xf32> to vector<16xf32>
          %add3A_272 = arith.addf %get3A_271, %get3A_267 : vector<16xf32>
          %swap3A = arith.index_cast %sub3A_263 : i32 to index
          %swap3A_273 = arith.constant 0 : index
          %swap3A_274 = tpu.vector_load %arg7[%swap3A, %swap3A_273] {strides = array<i32>} : memref<320x128xf32, #tpu.memory_space<vmem>>, vector<1x16xf32>,
          %swap3A_275 = vector.shape_cast %swap3A_274 : vector<1x16xf32> to vector<16xf32>
          %swap3A_276 = vector.shape_cast %add3A_272 : vector<16xf32> to vector<1x16xf32>
          tpu.vector_store %arg7[%swap3A, %swap3A_273], %swap3A_276 {strides = array<i32>} : memref<320x128xf32, #tpu.memory_space<vmem>>, vector<1x16xf32>,
          %get3A_277 = arith.index_cast %sub3A_263 : i32 to index
          %get3A_278 = arith.constant 0 : index
          %get3A_279 = tpu.vector_load %arg8[%get3A_277, %get3A_278] {strides = array<i32>} : memref<320x128xf32, #tpu.memory_space<vmem>>, vector<1x16xf32>,
          %get3A_280 = vector.shape_cast %get3A_279 : vector<1x16xf32> to vector<16xf32>
          %max3A_281 = arith.maximumf %get3A_280, %get3A_267 : vector<16xf32>
          %swap3A_282 = arith.index_cast %sub3A_263 : i32 to index
          %swap3A_283 = arith.constant 0 : index
          %swap3A_284 = tpu.vector_load %arg8[%swap3A_282, %swap3A_283] {strides = array<i32>} : memref<320x128xf32, #tpu.memory_space<vmem>>, vector<1x16xf32>,
          %swap3A_285 = vector.shape_cast %swap3A_284 : vector<1x16xf32> to vector<16xf32>
          %swap3A_286 = vector.shape_cast %max3A_281 : vector<16xf32> to vector<1x16xf32>
          tpu.vector_store %arg8[%swap3A_282, %swap3A_283], %swap3A_286 {strides = array<i32>} : memref<320x128xf32, #tpu.memory_space<vmem>>, vector<1x16xf32>,
          %get3A_287 = arith.index_cast %while3A_260 : i32 to index
          %get3A_288 = arith.constant 16 : index
          %get3A_289 = tpu.vector_load %arg17[%get3A_287, %get3A_288] {strides = array<i32>} : memref<128x128xf32, #tpu.memory_space<vmem>>, vector<1x16xf32>,
          %get3A_290 = vector.shape_cast %get3A_289 : vector<1x16xf32> to vector<16xf32>
          %get3A_291 = arith.index_cast %sub3A_263 : i32 to index
          %get3A_292 = arith.constant 16 : index
          %get3A_293 = tpu.vector_load %arg7[%get3A_291, %get3A_292] {strides = array<i32>} : memref<320x128xf32, #tpu.memory_space<vmem>>, vector<1x16xf32>,
          %get3A_294 = vector.shape_cast %get3A_293 : vector<1x16xf32> to vector<16xf32>
          %add3A_295 = arith.addf %get3A_294, %get3A_290 : vector<16xf32>
          %swap3A_296 = arith.index_cast %sub3A_263 : i32 to index
          %swap3A_297 = arith.constant 16 : index
          %swap3A_298 = tpu.vector_load %arg7[%swap3A_296, %swap3A_297] {strides = array<i32>} : memref<320x128xf32, #tpu.memory_space<vmem>>, vector<1x16xf32>,
          %swap3A_299 = vector.shape_cast %swap3A_298 : vector<1x16xf32> to vector<16xf32>
          %swap3A_300 = vector.shape_cast %add3A_295 : vector<16xf32> to vector<1x16xf32>
          tpu.vector_store %arg7[%swap3A_296, %swap3A_297], %swap3A_300 {strides = array<i32>} : memref<320x128xf32, #tpu.memory_space<vmem>>, vector<1x16xf32>,
          %get3A_301 = arith.index_cast %sub3A_263 : i32 to index
          %get3A_302 = arith.constant 16 : index
          %get3A_303 = tpu.vector_load %arg8[%get3A_301, %get3A_302] {strides = array<i32>} : memref<320x128xf32, #tpu.memory_space<vmem>>, vector<1x16xf32>,
          %get3A_304 = vector.shape_cast %get3A_303 : vector<1x16xf32> to vector<16xf32>
          %max3A_305 = arith.maximumf %get3A_304, %get3A_290 : vector<16xf32>
          %swap3A_306 = arith.index_cast %sub3A_263 : i32 to index
          %swap3A_307 = arith.constant 16 : index
          %swap3A_308 = tpu.vector_load %arg8[%swap3A_306, %swap3A_307] {strides = array<i32>} : memref<320x128xf32, #tpu.memory_space<vmem>>, vector<1x16xf32>,
          %swap3A_309 = vector.shape_cast %swap3A_308 : vector<1x16xf32> to vector<16xf32>
          %swap3A_310 = vector.shape_cast %max3A_305 : vector<16xf32> to vector<1x16xf32>
          tpu.vector_store %arg8[%swap3A_306, %swap3A_307], %swap3A_310 {strides = array<i32>} : memref<320x128xf32, #tpu.memory_space<vmem>>, vector<1x16xf32>,
          %get3A_311 = arith.index_cast %while3A_260 : i32 to index
          %get3A_312 = arith.constant 32 : index
          %get3A_313 = tpu.vector_load %arg17[%get3A_311, %get3A_312] {strides = array<i32>} : memref<128x128xf32, #tpu.memory_space<vmem>>, vector<1x16xf32>,
          %get3A_314 = vector.shape_cast %get3A_313 : vector<1x16xf32> to vector<16xf32>
          %get3A_315 = arith.index_cast %sub3A_263 : i32 to index
          %get3A_316 = arith.constant 32 : index
          %get3A_317 = tpu.vector_load %arg7[%get3A_315, %get3A_316] {strides = array<i32>} : memref<320x128xf32, #tpu.memory_space<vmem>>, vector<1x16xf32>,
          %get3A_318 = vector.shape_cast %get3A_317 : vector<1x16xf32> to vector<16xf32>
          %add3A_319 = arith.addf %get3A_318, %get3A_314 : vector<16xf32>
          %swap3A_320 = arith.index_cast %sub3A_263 : i32 to index
          %swap3A_321 = arith.constant 32 : index
          %swap3A_322 = tpu.vector_load %arg7[%swap3A_320, %swap3A_321] {strides = array<i32>} : memref<320x128xf32, #tpu.memory_space<vmem>>, vector<1x16xf32>,
          %swap3A_323 = vector.shape_cast %swap3A_322 : vector<1x16xf32> to vector<16xf32>
          %swap3A_324 = vector.shape_cast %add3A_319 : vector<16xf32> to vector<1x16xf32>
          tpu.vector_store %arg7[%swap3A_320, %swap3A_321], %swap3A_324 {strides = array<i32>} : memref<320x128xf32, #tpu.memory_space<vmem>>, vector<1x16xf32>,
          %get3A_325 = arith.index_cast %sub3A_263 : i32 to index
          %get3A_326 = arith.constant 32 : index
          %get3A_327 = tpu.vector_load %arg8[%get3A_325, %get3A_326] {strides = array<i32>} : memref<320x128xf32, #tpu.memory_space<vmem>>, vector<1x16xf32>,
          %get3A_328 = vector.shape_cast %get3A_327 : vector<1x16xf32> to vector<16xf32>
          %max3A_329 = arith.maximumf %get3A_328, %get3A_314 : vector<16xf32>
          %swap3A_330 = arith.index_cast %sub3A_263 : i32 to index
          %swap3A_331 = arith.constant 32 : index
          %swap3A_332 = tpu.vector_load %arg8[%swap3A_330, %swap3A_331] {strides = array<i32>} : memref<320x128xf32, #tpu.memory_space<vmem>>, vector<1x16xf32>,
          %swap3A_333 = vector.shape_cast %swap3A_332 : vector<1x16xf32> to vector<16xf32>
          %swap3A_334 = vector.shape_cast %max3A_329 : vector<16xf32> to vector<1x16xf32>
          tpu.vector_store %arg8[%swap3A_330, %swap3A_331], %swap3A_334 {strides = array<i32>} : memref<320x128xf32, #tpu.memory_space<vmem>>, vector<1x16xf32>,
          %get3A_335 = arith.index_cast %while3A_260 : i32 to index
          %get3A_336 = arith.constant 48 : index
          %get3A_337 = tpu.vector_load %arg17[%get3A_335, %get3A_336] {strides = array<i32>} : memref<128x128xf32, #tpu.memory_space<vmem>>, vector<1x16xf32>,
          %get3A_338 = vector.shape_cast %get3A_337 : vector<1x16xf32> to vector<16xf32>
          %get3A_339 = arith.index_cast %sub3A_263 : i32 to index
          %get3A_340 = arith.constant 48 : index
          %get3A_341 = tpu.vector_load %arg7[%get3A_339, %get3A_340] {strides = array<i32>} : memref<320x128xf32, #tpu.memory_space<vmem>>, vector<1x16xf32>,
          %get3A_342 = vector.shape_cast %get3A_341 : vector<1x16xf32> to vector<16xf32>
          %add3A_343 = arith.addf %get3A_342, %get3A_338 : vector<16xf32>
          %swap3A_344 = arith.index_cast %sub3A_263 : i32 to index
          %swap3A_345 = arith.constant 48 : index
          %swap3A_346 = tpu.vector_load %arg7[%swap3A_344, %swap3A_345] {strides = array<i32>} : memref<320x128xf32, #tpu.memory_space<vmem>>, vector<1x16xf32>,
          %swap3A_347 = vector.shape_cast %swap3A_346 : vector<1x16xf32> to vector<16xf32>
          %swap3A_348 = vector.shape_cast %add3A_343 : vector<16xf32> to vector<1x16xf32>
          tpu.vector_store %arg7[%swap3A_344, %swap3A_345], %swap3A_348 {strides = array<i32>} : memref<320x128xf32, #tpu.memory_space<vmem>>, vector<1x16xf32>,
          %get3A_349 = arith.index_cast %sub3A_263 : i32 to index
          %get3A_350 = arith.constant 48 : index
          %get3A_351 = tpu.vector_load %arg8[%get3A_349, %get3A_350] {strides = array<i32>} : memref<320x128xf32, #tpu.memory_space<vmem>>, vector<1x16xf32>,
          %get3A_352 = vector.shape_cast %get3A_351 : vector<1x16xf32> to vector<16xf32>
          %max3A_353 = arith.maximumf %get3A_352, %get3A_338 : vector<16xf32>
          %swap3A_354 = arith.index_cast %sub3A_263 : i32 to index
          %swap3A_355 = arith.constant 48 : index
          %swap3A_356 = tpu.vector_load %arg8[%swap3A_354, %swap3A_355] {strides = array<i32>} : memref<320x128xf32, #tpu.memory_space<vmem>>, vector<1x16xf32>,
          %swap3A_357 = vector.shape_cast %swap3A_356 : vector<1x16xf32> to vector<16xf32>
          %swap3A_358 = vector.shape_cast %max3A_353 : vector<16xf32> to vector<1x16xf32>
          tpu.vector_store %arg8[%swap3A_354, %swap3A_355], %swap3A_358 {strides = array<i32>} : memref<320x128xf32, #tpu.memory_space<vmem>>, vector<1x16xf32>,
          %get3A_359 = arith.index_cast %while3A_260 : i32 to index
          %get3A_360 = arith.constant 64 : index
          %get3A_361 = tpu.vector_load %arg17[%get3A_359, %get3A_360] {strides = array<i32>} : memref<128x128xf32, #tpu.memory_space<vmem>>, vector<1x16xf32>,
          %get3A_362 = vector.shape_cast %get3A_361 : vector<1x16xf32> to vector<16xf32>
          %get3A_363 = arith.index_cast %sub3A_263 : i32 to index
          %get3A_364 = arith.constant 64 : index
          %get3A_365 = tpu.vector_load %arg7[%get3A_363, %get3A_364] {strides = array<i32>} : memref<320x128xf32, #tpu.memory_space<vmem>>, vector<1x16xf32>,
          %get3A_366 = vector.shape_cast %get3A_365 : vector<1x16xf32> to vector<16xf32>
          %add3A_367 = arith.addf %get3A_366, %get3A_362 : vector<16xf32>
          %swap3A_368 = arith.index_cast %sub3A_263 : i32 to index
          %swap3A_369 = arith.constant 64 : index
          %swap3A_370 = tpu.vector_load %arg7[%swap3A_368, %swap3A_369] {strides = array<i32>} : memref<320x128xf32, #tpu.memory_space<vmem>>, vector<1x16xf32>,
          %swap3A_371 = vector.shape_cast %swap3A_370 : vector<1x16xf32> to vector<16xf32>
          %swap3A_372 = vector.shape_cast %add3A_367 : vector<16xf32> to vector<1x16xf32>
          tpu.vector_store %arg7[%swap3A_368, %swap3A_369], %swap3A_372 {strides = array<i32>} : memref<320x128xf32, #tpu.memory_space<vmem>>, vector<1x16xf32>,
          %get3A_373 = arith.index_cast %sub3A_263 : i32 to index
          %get3A_374 = arith.constant 64 : index
          %get3A_375 = tpu.vector_load %arg8[%get3A_373, %get3A_374] {strides = array<i32>} : memref<320x128xf32, #tpu.memory_space<vmem>>, vector<1x16xf32>,
          %get3A_376 = vector.shape_cast %get3A_375 : vector<1x16xf32> to vector<16xf32>
          %max3A_377 = arith.maximumf %get3A_376, %get3A_362 : vector<16xf32>
          %swap3A_378 = arith.index_cast %sub3A_263 : i32 to index
          %swap3A_379 = arith.constant 64 : index
          %swap3A_380 = tpu.vector_load %arg8[%swap3A_378, %swap3A_379] {strides = array<i32>} : memref<320x128xf32, #tpu.memory_space<vmem>>, vector<1x16xf32>,
          %swap3A_381 = vector.shape_cast %swap3A_380 : vector<1x16xf32> to vector<16xf32>
          %swap3A_382 = vector.shape_cast %max3A_377 : vector<16xf32> to vector<1x16xf32>
          tpu.vector_store %arg8[%swap3A_378, %swap3A_379], %swap3A_382 {strides = array<i32>} : memref<320x128xf32, #tpu.memory_space<vmem>>, vector<1x16xf32>,
          %get3A_383 = arith.index_cast %while3A_260 : i32 to index
          %get3A_384 = arith.constant 80 : index
          %get3A_385 = tpu.vector_load %arg17[%get3A_383, %get3A_384] {strides = array<i32>} : memref<128x128xf32, #tpu.memory_space<vmem>>, vector<1x16xf32>,
          %get3A_386 = vector.shape_cast %get3A_385 : vector<1x16xf32> to vector<16xf32>
          %get3A_387 = arith.index_cast %sub3A_263 : i32 to index
          %get3A_388 = arith.constant 80 : index
          %get3A_389 = tpu.vector_load %arg7[%get3A_387, %get3A_388] {strides = array<i32>} : memref<320x128xf32, #tpu.memory_space<vmem>>, vector<1x16xf32>,
          %get3A_390 = vector.shape_cast %get3A_389 : vector<1x16xf32> to vector<16xf32>
          %add3A_391 = arith.addf %get3A_390, %get3A_386 : vector<16xf32>
          %swap3A_392 = arith.index_cast %sub3A_263 : i32 to index
          %swap3A_393 = arith.constant 80 : index
          %swap3A_394 = tpu.vector_load %arg7[%swap3A_392, %swap3A_393] {strides = array<i32>} : memref<320x128xf32, #tpu.memory_space<vmem>>, vector<1x16xf32>,
          %swap3A_395 = vector.shape_cast %swap3A_394 : vector<1x16xf32> to vector<16xf32>
          %swap3A_396 = vector.shape_cast %add3A_391 : vector<16xf32> to vector<1x16xf32>
          tpu.vector_store %arg7[%swap3A_392, %swap3A_393], %swap3A_396 {strides = array<i32>} : memref<320x128xf32, #tpu.memory_space<vmem>>, vector<1x16xf32>,
          %get3A_397 = arith.index_cast %sub3A_263 : i32 to index
          %get3A_398 = arith.constant 80 : index
          %get3A_399 = tpu.vector_load %arg8[%get3A_397, %get3A_398] {strides = array<i32>} : memref<320x128xf32, #tpu.memory_space<vmem>>, vector<1x16xf32>,
          %get3A_400 = vector.shape_cast %get3A_399 : vector<1x16xf32> to vector<16xf32>
          %max3A_401 = arith.maximumf %get3A_400, %get3A_386 : vector<16xf32>
          %swap3A_402 = arith.index_cast %sub3A_263 : i32 to index
          %swap3A_403 = arith.constant 80 : index
          %swap3A_404 = tpu.vector_load %arg8[%swap3A_402, %swap3A_403] {strides = array<i32>} : memref<320x128xf32, #tpu.memory_space<vmem>>, vector<1x16xf32>,
          %swap3A_405 = vector.shape_cast %swap3A_404 : vector<1x16xf32> to vector<16xf32>
          %swap3A_406 = vector.shape_cast %max3A_401 : vector<16xf32> to vector<1x16xf32>
          tpu.vector_store %arg8[%swap3A_402, %swap3A_403], %swap3A_406 {strides = array<i32>} : memref<320x128xf32, #tpu.memory_space<vmem>>, vector<1x16xf32>,
          %get3A_407 = arith.index_cast %while3A_260 : i32 to index
          %get3A_408 = arith.constant 96 : index
          %get3A_409 = tpu.vector_load %arg17[%get3A_407, %get3A_408] {strides = array<i32>} : memref<128x128xf32, #tpu.memory_space<vmem>>, vector<1x16xf32>,
          %get3A_410 = vector.shape_cast %get3A_409 : vector<1x16xf32> to vector<16xf32>
          %get3A_411 = arith.index_cast %sub3A_263 : i32 to index
          %get3A_412 = arith.constant 96 : index
          %get3A_413 = tpu.vector_load %arg7[%get3A_411, %get3A_412] {strides = array<i32>} : memref<320x128xf32, #tpu.memory_space<vmem>>, vector<1x16xf32>,
          %get3A_414 = vector.shape_cast %get3A_413 : vector<1x16xf32> to vector<16xf32>
          %add3A_415 = arith.addf %get3A_414, %get3A_410 : vector<16xf32>
          %swap3A_416 = arith.index_cast %sub3A_263 : i32 to index
          %swap3A_417 = arith.constant 96 : index
          %swap3A_418 = tpu.vector_load %arg7[%swap3A_416, %swap3A_417] {strides = array<i32>} : memref<320x128xf32, #tpu.memory_space<vmem>>, vector<1x16xf32>,
          %swap3A_419 = vector.shape_cast %swap3A_418 : vector<1x16xf32> to vector<16xf32>
          %swap3A_420 = vector.shape_cast %add3A_415 : vector<16xf32> to vector<1x16xf32>
          tpu.vector_store %arg7[%swap3A_416, %swap3A_417], %swap3A_420 {strides = array<i32>} : memref<320x128xf32, #tpu.memory_space<vmem>>, vector<1x16xf32>,
          %get3A_421 = arith.index_cast %sub3A_263 : i32 to index
          %get3A_422 = arith.constant 96 : index
          %get3A_423 = tpu.vector_load %arg8[%get3A_421, %get3A_422] {strides = array<i32>} : memref<320x128xf32, #tpu.memory_space<vmem>>, vector<1x16xf32>,
          %get3A_424 = vector.shape_cast %get3A_423 : vector<1x16xf32> to vector<16xf32>
          %max3A_425 = arith.maximumf %get3A_424, %get3A_410 : vector<16xf32>
          %swap3A_426 = arith.index_cast %sub3A_263 : i32 to index
          %swap3A_427 = arith.constant 96 : index
          %swap3A_428 = tpu.vector_load %arg8[%swap3A_426, %swap3A_427] {strides = array<i32>} : memref<320x128xf32, #tpu.memory_space<vmem>>, vector<1x16xf32>,
          %swap3A_429 = vector.shape_cast %swap3A_428 : vector<1x16xf32> to vector<16xf32>
          %swap3A_430 = vector.shape_cast %max3A_425 : vector<16xf32> to vector<1x16xf32>
          tpu.vector_store %arg8[%swap3A_426, %swap3A_427], %swap3A_430 {strides = array<i32>} : memref<320x128xf32, #tpu.memory_space<vmem>>, vector<1x16xf32>,
          %get3A_431 = arith.index_cast %while3A_260 : i32 to index
          %get3A_432 = arith.constant 112 : index
          %get3A_433 = tpu.vector_load %arg17[%get3A_431, %get3A_432] {strides = array<i32>} : memref<128x128xf32, #tpu.memory_space<vmem>>, vector<1x16xf32>,
          %get3A_434 = vector.shape_cast %get3A_433 : vector<1x16xf32> to vector<16xf32>
          %get3A_435 = arith.index_cast %sub3A_263 : i32 to index
          %get3A_436 = arith.constant 112 : index
          %get3A_437 = tpu.vector_load %arg7[%get3A_435, %get3A_436] {strides = array<i32>} : memref<320x128xf32, #tpu.memory_space<vmem>>, vector<1x16xf32>,
          %get3A_438 = vector.shape_cast %get3A_437 : vector<1x16xf32> to vector<16xf32>
          %add3A_439 = arith.addf %get3A_438, %get3A_434 : vector<16xf32>
          %swap3A_440 = arith.index_cast %sub3A_263 : i32 to index
          %swap3A_441 = arith.constant 112 : index
          %swap3A_442 = tpu.vector_load %arg7[%swap3A_440, %swap3A_441] {strides = array<i32>} : memref<320x128xf32, #tpu.memory_space<vmem>>, vector<1x16xf32>,
          %swap3A_443 = vector.shape_cast %swap3A_442 : vector<1x16xf32> to vector<16xf32>
          %swap3A_444 = vector.shape_cast %add3A_439 : vector<16xf32> to vector<1x16xf32>
          tpu.vector_store %arg7[%swap3A_440, %swap3A_441], %swap3A_444 {strides = array<i32>} : memref<320x128xf32, #tpu.memory_space<vmem>>, vector<1x16xf32>,
          %get3A_445 = arith.index_cast %sub3A_263 : i32 to index
          %get3A_446 = arith.constant 112 : index
          %get3A_447 = tpu.vector_load %arg8[%get3A_445, %get3A_446] {strides = array<i32>} : memref<320x128xf32, #tpu.memory_space<vmem>>, vector<1x16xf32>,
          %get3A_448 = vector.shape_cast %get3A_447 : vector<1x16xf32> to vector<16xf32>
          %max3A_449 = arith.maximumf %get3A_448, %get3A_434 : vector<16xf32>
          %swap3A_450 = arith.index_cast %sub3A_263 : i32 to index
          %swap3A_451 = arith.constant 112 : index
          %swap3A_452 = tpu.vector_load %arg8[%swap3A_450, %swap3A_451] {strides = array<i32>} : memref<320x128xf32, #tpu.memory_space<vmem>>, vector<1x16xf32>,
          %swap3A_453 = vector.shape_cast %swap3A_452 : vector<1x16xf32> to vector<16xf32>
          %swap3A_454 = vector.shape_cast %max3A_449 : vector<16xf32> to vector<1x16xf32>
          tpu.vector_store %arg8[%swap3A_450, %swap3A_451], %swap3A_454 {strides = array<i32>} : memref<320x128xf32, #tpu.memory_space<vmem>>, vector<1x16xf32>,
          %get3A_455 = arith.index_cast %sub3A_263 : i32 to index
          %get3A_456 = tpu.vector_load %arg9[%get3A_455] {strides = array<i32>} : memref<336xf32, #tpu.memory_space<vmem>>, vector<16xf32>,
          %get3A_457 = vector.shape_cast %get3A_456 : vector<16xf32> to vector<16xf32>
          %add3A_458 = arith.addf %get3A_457, %select_n3A : vector<16xf32>
          %swap3A_459 = arith.index_cast %sub3A_263 : i32 to index
          %swap3A_460 = tpu.vector_load %arg9[%swap3A_459] {strides = array<i32>} : memref<336xf32, #tpu.memory_space<vmem>>, vector<16xf32>,
          %swap3A_461 = vector.shape_cast %swap3A_460 : vector<16xf32> to vector<16xf32>
          %swap3A_462 = vector.shape_cast %add3A_458 : vector<16xf32> to vector<16xf32>
          tpu.vector_store %arg9[%swap3A_459], %swap3A_462 {strides = array<i32>} : memref<336xf32, #tpu.memory_space<vmem>>, vector<16xf32>,
        }
        %while3A_259 = arith.constant 1 : i32
        scf.for %while3A_260 = %while3A_257 to %while3A_253 step %while3A_259  : i32 {
          %get3A = arith.index_cast %while3A_260 : i32 to index
          %get3A_261 = tpu.vector_load %arg15[%get3A] {strides = array<i32>} : memref<144xi32, #tpu.memory_space<vmem>>, vector<16xi32>,
          %get3A_262 = vector.shape_cast %get3A_261 : vector<16xi32> to vector<16xi32>
          %slice3A = vector.extract_strided_slice %get3A_262 {offsets = [0], sizes = [1], strides = [1]} : vector<16xi32> to vector<1xi32>
          %squeeze3A = vector.extract %slice3A[0] : i32 from vector<1xi32>
          %sub3A_263 = arith.subi %squeeze3A, %mul3A_2 : i32
          %get3A_264 = arith.index_cast %while3A_260 : i32 to index
          %get3A_265 = arith.constant 0 : index
          %get3A_266 = tpu.vector_load %arg17[%get3A_264, %get3A_265] {strides = array<i32>} : memref<128x128xf32, #tpu.memory_space<vmem>>, vector<1x16xf32>,
          %get3A_267 = vector.shape_cast %get3A_266 : vector<1x16xf32> to vector<16xf32>
          %get3A_268 = arith.index_cast %sub3A_263 : i32 to index
          %get3A_269 = arith.constant 0 : index
          %get3A_270 = tpu.vector_load %arg7[%get3A_268, %get3A_269] {strides = array<i32>} : memref<320x128xf32, #tpu.memory_space<vmem>>, vector<1x16xf32>,
          %get3A_271 = vector.shape_cast %get3A_270 : vector<1x16xf32> to vector<16xf32>
          %add3A_272 = arith.addf %get3A_271, %get3A_267 : vector<16xf32>
          %swap3A = arith.index_cast %sub3A_263 : i32 to index
          %swap3A_273 = arith.constant 0 : index
          %swap3A_274 = tpu.vector_load %arg7[%swap3A, %swap3A_273] {strides = array<i32>} : memref<320x128xf32, #tpu.memory_space<vmem>>, vector<1x16xf32>,
          %swap3A_275 = vector.shape_cast %swap3A_274 : vector<1x16xf32> to vector<16xf32>
          %swap3A_276 = vector.shape_cast %add3A_272 : vector<16xf32> to vector<1x16xf32>
          tpu.vector_store %arg7[%swap3A, %swap3A_273], %swap3A_276 {strides = array<i32>} : memref<320x128xf32, #tpu.memory_space<vmem>>, vector<1x16xf32>,
          %get3A_277 = arith.index_cast %sub3A_263 : i32 to index
          %get3A_278 = arith.constant 0 : index
          %get3A_279 = tpu.vector_load %arg8[%get3A_277, %get3A_278] {strides = array<i32>} : memref<320x128xf32, #tpu.memory_space<vmem>>, vector<1x16xf32>,
          %get3A_280 = vector.shape_cast %get3A_279 : vector<1x16xf32> to vector<16xf32>
          %max3A_281 = arith.maximumf %get3A_280, %get3A_267 : vector<16xf32>
          %swap3A_282 = arith.index_cast %sub3A_263 : i32 to index
          %swap3A_283 = arith.constant 0 : index
          %swap3A_284 = tpu.vector_load %arg8[%swap3A_282, %swap3A_283] {strides = array<i32>} : memref<320x128xf32, #tpu.memory_space<vmem>>, vector<1x16xf32>,
          %swap3A_285 = vector.shape_cast %swap3A_284 : vector<1x16xf32> to vector<16xf32>
          %swap3A_286 = vector.shape_cast %max3A_281 : vector<16xf32> to vector<1x16xf32>
          tpu.vector_store %arg8[%swap3A_282, %swap3A_283], %swap3A_286 {strides = array<i32>} : memref<320x128xf32, #tpu.memory_space<vmem>>, vector<1x16xf32>,
          %get3A_287 = arith.index_cast %while3A_260 : i32 to index
          %get3A_288 = arith.constant 16 : index
          %get3A_289 = tpu.vector_load %arg17[%get3A_287, %get3A_288] {strides = array<i32>} : memref<128x128xf32, #tpu.memory_space<vmem>>, vector<1x16xf32>,
          %get3A_290 = vector.shape_cast %get3A_289 : vector<1x16xf32> to vector<16xf32>
          %get3A_291 = arith.index_cast %sub3A_263 : i32 to index
          %get3A_292 = arith.constant 16 : index
          %get3A_293 = tpu.vector_load %arg7[%get3A_291, %get3A_292] {strides = array<i32>} : memref<320x128xf32, #tpu.memory_space<vmem>>, vector<1x16xf32>,
          %get3A_294 = vector.shape_cast %get3A_293 : vector<1x16xf32> to vector<16xf32>
          %add3A_295 = arith.addf %get3A_294, %get3A_290 : vector<16xf32>
          %swap3A_296 = arith.index_cast %sub3A_263 : i32 to index
          %swap3A_297 = arith.constant 16 : index
          %swap3A_298 = tpu.vector_load %arg7[%swap3A_296, %swap3A_297] {strides = array<i32>} : memref<320x128xf32, #tpu.memory_space<vmem>>, vector<1x16xf32>,
          %swap3A_299 = vector.shape_cast %swap3A_298 : vector<1x16xf32> to vector<16xf32>
          %swap3A_300 = vector.shape_cast %add3A_295 : vector<16xf32> to vector<1x16xf32>
          tpu.vector_store %arg7[%swap3A_296, %swap3A_297], %swap3A_300 {strides = array<i32>} : memref<320x128xf32, #tpu.memory_space<vmem>>, vector<1x16xf32>,
          %get3A_301 = arith.index_cast %sub3A_263 : i32 to index
          %get3A_302 = arith.constant 16 : index
          %get3A_303 = tpu.vector_load %arg8[%get3A_301, %get3A_302] {strides = array<i32>} : memref<320x128xf32, #tpu.memory_space<vmem>>, vector<1x16xf32>,
          %get3A_304 = vector.shape_cast %get3A_303 : vector<1x16xf32> to vector<16xf32>
          %max3A_305 = arith.maximumf %get3A_304, %get3A_290 : vector<16xf32>
          %swap3A_306 = arith.index_cast %sub3A_263 : i32 to index
          %swap3A_307 = arith.constant 16 : index
          %swap3A_308 = tpu.vector_load %arg8[%swap3A_306, %swap3A_307] {strides = array<i32>} : memref<320x128xf32, #tpu.memory_space<vmem>>, vector<1x16xf32>,
          %swap3A_309 = vector.shape_cast %swap3A_308 : vector<1x16xf32> to vector<16xf32>
          %swap3A_310 = vector.shape_cast %max3A_305 : vector<16xf32> to vector<1x16xf32>
          tpu.vector_store %arg8[%swap3A_306, %swap3A_307], %swap3A_310 {strides = array<i32>} : memref<320x128xf32, #tpu.memory_space<vmem>>, vector<1x16xf32>,
          %get3A_311 = arith.index_cast %while3A_260 : i32 to index
          %get3A_312 = arith.constant 32 : index
          %get3A_313 = tpu.vector_load %arg17[%get3A_311, %get3A_312] {strides = array<i32>} : memref<128x128xf32, #tpu.memory_space<vmem>>, vector<1x16xf32>,
          %get3A_314 = vector.shape_cast %get3A_313 : vector<1x16xf32> to vector<16xf32>
          %get3A_315 = arith.index_cast %sub3A_263 : i32 to index
          %get3A_316 = arith.constant 32 : index
          %get3A_317 = tpu.vector_load %arg7[%get3A_315, %get3A_316] {strides = array<i32>} : memref<320x128xf32, #tpu.memory_space<vmem>>, vector<1x16xf32>,
          %get3A_318 = vector.shape_cast %get3A_317 : vector<1x16xf32> to vector<16xf32>
          %add3A_319 = arith.addf %get3A_318, %get3A_314 : vector<16xf32>
          %swap3A_320 = arith.index_cast %sub3A_263 : i32 to index
          %swap3A_321 = arith.constant 32 : index
          %swap3A_322 = tpu.vector_load %arg7[%swap3A_320, %swap3A_321] {strides = array<i32>} : memref<320x128xf32, #tpu.memory_space<vmem>>, vector<1x16xf32>,
          %swap3A_323 = vector.shape_cast %swap3A_322 : vector<1x16xf32> to vector<16xf32>
          %swap3A_324 = vector.shape_cast %add3A_319 : vector<16xf32> to vector<1x16xf32>
          tpu.vector_store %arg7[%swap3A_320, %swap3A_321], %swap3A_324 {strides = array<i32>} : memref<320x128xf32, #tpu.memory_space<vmem>>, vector<1x16xf32>,
          %get3A_325 = arith.index_cast %sub3A_263 : i32 to index
          %get3A_326 = arith.constant 32 : index
          %get3A_327 = tpu.vector_load %arg8[%get3A_325, %get3A_326] {strides = array<i32>} : memref<320x128xf32, #tpu.memory_space<vmem>>, vector<1x16xf32>,
          %get3A_328 = vector.shape_cast %get3A_327 : vector<1x16xf32> to vector<16xf32>
          %max3A_329 = arith.maximumf %get3A_328, %get3A_314 : vector<16xf32>
          %swap3A_330 = arith.index_cast %sub3A_263 : i32 to index
          %swap3A_331 = arith.constant 32 : index
          %swap3A_332 = tpu.vector_load %arg8[%swap3A_330, %swap3A_331] {strides = array<i32>} : memref<320x128xf32, #tpu.memory_space<vmem>>, vector<1x16xf32>,
          %swap3A_333 = vector.shape_cast %swap3A_332 : vector<1x16xf32> to vector<16xf32>
          %swap3A_334 = vector.shape_cast %max3A_329 : vector<16xf32> to vector<1x16xf32>
          tpu.vector_store %arg8[%swap3A_330, %swap3A_331], %swap3A_334 {strides = array<i32>} : memref<320x128xf32, #tpu.memory_space<vmem>>, vector<1x16xf32>,
          %get3A_335 = arith.index_cast %while3A_260 : i32 to index
          %get3A_336 = arith.constant 48 : index
          %get3A_337 = tpu.vector_load %arg17[%get3A_335, %get3A_336] {strides = array<i32>} : memref<128x128xf32, #tpu.memory_space<vmem>>, vector<1x16xf32>,
          %get3A_338 = vector.shape_cast %get3A_337 : vector<1x16xf32> to vector<16xf32>
          %get3A_339 = arith.index_cast %sub3A_263 : i32 to index
          %get3A_340 = arith.constant 48 : index
          %get3A_341 = tpu.vector_load %arg7[%get3A_339, %get3A_340] {strides = array<i32>} : memref<320x128xf32, #tpu.memory_space<vmem>>, vector<1x16xf32>,
          %get3A_342 = vector.shape_cast %get3A_341 : vector<1x16xf32> to vector<16xf32>
          %add3A_343 = arith.addf %get3A_342, %get3A_338 : vector<16xf32>
          %swap3A_344 = arith.index_cast %sub3A_263 : i32 to index
          %swap3A_345 = arith.constant 48 : index
          %swap3A_346 = tpu.vector_load %arg7[%swap3A_344, %swap3A_345] {strides = array<i32>} : memref<320x128xf32, #tpu.memory_space<vmem>>, vector<1x16xf32>,
          %swap3A_347 = vector.shape_cast %swap3A_346 : vector<1x16xf32> to vector<16xf32>
          %swap3A_348 = vector.shape_cast %add3A_343 : vector<16xf32> to vector<1x16xf32>
          tpu.vector_store %arg7[%swap3A_344, %swap3A_345], %swap3A_348 {strides = array<i32>} : memref<320x128xf32, #tpu.memory_space<vmem>>, vector<1x16xf32>,
          %get3A_349 = arith.index_cast %sub3A_263 : i32 to index
          %get3A_350 = arith.constant 48 : index
          %get3A_351 = tpu.vector_load %arg8[%get3A_349, %get3A_350] {strides = array<i32>} : memref<320x128xf32, #tpu.memory_space<vmem>>, vector<1x16xf32>,
          %get3A_352 = vector.shape_cast %get3A_351 : vector<1x16xf32> to vector<16xf32>
          %max3A_353 = arith.maximumf %get3A_352, %get3A_338 : vector<16xf32>
          %swap3A_354 = arith.index_cast %sub3A_263 : i32 to index
          %swap3A_355 = arith.constant 48 : index
          %swap3A_356 = tpu.vector_load %arg8[%swap3A_354, %swap3A_355] {strides = array<i32>} : memref<320x128xf32, #tpu.memory_space<vmem>>, vector<1x16xf32>,
          %swap3A_357 = vector.shape_cast %swap3A_356 : vector<1x16xf32> to vector<16xf32>
          %swap3A_358 = vector.shape_cast %max3A_353 : vector<16xf32> to vector<1x16xf32>
          tpu.vector_store %arg8[%swap3A_354, %swap3A_355], %swap3A_358 {strides = array<i32>} : memref<320x128xf32, #tpu.memory_space<vmem>>, vector<1x16xf32>,
          %get3A_359 = arith.index_cast %while3A_260 : i32 to index
          %get3A_360 = arith.constant 64 : index
          %get3A_361 = tpu.vector_load %arg17[%get3A_359, %get3A_360] {strides = array<i32>} : memref<128x128xf32, #tpu.memory_space<vmem>>, vector<1x16xf32>,
          %get3A_362 = vector.shape_cast %get3A_361 : vector<1x16xf32> to vector<16xf32>
          %get3A_363 = arith.index_cast %sub3A_263 : i32 to index
          %get3A_364 = arith.constant 64 : index
          %get3A_365 = tpu.vector_load %arg7[%get3A_363, %get3A_364] {strides = array<i32>} : memref<320x128xf32, #tpu.memory_space<vmem>>, vector<1x16xf32>,
          %get3A_366 = vector.shape_cast %get3A_365 : vector<1x16xf32> to vector<16xf32>
          %add3A_367 = arith.addf %get3A_366, %get3A_362 : vector<16xf32>
          %swap3A_368 = arith.index_cast %sub3A_263 : i32 to index
          %swap3A_369 = arith.constant 64 : index
          %swap3A_370 = tpu.vector_load %arg7[%swap3A_368, %swap3A_369] {strides = array<i32>} : memref<320x128xf32, #tpu.memory_space<vmem>>, vector<1x16xf32>,
          %swap3A_371 = vector.shape_cast %swap3A_370 : vector<1x16xf32> to vector<16xf32>
          %swap3A_372 = vector.shape_cast %add3A_367 : vector<16xf32> to vector<1x16xf32>
          tpu.vector_store %arg7[%swap3A_368, %swap3A_369], %swap3A_372 {strides = array<i32>} : memref<320x128xf32, #tpu.memory_space<vmem>>, vector<1x16xf32>,
          %get3A_373 = arith.index_cast %sub3A_263 : i32 to index
          %get3A_374 = arith.constant 64 : index
          %get3A_375 = tpu.vector_load %arg8[%get3A_373, %get3A_374] {strides = array<i32>} : memref<320x128xf32, #tpu.memory_space<vmem>>, vector<1x16xf32>,
          %get3A_376 = vector.shape_cast %get3A_375 : vector<1x16xf32> to vector<16xf32>
          %max3A_377 = arith.maximumf %get3A_376, %get3A_362 : vector<16xf32>
          %swap3A_378 = arith.index_cast %sub3A_263 : i32 to index
          %swap3A_379 = arith.constant 64 : index
          %swap3A_380 = tpu.vector_load %arg8[%swap3A_378, %swap3A_379] {strides = array<i32>} : memref<320x128xf32, #tpu.memory_space<vmem>>, vector<1x16xf32>,
          %swap3A_381 = vector.shape_cast %swap3A_380 : vector<1x16xf32> to vector<16xf32>
          %swap3A_382 = vector.shape_cast %max3A_377 : vector<16xf32> to vector<1x16xf32>
          tpu.vector_store %arg8[%swap3A_378, %swap3A_379], %swap3A_382 {strides = array<i32>} : memref<320x128xf32, #tpu.memory_space<vmem>>, vector<1x16xf32>,
          %get3A_383 = arith.index_cast %while3A_260 : i32 to index
          %get3A_384 = arith.constant 80 : index
          %get3A_385 = tpu.vector_load %arg17[%get3A_383, %get3A_384] {strides = array<i32>} : memref<128x128xf32, #tpu.memory_space<vmem>>, vector<1x16xf32>,
          %get3A_386 = vector.shape_cast %get3A_385 : vector<1x16xf32> to vector<16xf32>
          %get3A_387 = arith.index_cast %sub3A_263 : i32 to index
          %get3A_388 = arith.constant 80 : index
          %get3A_389 = tpu.vector_load %arg7[%get3A_387, %get3A_388] {strides = array<i32>} : memref<320x128xf32, #tpu.memory_space<vmem>>, vector<1x16xf32>,
          %get3A_390 = vector.shape_cast %get3A_389 : vector<1x16xf32> to vector<16xf32>
          %add3A_391 = arith.addf %get3A_390, %get3A_386 : vector<16xf32>
          %swap3A_392 = arith.index_cast %sub3A_263 : i32 to index
          %swap3A_393 = arith.constant 80 : index
          %swap3A_394 = tpu.vector_load %arg7[%swap3A_392, %swap3A_393] {strides = array<i32>} : memref<320x128xf32, #tpu.memory_space<vmem>>, vector<1x16xf32>,
          %swap3A_395 = vector.shape_cast %swap3A_394 : vector<1x16xf32> to vector<16xf32>
          %swap3A_396 = vector.shape_cast %add3A_391 : vector<16xf32> to vector<1x16xf32>
          tpu.vector_store %arg7[%swap3A_392, %swap3A_393], %swap3A_396 {strides = array<i32>} : memref<320x128xf32, #tpu.memory_space<vmem>>, vector<1x16xf32>,
          %get3A_397 = arith.index_cast %sub3A_263 : i32 to index
          %get3A_398 = arith.constant 80 : index
          %get3A_399 = tpu.vector_load %arg8[%get3A_397, %get3A_398] {strides = array<i32>} : memref<320x128xf32, #tpu.memory_space<vmem>>, vector<1x16xf32>,
          %get3A_400 = vector.shape_cast %get3A_399 : vector<1x16xf32> to vector<16xf32>
          %max3A_401 = arith.maximumf %get3A_400, %get3A_386 : vector<16xf32>
          %swap3A_402 = arith.index_cast %sub3A_263 : i32 to index
          %swap3A_403 = arith.constant 80 : index
          %swap3A_404 = tpu.vector_load %arg8[%swap3A_402, %swap3A_403] {strides = array<i32>} : memref<320x128xf32, #tpu.memory_space<vmem>>, vector<1x16xf32>,
          %swap3A_405 = vector.shape_cast %swap3A_404 : vector<1x16xf32> to vector<16xf32>
          %swap3A_406 = vector.shape_cast %max3A_401 : vector<16xf32> to vector<1x16xf32>
          tpu.vector_store %arg8[%swap3A_402, %swap3A_403], %swap3A_406 {strides = array<i32>} : memref<320x128xf32, #tpu.memory_space<vmem>>, vector<1x16xf32>,
          %get3A_407 = arith.index_cast %while3A_260 : i32 to index
          %get3A_408 = arith.constant 96 : index
          %get3A_409 = tpu.vector_load %arg17[%get3A_407, %get3A_408] {strides = array<i32>} : memref<128x128xf32, #tpu.memory_space<vmem>>, vector<1x16xf32>,
          %get3A_410 = vector.shape_cast %get3A_409 : vector<1x16xf32> to vector<16xf32>
          %get3A_411 = arith.index_cast %sub3A_263 : i32 to index
          %get3A_412 = arith.constant 96 : index
          %get3A_413 = tpu.vector_load %arg7[%get3A_411, %get3A_412] {strides = array<i32>} : memref<320x128xf32, #tpu.memory_space<vmem>>, vector<1x16xf32>,
          %get3A_414 = vector.shape_cast %get3A_413 : vector<1x16xf32> to vector<16xf32>
          %add3A_415 = arith.addf %get3A_414, %get3A_410 : vector<16xf32>
          %swap3A_416 = arith.index_cast %sub3A_263 : i32 to index
          %swap3A_417 = arith.constant 96 : index
          %swap3A_418 = tpu.vector_load %arg7[%swap3A_416, %swap3A_417] {strides = array<i32>} : memref<320x128xf32, #tpu.memory_space<vmem>>, vector<1x16xf32>,
          %swap3A_419 = vector.shape_cast %swap3A_418 : vector<1x16xf32> to vector<16xf32>
          %swap3A_420 = vector.shape_cast %add3A_415 : vector<16xf32> to vector<1x16xf32>
          tpu.vector_store %arg7[%swap3A_416, %swap3A_417], %swap3A_420 {strides = array<i32>} : memref<320x128xf32, #tpu.memory_space<vmem>>, vector<1x16xf32>,
          %get3A_421 = arith.index_cast %sub3A_263 : i32 to index
          %get3A_422 = arith.constant 96 : index
          %get3A_423 = tpu.vector_load %arg8[%get3A_421, %get3A_422] {strides = array<i32>} : memref<320x128xf32, #tpu.memory_space<vmem>>, vector<1x16xf32>,
          %get3A_424 = vector.shape_cast %get3A_423 : vector<1x16xf32> to vector<16xf32>
          %max3A_425 = arith.maximumf %get3A_424, %get3A_410 : vector<16xf32>
          %swap3A_426 = arith.index_cast %sub3A_263 : i32 to index
          %swap3A_427 = arith.constant 96 : index
          %swap3A_428 = tpu.vector_load %arg8[%swap3A_426, %swap3A_427] {strides = array<i32>} : memref<320x128xf32, #tpu.memory_space<vmem>>, vector<1x16xf32>,
          %swap3A_429 = vector.shape_cast %swap3A_428 : vector<1x16xf32> to vector<16xf32>
          %swap3A_430 = vector.shape_cast %max3A_425 : vector<16xf32> to vector<1x16xf32>
          tpu.vector_store %arg8[%swap3A_426, %swap3A_427], %swap3A_430 {strides = array<i32>} : memref<320x128xf32, #tpu.memory_space<vmem>>, vector<1x16xf32>,
          %get3A_431 = arith.index_cast %while3A_260 : i32 to index
          %get3A_432 = arith.constant 112 : index
          %get3A_433 = tpu.vector_load %arg17[%get3A_431, %get3A_432] {strides = array<i32>} : memref<128x128xf32, #tpu.memory_space<vmem>>, vector<1x16xf32>,
          %get3A_434 = vector.shape_cast %get3A_433 : vector<1x16xf32> to vector<16xf32>
          %get3A_435 = arith.index_cast %sub3A_263 : i32 to index
          %get3A_436 = arith.constant 112 : index
          %get3A_437 = tpu.vector_load %arg7[%get3A_435, %get3A_436] {strides = array<i32>} : memref<320x128xf32, #tpu.memory_space<vmem>>, vector<1x16xf32>,
          %get3A_438 = vector.shape_cast %get3A_437 : vector<1x16xf32> to vector<16xf32>
          %add3A_439 = arith.addf %get3A_438, %get3A_434 : vector<16xf32>
          %swap3A_440 = arith.index_cast %sub3A_263 : i32 to index
          %swap3A_441 = arith.constant 112 : index
          %swap3A_442 = tpu.vector_load %arg7[%swap3A_440, %swap3A_441] {strides = array<i32>} : memref<320x128xf32, #tpu.memory_space<vmem>>, vector<1x16xf32>,
          %swap3A_443 = vector.shape_cast %swap3A_442 : vector<1x16xf32> to vector<16xf32>
          %swap3A_444 = vector.shape_cast %add3A_439 : vector<16xf32> to vector<1x16xf32>
          tpu.vector_store %arg7[%swap3A_440, %swap3A_441], %swap3A_444 {strides = array<i32>} : memref<320x128xf32, #tpu.memory_space<vmem>>, vector<1x16xf32>,
          %get3A_445 = arith.index_cast %sub3A_263 : i32 to index
          %get3A_446 = arith.constant 112 : index
          %get3A_447 = tpu.vector_load %arg8[%get3A_445, %get3A_446] {strides = array<i32>} : memref<320x128xf32, #tpu.memory_space<vmem>>, vector<1x16xf32>,
          %get3A_448 = vector.shape_cast %get3A_447 : vector<1x16xf32> to vector<16xf32>
          %max3A_449 = arith.maximumf %get3A_448, %get3A_434 : vector<16xf32>
          %swap3A_450 = arith.index_cast %sub3A_263 : i32 to index
          %swap3A_451 = arith.constant 112 : index
          %swap3A_452 = tpu.vector_load %arg8[%swap3A_450, %swap3A_451] {strides = array<i32>} : memref<320x128xf32, #tpu.memory_space<vmem>>, vector<1x16xf32>,
          %swap3A_453 = vector.shape_cast %swap3A_452 : vector<1x16xf32> to vector<16xf32>
          %swap3A_454 = vector.shape_cast %max3A_449 : vector<16xf32> to vector<1x16xf32>
          tpu.vector_store %arg8[%swap3A_450, %swap3A_451], %swap3A_454 {strides = array<i32>} : memref<320x128xf32, #tpu.memory_space<vmem>>, vector<1x16xf32>,
          %get3A_455 = arith.index_cast %sub3A_263 : i32 to index
          %get3A_456 = tpu.vector_load %arg9[%get3A_455] {strides = array<i32>} : memref<336xf32, #tpu.memory_space<vmem>>, vector<16xf32>,
          %get3A_457 = vector.shape_cast %get3A_456 : vector<16xf32> to vector<16xf32>
          %add3A_458 = arith.addf %get3A_457, %select_n3A : vector<16xf32>
          %swap3A_459 = arith.index_cast %sub3A_263 : i32 to index
          %swap3A_460 = tpu.vector_load %arg9[%swap3A_459] {strides = array<i32>} : memref<336xf32, #tpu.memory_space<vmem>>, vector<16xf32>,
          %swap3A_461 = vector.shape_cast %swap3A_460 : vector<16xf32> to vector<16xf32>
          %swap3A_462 = vector.shape_cast %add3A_458 : vector<16xf32> to vector<16xf32>
          tpu.vector_store %arg9[%swap3A_459], %swap3A_462 {strides = array<i32>} : memref<336xf32, #tpu.memory_space<vmem>>, vector<16xf32>,
        }
      }
      %while3A_221 = arith.constant 1 : i32
      scf.for %while3A_222 = %while3A_219 to %while3A_215 step %while3A_221  : i32 {
        %mul3A_223 = arith.constant 128 : i32
        %mul3A_224 = arith.muli %while3A_222, %mul3A_223 : i32
        %dma_start3A_225 = tpu.memref_slice %arg13[%mul3A_224] : memref<3264xi32, #tpu.memory_space<vmem>> -> memref<128xi32, #tpu.memory_space<vmem>>
        %dma_start3A_226 = arith.constant 0 : i32
        %dma_start3A_227 = arith.constant 0 : i32
        %dma_start3A_228 = tpu.memref_slice %arg3[%dma_start3A_226, %dma_start3A_227] : memref<320000x128xf32, #tpu.memory_space<hbm>> -> memref<320000x128xf32, #tpu.memory_space<hbm>>
        tpu.enqueue_indirect_dma source(%dma_start3A_228 : memref<320000x128xf32, #tpu.memory_space<hbm>>) target(%arg17 : memref<128x128xf32, #tpu.memory_space<vmem>>) offsets(%dma_start3A_225 : memref<128xi32, #tpu.memory_space<vmem>>) semaphore(%arg21 : memref<!tpu.dma_semaphore, #tpu.memory_space<semaphore_mem>>)
        %mul3A_229 = arith.constant 128 : i32
        %mul3A_230 = arith.muli %while3A_222, %mul3A_229 : i32
        %dma_start3A_231 = arith.constant 0 : i32
        %dma_start3A_232 = tpu.memref_slice %arg15[%dma_start3A_231] : memref<144xi32, #tpu.memory_space<vmem>> -> memref<128xi32, #tpu.memory_space<vmem>>
        %dma_start3A_233 = tpu.memref_slice %arg13[%mul3A_230] : memref<3264xi32, #tpu.memory_space<vmem>> -> memref<128xi32, #tpu.memory_space<vmem>>
        %dma_start3A_234 = arith.constant 0 : i32
        %dma_start3A_235 = tpu.memref_slice %arg2[%dma_start3A_234] : memref<320000xi32, #tpu.memory_space<hbm>> -> memref<320000xi32, #tpu.memory_space<hbm>>
        tpu.enqueue_indirect_dma source(%dma_start3A_235 : memref<320000xi32, #tpu.memory_space<hbm>>) target(%dma_start3A_232 : memref<128xi32, #tpu.memory_space<vmem>>) offsets(%dma_start3A_233 : memref<128xi32, #tpu.memory_space<vmem>>) semaphore(%arg23 : memref<!tpu.dma_semaphore, #tpu.memory_space<semaphore_mem>>)
        %dma_wait3A_236 = tpu.memref_slice %arg13[%mul3A_224] : memref<3264xi32, #tpu.memory_space<vmem>> -> memref<128xi32, #tpu.memory_space<vmem>>
        %dma_wait3A_237 = arith.constant 0 : i32
        %dma_wait3A_238 = arith.constant 0 : i32
        %dma_wait3A_239 = tpu.memref_slice %arg3[%dma_wait3A_237, %dma_wait3A_238] : memref<320000x128xf32, #tpu.memory_space<hbm>> -> memref<320000x128xf32, #tpu.memory_space<hbm>>
        tpu.wait_indirect_dma semaphore(%arg21 : memref<!tpu.dma_semaphore, #tpu.memory_space<semaphore_mem>>) src(%dma_wait3A_239 : memref<320000x128xf32, #tpu.memory_space<hbm>>) dst(%arg17 : memref<128x128xf32, #tpu.memory_space<vmem>>)
        %dma_wait3A_240 = arith.constant 0 : i32
        %dma_wait3A_241 = tpu.memref_slice %arg15[%dma_wait3A_240] : memref<144xi32, #tpu.memory_space<vmem>> -> memref<128xi32, #tpu.memory_space<vmem>>
        %dma_wait3A_242 = tpu.memref_slice %arg13[%mul3A_230] : memref<3264xi32, #tpu.memory_space<vmem>> -> memref<128xi32, #tpu.memory_space<vmem>>
        %dma_wait3A_243 = arith.constant 0 : i32
        %dma_wait3A_244 = tpu.memref_slice %arg2[%dma_wait3A_243] : memref<320000xi32, #tpu.memory_space<hbm>> -> memref<320000xi32, #tpu.memory_space<hbm>>
        tpu.wait_indirect_dma semaphore(%arg23 : memref<!tpu.dma_semaphore, #tpu.memory_space<semaphore_mem>>) src(%dma_wait3A_244 : memref<320000xi32, #tpu.memory_space<hbm>>) dst(%dma_wait3A_241 : memref<128xi32, #tpu.memory_space<vmem>>)
        %mul3A_245 = arith.constant 128 : i32
        %mul3A_246 = arith.muli %while3A_222, %mul3A_245 : i32
        %sub3A_247 = arith.subi %scan3A_92, %mul3A_246 : i32
        %min3A_248 = arith.constant 128 : i32
        %min3A_249 = arith.minsi %sub3A_247, %min3A_248 : i32
        %while3A_250 = arith.constant 0 : i32
        %while3A_251 = arith.constant 0 : i32
        %while3A_252 = arith.subi %min3A_249, %while3A_251 : i32
        %while3A_253 = arith.addi %while3A_251, %while3A_252 : i32
        %while3A_254 = arith.constant 1 : i32
        %while3A_255 = arith.divsi %while3A_252, %while3A_254 : i32
        %while3A_256 = arith.muli %while3A_255, %while3A_254 : i32
        %while3A_257 = arith.addi %while3A_251, %while3A_256 : i32
        %while3A_258 = arith.constant 1 : i32
        scf.for %while3A_260 = %while3A_251 to %while3A_257 step %while3A_258  : i32 {
          %get3A = arith.index_cast %while3A_260 : i32 to index
          %get3A_261 = tpu.vector_load %arg15[%get3A] {strides = array<i32>} : memref<144xi32, #tpu.memory_space<vmem>>, vector<16xi32>,
          %get3A_262 = vector.shape_cast %get3A_261 : vector<16xi32> to vector<16xi32>
          %slice3A = vector.extract_strided_slice %get3A_262 {offsets = [0], sizes = [1], strides = [1]} : vector<16xi32> to vector<1xi32>
          %squeeze3A = vector.extract %slice3A[0] : i32 from vector<1xi32>
          %sub3A_263 = arith.subi %squeeze3A, %mul3A_2 : i32
          %get3A_264 = arith.index_cast %while3A_260 : i32 to index
          %get3A_265 = arith.constant 0 : index
          %get3A_266 = tpu.vector_load %arg17[%get3A_264, %get3A_265] {strides = array<i32>} : memref<128x128xf32, #tpu.memory_space<vmem>>, vector<1x16xf32>,
          %get3A_267 = vector.shape_cast %get3A_266 : vector<1x16xf32> to vector<16xf32>
          %get3A_268 = arith.index_cast %sub3A_263 : i32 to index
          %get3A_269 = arith.constant 0 : index
          %get3A_270 = tpu.vector_load %arg7[%get3A_268, %get3A_269] {strides = array<i32>} : memref<320x128xf32, #tpu.memory_space<vmem>>, vector<1x16xf32>,
          %get3A_271 = vector.shape_cast %get3A_270 : vector<1x16xf32> to vector<16xf32>
          %add3A_272 = arith.addf %get3A_271, %get3A_267 : vector<16xf32>
          %swap3A = arith.index_cast %sub3A_263 : i32 to index
          %swap3A_273 = arith.constant 0 : index
          %swap3A_274 = tpu.vector_load %arg7[%swap3A, %swap3A_273] {strides = array<i32>} : memref<320x128xf32, #tpu.memory_space<vmem>>, vector<1x16xf32>,
          %swap3A_275 = vector.shape_cast %swap3A_274 : vector<1x16xf32> to vector<16xf32>
          %swap3A_276 = vector.shape_cast %add3A_272 : vector<16xf32> to vector<1x16xf32>
          tpu.vector_store %arg7[%swap3A, %swap3A_273], %swap3A_276 {strides = array<i32>} : memref<320x128xf32, #tpu.memory_space<vmem>>, vector<1x16xf32>,
          %get3A_277 = arith.index_cast %sub3A_263 : i32 to index
          %get3A_278 = arith.constant 0 : index
          %get3A_279 = tpu.vector_load %arg8[%get3A_277, %get3A_278] {strides = array<i32>} : memref<320x128xf32, #tpu.memory_space<vmem>>, vector<1x16xf32>,
          %get3A_280 = vector.shape_cast %get3A_279 : vector<1x16xf32> to vector<16xf32>
          %max3A_281 = arith.maximumf %get3A_280, %get3A_267 : vector<16xf32>
          %swap3A_282 = arith.index_cast %sub3A_263 : i32 to index
          %swap3A_283 = arith.constant 0 : index
          %swap3A_284 = tpu.vector_load %arg8[%swap3A_282, %swap3A_283] {strides = array<i32>} : memref<320x128xf32, #tpu.memory_space<vmem>>, vector<1x16xf32>,
          %swap3A_285 = vector.shape_cast %swap3A_284 : vector<1x16xf32> to vector<16xf32>
          %swap3A_286 = vector.shape_cast %max3A_281 : vector<16xf32> to vector<1x16xf32>
          tpu.vector_store %arg8[%swap3A_282, %swap3A_283], %swap3A_286 {strides = array<i32>} : memref<320x128xf32, #tpu.memory_space<vmem>>, vector<1x16xf32>,
          %get3A_287 = arith.index_cast %while3A_260 : i32 to index
          %get3A_288 = arith.constant 16 : index
          %get3A_289 = tpu.vector_load %arg17[%get3A_287, %get3A_288] {strides = array<i32>} : memref<128x128xf32, #tpu.memory_space<vmem>>, vector<1x16xf32>,
          %get3A_290 = vector.shape_cast %get3A_289 : vector<1x16xf32> to vector<16xf32>
          %get3A_291 = arith.index_cast %sub3A_263 : i32 to index
          %get3A_292 = arith.constant 16 : index
          %get3A_293 = tpu.vector_load %arg7[%get3A_291, %get3A_292] {strides = array<i32>} : memref<320x128xf32, #tpu.memory_space<vmem>>, vector<1x16xf32>,
          %get3A_294 = vector.shape_cast %get3A_293 : vector<1x16xf32> to vector<16xf32>
          %add3A_295 = arith.addf %get3A_294, %get3A_290 : vector<16xf32>
          %swap3A_296 = arith.index_cast %sub3A_263 : i32 to index
          %swap3A_297 = arith.constant 16 : index
          %swap3A_298 = tpu.vector_load %arg7[%swap3A_296, %swap3A_297] {strides = array<i32>} : memref<320x128xf32, #tpu.memory_space<vmem>>, vector<1x16xf32>,
          %swap3A_299 = vector.shape_cast %swap3A_298 : vector<1x16xf32> to vector<16xf32>
          %swap3A_300 = vector.shape_cast %add3A_295 : vector<16xf32> to vector<1x16xf32>
          tpu.vector_store %arg7[%swap3A_296, %swap3A_297], %swap3A_300 {strides = array<i32>} : memref<320x128xf32, #tpu.memory_space<vmem>>, vector<1x16xf32>,
          %get3A_301 = arith.index_cast %sub3A_263 : i32 to index
          %get3A_302 = arith.constant 16 : index
          %get3A_303 = tpu.vector_load %arg8[%get3A_301, %get3A_302] {strides = array<i32>} : memref<320x128xf32, #tpu.memory_space<vmem>>, vector<1x16xf32>,
          %get3A_304 = vector.shape_cast %get3A_303 : vector<1x16xf32> to vector<16xf32>
          %max3A_305 = arith.maximumf %get3A_304, %get3A_290 : vector<16xf32>
          %swap3A_306 = arith.index_cast %sub3A_263 : i32 to index
          %swap3A_307 = arith.constant 16 : index
          %swap3A_308 = tpu.vector_load %arg8[%swap3A_306, %swap3A_307] {strides = array<i32>} : memref<320x128xf32, #tpu.memory_space<vmem>>, vector<1x16xf32>,
          %swap3A_309 = vector.shape_cast %swap3A_308 : vector<1x16xf32> to vector<16xf32>
          %swap3A_310 = vector.shape_cast %max3A_305 : vector<16xf32> to vector<1x16xf32>
          tpu.vector_store %arg8[%swap3A_306, %swap3A_307], %swap3A_310 {strides = array<i32>} : memref<320x128xf32, #tpu.memory_space<vmem>>, vector<1x16xf32>,
          %get3A_311 = arith.index_cast %while3A_260 : i32 to index
          %get3A_312 = arith.constant 32 : index
          %get3A_313 = tpu.vector_load %arg17[%get3A_311, %get3A_312] {strides = array<i32>} : memref<128x128xf32, #tpu.memory_space<vmem>>, vector<1x16xf32>,
          %get3A_314 = vector.shape_cast %get3A_313 : vector<1x16xf32> to vector<16xf32>
          %get3A_315 = arith.index_cast %sub3A_263 : i32 to index
          %get3A_316 = arith.constant 32 : index
          %get3A_317 = tpu.vector_load %arg7[%get3A_315, %get3A_316] {strides = array<i32>} : memref<320x128xf32, #tpu.memory_space<vmem>>, vector<1x16xf32>,
          %get3A_318 = vector.shape_cast %get3A_317 : vector<1x16xf32> to vector<16xf32>
          %add3A_319 = arith.addf %get3A_318, %get3A_314 : vector<16xf32>
          %swap3A_320 = arith.index_cast %sub3A_263 : i32 to index
          %swap3A_321 = arith.constant 32 : index
          %swap3A_322 = tpu.vector_load %arg7[%swap3A_320, %swap3A_321] {strides = array<i32>} : memref<320x128xf32, #tpu.memory_space<vmem>>, vector<1x16xf32>,
          %swap3A_323 = vector.shape_cast %swap3A_322 : vector<1x16xf32> to vector<16xf32>
          %swap3A_324 = vector.shape_cast %add3A_319 : vector<16xf32> to vector<1x16xf32>
          tpu.vector_store %arg7[%swap3A_320, %swap3A_321], %swap3A_324 {strides = array<i32>} : memref<320x128xf32, #tpu.memory_space<vmem>>, vector<1x16xf32>,
          %get3A_325 = arith.index_cast %sub3A_263 : i32 to index
          %get3A_326 = arith.constant 32 : index
          %get3A_327 = tpu.vector_load %arg8[%get3A_325, %get3A_326] {strides = array<i32>} : memref<320x128xf32, #tpu.memory_space<vmem>>, vector<1x16xf32>,
          %get3A_328 = vector.shape_cast %get3A_327 : vector<1x16xf32> to vector<16xf32>
          %max3A_329 = arith.maximumf %get3A_328, %get3A_314 : vector<16xf32>
          %swap3A_330 = arith.index_cast %sub3A_263 : i32 to index
          %swap3A_331 = arith.constant 32 : index
          %swap3A_332 = tpu.vector_load %arg8[%swap3A_330, %swap3A_331] {strides = array<i32>} : memref<320x128xf32, #tpu.memory_space<vmem>>, vector<1x16xf32>,
          %swap3A_333 = vector.shape_cast %swap3A_332 : vector<1x16xf32> to vector<16xf32>
          %swap3A_334 = vector.shape_cast %max3A_329 : vector<16xf32> to vector<1x16xf32>
          tpu.vector_store %arg8[%swap3A_330, %swap3A_331], %swap3A_334 {strides = array<i32>} : memref<320x128xf32, #tpu.memory_space<vmem>>, vector<1x16xf32>,
          %get3A_335 = arith.index_cast %while3A_260 : i32 to index
          %get3A_336 = arith.constant 48 : index
          %get3A_337 = tpu.vector_load %arg17[%get3A_335, %get3A_336] {strides = array<i32>} : memref<128x128xf32, #tpu.memory_space<vmem>>, vector<1x16xf32>,
          %get3A_338 = vector.shape_cast %get3A_337 : vector<1x16xf32> to vector<16xf32>
          %get3A_339 = arith.index_cast %sub3A_263 : i32 to index
          %get3A_340 = arith.constant 48 : index
          %get3A_341 = tpu.vector_load %arg7[%get3A_339, %get3A_340] {strides = array<i32>} : memref<320x128xf32, #tpu.memory_space<vmem>>, vector<1x16xf32>,
          %get3A_342 = vector.shape_cast %get3A_341 : vector<1x16xf32> to vector<16xf32>
          %add3A_343 = arith.addf %get3A_342, %get3A_338 : vector<16xf32>
          %swap3A_344 = arith.index_cast %sub3A_263 : i32 to index
          %swap3A_345 = arith.constant 48 : index
          %swap3A_346 = tpu.vector_load %arg7[%swap3A_344, %swap3A_345] {strides = array<i32>} : memref<320x128xf32, #tpu.memory_space<vmem>>, vector<1x16xf32>,
          %swap3A_347 = vector.shape_cast %swap3A_346 : vector<1x16xf32> to vector<16xf32>
          %swap3A_348 = vector.shape_cast %add3A_343 : vector<16xf32> to vector<1x16xf32>
          tpu.vector_store %arg7[%swap3A_344, %swap3A_345], %swap3A_348 {strides = array<i32>} : memref<320x128xf32, #tpu.memory_space<vmem>>, vector<1x16xf32>,
          %get3A_349 = arith.index_cast %sub3A_263 : i32 to index
          %get3A_350 = arith.constant 48 : index
          %get3A_351 = tpu.vector_load %arg8[%get3A_349, %get3A_350] {strides = array<i32>} : memref<320x128xf32, #tpu.memory_space<vmem>>, vector<1x16xf32>,
          %get3A_352 = vector.shape_cast %get3A_351 : vector<1x16xf32> to vector<16xf32>
          %max3A_353 = arith.maximumf %get3A_352, %get3A_338 : vector<16xf32>
          %swap3A_354 = arith.index_cast %sub3A_263 : i32 to index
          %swap3A_355 = arith.constant 48 : index
          %swap3A_356 = tpu.vector_load %arg8[%swap3A_354, %swap3A_355] {strides = array<i32>} : memref<320x128xf32, #tpu.memory_space<vmem>>, vector<1x16xf32>,
          %swap3A_357 = vector.shape_cast %swap3A_356 : vector<1x16xf32> to vector<16xf32>
          %swap3A_358 = vector.shape_cast %max3A_353 : vector<16xf32> to vector<1x16xf32>
          tpu.vector_store %arg8[%swap3A_354, %swap3A_355], %swap3A_358 {strides = array<i32>} : memref<320x128xf32, #tpu.memory_space<vmem>>, vector<1x16xf32>,
          %get3A_359 = arith.index_cast %while3A_260 : i32 to index
          %get3A_360 = arith.constant 64 : index
          %get3A_361 = tpu.vector_load %arg17[%get3A_359, %get3A_360] {strides = array<i32>} : memref<128x128xf32, #tpu.memory_space<vmem>>, vector<1x16xf32>,
          %get3A_362 = vector.shape_cast %get3A_361 : vector<1x16xf32> to vector<16xf32>
          %get3A_363 = arith.index_cast %sub3A_263 : i32 to index
          %get3A_364 = arith.constant 64 : index
          %get3A_365 = tpu.vector_load %arg7[%get3A_363, %get3A_364] {strides = array<i32>} : memref<320x128xf32, #tpu.memory_space<vmem>>, vector<1x16xf32>,
          %get3A_366 = vector.shape_cast %get3A_365 : vector<1x16xf32> to vector<16xf32>
          %add3A_367 = arith.addf %get3A_366, %get3A_362 : vector<16xf32>
          %swap3A_368 = arith.index_cast %sub3A_263 : i32 to index
          %swap3A_369 = arith.constant 64 : index
          %swap3A_370 = tpu.vector_load %arg7[%swap3A_368, %swap3A_369] {strides = array<i32>} : memref<320x128xf32, #tpu.memory_space<vmem>>, vector<1x16xf32>,
          %swap3A_371 = vector.shape_cast %swap3A_370 : vector<1x16xf32> to vector<16xf32>
          %swap3A_372 = vector.shape_cast %add3A_367 : vector<16xf32> to vector<1x16xf32>
          tpu.vector_store %arg7[%swap3A_368, %swap3A_369], %swap3A_372 {strides = array<i32>} : memref<320x128xf32, #tpu.memory_space<vmem>>, vector<1x16xf32>,
          %get3A_373 = arith.index_cast %sub3A_263 : i32 to index
          %get3A_374 = arith.constant 64 : index
          %get3A_375 = tpu.vector_load %arg8[%get3A_373, %get3A_374] {strides = array<i32>} : memref<320x128xf32, #tpu.memory_space<vmem>>, vector<1x16xf32>,
          %get3A_376 = vector.shape_cast %get3A_375 : vector<1x16xf32> to vector<16xf32>
          %max3A_377 = arith.maximumf %get3A_376, %get3A_362 : vector<16xf32>
          %swap3A_378 = arith.index_cast %sub3A_263 : i32 to index
          %swap3A_379 = arith.constant 64 : index
          %swap3A_380 = tpu.vector_load %arg8[%swap3A_378, %swap3A_379] {strides = array<i32>} : memref<320x128xf32, #tpu.memory_space<vmem>>, vector<1x16xf32>,
          %swap3A_381 = vector.shape_cast %swap3A_380 : vector<1x16xf32> to vector<16xf32>
          %swap3A_382 = vector.shape_cast %max3A_377 : vector<16xf32> to vector<1x16xf32>
          tpu.vector_store %arg8[%swap3A_378, %swap3A_379], %swap3A_382 {strides = array<i32>} : memref<320x128xf32, #tpu.memory_space<vmem>>, vector<1x16xf32>,
          %get3A_383 = arith.index_cast %while3A_260 : i32 to index
          %get3A_384 = arith.constant 80 : index
          %get3A_385 = tpu.vector_load %arg17[%get3A_383, %get3A_384] {strides = array<i32>} : memref<128x128xf32, #tpu.memory_space<vmem>>, vector<1x16xf32>,
          %get3A_386 = vector.shape_cast %get3A_385 : vector<1x16xf32> to vector<16xf32>
          %get3A_387 = arith.index_cast %sub3A_263 : i32 to index
          %get3A_388 = arith.constant 80 : index
          %get3A_389 = tpu.vector_load %arg7[%get3A_387, %get3A_388] {strides = array<i32>} : memref<320x128xf32, #tpu.memory_space<vmem>>, vector<1x16xf32>,
          %get3A_390 = vector.shape_cast %get3A_389 : vector<1x16xf32> to vector<16xf32>
          %add3A_391 = arith.addf %get3A_390, %get3A_386 : vector<16xf32>
          %swap3A_392 = arith.index_cast %sub3A_263 : i32 to index
          %swap3A_393 = arith.constant 80 : index
          %swap3A_394 = tpu.vector_load %arg7[%swap3A_392, %swap3A_393] {strides = array<i32>} : memref<320x128xf32, #tpu.memory_space<vmem>>, vector<1x16xf32>,
          %swap3A_395 = vector.shape_cast %swap3A_394 : vector<1x16xf32> to vector<16xf32>
          %swap3A_396 = vector.shape_cast %add3A_391 : vector<16xf32> to vector<1x16xf32>
          tpu.vector_store %arg7[%swap3A_392, %swap3A_393], %swap3A_396 {strides = array<i32>} : memref<320x128xf32, #tpu.memory_space<vmem>>, vector<1x16xf32>,
          %get3A_397 = arith.index_cast %sub3A_263 : i32 to index
          %get3A_398 = arith.constant 80 : index
          %get3A_399 = tpu.vector_load %arg8[%get3A_397, %get3A_398] {strides = array<i32>} : memref<320x128xf32, #tpu.memory_space<vmem>>, vector<1x16xf32>,
          %get3A_400 = vector.shape_cast %get3A_399 : vector<1x16xf32> to vector<16xf32>
          %max3A_401 = arith.maximumf %get3A_400, %get3A_386 : vector<16xf32>
          %swap3A_402 = arith.index_cast %sub3A_263 : i32 to index
          %swap3A_403 = arith.constant 80 : index
          %swap3A_404 = tpu.vector_load %arg8[%swap3A_402, %swap3A_403] {strides = array<i32>} : memref<320x128xf32, #tpu.memory_space<vmem>>, vector<1x16xf32>,
          %swap3A_405 = vector.shape_cast %swap3A_404 : vector<1x16xf32> to vector<16xf32>
          %swap3A_406 = vector.shape_cast %max3A_401 : vector<16xf32> to vector<1x16xf32>
          tpu.vector_store %arg8[%swap3A_402, %swap3A_403], %swap3A_406 {strides = array<i32>} : memref<320x128xf32, #tpu.memory_space<vmem>>, vector<1x16xf32>,
          %get3A_407 = arith.index_cast %while3A_260 : i32 to index
          %get3A_408 = arith.constant 96 : index
          %get3A_409 = tpu.vector_load %arg17[%get3A_407, %get3A_408] {strides = array<i32>} : memref<128x128xf32, #tpu.memory_space<vmem>>, vector<1x16xf32>,
          %get3A_410 = vector.shape_cast %get3A_409 : vector<1x16xf32> to vector<16xf32>
          %get3A_411 = arith.index_cast %sub3A_263 : i32 to index
          %get3A_412 = arith.constant 96 : index
          %get3A_413 = tpu.vector_load %arg7[%get3A_411, %get3A_412] {strides = array<i32>} : memref<320x128xf32, #tpu.memory_space<vmem>>, vector<1x16xf32>,
          %get3A_414 = vector.shape_cast %get3A_413 : vector<1x16xf32> to vector<16xf32>
          %add3A_415 = arith.addf %get3A_414, %get3A_410 : vector<16xf32>
          %swap3A_416 = arith.index_cast %sub3A_263 : i32 to index
          %swap3A_417 = arith.constant 96 : index
          %swap3A_418 = tpu.vector_load %arg7[%swap3A_416, %swap3A_417] {strides = array<i32>} : memref<320x128xf32, #tpu.memory_space<vmem>>, vector<1x16xf32>,
          %swap3A_419 = vector.shape_cast %swap3A_418 : vector<1x16xf32> to vector<16xf32>
          %swap3A_420 = vector.shape_cast %add3A_415 : vector<16xf32> to vector<1x16xf32>
          tpu.vector_store %arg7[%swap3A_416, %swap3A_417], %swap3A_420 {strides = array<i32>} : memref<320x128xf32, #tpu.memory_space<vmem>>, vector<1x16xf32>,
          %get3A_421 = arith.index_cast %sub3A_263 : i32 to index
          %get3A_422 = arith.constant 96 : index
          %get3A_423 = tpu.vector_load %arg8[%get3A_421, %get3A_422] {strides = array<i32>} : memref<320x128xf32, #tpu.memory_space<vmem>>, vector<1x16xf32>,
          %get3A_424 = vector.shape_cast %get3A_423 : vector<1x16xf32> to vector<16xf32>
          %max3A_425 = arith.maximumf %get3A_424, %get3A_410 : vector<16xf32>
          %swap3A_426 = arith.index_cast %sub3A_263 : i32 to index
          %swap3A_427 = arith.constant 96 : index
          %swap3A_428 = tpu.vector_load %arg8[%swap3A_426, %swap3A_427] {strides = array<i32>} : memref<320x128xf32, #tpu.memory_space<vmem>>, vector<1x16xf32>,
          %swap3A_429 = vector.shape_cast %swap3A_428 : vector<1x16xf32> to vector<16xf32>
          %swap3A_430 = vector.shape_cast %max3A_425 : vector<16xf32> to vector<1x16xf32>
          tpu.vector_store %arg8[%swap3A_426, %swap3A_427], %swap3A_430 {strides = array<i32>} : memref<320x128xf32, #tpu.memory_space<vmem>>, vector<1x16xf32>,
          %get3A_431 = arith.index_cast %while3A_260 : i32 to index
          %get3A_432 = arith.constant 112 : index
          %get3A_433 = tpu.vector_load %arg17[%get3A_431, %get3A_432] {strides = array<i32>} : memref<128x128xf32, #tpu.memory_space<vmem>>, vector<1x16xf32>,
          %get3A_434 = vector.shape_cast %get3A_433 : vector<1x16xf32> to vector<16xf32>
          %get3A_435 = arith.index_cast %sub3A_263 : i32 to index
          %get3A_436 = arith.constant 112 : index
          %get3A_437 = tpu.vector_load %arg7[%get3A_435, %get3A_436] {strides = array<i32>} : memref<320x128xf32, #tpu.memory_space<vmem>>, vector<1x16xf32>,
          %get3A_438 = vector.shape_cast %get3A_437 : vector<1x16xf32> to vector<16xf32>
          %add3A_439 = arith.addf %get3A_438, %get3A_434 : vector<16xf32>
          %swap3A_440 = arith.index_cast %sub3A_263 : i32 to index
          %swap3A_441 = arith.constant 112 : index
          %swap3A_442 = tpu.vector_load %arg7[%swap3A_440, %swap3A_441] {strides = array<i32>} : memref<320x128xf32, #tpu.memory_space<vmem>>, vector<1x16xf32>,
          %swap3A_443 = vector.shape_cast %swap3A_442 : vector<1x16xf32> to vector<16xf32>
          %swap3A_444 = vector.shape_cast %add3A_439 : vector<16xf32> to vector<1x16xf32>
          tpu.vector_store %arg7[%swap3A_440, %swap3A_441], %swap3A_444 {strides = array<i32>} : memref<320x128xf32, #tpu.memory_space<vmem>>, vector<1x16xf32>,
          %get3A_445 = arith.index_cast %sub3A_263 : i32 to index
          %get3A_446 = arith.constant 112 : index
          %get3A_447 = tpu.vector_load %arg8[%get3A_445, %get3A_446] {strides = array<i32>} : memref<320x128xf32, #tpu.memory_space<vmem>>, vector<1x16xf32>,
          %get3A_448 = vector.shape_cast %get3A_447 : vector<1x16xf32> to vector<16xf32>
          %max3A_449 = arith.maximumf %get3A_448, %get3A_434 : vector<16xf32>
          %swap3A_450 = arith.index_cast %sub3A_263 : i32 to index
          %swap3A_451 = arith.constant 112 : index
          %swap3A_452 = tpu.vector_load %arg8[%swap3A_450, %swap3A_451] {strides = array<i32>} : memref<320x128xf32, #tpu.memory_space<vmem>>, vector<1x16xf32>,
          %swap3A_453 = vector.shape_cast %swap3A_452 : vector<1x16xf32> to vector<16xf32>
          %swap3A_454 = vector.shape_cast %max3A_449 : vector<16xf32> to vector<1x16xf32>
          tpu.vector_store %arg8[%swap3A_450, %swap3A_451], %swap3A_454 {strides = array<i32>} : memref<320x128xf32, #tpu.memory_space<vmem>>, vector<1x16xf32>,
          %get3A_455 = arith.index_cast %sub3A_263 : i32 to index
          %get3A_456 = tpu.vector_load %arg9[%get3A_455] {strides = array<i32>} : memref<336xf32, #tpu.memory_space<vmem>>, vector<16xf32>,
          %get3A_457 = vector.shape_cast %get3A_456 : vector<16xf32> to vector<16xf32>
          %add3A_458 = arith.addf %get3A_457, %select_n3A : vector<16xf32>
          %swap3A_459 = arith.index_cast %sub3A_263 : i32 to index
          %swap3A_460 = tpu.vector_load %arg9[%swap3A_459] {strides = array<i32>} : memref<336xf32, #tpu.memory_space<vmem>>, vector<16xf32>,
          %swap3A_461 = vector.shape_cast %swap3A_460 : vector<16xf32> to vector<16xf32>
          %swap3A_462 = vector.shape_cast %add3A_458 : vector<16xf32> to vector<16xf32>
          tpu.vector_store %arg9[%swap3A_459], %swap3A_462 {strides = array<i32>} : memref<336xf32, #tpu.memory_space<vmem>>, vector<16xf32>,
        }
        %while3A_259 = arith.constant 1 : i32
        scf.for %while3A_260 = %while3A_257 to %while3A_253 step %while3A_259  : i32 {
          %get3A = arith.index_cast %while3A_260 : i32 to index
          %get3A_261 = tpu.vector_load %arg15[%get3A] {strides = array<i32>} : memref<144xi32, #tpu.memory_space<vmem>>, vector<16xi32>,
          %get3A_262 = vector.shape_cast %get3A_261 : vector<16xi32> to vector<16xi32>
          %slice3A = vector.extract_strided_slice %get3A_262 {offsets = [0], sizes = [1], strides = [1]} : vector<16xi32> to vector<1xi32>
          %squeeze3A = vector.extract %slice3A[0] : i32 from vector<1xi32>
          %sub3A_263 = arith.subi %squeeze3A, %mul3A_2 : i32
          %get3A_264 = arith.index_cast %while3A_260 : i32 to index
          %get3A_265 = arith.constant 0 : index
          %get3A_266 = tpu.vector_load %arg17[%get3A_264, %get3A_265] {strides = array<i32>} : memref<128x128xf32, #tpu.memory_space<vmem>>, vector<1x16xf32>,
          %get3A_267 = vector.shape_cast %get3A_266 : vector<1x16xf32> to vector<16xf32>
          %get3A_268 = arith.index_cast %sub3A_263 : i32 to index
          %get3A_269 = arith.constant 0 : index
          %get3A_270 = tpu.vector_load %arg7[%get3A_268, %get3A_269] {strides = array<i32>} : memref<320x128xf32, #tpu.memory_space<vmem>>, vector<1x16xf32>,
          %get3A_271 = vector.shape_cast %get3A_270 : vector<1x16xf32> to vector<16xf32>
          %add3A_272 = arith.addf %get3A_271, %get3A_267 : vector<16xf32>
          %swap3A = arith.index_cast %sub3A_263 : i32 to index
          %swap3A_273 = arith.constant 0 : index
          %swap3A_274 = tpu.vector_load %arg7[%swap3A, %swap3A_273] {strides = array<i32>} : memref<320x128xf32, #tpu.memory_space<vmem>>, vector<1x16xf32>,
          %swap3A_275 = vector.shape_cast %swap3A_274 : vector<1x16xf32> to vector<16xf32>
          %swap3A_276 = vector.shape_cast %add3A_272 : vector<16xf32> to vector<1x16xf32>
          tpu.vector_store %arg7[%swap3A, %swap3A_273], %swap3A_276 {strides = array<i32>} : memref<320x128xf32, #tpu.memory_space<vmem>>, vector<1x16xf32>,
          %get3A_277 = arith.index_cast %sub3A_263 : i32 to index
          %get3A_278 = arith.constant 0 : index
          %get3A_279 = tpu.vector_load %arg8[%get3A_277, %get3A_278] {strides = array<i32>} : memref<320x128xf32, #tpu.memory_space<vmem>>, vector<1x16xf32>,
          %get3A_280 = vector.shape_cast %get3A_279 : vector<1x16xf32> to vector<16xf32>
          %max3A_281 = arith.maximumf %get3A_280, %get3A_267 : vector<16xf32>
          %swap3A_282 = arith.index_cast %sub3A_263 : i32 to index
          %swap3A_283 = arith.constant 0 : index
          %swap3A_284 = tpu.vector_load %arg8[%swap3A_282, %swap3A_283] {strides = array<i32>} : memref<320x128xf32, #tpu.memory_space<vmem>>, vector<1x16xf32>,
          %swap3A_285 = vector.shape_cast %swap3A_284 : vector<1x16xf32> to vector<16xf32>
          %swap3A_286 = vector.shape_cast %max3A_281 : vector<16xf32> to vector<1x16xf32>
          tpu.vector_store %arg8[%swap3A_282, %swap3A_283], %swap3A_286 {strides = array<i32>} : memref<320x128xf32, #tpu.memory_space<vmem>>, vector<1x16xf32>,
          %get3A_287 = arith.index_cast %while3A_260 : i32 to index
          %get3A_288 = arith.constant 16 : index
          %get3A_289 = tpu.vector_load %arg17[%get3A_287, %get3A_288] {strides = array<i32>} : memref<128x128xf32, #tpu.memory_space<vmem>>, vector<1x16xf32>,
          %get3A_290 = vector.shape_cast %get3A_289 : vector<1x16xf32> to vector<16xf32>
          %get3A_291 = arith.index_cast %sub3A_263 : i32 to index
          %get3A_292 = arith.constant 16 : index
          %get3A_293 = tpu.vector_load %arg7[%get3A_291, %get3A_292] {strides = array<i32>} : memref<320x128xf32, #tpu.memory_space<vmem>>, vector<1x16xf32>,
          %get3A_294 = vector.shape_cast %get3A_293 : vector<1x16xf32> to vector<16xf32>
          %add3A_295 = arith.addf %get3A_294, %get3A_290 : vector<16xf32>
          %swap3A_296 = arith.index_cast %sub3A_263 : i32 to index
          %swap3A_297 = arith.constant 16 : index
          %swap3A_298 = tpu.vector_load %arg7[%swap3A_296, %swap3A_297] {strides = array<i32>} : memref<320x128xf32, #tpu.memory_space<vmem>>, vector<1x16xf32>,
          %swap3A_299 = vector.shape_cast %swap3A_298 : vector<1x16xf32> to vector<16xf32>
          %swap3A_300 = vector.shape_cast %add3A_295 : vector<16xf32> to vector<1x16xf32>
          tpu.vector_store %arg7[%swap3A_296, %swap3A_297], %swap3A_300 {strides = array<i32>} : memref<320x128xf32, #tpu.memory_space<vmem>>, vector<1x16xf32>,
          %get3A_301 = arith.index_cast %sub3A_263 : i32 to index
          %get3A_302 = arith.constant 16 : index
          %get3A_303 = tpu.vector_load %arg8[%get3A_301, %get3A_302] {strides = array<i32>} : memref<320x128xf32, #tpu.memory_space<vmem>>, vector<1x16xf32>,
          %get3A_304 = vector.shape_cast %get3A_303 : vector<1x16xf32> to vector<16xf32>
          %max3A_305 = arith.maximumf %get3A_304, %get3A_290 : vector<16xf32>
          %swap3A_306 = arith.index_cast %sub3A_263 : i32 to index
          %swap3A_307 = arith.constant 16 : index
          %swap3A_308 = tpu.vector_load %arg8[%swap3A_306, %swap3A_307] {strides = array<i32>} : memref<320x128xf32, #tpu.memory_space<vmem>>, vector<1x16xf32>,
          %swap3A_309 = vector.shape_cast %swap3A_308 : vector<1x16xf32> to vector<16xf32>
          %swap3A_310 = vector.shape_cast %max3A_305 : vector<16xf32> to vector<1x16xf32>
          tpu.vector_store %arg8[%swap3A_306, %swap3A_307], %swap3A_310 {strides = array<i32>} : memref<320x128xf32, #tpu.memory_space<vmem>>, vector<1x16xf32>,
          %get3A_311 = arith.index_cast %while3A_260 : i32 to index
          %get3A_312 = arith.constant 32 : index
          %get3A_313 = tpu.vector_load %arg17[%get3A_311, %get3A_312] {strides = array<i32>} : memref<128x128xf32, #tpu.memory_space<vmem>>, vector<1x16xf32>,
          %get3A_314 = vector.shape_cast %get3A_313 : vector<1x16xf32> to vector<16xf32>
          %get3A_315 = arith.index_cast %sub3A_263 : i32 to index
          %get3A_316 = arith.constant 32 : index
          %get3A_317 = tpu.vector_load %arg7[%get3A_315, %get3A_316] {strides = array<i32>} : memref<320x128xf32, #tpu.memory_space<vmem>>, vector<1x16xf32>,
          %get3A_318 = vector.shape_cast %get3A_317 : vector<1x16xf32> to vector<16xf32>
          %add3A_319 = arith.addf %get3A_318, %get3A_314 : vector<16xf32>
          %swap3A_320 = arith.index_cast %sub3A_263 : i32 to index
          %swap3A_321 = arith.constant 32 : index
          %swap3A_322 = tpu.vector_load %arg7[%swap3A_320, %swap3A_321] {strides = array<i32>} : memref<320x128xf32, #tpu.memory_space<vmem>>, vector<1x16xf32>,
          %swap3A_323 = vector.shape_cast %swap3A_322 : vector<1x16xf32> to vector<16xf32>
          %swap3A_324 = vector.shape_cast %add3A_319 : vector<16xf32> to vector<1x16xf32>
          tpu.vector_store %arg7[%swap3A_320, %swap3A_321], %swap3A_324 {strides = array<i32>} : memref<320x128xf32, #tpu.memory_space<vmem>>, vector<1x16xf32>,
          %get3A_325 = arith.index_cast %sub3A_263 : i32 to index
          %get3A_326 = arith.constant 32 : index
          %get3A_327 = tpu.vector_load %arg8[%get3A_325, %get3A_326] {strides = array<i32>} : memref<320x128xf32, #tpu.memory_space<vmem>>, vector<1x16xf32>,
          %get3A_328 = vector.shape_cast %get3A_327 : vector<1x16xf32> to vector<16xf32>
          %max3A_329 = arith.maximumf %get3A_328, %get3A_314 : vector<16xf32>
          %swap3A_330 = arith.index_cast %sub3A_263 : i32 to index
          %swap3A_331 = arith.constant 32 : index
          %swap3A_332 = tpu.vector_load %arg8[%swap3A_330, %swap3A_331] {strides = array<i32>} : memref<320x128xf32, #tpu.memory_space<vmem>>, vector<1x16xf32>,
          %swap3A_333 = vector.shape_cast %swap3A_332 : vector<1x16xf32> to vector<16xf32>
          %swap3A_334 = vector.shape_cast %max3A_329 : vector<16xf32> to vector<1x16xf32>
          tpu.vector_store %arg8[%swap3A_330, %swap3A_331], %swap3A_334 {strides = array<i32>} : memref<320x128xf32, #tpu.memory_space<vmem>>, vector<1x16xf32>,
          %get3A_335 = arith.index_cast %while3A_260 : i32 to index
          %get3A_336 = arith.constant 48 : index
          %get3A_337 = tpu.vector_load %arg17[%get3A_335, %get3A_336] {strides = array<i32>} : memref<128x128xf32, #tpu.memory_space<vmem>>, vector<1x16xf32>,
          %get3A_338 = vector.shape_cast %get3A_337 : vector<1x16xf32> to vector<16xf32>
          %get3A_339 = arith.index_cast %sub3A_263 : i32 to index
          %get3A_340 = arith.constant 48 : index
          %get3A_341 = tpu.vector_load %arg7[%get3A_339, %get3A_340] {strides = array<i32>} : memref<320x128xf32, #tpu.memory_space<vmem>>, vector<1x16xf32>,
          %get3A_342 = vector.shape_cast %get3A_341 : vector<1x16xf32> to vector<16xf32>
          %add3A_343 = arith.addf %get3A_342, %get3A_338 : vector<16xf32>
          %swap3A_344 = arith.index_cast %sub3A_263 : i32 to index
          %swap3A_345 = arith.constant 48 : index
          %swap3A_346 = tpu.vector_load %arg7[%swap3A_344, %swap3A_345] {strides = array<i32>} : memref<320x128xf32, #tpu.memory_space<vmem>>, vector<1x16xf32>,
          %swap3A_347 = vector.shape_cast %swap3A_346 : vector<1x16xf32> to vector<16xf32>
          %swap3A_348 = vector.shape_cast %add3A_343 : vector<16xf32> to vector<1x16xf32>
          tpu.vector_store %arg7[%swap3A_344, %swap3A_345], %swap3A_348 {strides = array<i32>} : memref<320x128xf32, #tpu.memory_space<vmem>>, vector<1x16xf32>,
          %get3A_349 = arith.index_cast %sub3A_263 : i32 to index
          %get3A_350 = arith.constant 48 : index
          %get3A_351 = tpu.vector_load %arg8[%get3A_349, %get3A_350] {strides = array<i32>} : memref<320x128xf32, #tpu.memory_space<vmem>>, vector<1x16xf32>,
          %get3A_352 = vector.shape_cast %get3A_351 : vector<1x16xf32> to vector<16xf32>
          %max3A_353 = arith.maximumf %get3A_352, %get3A_338 : vector<16xf32>
          %swap3A_354 = arith.index_cast %sub3A_263 : i32 to index
          %swap3A_355 = arith.constant 48 : index
          %swap3A_356 = tpu.vector_load %arg8[%swap3A_354, %swap3A_355] {strides = array<i32>} : memref<320x128xf32, #tpu.memory_space<vmem>>, vector<1x16xf32>,
          %swap3A_357 = vector.shape_cast %swap3A_356 : vector<1x16xf32> to vector<16xf32>
          %swap3A_358 = vector.shape_cast %max3A_353 : vector<16xf32> to vector<1x16xf32>
          tpu.vector_store %arg8[%swap3A_354, %swap3A_355], %swap3A_358 {strides = array<i32>} : memref<320x128xf32, #tpu.memory_space<vmem>>, vector<1x16xf32>,
          %get3A_359 = arith.index_cast %while3A_260 : i32 to index
          %get3A_360 = arith.constant 64 : index
          %get3A_361 = tpu.vector_load %arg17[%get3A_359, %get3A_360] {strides = array<i32>} : memref<128x128xf32, #tpu.memory_space<vmem>>, vector<1x16xf32>,
          %get3A_362 = vector.shape_cast %get3A_361 : vector<1x16xf32> to vector<16xf32>
          %get3A_363 = arith.index_cast %sub3A_263 : i32 to index
          %get3A_364 = arith.constant 64 : index
          %get3A_365 = tpu.vector_load %arg7[%get3A_363, %get3A_364] {strides = array<i32>} : memref<320x128xf32, #tpu.memory_space<vmem>>, vector<1x16xf32>,
          %get3A_366 = vector.shape_cast %get3A_365 : vector<1x16xf32> to vector<16xf32>
          %add3A_367 = arith.addf %get3A_366, %get3A_362 : vector<16xf32>
          %swap3A_368 = arith.index_cast %sub3A_263 : i32 to index
          %swap3A_369 = arith.constant 64 : index
          %swap3A_370 = tpu.vector_load %arg7[%swap3A_368, %swap3A_369] {strides = array<i32>} : memref<320x128xf32, #tpu.memory_space<vmem>>, vector<1x16xf32>,
          %swap3A_371 = vector.shape_cast %swap3A_370 : vector<1x16xf32> to vector<16xf32>
          %swap3A_372 = vector.shape_cast %add3A_367 : vector<16xf32> to vector<1x16xf32>
          tpu.vector_store %arg7[%swap3A_368, %swap3A_369], %swap3A_372 {strides = array<i32>} : memref<320x128xf32, #tpu.memory_space<vmem>>, vector<1x16xf32>,
          %get3A_373 = arith.index_cast %sub3A_263 : i32 to index
          %get3A_374 = arith.constant 64 : index
          %get3A_375 = tpu.vector_load %arg8[%get3A_373, %get3A_374] {strides = array<i32>} : memref<320x128xf32, #tpu.memory_space<vmem>>, vector<1x16xf32>,
          %get3A_376 = vector.shape_cast %get3A_375 : vector<1x16xf32> to vector<16xf32>
          %max3A_377 = arith.maximumf %get3A_376, %get3A_362 : vector<16xf32>
          %swap3A_378 = arith.index_cast %sub3A_263 : i32 to index
          %swap3A_379 = arith.constant 64 : index
          %swap3A_380 = tpu.vector_load %arg8[%swap3A_378, %swap3A_379] {strides = array<i32>} : memref<320x128xf32, #tpu.memory_space<vmem>>, vector<1x16xf32>,
          %swap3A_381 = vector.shape_cast %swap3A_380 : vector<1x16xf32> to vector<16xf32>
          %swap3A_382 = vector.shape_cast %max3A_377 : vector<16xf32> to vector<1x16xf32>
          tpu.vector_store %arg8[%swap3A_378, %swap3A_379], %swap3A_382 {strides = array<i32>} : memref<320x128xf32, #tpu.memory_space<vmem>>, vector<1x16xf32>,
          %get3A_383 = arith.index_cast %while3A_260 : i32 to index
          %get3A_384 = arith.constant 80 : index
          %get3A_385 = tpu.vector_load %arg17[%get3A_383, %get3A_384] {strides = array<i32>} : memref<128x128xf32, #tpu.memory_space<vmem>>, vector<1x16xf32>,
          %get3A_386 = vector.shape_cast %get3A_385 : vector<1x16xf32> to vector<16xf32>
          %get3A_387 = arith.index_cast %sub3A_263 : i32 to index
          %get3A_388 = arith.constant 80 : index
          %get3A_389 = tpu.vector_load %arg7[%get3A_387, %get3A_388] {strides = array<i32>} : memref<320x128xf32, #tpu.memory_space<vmem>>, vector<1x16xf32>,
          %get3A_390 = vector.shape_cast %get3A_389 : vector<1x16xf32> to vector<16xf32>
          %add3A_391 = arith.addf %get3A_390, %get3A_386 : vector<16xf32>
          %swap3A_392 = arith.index_cast %sub3A_263 : i32 to index
          %swap3A_393 = arith.constant 80 : index
          %swap3A_394 = tpu.vector_load %arg7[%swap3A_392, %swap3A_393] {strides = array<i32>} : memref<320x128xf32, #tpu.memory_space<vmem>>, vector<1x16xf32>,
          %swap3A_395 = vector.shape_cast %swap3A_394 : vector<1x16xf32> to vector<16xf32>
          %swap3A_396 = vector.shape_cast %add3A_391 : vector<16xf32> to vector<1x16xf32>
          tpu.vector_store %arg7[%swap3A_392, %swap3A_393], %swap3A_396 {strides = array<i32>} : memref<320x128xf32, #tpu.memory_space<vmem>>, vector<1x16xf32>,
          %get3A_397 = arith.index_cast %sub3A_263 : i32 to index
          %get3A_398 = arith.constant 80 : index
          %get3A_399 = tpu.vector_load %arg8[%get3A_397, %get3A_398] {strides = array<i32>} : memref<320x128xf32, #tpu.memory_space<vmem>>, vector<1x16xf32>,
          %get3A_400 = vector.shape_cast %get3A_399 : vector<1x16xf32> to vector<16xf32>
          %max3A_401 = arith.maximumf %get3A_400, %get3A_386 : vector<16xf32>
          %swap3A_402 = arith.index_cast %sub3A_263 : i32 to index
          %swap3A_403 = arith.constant 80 : index
          %swap3A_404 = tpu.vector_load %arg8[%swap3A_402, %swap3A_403] {strides = array<i32>} : memref<320x128xf32, #tpu.memory_space<vmem>>, vector<1x16xf32>,
          %swap3A_405 = vector.shape_cast %swap3A_404 : vector<1x16xf32> to vector<16xf32>
          %swap3A_406 = vector.shape_cast %max3A_401 : vector<16xf32> to vector<1x16xf32>
          tpu.vector_store %arg8[%swap3A_402, %swap3A_403], %swap3A_406 {strides = array<i32>} : memref<320x128xf32, #tpu.memory_space<vmem>>, vector<1x16xf32>,
          %get3A_407 = arith.index_cast %while3A_260 : i32 to index
          %get3A_408 = arith.constant 96 : index
          %get3A_409 = tpu.vector_load %arg17[%get3A_407, %get3A_408] {strides = array<i32>} : memref<128x128xf32, #tpu.memory_space<vmem>>, vector<1x16xf32>,
          %get3A_410 = vector.shape_cast %get3A_409 : vector<1x16xf32> to vector<16xf32>
          %get3A_411 = arith.index_cast %sub3A_263 : i32 to index
          %get3A_412 = arith.constant 96 : index
          %get3A_413 = tpu.vector_load %arg7[%get3A_411, %get3A_412] {strides = array<i32>} : memref<320x128xf32, #tpu.memory_space<vmem>>, vector<1x16xf32>,
          %get3A_414 = vector.shape_cast %get3A_413 : vector<1x16xf32> to vector<16xf32>
          %add3A_415 = arith.addf %get3A_414, %get3A_410 : vector<16xf32>
          %swap3A_416 = arith.index_cast %sub3A_263 : i32 to index
          %swap3A_417 = arith.constant 96 : index
          %swap3A_418 = tpu.vector_load %arg7[%swap3A_416, %swap3A_417] {strides = array<i32>} : memref<320x128xf32, #tpu.memory_space<vmem>>, vector<1x16xf32>,
          %swap3A_419 = vector.shape_cast %swap3A_418 : vector<1x16xf32> to vector<16xf32>
          %swap3A_420 = vector.shape_cast %add3A_415 : vector<16xf32> to vector<1x16xf32>
          tpu.vector_store %arg7[%swap3A_416, %swap3A_417], %swap3A_420 {strides = array<i32>} : memref<320x128xf32, #tpu.memory_space<vmem>>, vector<1x16xf32>,
          %get3A_421 = arith.index_cast %sub3A_263 : i32 to index
          %get3A_422 = arith.constant 96 : index
          %get3A_423 = tpu.vector_load %arg8[%get3A_421, %get3A_422] {strides = array<i32>} : memref<320x128xf32, #tpu.memory_space<vmem>>, vector<1x16xf32>,
          %get3A_424 = vector.shape_cast %get3A_423 : vector<1x16xf32> to vector<16xf32>
          %max3A_425 = arith.maximumf %get3A_424, %get3A_410 : vector<16xf32>
          %swap3A_426 = arith.index_cast %sub3A_263 : i32 to index
          %swap3A_427 = arith.constant 96 : index
          %swap3A_428 = tpu.vector_load %arg8[%swap3A_426, %swap3A_427] {strides = array<i32>} : memref<320x128xf32, #tpu.memory_space<vmem>>, vector<1x16xf32>,
          %swap3A_429 = vector.shape_cast %swap3A_428 : vector<1x16xf32> to vector<16xf32>
          %swap3A_430 = vector.shape_cast %max3A_425 : vector<16xf32> to vector<1x16xf32>
          tpu.vector_store %arg8[%swap3A_426, %swap3A_427], %swap3A_430 {strides = array<i32>} : memref<320x128xf32, #tpu.memory_space<vmem>>, vector<1x16xf32>,
          %get3A_431 = arith.index_cast %while3A_260 : i32 to index
          %get3A_432 = arith.constant 112 : index
          %get3A_433 = tpu.vector_load %arg17[%get3A_431, %get3A_432] {strides = array<i32>} : memref<128x128xf32, #tpu.memory_space<vmem>>, vector<1x16xf32>,
          %get3A_434 = vector.shape_cast %get3A_433 : vector<1x16xf32> to vector<16xf32>
          %get3A_435 = arith.index_cast %sub3A_263 : i32 to index
          %get3A_436 = arith.constant 112 : index
          %get3A_437 = tpu.vector_load %arg7[%get3A_435, %get3A_436] {strides = array<i32>} : memref<320x128xf32, #tpu.memory_space<vmem>>, vector<1x16xf32>,
          %get3A_438 = vector.shape_cast %get3A_437 : vector<1x16xf32> to vector<16xf32>
          %add3A_439 = arith.addf %get3A_438, %get3A_434 : vector<16xf32>
          %swap3A_440 = arith.index_cast %sub3A_263 : i32 to index
          %swap3A_441 = arith.constant 112 : index
          %swap3A_442 = tpu.vector_load %arg7[%swap3A_440, %swap3A_441] {strides = array<i32>} : memref<320x128xf32, #tpu.memory_space<vmem>>, vector<1x16xf32>,
          %swap3A_443 = vector.shape_cast %swap3A_442 : vector<1x16xf32> to vector<16xf32>
          %swap3A_444 = vector.shape_cast %add3A_439 : vector<16xf32> to vector<1x16xf32>
          tpu.vector_store %arg7[%swap3A_440, %swap3A_441], %swap3A_444 {strides = array<i32>} : memref<320x128xf32, #tpu.memory_space<vmem>>, vector<1x16xf32>,
          %get3A_445 = arith.index_cast %sub3A_263 : i32 to index
          %get3A_446 = arith.constant 112 : index
          %get3A_447 = tpu.vector_load %arg8[%get3A_445, %get3A_446] {strides = array<i32>} : memref<320x128xf32, #tpu.memory_space<vmem>>, vector<1x16xf32>,
          %get3A_448 = vector.shape_cast %get3A_447 : vector<1x16xf32> to vector<16xf32>
          %max3A_449 = arith.maximumf %get3A_448, %get3A_434 : vector<16xf32>
          %swap3A_450 = arith.index_cast %sub3A_263 : i32 to index
          %swap3A_451 = arith.constant 112 : index
          %swap3A_452 = tpu.vector_load %arg8[%swap3A_450, %swap3A_451] {strides = array<i32>} : memref<320x128xf32, #tpu.memory_space<vmem>>, vector<1x16xf32>,
          %swap3A_453 = vector.shape_cast %swap3A_452 : vector<1x16xf32> to vector<16xf32>
          %swap3A_454 = vector.shape_cast %max3A_449 : vector<16xf32> to vector<1x16xf32>
          tpu.vector_store %arg8[%swap3A_450, %swap3A_451], %swap3A_454 {strides = array<i32>} : memref<320x128xf32, #tpu.memory_space<vmem>>, vector<1x16xf32>,
          %get3A_455 = arith.index_cast %sub3A_263 : i32 to index
          %get3A_456 = tpu.vector_load %arg9[%get3A_455] {strides = array<i32>} : memref<336xf32, #tpu.memory_space<vmem>>, vector<16xf32>,
          %get3A_457 = vector.shape_cast %get3A_456 : vector<16xf32> to vector<16xf32>
          %add3A_458 = arith.addf %get3A_457, %select_n3A : vector<16xf32>
          %swap3A_459 = arith.index_cast %sub3A_263 : i32 to index
          %swap3A_460 = tpu.vector_load %arg9[%swap3A_459] {strides = array<i32>} : memref<336xf32, #tpu.memory_space<vmem>>, vector<16xf32>,
          %swap3A_461 = vector.shape_cast %swap3A_460 : vector<16xf32> to vector<16xf32>
          %swap3A_462 = vector.shape_cast %add3A_458 : vector<16xf32> to vector<16xf32>
          tpu.vector_store %arg9[%swap3A_459], %swap3A_462 {strides = array<i32>} : memref<336xf32, #tpu.memory_space<vmem>>, vector<16xf32>,
        }
      }
    }
    %scan3A_35 = arith.constant 50 : i32
    "tpu.region"() ({
      %run_scoped3A = tpu.sem_alloc : memref<!tpu.dma_semaphore, #tpu.memory_space<semaphore_mem>>
      %dma_start3A = arith.constant 0 : i32
      %dma_start3A_36 = tpu.memref_slice %arg4[%mul3A_2, %dma_start3A] : memref<10240x128xf32, #tpu.memory_space<hbm>> -> memref<320x128xf32, #tpu.memory_space<hbm>>
      %dma_start3A_37 = arith.constant 0 : i32
      %dma_start3A_38 = tpu.memref_slice %arg4[%mul3A_2, %dma_start3A_37] : memref<10240x128xf32, #tpu.memory_space<hbm>> -> memref<320x128xf32, #tpu.memory_space<hbm>>
      tpu.enqueue_dma source(%arg7 : memref<320x128xf32, #tpu.memory_space<vmem>>) target(%dma_start3A_38 : memref<320x128xf32, #tpu.memory_space<hbm>>) target_semaphore(%run_scoped3A : memref<!tpu.dma_semaphore, #tpu.memory_space<semaphore_mem>>)
      %dma_wait3A = arith.constant 0 : i32
      %dma_wait3A_39 = tpu.memref_slice %arg4[%mul3A_2, %dma_wait3A] : memref<10240x128xf32, #tpu.memory_space<hbm>> -> memref<320x128xf32, #tpu.memory_space<hbm>>
      %dma_wait3A_40 = arith.constant 0 : i32
      %dma_wait3A_41 = tpu.memref_slice %arg4[%mul3A_2, %dma_wait3A_40] : memref<10240x128xf32, #tpu.memory_space<hbm>> -> memref<320x128xf32, #tpu.memory_space<hbm>>
      tpu.wait_dma2 semaphore(%run_scoped3A : memref<!tpu.dma_semaphore, #tpu.memory_space<semaphore_mem>>) src(%arg7 : memref<320x128xf32, #tpu.memory_space<vmem>>) dst(%dma_wait3A_41 : memref<320x128xf32, #tpu.memory_space<hbm>>)
      tpu.yield
    }) : () -> ()
    "tpu.region"() ({
      %run_scoped3A = tpu.sem_alloc : memref<!tpu.dma_semaphore, #tpu.memory_space<semaphore_mem>>
      %dma_start3A = arith.constant 0 : i32
      %dma_start3A_36 = tpu.memref_slice %arg5[%mul3A_2, %dma_start3A] : memref<10240x128xf32, #tpu.memory_space<hbm>> -> memref<320x128xf32, #tpu.memory_space<hbm>>
      %dma_start3A_37 = arith.constant 0 : i32
      %dma_start3A_38 = tpu.memref_slice %arg5[%mul3A_2, %dma_start3A_37] : memref<10240x128xf32, #tpu.memory_space<hbm>> -> memref<320x128xf32, #tpu.memory_space<hbm>>
      tpu.enqueue_dma source(%arg8 : memref<320x128xf32, #tpu.memory_space<vmem>>) target(%dma_start3A_38 : memref<320x128xf32, #tpu.memory_space<hbm>>) target_semaphore(%run_scoped3A : memref<!tpu.dma_semaphore, #tpu.memory_space<semaphore_mem>>)
      %dma_wait3A = arith.constant 0 : i32
      %dma_wait3A_39 = tpu.memref_slice %arg5[%mul3A_2, %dma_wait3A] : memref<10240x128xf32, #tpu.memory_space<hbm>> -> memref<320x128xf32, #tpu.memory_space<hbm>>
      %dma_wait3A_40 = arith.constant 0 : i32
      %dma_wait3A_41 = tpu.memref_slice %arg5[%mul3A_2, %dma_wait3A_40] : memref<10240x128xf32, #tpu.memory_space<hbm>> -> memref<320x128xf32, #tpu.memory_space<hbm>>
      tpu.wait_dma2 semaphore(%run_scoped3A : memref<!tpu.dma_semaphore, #tpu.memory_space<semaphore_mem>>) src(%arg8 : memref<320x128xf32, #tpu.memory_space<vmem>>) dst(%dma_wait3A_41 : memref<320x128xf32, #tpu.memory_space<hbm>>)
      tpu.yield
    }) : () -> ()
    "tpu.region"() ({
      %run_scoped3A = tpu.sem_alloc : memref<!tpu.dma_semaphore, #tpu.memory_space<semaphore_mem>>
      %dma_start3A = arith.constant 0 : i32
      %dma_start3A_36 = tpu.memref_slice %arg9[%dma_start3A] : memref<336xf32, #tpu.memory_space<vmem>> -> memref<320xf32, #tpu.memory_space<vmem>>
      %dma_start3A_37 = tpu.memref_slice %arg6[%mul3A_2] : memref<10240xf32, #tpu.memory_space<hbm>> -> memref<320xf32, #tpu.memory_space<hbm>>
      %dma_start3A_38 = tpu.memref_slice %arg6[%mul3A_2] : memref<10240xf32, #tpu.memory_space<hbm>> -> memref<320xf32, #tpu.memory_space<hbm>>
      %dma_start3A_39 = arith.constant 0 : i32
      %dma_start3A_40 = tpu.memref_slice %arg9[%dma_start3A_39] : memref<336xf32, #tpu.memory_space<vmem>> -> memref<320xf32, #tpu.memory_space<vmem>>
      tpu.enqueue_dma source(%dma_start3A_40 : memref<320xf32, #tpu.memory_space<vmem>>) target(%dma_start3A_38 : memref<320xf32, #tpu.memory_space<hbm>>) target_semaphore(%run_scoped3A : memref<!tpu.dma_semaphore, #tpu.memory_space<semaphore_mem>>)
      %dma_wait3A = arith.constant 0 : i32
      %dma_wait3A_41 = tpu.memref_slice %arg9[%dma_wait3A] : memref<336xf32, #tpu.memory_space<vmem>> -> memref<320xf32, #tpu.memory_space<vmem>>
      %dma_wait3A_42 = tpu.memref_slice %arg6[%mul3A_2] : memref<10240xf32, #tpu.memory_space<hbm>> -> memref<320xf32, #tpu.memory_space<hbm>>
      %dma_wait3A_43 = tpu.memref_slice %arg6[%mul3A_2] : memref<10240xf32, #tpu.memory_space<hbm>> -> memref<320xf32, #tpu.memory_space<hbm>>
      %dma_wait3A_44 = arith.constant 0 : i32
      %dma_wait3A_45 = tpu.memref_slice %arg9[%dma_wait3A_44] : memref<336xf32, #tpu.memory_space<vmem>> -> memref<320xf32, #tpu.memory_space<vmem>>
      tpu.wait_dma2 semaphore(%run_scoped3A : memref<!tpu.dma_semaphore, #tpu.memory_space<semaphore_mem>>) src(%dma_wait3A_45 : memref<320xf32, #tpu.memory_space<vmem>>) dst(%dma_wait3A_43 : memref<320xf32, #tpu.memory_space<hbm>>)
      tpu.yield
    }) : () -> ()
    return
  }
}

#map = affine_map<(d0, d1) -> (0, 0)>
#map1 = affine_map<(d0, d1) -> (0)>
module attributes {stable_mosaic.version = 14 : i64} {
  func.func @_sc_gather(%arg0: i32, %arg1: i32, %arg2: memref<10000x128xf32, #tpu.memory_space<hbm>>, %arg3: memref<10000x128xf32, #tpu.memory_space<hbm>>, %arg4: memref<64x128xf32, #tpu.memory_space<hbm>>, %arg5: memref<320000xi32, #tpu.memory_space<hbm>>, %arg6: memref<320000xi32, #tpu.memory_space<hbm>>, %arg7: memref<320000xi32, #tpu.memory_space<hbm>>, %arg8: memref<320000x128xf32, #tpu.memory_space<hbm>>, %arg9: memref<320000x128xf32, #tpu.memory_space<hbm>>, %arg10: memref<200xi32, #tpu.memory_space<vmem>>, %arg11: memref<200xi32, #tpu.memory_space<vmem>>, %arg12: memref<200xi32, #tpu.memory_space<vmem>>, %arg13: memref<200x128xf32, #tpu.memory_space<vmem>>, %arg14: memref<200x128xf32, #tpu.memory_space<vmem>>, %arg15: memref<200x128xf32, #tpu.memory_space<vmem>>, %arg16: memref<!tpu.dma_semaphore, #tpu.memory_space<semaphore_mem>>, %arg17: memref<!tpu.dma_semaphore, #tpu.memory_space<semaphore_mem>>, %arg18: memref<!tpu.dma_semaphore, #tpu.memory_space<semaphore_mem>>) attributes {dimension_semantics = [#tpu.dimension_semantics<core_parallel>, #tpu.dimension_semantics<subcore_parallel>], iteration_bounds = array<i64: 2, 16>, scalar_prefetch = 0 : i64, scratch_operands = 9 : i64, tpu.core_type = #tpu.core_type<sc_vector_subcore>, window_params = [{transform_indices = #map}, {transform_indices = #map}, {transform_indices = #map}, {transform_indices = #map1}, {transform_indices = #map1}, {transform_indices = #map1}, {transform_indices = #map}, {transform_indices = #map}]} {
    %mul3A = arith.constant 2 : i32
    %mul3A_0 = arith.muli %arg1, %mul3A : i32
    %add3A = arith.addi %mul3A_0, %arg0 : i32
    %mul3A_1 = arith.constant 10000 : i32
    %mul3A_2 = arith.muli %add3A, %mul3A_1 : i32
    %scan3A = arith.constant 0 : i32
    %scan3A_3 = arith.constant 0 : i32
    %scan3A_4 = arith.constant 50 : i32
    %scan3A_5 = arith.addi %scan3A_3, %scan3A_4 : i32
    %scan3A_6 = arith.constant 1 : i32
    scf.for %scan3A_8 = %scan3A_3 to %scan3A_5 step %scan3A_6  : i32 {
      %mul3A_9 = arith.constant 200 : i32
      %mul3A_10 = arith.muli %scan3A_8, %mul3A_9 : i32
      %add3A_11 = arith.addi %mul3A_2, %mul3A_10 : i32
      %dma_start3A = tpu.memref_slice %arg5[%add3A_11] : memref<320000xi32, #tpu.memory_space<hbm>> -> memref<200xi32, #tpu.memory_space<hbm>>
      %dma_start3A_12 = tpu.memref_slice %arg5[%add3A_11] : memref<320000xi32, #tpu.memory_space<hbm>> -> memref<200xi32, #tpu.memory_space<hbm>>
      tpu.enqueue_dma source(%dma_start3A_12 : memref<200xi32, #tpu.memory_space<hbm>>) target(%arg10 : memref<200xi32, #tpu.memory_space<vmem>>) target_semaphore(%arg16 : memref<!tpu.dma_semaphore, #tpu.memory_space<semaphore_mem>>)
      %dma_start3A_13 = tpu.memref_slice %arg7[%add3A_11] : memref<320000xi32, #tpu.memory_space<hbm>> -> memref<200xi32, #tpu.memory_space<hbm>>
      %dma_start3A_14 = tpu.memref_slice %arg7[%add3A_11] : memref<320000xi32, #tpu.memory_space<hbm>> -> memref<200xi32, #tpu.memory_space<hbm>>
      tpu.enqueue_dma source(%dma_start3A_14 : memref<200xi32, #tpu.memory_space<hbm>>) target(%arg11 : memref<200xi32, #tpu.memory_space<vmem>>) target_semaphore(%arg17 : memref<!tpu.dma_semaphore, #tpu.memory_space<semaphore_mem>>)
      %dma_start3A_15 = tpu.memref_slice %arg6[%add3A_11] : memref<320000xi32, #tpu.memory_space<hbm>> -> memref<200xi32, #tpu.memory_space<hbm>>
      %dma_start3A_16 = tpu.memref_slice %arg6[%add3A_11] : memref<320000xi32, #tpu.memory_space<hbm>> -> memref<200xi32, #tpu.memory_space<hbm>>
      tpu.enqueue_dma source(%dma_start3A_16 : memref<200xi32, #tpu.memory_space<hbm>>) target(%arg12 : memref<200xi32, #tpu.memory_space<vmem>>) target_semaphore(%arg18 : memref<!tpu.dma_semaphore, #tpu.memory_space<semaphore_mem>>)
      %dma_wait3A = tpu.memref_slice %arg5[%add3A_11] : memref<320000xi32, #tpu.memory_space<hbm>> -> memref<200xi32, #tpu.memory_space<hbm>>
      %dma_wait3A_17 = tpu.memref_slice %arg5[%add3A_11] : memref<320000xi32, #tpu.memory_space<hbm>> -> memref<200xi32, #tpu.memory_space<hbm>>
      tpu.wait_dma2 semaphore(%arg16 : memref<!tpu.dma_semaphore, #tpu.memory_space<semaphore_mem>>) src(%dma_wait3A_17 : memref<200xi32, #tpu.memory_space<hbm>>) dst(%arg10 : memref<200xi32, #tpu.memory_space<vmem>>)
      %dma_start3A_18 = arith.constant 0 : i32
      %dma_start3A_19 = arith.constant 0 : i32
      %dma_start3A_20 = tpu.memref_slice %arg2[%dma_start3A_18, %dma_start3A_19] : memref<10000x128xf32, #tpu.memory_space<hbm>> -> memref<10000x128xf32, #tpu.memory_space<hbm>>
      tpu.enqueue_indirect_dma source(%dma_start3A_20 : memref<10000x128xf32, #tpu.memory_space<hbm>>) target(%arg13 : memref<200x128xf32, #tpu.memory_space<vmem>>) offsets(%arg10 : memref<200xi32, #tpu.memory_space<vmem>>) semaphore(%arg16 : memref<!tpu.dma_semaphore, #tpu.memory_space<semaphore_mem>>)
      %dma_wait3A_21 = tpu.memref_slice %arg7[%add3A_11] : memref<320000xi32, #tpu.memory_space<hbm>> -> memref<200xi32, #tpu.memory_space<hbm>>
      %dma_wait3A_22 = tpu.memref_slice %arg7[%add3A_11] : memref<320000xi32, #tpu.memory_space<hbm>> -> memref<200xi32, #tpu.memory_space<hbm>>
      tpu.wait_dma2 semaphore(%arg17 : memref<!tpu.dma_semaphore, #tpu.memory_space<semaphore_mem>>) src(%dma_wait3A_22 : memref<200xi32, #tpu.memory_space<hbm>>) dst(%arg11 : memref<200xi32, #tpu.memory_space<vmem>>)
      %dma_start3A_23 = arith.constant 0 : i32
      %dma_start3A_24 = arith.constant 0 : i32
      %dma_start3A_25 = tpu.memref_slice %arg4[%dma_start3A_23, %dma_start3A_24] : memref<64x128xf32, #tpu.memory_space<hbm>> -> memref<64x128xf32, #tpu.memory_space<hbm>>
      tpu.enqueue_indirect_dma source(%dma_start3A_25 : memref<64x128xf32, #tpu.memory_space<hbm>>) target(%arg14 : memref<200x128xf32, #tpu.memory_space<vmem>>) offsets(%arg11 : memref<200xi32, #tpu.memory_space<vmem>>) semaphore(%arg17 : memref<!tpu.dma_semaphore, #tpu.memory_space<semaphore_mem>>)
      %dma_wait3A_26 = tpu.memref_slice %arg6[%add3A_11] : memref<320000xi32, #tpu.memory_space<hbm>> -> memref<200xi32, #tpu.memory_space<hbm>>
      %dma_wait3A_27 = tpu.memref_slice %arg6[%add3A_11] : memref<320000xi32, #tpu.memory_space<hbm>> -> memref<200xi32, #tpu.memory_space<hbm>>
      tpu.wait_dma2 semaphore(%arg18 : memref<!tpu.dma_semaphore, #tpu.memory_space<semaphore_mem>>) src(%dma_wait3A_27 : memref<200xi32, #tpu.memory_space<hbm>>) dst(%arg12 : memref<200xi32, #tpu.memory_space<vmem>>)
      %dma_start3A_28 = arith.constant 0 : i32
      %dma_start3A_29 = arith.constant 0 : i32
      %dma_start3A_30 = tpu.memref_slice %arg3[%dma_start3A_28, %dma_start3A_29] : memref<10000x128xf32, #tpu.memory_space<hbm>> -> memref<10000x128xf32, #tpu.memory_space<hbm>>
      tpu.enqueue_indirect_dma source(%dma_start3A_30 : memref<10000x128xf32, #tpu.memory_space<hbm>>) target(%arg15 : memref<200x128xf32, #tpu.memory_space<vmem>>) offsets(%arg12 : memref<200xi32, #tpu.memory_space<vmem>>) semaphore(%arg18 : memref<!tpu.dma_semaphore, #tpu.memory_space<semaphore_mem>>)
      %dma_wait3A_31 = arith.constant 0 : i32
      %dma_wait3A_32 = arith.constant 0 : i32
      %dma_wait3A_33 = tpu.memref_slice %arg2[%dma_wait3A_31, %dma_wait3A_32] : memref<10000x128xf32, #tpu.memory_space<hbm>> -> memref<10000x128xf32, #tpu.memory_space<hbm>>
      tpu.wait_indirect_dma semaphore(%arg16 : memref<!tpu.dma_semaphore, #tpu.memory_space<semaphore_mem>>) src(%dma_wait3A_33 : memref<10000x128xf32, #tpu.memory_space<hbm>>) dst(%arg13 : memref<200x128xf32, #tpu.memory_space<vmem>>)
      %dma_wait3A_34 = arith.constant 0 : i32
      %dma_wait3A_35 = arith.constant 0 : i32
      %dma_wait3A_36 = tpu.memref_slice %arg4[%dma_wait3A_34, %dma_wait3A_35] : memref<64x128xf32, #tpu.memory_space<hbm>> -> memref<64x128xf32, #tpu.memory_space<hbm>>
      tpu.wait_indirect_dma semaphore(%arg17 : memref<!tpu.dma_semaphore, #tpu.memory_space<semaphore_mem>>) src(%dma_wait3A_36 : memref<64x128xf32, #tpu.memory_space<hbm>>) dst(%arg14 : memref<200x128xf32, #tpu.memory_space<vmem>>)
      %scan3A_37 = arith.constant 0 : i32
      %scan3A_38 = arith.constant 0 : i32
      %scan3A_39 = arith.constant 200 : i32
      %scan3A_40 = arith.addi %scan3A_38, %scan3A_39 : i32
      %scan3A_41 = arith.constant 1 : i32
      scf.for %scan3A_46 = %scan3A_38 to %scan3A_40 step %scan3A_41  : i32 {
        %get3A = arith.index_cast %scan3A_46 : i32 to index
        %get3A_47 = arith.constant 0 : index
        %get3A_48 = tpu.vector_load %arg13[%get3A, %get3A_47] {strides = array<i32>} : memref<200x128xf32, #tpu.memory_space<vmem>>, vector<1x16xf32>,
        %get3A_49 = vector.shape_cast %get3A_48 : vector<1x16xf32> to vector<16xf32>
        %get3A_50 = arith.index_cast %scan3A_46 : i32 to index
        %get3A_51 = arith.constant 0 : index
        %get3A_52 = tpu.vector_load %arg14[%get3A_50, %get3A_51] {strides = array<i32>} : memref<200x128xf32, #tpu.memory_space<vmem>>, vector<1x16xf32>,
        %get3A_53 = vector.shape_cast %get3A_52 : vector<1x16xf32> to vector<16xf32>
        %mul3A_54 = arith.mulf %get3A_49, %get3A_53 : vector<16xf32>
        %swap3A = arith.index_cast %scan3A_46 : i32 to index
        %swap3A_55 = arith.constant 0 : index
        %swap3A_56 = tpu.vector_load %arg13[%swap3A, %swap3A_55] {strides = array<i32>} : memref<200x128xf32, #tpu.memory_space<vmem>>, vector<1x16xf32>,
        %swap3A_57 = vector.shape_cast %swap3A_56 : vector<1x16xf32> to vector<16xf32>
        %swap3A_58 = vector.shape_cast %mul3A_54 : vector<16xf32> to vector<1x16xf32>
        tpu.vector_store %arg13[%swap3A, %swap3A_55], %swap3A_58 {strides = array<i32>} : memref<200x128xf32, #tpu.memory_space<vmem>>, vector<1x16xf32>,
        %get3A_59 = arith.index_cast %scan3A_46 : i32 to index
        %get3A_60 = arith.constant 16 : index
        %get3A_61 = tpu.vector_load %arg13[%get3A_59, %get3A_60] {strides = array<i32>} : memref<200x128xf32, #tpu.memory_space<vmem>>, vector<1x16xf32>,
        %get3A_62 = vector.shape_cast %get3A_61 : vector<1x16xf32> to vector<16xf32>
        %get3A_63 = arith.index_cast %scan3A_46 : i32 to index
        %get3A_64 = arith.constant 16 : index
        %get3A_65 = tpu.vector_load %arg14[%get3A_63, %get3A_64] {strides = array<i32>} : memref<200x128xf32, #tpu.memory_space<vmem>>, vector<1x16xf32>,
        %get3A_66 = vector.shape_cast %get3A_65 : vector<1x16xf32> to vector<16xf32>
        %mul3A_67 = arith.mulf %get3A_62, %get3A_66 : vector<16xf32>
        %swap3A_68 = arith.index_cast %scan3A_46 : i32 to index
        %swap3A_69 = arith.constant 16 : index
        %swap3A_70 = tpu.vector_load %arg13[%swap3A_68, %swap3A_69] {strides = array<i32>} : memref<200x128xf32, #tpu.memory_space<vmem>>, vector<1x16xf32>,
        %swap3A_71 = vector.shape_cast %swap3A_70 : vector<1x16xf32> to vector<16xf32>
        %swap3A_72 = vector.shape_cast %mul3A_67 : vector<16xf32> to vector<1x16xf32>
        tpu.vector_store %arg13[%swap3A_68, %swap3A_69], %swap3A_72 {strides = array<i32>} : memref<200x128xf32, #tpu.memory_space<vmem>>, vector<1x16xf32>,
        %get3A_73 = arith.index_cast %scan3A_46 : i32 to index
        %get3A_74 = arith.constant 32 : index
        %get3A_75 = tpu.vector_load %arg13[%get3A_73, %get3A_74] {strides = array<i32>} : memref<200x128xf32, #tpu.memory_space<vmem>>, vector<1x16xf32>,
        %get3A_76 = vector.shape_cast %get3A_75 : vector<1x16xf32> to vector<16xf32>
        %get3A_77 = arith.index_cast %scan3A_46 : i32 to index
        %get3A_78 = arith.constant 32 : index
        %get3A_79 = tpu.vector_load %arg14[%get3A_77, %get3A_78] {strides = array<i32>} : memref<200x128xf32, #tpu.memory_space<vmem>>, vector<1x16xf32>,
        %get3A_80 = vector.shape_cast %get3A_79 : vector<1x16xf32> to vector<16xf32>
        %mul3A_81 = arith.mulf %get3A_76, %get3A_80 : vector<16xf32>
        %swap3A_82 = arith.index_cast %scan3A_46 : i32 to index
        %swap3A_83 = arith.constant 32 : index
        %swap3A_84 = tpu.vector_load %arg13[%swap3A_82, %swap3A_83] {strides = array<i32>} : memref<200x128xf32, #tpu.memory_space<vmem>>, vector<1x16xf32>,
        %swap3A_85 = vector.shape_cast %swap3A_84 : vector<1x16xf32> to vector<16xf32>
        %swap3A_86 = vector.shape_cast %mul3A_81 : vector<16xf32> to vector<1x16xf32>
        tpu.vector_store %arg13[%swap3A_82, %swap3A_83], %swap3A_86 {strides = array<i32>} : memref<200x128xf32, #tpu.memory_space<vmem>>, vector<1x16xf32>,
        %get3A_87 = arith.index_cast %scan3A_46 : i32 to index
        %get3A_88 = arith.constant 48 : index
        %get3A_89 = tpu.vector_load %arg13[%get3A_87, %get3A_88] {strides = array<i32>} : memref<200x128xf32, #tpu.memory_space<vmem>>, vector<1x16xf32>,
        %get3A_90 = vector.shape_cast %get3A_89 : vector<1x16xf32> to vector<16xf32>
        %get3A_91 = arith.index_cast %scan3A_46 : i32 to index
        %get3A_92 = arith.constant 48 : index
        %get3A_93 = tpu.vector_load %arg14[%get3A_91, %get3A_92] {strides = array<i32>} : memref<200x128xf32, #tpu.memory_space<vmem>>, vector<1x16xf32>,
        %get3A_94 = vector.shape_cast %get3A_93 : vector<1x16xf32> to vector<16xf32>
        %mul3A_95 = arith.mulf %get3A_90, %get3A_94 : vector<16xf32>
        %swap3A_96 = arith.index_cast %scan3A_46 : i32 to index
        %swap3A_97 = arith.constant 48 : index
        %swap3A_98 = tpu.vector_load %arg13[%swap3A_96, %swap3A_97] {strides = array<i32>} : memref<200x128xf32, #tpu.memory_space<vmem>>, vector<1x16xf32>,
        %swap3A_99 = vector.shape_cast %swap3A_98 : vector<1x16xf32> to vector<16xf32>
        %swap3A_100 = vector.shape_cast %mul3A_95 : vector<16xf32> to vector<1x16xf32>
        tpu.vector_store %arg13[%swap3A_96, %swap3A_97], %swap3A_100 {strides = array<i32>} : memref<200x128xf32, #tpu.memory_space<vmem>>, vector<1x16xf32>,
        %get3A_101 = arith.index_cast %scan3A_46 : i32 to index
        %get3A_102 = arith.constant 64 : index
        %get3A_103 = tpu.vector_load %arg13[%get3A_101, %get3A_102] {strides = array<i32>} : memref<200x128xf32, #tpu.memory_space<vmem>>, vector<1x16xf32>,
        %get3A_104 = vector.shape_cast %get3A_103 : vector<1x16xf32> to vector<16xf32>
        %get3A_105 = arith.index_cast %scan3A_46 : i32 to index
        %get3A_106 = arith.constant 64 : index
        %get3A_107 = tpu.vector_load %arg14[%get3A_105, %get3A_106] {strides = array<i32>} : memref<200x128xf32, #tpu.memory_space<vmem>>, vector<1x16xf32>,
        %get3A_108 = vector.shape_cast %get3A_107 : vector<1x16xf32> to vector<16xf32>
        %mul3A_109 = arith.mulf %get3A_104, %get3A_108 : vector<16xf32>
        %swap3A_110 = arith.index_cast %scan3A_46 : i32 to index
        %swap3A_111 = arith.constant 64 : index
        %swap3A_112 = tpu.vector_load %arg13[%swap3A_110, %swap3A_111] {strides = array<i32>} : memref<200x128xf32, #tpu.memory_space<vmem>>, vector<1x16xf32>,
        %swap3A_113 = vector.shape_cast %swap3A_112 : vector<1x16xf32> to vector<16xf32>
        %swap3A_114 = vector.shape_cast %mul3A_109 : vector<16xf32> to vector<1x16xf32>
        tpu.vector_store %arg13[%swap3A_110, %swap3A_111], %swap3A_114 {strides = array<i32>} : memref<200x128xf32, #tpu.memory_space<vmem>>, vector<1x16xf32>,
        %get3A_115 = arith.index_cast %scan3A_46 : i32 to index
        %get3A_116 = arith.constant 80 : index
        %get3A_117 = tpu.vector_load %arg13[%get3A_115, %get3A_116] {strides = array<i32>} : memref<200x128xf32, #tpu.memory_space<vmem>>, vector<1x16xf32>,
        %get3A_118 = vector.shape_cast %get3A_117 : vector<1x16xf32> to vector<16xf32>
        %get3A_119 = arith.index_cast %scan3A_46 : i32 to index
        %get3A_120 = arith.constant 80 : index
        %get3A_121 = tpu.vector_load %arg14[%get3A_119, %get3A_120] {strides = array<i32>} : memref<200x128xf32, #tpu.memory_space<vmem>>, vector<1x16xf32>,
        %get3A_122 = vector.shape_cast %get3A_121 : vector<1x16xf32> to vector<16xf32>
        %mul3A_123 = arith.mulf %get3A_118, %get3A_122 : vector<16xf32>
        %swap3A_124 = arith.index_cast %scan3A_46 : i32 to index
        %swap3A_125 = arith.constant 80 : index
        %swap3A_126 = tpu.vector_load %arg13[%swap3A_124, %swap3A_125] {strides = array<i32>} : memref<200x128xf32, #tpu.memory_space<vmem>>, vector<1x16xf32>,
        %swap3A_127 = vector.shape_cast %swap3A_126 : vector<1x16xf32> to vector<16xf32>
        %swap3A_128 = vector.shape_cast %mul3A_123 : vector<16xf32> to vector<1x16xf32>
        tpu.vector_store %arg13[%swap3A_124, %swap3A_125], %swap3A_128 {strides = array<i32>} : memref<200x128xf32, #tpu.memory_space<vmem>>, vector<1x16xf32>,
        %get3A_129 = arith.index_cast %scan3A_46 : i32 to index
        %get3A_130 = arith.constant 96 : index
        %get3A_131 = tpu.vector_load %arg13[%get3A_129, %get3A_130] {strides = array<i32>} : memref<200x128xf32, #tpu.memory_space<vmem>>, vector<1x16xf32>,
        %get3A_132 = vector.shape_cast %get3A_131 : vector<1x16xf32> to vector<16xf32>
        %get3A_133 = arith.index_cast %scan3A_46 : i32 to index
        %get3A_134 = arith.constant 96 : index
        %get3A_135 = tpu.vector_load %arg14[%get3A_133, %get3A_134] {strides = array<i32>} : memref<200x128xf32, #tpu.memory_space<vmem>>, vector<1x16xf32>,
        %get3A_136 = vector.shape_cast %get3A_135 : vector<1x16xf32> to vector<16xf32>
        %mul3A_137 = arith.mulf %get3A_132, %get3A_136 : vector<16xf32>
        %swap3A_138 = arith.index_cast %scan3A_46 : i32 to index
        %swap3A_139 = arith.constant 96 : index
        %swap3A_140 = tpu.vector_load %arg13[%swap3A_138, %swap3A_139] {strides = array<i32>} : memref<200x128xf32, #tpu.memory_space<vmem>>, vector<1x16xf32>,
        %swap3A_141 = vector.shape_cast %swap3A_140 : vector<1x16xf32> to vector<16xf32>
        %swap3A_142 = vector.shape_cast %mul3A_137 : vector<16xf32> to vector<1x16xf32>
        tpu.vector_store %arg13[%swap3A_138, %swap3A_139], %swap3A_142 {strides = array<i32>} : memref<200x128xf32, #tpu.memory_space<vmem>>, vector<1x16xf32>,
        %get3A_143 = arith.index_cast %scan3A_46 : i32 to index
        %get3A_144 = arith.constant 112 : index
        %get3A_145 = tpu.vector_load %arg13[%get3A_143, %get3A_144] {strides = array<i32>} : memref<200x128xf32, #tpu.memory_space<vmem>>, vector<1x16xf32>,
        %get3A_146 = vector.shape_cast %get3A_145 : vector<1x16xf32> to vector<16xf32>
        %get3A_147 = arith.index_cast %scan3A_46 : i32 to index
        %get3A_148 = arith.constant 112 : index
        %get3A_149 = tpu.vector_load %arg14[%get3A_147, %get3A_148] {strides = array<i32>} : memref<200x128xf32, #tpu.memory_space<vmem>>, vector<1x16xf32>,
        %get3A_150 = vector.shape_cast %get3A_149 : vector<1x16xf32> to vector<16xf32>
        %mul3A_151 = arith.mulf %get3A_146, %get3A_150 : vector<16xf32>
        %swap3A_152 = arith.index_cast %scan3A_46 : i32 to index
        %swap3A_153 = arith.constant 112 : index
        %swap3A_154 = tpu.vector_load %arg13[%swap3A_152, %swap3A_153] {strides = array<i32>} : memref<200x128xf32, #tpu.memory_space<vmem>>, vector<1x16xf32>,
        %swap3A_155 = vector.shape_cast %swap3A_154 : vector<1x16xf32> to vector<16xf32>
        %swap3A_156 = vector.shape_cast %mul3A_151 : vector<16xf32> to vector<1x16xf32>
        tpu.vector_store %arg13[%swap3A_152, %swap3A_153], %swap3A_156 {strides = array<i32>} : memref<200x128xf32, #tpu.memory_space<vmem>>, vector<1x16xf32>,
      }
      %scan3A_42 = arith.constant 200 : i32
      "tpu.region"() ({
        %run_scoped3A = tpu.sem_alloc : memref<!tpu.dma_semaphore, #tpu.memory_space<semaphore_mem>>
        %dma_start3A_46 = arith.constant 0 : i32
        %dma_start3A_47 = tpu.memref_slice %arg8[%add3A_11, %dma_start3A_46] : memref<320000x128xf32, #tpu.memory_space<hbm>> -> memref<200x128xf32, #tpu.memory_space<hbm>>
        %dma_start3A_48 = arith.constant 0 : i32
        %dma_start3A_49 = tpu.memref_slice %arg8[%add3A_11, %dma_start3A_48] : memref<320000x128xf32, #tpu.memory_space<hbm>> -> memref<200x128xf32, #tpu.memory_space<hbm>>
        tpu.enqueue_dma source(%arg13 : memref<200x128xf32, #tpu.memory_space<vmem>>) target(%dma_start3A_49 : memref<200x128xf32, #tpu.memory_space<hbm>>) target_semaphore(%run_scoped3A : memref<!tpu.dma_semaphore, #tpu.memory_space<semaphore_mem>>)
        %dma_wait3A_50 = arith.constant 0 : i32
        %dma_wait3A_51 = tpu.memref_slice %arg8[%add3A_11, %dma_wait3A_50] : memref<320000x128xf32, #tpu.memory_space<hbm>> -> memref<200x128xf32, #tpu.memory_space<hbm>>
        %dma_wait3A_52 = arith.constant 0 : i32
        %dma_wait3A_53 = tpu.memref_slice %arg8[%add3A_11, %dma_wait3A_52] : memref<320000x128xf32, #tpu.memory_space<hbm>> -> memref<200x128xf32, #tpu.memory_space<hbm>>
        tpu.wait_dma2 semaphore(%run_scoped3A : memref<!tpu.dma_semaphore, #tpu.memory_space<semaphore_mem>>) src(%arg13 : memref<200x128xf32, #tpu.memory_space<vmem>>) dst(%dma_wait3A_53 : memref<200x128xf32, #tpu.memory_space<hbm>>)
        tpu.yield
      }) : () -> ()
      %dma_wait3A_43 = arith.constant 0 : i32
      %dma_wait3A_44 = arith.constant 0 : i32
      %dma_wait3A_45 = tpu.memref_slice %arg3[%dma_wait3A_43, %dma_wait3A_44] : memref<10000x128xf32, #tpu.memory_space<hbm>> -> memref<10000x128xf32, #tpu.memory_space<hbm>>
      tpu.wait_indirect_dma semaphore(%arg18 : memref<!tpu.dma_semaphore, #tpu.memory_space<semaphore_mem>>) src(%dma_wait3A_45 : memref<10000x128xf32, #tpu.memory_space<hbm>>) dst(%arg15 : memref<200x128xf32, #tpu.memory_space<vmem>>)
      "tpu.region"() ({
        %run_scoped3A = tpu.sem_alloc : memref<!tpu.dma_semaphore, #tpu.memory_space<semaphore_mem>>
        %dma_start3A_46 = arith.constant 0 : i32
        %dma_start3A_47 = tpu.memref_slice %arg9[%add3A_11, %dma_start3A_46] : memref<320000x128xf32, #tpu.memory_space<hbm>> -> memref<200x128xf32, #tpu.memory_space<hbm>>
        %dma_start3A_48 = arith.constant 0 : i32
        %dma_start3A_49 = tpu.memref_slice %arg9[%add3A_11, %dma_start3A_48] : memref<320000x128xf32, #tpu.memory_space<hbm>> -> memref<200x128xf32, #tpu.memory_space<hbm>>
        tpu.enqueue_dma source(%arg15 : memref<200x128xf32, #tpu.memory_space<vmem>>) target(%dma_start3A_49 : memref<200x128xf32, #tpu.memory_space<hbm>>) target_semaphore(%run_scoped3A : memref<!tpu.dma_semaphore, #tpu.memory_space<semaphore_mem>>)
        %dma_wait3A_50 = arith.constant 0 : i32
        %dma_wait3A_51 = tpu.memref_slice %arg9[%add3A_11, %dma_wait3A_50] : memref<320000x128xf32, #tpu.memory_space<hbm>> -> memref<200x128xf32, #tpu.memory_space<hbm>>
        %dma_wait3A_52 = arith.constant 0 : i32
        %dma_wait3A_53 = tpu.memref_slice %arg9[%add3A_11, %dma_wait3A_52] : memref<320000x128xf32, #tpu.memory_space<hbm>> -> memref<200x128xf32, #tpu.memory_space<hbm>>
        tpu.wait_dma2 semaphore(%run_scoped3A : memref<!tpu.dma_semaphore, #tpu.memory_space<semaphore_mem>>) src(%arg15 : memref<200x128xf32, #tpu.memory_space<vmem>>) dst(%dma_wait3A_53 : memref<200x128xf32, #tpu.memory_space<hbm>>)
        tpu.yield
      }) : () -> ()
    }
    %scan3A_7 = arith.constant 50 : i32
    return
  }
}

module attributes {stable_mosaic.version = 14 : i64} {
  func.func @_q_body(%arg0: memref<10000x128xf32, #tpu.memory_space<vmem>>, %arg1: memref<128x128xf32, #tpu.memory_space<vmem>>, %arg2: memref<10000x128xf32, #tpu.memory_space<vmem>>) attributes {dimension_semantics = [], scalar_prefetch = 0 : i64, scratch_operands = 0 : i64, tpu.core_type = #tpu.core_type<tc>} {
    %get3A = arith.constant 0 : index
    %get3A_0 = arith.constant 0 : index
    %get3A_1 = vector.load %arg0[%get3A, %get3A_0] : memref<10000x128xf32, #tpu.memory_space<vmem>>, vector<10000x128xf32>
    %get3A_2 = arith.constant 0 : index
    %get3A_3 = arith.constant 0 : index
    %get3A_4 = vector.load %arg1[%get3A_2, %get3A_3] : memref<128x128xf32, #tpu.memory_space<vmem>>, vector<128x128xf32>
    %dot_general3A = arith.constant dense<0.000000e+00> : vector<10000x128xf32>
    %dot_general3A_5 = tpu.matmul %get3A_1, %get3A_4, %dot_general3A {dimension_numbers = #tpu.dot_dimension_numbers<[1], [0], [0], [1], [0, 0, 1, 1], [], []>, transpose_lhs_hint = false} : vector<10000x128xf32>, vector<128x128xf32>, vector<10000x128xf32> -> vector<10000x128xf32>
    %swap3A = arith.constant 0 : index
    %swap3A_6 = arith.constant 0 : index
    %swap3A_7 = vector.load %arg2[%swap3A, %swap3A_6] : memref<10000x128xf32, #tpu.memory_space<vmem>>, vector<10000x128xf32>
    tpu.vector_store %arg2[%swap3A, %swap3A_6], %dot_general3A_5 {strides = array<i32>} : memref<10000x128xf32, #tpu.memory_space<vmem>>, vector<10000x128xf32>,
    return
  }
}

module attributes {stable_mosaic.version = 14 : i64} {
  func.func @_attn_body(%arg0: i32, %arg1: memref<3200x128xf32, #tpu.memory_space<vmem>>, %arg2: memref<3200x128xf32, #tpu.memory_space<vmem>>, %arg3: memref<128x128xf32, #tpu.memory_space<vmem>>, %arg4: memref<128x128xf32, #tpu.memory_space<vmem>>, %arg5: memref<128x128xf32, #tpu.memory_space<vmem>>, %arg6: memref<3200x128xf32, #tpu.memory_space<vmem>>) attributes {dimension_semantics = [#tpu.dimension_semantics<parallel>], iteration_bounds = array<i64: 100>, scalar_prefetch = 0 : i64, scratch_operands = 0 : i64, tpu.core_type = #tpu.core_type<tc>, window_params = [{transform_indices = @transform_0, window_bounds = array<i64: 3200, 128>}, {transform_indices = @transform_1, window_bounds = array<i64: 3200, 128>}, {pipeline_mode = #tpu.pipeline_mode<synchronous>, transform_indices = @transform_2, window_bounds = array<i64: 128, 128>}, {pipeline_mode = #tpu.pipeline_mode<synchronous>, transform_indices = @transform_3, window_bounds = array<i64: 128, 128>}, {pipeline_mode = #tpu.pipeline_mode<synchronous>, transform_indices = @transform_4, window_bounds = array<i64: 128, 128>}, {transform_indices = @transform_5, window_bounds = array<i64: 3200, 128>}]} {
    %get3A = arith.constant 0 : index
    %get3A_0 = arith.constant 0 : index
    %get3A_1 = vector.load %arg1[%get3A, %get3A_0] : memref<3200x128xf32, #tpu.memory_space<vmem>>, vector<3200x128xf32>
    %get3A_2 = arith.constant 0 : index
    %get3A_3 = arith.constant 0 : index
    %get3A_4 = vector.load %arg3[%get3A_2, %get3A_3] : memref<128x128xf32, #tpu.memory_space<vmem>>, vector<128x128xf32>
    %dot_general3A = arith.constant dense<0.000000e+00> : vector<3200x128xf32>
    %dot_general3A_5 = tpu.matmul %get3A_1, %get3A_4, %dot_general3A {dimension_numbers = #tpu.dot_dimension_numbers<[1], [0], [0], [1], [0, 0, 1, 1], [], []>, transpose_lhs_hint = false} : vector<3200x128xf32>, vector<128x128xf32>, vector<3200x128xf32> -> vector<3200x128xf32>
    %get3A_6 = arith.constant 0 : index
    %get3A_7 = arith.constant 0 : index
    %get3A_8 = vector.load %arg4[%get3A_6, %get3A_7] : memref<128x128xf32, #tpu.memory_space<vmem>>, vector<128x128xf32>
    %dot_general3A_9 = arith.constant dense<0.000000e+00> : vector<3200x128xf32>
    %dot_general3A_10 = tpu.matmul %get3A_1, %get3A_8, %dot_general3A_9 {dimension_numbers = #tpu.dot_dimension_numbers<[1], [0], [0], [1], [0, 0, 1, 1], [], []>, transpose_lhs_hint = false} : vector<3200x128xf32>, vector<128x128xf32>, vector<3200x128xf32> -> vector<3200x128xf32>
    %get3A_11 = arith.constant 0 : index
    %get3A_12 = arith.constant 0 : index
    %get3A_13 = vector.load %arg2[%get3A_11, %get3A_12] : memref<3200x128xf32, #tpu.memory_space<vmem>>, vector<3200x128xf32>
    %mul3A = arith.mulf %get3A_13, %dot_general3A_5 : vector<3200x128xf32>
    %get3A_14 = arith.constant 0 : index
    %get3A_15 = arith.constant 0 : index
    %get3A_16 = vector.load %arg5[%get3A_14, %get3A_15] : memref<128x128xf32, #tpu.memory_space<vmem>>, vector<128x128xf32>
    %dot_general3A_17 = arith.constant dense<0.000000e+00> : vector<3200x128xf32>
    %dot_general3A_18 = tpu.matmul %mul3A, %get3A_16, %dot_general3A_17 {dimension_numbers = #tpu.dot_dimension_numbers<[1], [0], [0], [1], [0, 0, 1, 1], [], []>, transpose_lhs_hint = false} : vector<3200x128xf32>, vector<128x128xf32>, vector<3200x128xf32> -> vector<3200x128xf32>
    %mul3A_19 = arith.constant 0.176776692 : f32
    %mul3A_20 = vector.broadcast %mul3A_19 : f32 to vector<3200x128xf32>
    %mul3A_21 = arith.mulf %dot_general3A_18, %mul3A_20 : vector<3200x128xf32>
    %logistic3A = arith.negf %mul3A_21 : vector<3200x128xf32>
    %logistic3A_22 = math.exp %logistic3A : vector<3200x128xf32>
    %logistic3A_23 = arith.constant 1.000000e+00 : f32
    %logistic3A_24 = vector.broadcast %logistic3A_23 : f32 to vector<3200x128xf32>
    %logistic3A_25 = arith.addf %logistic3A_24, %logistic3A_22 : vector<3200x128xf32>
    %logistic3A_26 = arith.divf %logistic3A_24, %logistic3A_25 : vector<3200x128xf32>
    %mul3A_27 = arith.mulf %logistic3A_26, %dot_general3A_10 : vector<3200x128xf32>
    %swap3A = arith.constant 0 : index
    %swap3A_28 = arith.constant 0 : index
    %swap3A_29 = vector.load %arg6[%swap3A, %swap3A_28] : memref<3200x128xf32, #tpu.memory_space<vmem>>, vector<3200x128xf32>
    tpu.vector_store %arg6[%swap3A, %swap3A_28], %mul3A_27 {strides = array<i32>} : memref<3200x128xf32, #tpu.memory_space<vmem>>, vector<3200x128xf32>,
    return
  }
  func.func @transform_0(%arg0: i32) -> (i32, i32) {
    %c0_i32 = arith.constant 0 : i32
    %c0_i32_0 = arith.constant 0 : i32
    return %arg0, %c0_i32 : i32, i32
  }
  func.func @transform_1(%arg0: i32) -> (i32, i32) {
    %c0_i32 = arith.constant 0 : i32
    %c0_i32_0 = arith.constant 0 : i32
    return %arg0, %c0_i32 : i32, i32
  }
  func.func @transform_2(%arg0: i32) -> (i32, i32) {
    %c0_i32 = arith.constant 0 : i32
    %c0_i32_0 = arith.constant 0 : i32
    %c0_i32_1 = arith.constant 0 : i32
    return %c0_i32, %c0_i32_0 : i32, i32
  }
  func.func @transform_3(%arg0: i32) -> (i32, i32) {
    %c0_i32 = arith.constant 0 : i32
    %c0_i32_0 = arith.constant 0 : i32
    %c0_i32_1 = arith.constant 0 : i32
    return %c0_i32, %c0_i32_0 : i32, i32
  }
  func.func @transform_4(%arg0: i32) -> (i32, i32) {
    %c0_i32 = arith.constant 0 : i32
    %c0_i32_0 = arith.constant 0 : i32
    %c0_i32_1 = arith.constant 0 : i32
    return %c0_i32, %c0_i32_0 : i32, i32
  }
  func.func @transform_5(%arg0: i32) -> (i32, i32) {
    %c0_i32 = arith.constant 0 : i32
    %c0_i32_0 = arith.constant 0 : i32
    return %arg0, %c0_i32 : i32, i32
  }
}

module attributes {stable_mosaic.version = 14 : i64} {
  func.func @_epi_body(%arg0: i32, %arg1: memref<2048x128xf32, #tpu.memory_space<vmem>>, %arg2: memref<2048x128xf32, #tpu.memory_space<vmem>>, %arg3: memref<2048x128xf32, #tpu.memory_space<vmem>>, %arg4: memref<2048x128xf32, #tpu.memory_space<vmem>>, %arg5: memref<128x128xf32, #tpu.memory_space<vmem>>, %arg6: memref<128x128xf32, #tpu.memory_space<vmem>>, %arg7: memref<128x128xf32, #tpu.memory_space<vmem>>, %arg8: memref<128x128xf32, #tpu.memory_space<vmem>>, %arg9: memref<1x128xf32, #tpu.memory_space<vmem>>, %arg10: memref<1x128xf32, #tpu.memory_space<vmem>>, %arg11: memref<2048x128xf32, #tpu.memory_space<vmem>>) attributes {dimension_semantics = [#tpu.dimension_semantics<parallel>], iteration_bounds = array<i64: 5>, scalar_prefetch = 0 : i64, scratch_operands = 0 : i64, tpu.core_type = #tpu.core_type<tc>, window_params = [{transform_indices = @transform_0, window_bounds = array<i64: 2048, 128>}, {transform_indices = @transform_1, window_bounds = array<i64: 2048, 128>}, {transform_indices = @transform_2, window_bounds = array<i64: 2048, 128>}, {transform_indices = @transform_3, window_bounds = array<i64: 2048, 128>}, {pipeline_mode = #tpu.pipeline_mode<synchronous>, transform_indices = @transform_4, window_bounds = array<i64: 128, 128>}, {pipeline_mode = #tpu.pipeline_mode<synchronous>, transform_indices = @transform_5, window_bounds = array<i64: 128, 128>}, {pipeline_mode = #tpu.pipeline_mode<synchronous>, transform_indices = @transform_6, window_bounds = array<i64: 128, 128>}, {pipeline_mode = #tpu.pipeline_mode<synchronous>, transform_indices = @transform_7, window_bounds = array<i64: 128, 128>}, {pipeline_mode = #tpu.pipeline_mode<synchronous>, transform_indices = @transform_8, window_bounds = array<i64: 1, 128>}, {pipeline_mode = #tpu.pipeline_mode<synchronous>, transform_indices = @transform_9, window_bounds = array<i64: 1, 128>}, {transform_indices = @transform_10, window_bounds = array<i64: 2048, 128>}]} {
    %get3A = arith.constant 0 : index
    %get3A_0 = arith.constant 0 : index
    %get3A_1 = vector.load %arg2[%get3A, %get3A_0] : memref<2048x128xf32, #tpu.memory_space<vmem>>, vector<2048x128xf32>
    %get3A_2 = arith.constant 0 : index
    %get3A_3 = arith.constant 0 : index
    %get3A_4 = vector.load %arg4[%get3A_2, %get3A_3] : memref<2048x128xf32, #tpu.memory_space<vmem>>, vector<2048x128xf32>
    %eq3A = arith.constant 0.000000e+00 : f32
    %eq3A_5 = vector.broadcast %eq3A : f32 to vector<2048x128xf32>
    %eq3A_6 = arith.cmpf oeq, %get3A_4, %eq3A_5 : vector<2048x128xf32>
    %get3A_7 = arith.constant 0 : index
    %get3A_8 = arith.constant 0 : index
    %get3A_9 = vector.load %arg3[%get3A_7, %get3A_8] : memref<2048x128xf32, #tpu.memory_space<vmem>>, vector<2048x128xf32>
    %jit3A = arith.constant 0.000000e+00 : f32
    %broadcast_in_dim3A = vector.broadcast %jit3A : f32 to vector<2048x128xf32>
    %select_n3A = arith.select %eq3A_6, %broadcast_in_dim3A, %get3A_9 : vector<2048x128xi1>, vector<2048x128xf32>
    %max3A = arith.constant 1.000000e+00 : f32
    %max3A_10 = vector.broadcast %max3A : f32 to vector<2048x128xf32>
    %max3A_11 = arith.maximumf %get3A_4, %max3A_10 : vector<2048x128xf32>
    %sqrt3A = math.sqrt %max3A_11 : vector<2048x128xf32>
    %div3A = arith.constant 1.000000e+00 : f32
    %div3A_12 = vector.broadcast %div3A : f32 to vector<2048x128xf32>
    %div3A_13 = arith.divf %div3A_12, %sqrt3A : vector<2048x128xf32>
    %get3A_14 = arith.constant 0 : index
    %get3A_15 = arith.constant 0 : index
    %get3A_16 = vector.load %arg5[%get3A_14, %get3A_15] : memref<128x128xf32, #tpu.memory_space<vmem>>, vector<128x128xf32>
    %dot_general3A = arith.constant dense<0.000000e+00> : vector<2048x128xf32>
    %dot_general3A_17 = tpu.matmul %get3A_1, %get3A_16, %dot_general3A {dimension_numbers = #tpu.dot_dimension_numbers<[1], [0], [0], [1], [0, 0, 1, 1], [], []>, transpose_lhs_hint = false} : vector<2048x128xf32>, vector<128x128xf32>, vector<2048x128xf32> -> vector<2048x128xf32>
    %get3A_18 = arith.constant 0 : index
    %get3A_19 = arith.constant 0 : index
    %get3A_20 = vector.load %arg7[%get3A_18, %get3A_19] : memref<128x128xf32, #tpu.memory_space<vmem>>, vector<128x128xf32>
    %dot_general3A_21 = arith.constant dense<0.000000e+00> : vector<2048x128xf32>
    %dot_general3A_22 = tpu.matmul %select_n3A, %get3A_20, %dot_general3A_21 {dimension_numbers = #tpu.dot_dimension_numbers<[1], [0], [0], [1], [0, 0, 1, 1], [], []>, transpose_lhs_hint = false} : vector<2048x128xf32>, vector<128x128xf32>, vector<2048x128xf32> -> vector<2048x128xf32>
    %add3A = arith.addf %dot_general3A_17, %dot_general3A_22 : vector<2048x128xf32>
    %get3A_23 = arith.constant 0 : index
    %get3A_24 = arith.constant 0 : index
    %get3A_25 = vector.load %arg6[%get3A_23, %get3A_24] : memref<128x128xf32, #tpu.memory_space<vmem>>, vector<128x128xf32>
    %dot_general3A_26 = arith.constant dense<0.000000e+00> : vector<2048x128xf32>
    %dot_general3A_27 = tpu.matmul %get3A_1, %get3A_25, %dot_general3A_26 {dimension_numbers = #tpu.dot_dimension_numbers<[1], [0], [0], [1], [0, 0, 1, 1], [], []>, transpose_lhs_hint = false} : vector<2048x128xf32>, vector<128x128xf32>, vector<2048x128xf32> -> vector<2048x128xf32>
    %get3A_28 = arith.constant 0 : index
    %get3A_29 = arith.constant 0 : index
    %get3A_30 = vector.load %arg8[%get3A_28, %get3A_29] : memref<128x128xf32, #tpu.memory_space<vmem>>, vector<128x128xf32>
    %dot_general3A_31 = arith.constant dense<0.000000e+00> : vector<2048x128xf32>
    %dot_general3A_32 = tpu.matmul %select_n3A, %get3A_30, %dot_general3A_31 {dimension_numbers = #tpu.dot_dimension_numbers<[1], [0], [0], [1], [0, 0, 1, 1], [], []>, transpose_lhs_hint = false} : vector<2048x128xf32>, vector<128x128xf32>, vector<2048x128xf32> -> vector<2048x128xf32>
    %add3A_33 = arith.addf %dot_general3A_27, %dot_general3A_32 : vector<2048x128xf32>
    %get3A_34 = arith.constant 0 : index
    %get3A_35 = arith.constant 0 : index
    %get3A_36 = vector.load %arg1[%get3A_34, %get3A_35] : memref<2048x128xf32, #tpu.memory_space<vmem>>, vector<2048x128xf32>
    %add3A_37 = arith.addf %get3A_36, %add3A : vector<2048x128xf32>
    %mul3A = arith.mulf %div3A_13, %add3A_33 : vector<2048x128xf32>
    %add3A_38 = arith.addf %add3A_37, %mul3A : vector<2048x128xf32>
    %reduce_sum3A = arith.constant dense<0.000000e+00> : vector<2048xf32>
    %reduce_sum3A_39 = vector.multi_reduction <add>, %add3A_38, %reduce_sum3A [1] : vector<2048x128xf32> to vector<2048xf32>
    %broadcast_in_dim3A_40 = vector.shape_cast %reduce_sum3A_39 : vector<2048xf32> to vector<2048x1xf32>
    %div3A_41 = arith.constant 1.280000e+02 : f32
    %div3A_42 = vector.broadcast %div3A_41 : f32 to vector<2048x1xf32>
    %div3A_43 = arith.divf %broadcast_in_dim3A_40, %div3A_42 : vector<2048x1xf32>
    %sub3A = vector.broadcast %div3A_43 : vector<2048x1xf32> to vector<2048x128xf32>
    %sub3A_44 = arith.subf %add3A_38, %sub3A : vector<2048x128xf32>
    %sub3A_45 = vector.broadcast %div3A_43 : vector<2048x1xf32> to vector<2048x128xf32>
    %sub3A_46 = arith.subf %add3A_38, %sub3A_45 : vector<2048x128xf32>
    %mul3A_47 = arith.mulf %sub3A_44, %sub3A_46 : vector<2048x128xf32>
    %reduce_sum3A_48 = arith.constant dense<0.000000e+00> : vector<2048xf32>
    %reduce_sum3A_49 = vector.multi_reduction <add>, %mul3A_47, %reduce_sum3A_48 [1] : vector<2048x128xf32> to vector<2048xf32>
    %broadcast_in_dim3A_50 = vector.shape_cast %reduce_sum3A_49 : vector<2048xf32> to vector<2048x1xf32>
    %div3A_51 = arith.constant 1.280000e+02 : f32
    %div3A_52 = vector.broadcast %div3A_51 : f32 to vector<2048x1xf32>
    %div3A_53 = arith.divf %broadcast_in_dim3A_50, %div3A_52 : vector<2048x1xf32>
    %sub3A_54 = vector.broadcast %div3A_43 : vector<2048x1xf32> to vector<2048x128xf32>
    %sub3A_55 = arith.subf %add3A_38, %sub3A_54 : vector<2048x128xf32>
    %add3A_56 = arith.constant 9.99999974E-6 : f32
    %add3A_57 = vector.broadcast %add3A_56 : f32 to vector<2048x1xf32>
    %add3A_58 = arith.addf %div3A_53, %add3A_57 : vector<2048x1xf32>
    %sqrt3A_59 = math.sqrt %add3A_58 : vector<2048x1xf32>
    %div3A_60 = vector.broadcast %sqrt3A_59 : vector<2048x1xf32> to vector<2048x128xf32>
    %div3A_61 = arith.divf %sub3A_55, %div3A_60 : vector<2048x128xf32>
    %get3A_62 = arith.constant 0 : index
    %get3A_63 = arith.constant 0 : index
    %get3A_64 = vector.load %arg9[%get3A_62, %get3A_63] : memref<1x128xf32, #tpu.memory_space<vmem>>, vector<1x128xf32>
    %mul3A_65 = vector.broadcast %get3A_64 : vector<1x128xf32> to vector<2048x128xf32>
    %mul3A_66 = arith.mulf %div3A_61, %mul3A_65 : vector<2048x128xf32>
    %get3A_67 = arith.constant 0 : index
    %get3A_68 = arith.constant 0 : index
    %get3A_69 = vector.load %arg10[%get3A_67, %get3A_68] : memref<1x128xf32, #tpu.memory_space<vmem>>, vector<1x128xf32>
    %add3A_70 = vector.broadcast %get3A_69 : vector<1x128xf32> to vector<2048x128xf32>
    %add3A_71 = arith.addf %mul3A_66, %add3A_70 : vector<2048x128xf32>
    %swap3A = arith.constant 0 : index
    %swap3A_72 = arith.constant 0 : index
    %swap3A_73 = vector.load %arg11[%swap3A, %swap3A_72] : memref<2048x128xf32, #tpu.memory_space<vmem>>, vector<2048x128xf32>
    tpu.vector_store %arg11[%swap3A, %swap3A_72], %add3A_71 {strides = array<i32>} : memref<2048x128xf32, #tpu.memory_space<vmem>>, vector<2048x128xf32>,
    return
  }
  func.func @transform_0(%arg0: i32) -> (i32, i32) {
    %c0_i32 = arith.constant 0 : i32
    %c0_i32_0 = arith.constant 0 : i32
    return %arg0, %c0_i32 : i32, i32
  }
  func.func @transform_1(%arg0: i32) -> (i32, i32) {
    %c0_i32 = arith.constant 0 : i32
    %c0_i32_0 = arith.constant 0 : i32
    return %arg0, %c0_i32 : i32, i32
  }
  func.func @transform_2(%arg0: i32) -> (i32, i32) {
    %c0_i32 = arith.constant 0 : i32
    %c0_i32_0 = arith.constant 0 : i32
    return %arg0, %c0_i32 : i32, i32
  }
  func.func @transform_3(%arg0: i32) -> (i32, i32) {
    %c0_i32 = arith.constant 0 : i32
    %c0_i32_0 = arith.constant 0 : i32
    return %arg0, %c0_i32 : i32, i32
  }
  func.func @transform_4(%arg0: i32) -> (i32, i32) {
    %c0_i32 = arith.constant 0 : i32
    %c0_i32_0 = arith.constant 0 : i32
    %c0_i32_1 = arith.constant 0 : i32
    return %c0_i32, %c0_i32_0 : i32, i32
  }
  func.func @transform_5(%arg0: i32) -> (i32, i32) {
    %c0_i32 = arith.constant 0 : i32
    %c0_i32_0 = arith.constant 0 : i32
    %c0_i32_1 = arith.constant 0 : i32
    return %c0_i32, %c0_i32_0 : i32, i32
  }
  func.func @transform_6(%arg0: i32) -> (i32, i32) {
    %c0_i32 = arith.constant 0 : i32
    %c0_i32_0 = arith.constant 0 : i32
    %c0_i32_1 = arith.constant 0 : i32
    return %c0_i32, %c0_i32_0 : i32, i32
  }
  func.func @transform_7(%arg0: i32) -> (i32, i32) {
    %c0_i32 = arith.constant 0 : i32
    %c0_i32_0 = arith.constant 0 : i32
    %c0_i32_1 = arith.constant 0 : i32
    return %c0_i32, %c0_i32_0 : i32, i32
  }
  func.func @transform_8(%arg0: i32) -> (i32, i32) {
    %c0_i32 = arith.constant 0 : i32
    %c0_i32_0 = arith.constant 0 : i32
    %c0_i32_1 = arith.constant 0 : i32
    return %c0_i32, %c0_i32_0 : i32, i32
  }
  func.func @transform_9(%arg0: i32) -> (i32, i32) {
    %c0_i32 = arith.constant 0 : i32
    %c0_i32_0 = arith.constant 0 : i32
    %c0_i32_1 = arith.constant 0 : i32
    return %c0_i32, %c0_i32_0 : i32, i32
  }
  func.func @transform_10(%arg0: i32) -> (i32, i32) {
    %c0_i32 = arith.constant 0 : i32
    %c0_i32_0 = arith.constant 0 : i32
    return %arg0, %c0_i32 : i32, i32
  }
}

</mosaic_0001>

<sc_bundles>
// kernel: kernel.10.cloned.1.call-start
scs
__scs_entry_jumppad:
0x0: {  	(pc) =	sbr.rel $0x88, $3  }
0x1: {  	(tag) =	ssettag $0x0;
	lr =	simm.s32 $0x1  }
0x2: {  	[smem:$0x3F97] =	sst lr;
	_ =	strace $0xD0000000  }
0x3: {  	_ = 	snop  }
0x4: {  	_ = 	snop  }
0x5: {  	_ = 	snop  }
0x6: {  	_ = 	snop  }
0x7: {  	_ = 	snop  }
__scs_overlays_trampoline_lowered:
0x8: {  	[smem:$0x3FA6] =	sst s0  }
0x9: {  	[smem:$0x3FA7] =	sst s1  }
0xa: {  	[smem:$0x3FA8] =	sst s2  }
0xb: {  	[smem:$0x3FA9] =	sst s3  }
0xc: {  	[smem:$0x3FAA] =	sst s4  }
0xd: {  	[smem:$0x3FAB] =	sst s5  }
0xe: {  	[smem:$0x3FAC] =	sst s6  }
0xf: {  	[smem:$0x3FAD] =	sst s7  }
0x10: {  	[smem:$0x3FAE] =	sst s8  }
0x11: {  	[smem:$0x3FAF] =	sst s9;
	s0 =	simm.s32 @!p0 $0x0  }
0x12: {  	s1 =	sld [smem:$0x3F95];
	s0 =	simm.s32 @p0 $0x1  }
0x13: {  	[smem:$0x3FB0] =	sst s0;
	s0 =	simm.s32 @!p1 $0x0  }
0x14: {  	s2 =	sld [smem:$0x3F94];
	s0 =	simm.s32 @p1 $0x1  }
0x15: {  	[smem:$0x3FB1] =	sst s0;
	s0 =	simm.s32 @!p2 $0x0  }
0x16: {  	s3 =	sld [smem:$0x3FDB];
	s0 =	simm.s32 @p2 $0x1  }
0x17: {  	s4 =	simm.s32 $0x1BF5;
	[smem:$0x3FB3] =	sst s0  }
0x18: {  	s0 =	sld [smem:$0x3F96];
	_ =	swait.ge [sflag:s4], $0x0  }
0x19: {  	s7 =	sld [smem:$0x3F97]  }
0x1a: {  	s8 =	sadd.s32 $0xFFFFE003, lr  }
0x1b: {  	s9 =	sadd.s32 $0xFFFFFEF7, lr;
	s5 =	simm.s32 $0xFFFFFFFF;
	p2 =	slt.u32 s8, $0xFFFFF086  }
0x1c: {  	p1 =	slt.u32 s9, $0xF7A;
	s5 =	simm.s32 @!p2 $0x0  }
0x1d: {  	s5 =	simm.s32 @p1 $0x1;
	p0 =	seq.s32 s7, s2  }
0x1e: {  	s7 =	smul.u32 @!p0 $0xF7A, s2;
	p2 =	seq.s32 @!p0 s5, $0x0  }
0x1f: {  	s9 =	smul.u32 $0xF7A, s1;
	s8 =	simm.s32 @!p0 $0x1BF5;
	p2 =	por !p2, p0  }
0x20: {  	[sflag:s8] =	ssyncset.s32 @!p0 $0xFFFFF086;
	s6 =	sadd.s32 @!p0 s3, s7;
	s7 =	simm.s32 @!p0 $0x108  }
0x21: {  	s3 =	sadd.s32 s3, s9;
	s6 =	sadd.s32 @!p0 $0x88, s6;
	s7 =	simm.s32 @p2 $0x1082  }
0x22: {  	[simem:s7], [sflag:s8] =	dma.local @!p0 [hbm:s6], $0xF7A  }
0x23: {  	s9 =	sor.u32 $0xD0000000, s2;
	s6 =	simm.s32 $0x108;
	_ =	swait.ge @!p0 [sflag:s8], $0x0  }
0x24: {  	s3 =	sadd.s32 $0x88, s3;
	s6 =	simm.s32 @!p1 $0x1082;
	[sflag:s4] =	ssyncset.s32 $0xFFFFF086  }
0x25: {  	[simem:s6], [sflag:s4] =	dma.local [hbm:s3], $0xF7A  }
0x26: {  	[smem:$0x3F97] =	sst s1;
	(tag) =	ssettag s2;
	_ =	strace s9  }
0x27: {  	s1 =	sld [smem:$0x3FA7]  }
0x28: {  	s2 =	sld [smem:$0x3FA8]  }
0x29: {  	s4 =	sld [smem:$0x3FAA]  }
0x2a: {  	p0 =	seq.s32 s5, $0x0;
	s5 =	sld [smem:$0x3FAB]  }
0x2b: {  	s6 =	sld [smem:$0x3FAC]  }
0x2c: {  	s7 =	sld [smem:$0x3FAD]  }
0x2d: {  	s3 =	simm.s32 $0x108;
	s8 =	sld [smem:$0x3FAE]  }
0x2e: {  	s3 =	simm.s32 @!p0 $0x1082;
	s9 =	sld [smem:$0x3FAF]  }
0x2f: {  	lr =	sadd.s32 s0, s3;
	s0 =	sld [smem:$0x3FA6]  }
0x30: {  	s3 =	sld [smem:$0x3FA9]  }
0x31: {  	[smem:$0x3FB2] =	sst s10  }
0x32: {  	s10 =	sld [smem:$0x3FB0];
	_ =	sdelay $0x3  }
0x33: {  	p0 =	seq.s32 s10, $0x1;
	s10 =	sld [smem:$0x3FB2];
	_ =	sdelay $0x3  }
0x34: {  	[smem:$0x3FB2] =	sst s10  }
0x35: {  	s10 =	sld [smem:$0x3FB1];
	_ =	sdelay $0x3  }
0x36: {  	p1 =	seq.s32 s10, $0x1;
	s10 =	sld [smem:$0x3FB2];
	_ =	sdelay $0x3  }
0x37: {  	[smem:$0x3FB2] =	sst s10  }
0x38: {  	s10 =	sld [smem:$0x3FB3]  }
0x39: {  	_ = 	snop;
	(pc) =	sbr.ind lr, $3  }
0x3a: {  	_ = 	snop  }
0x3b: {  	_ = 	snop  }
0x3c: {  	p2 =	seq.s32 s10, $0x1;
	s10 =	sld [smem:$0x3FB2]  }
0x3d: {  	_ =	shalt  }
0x3e: {  	_ =	shalt  }
0x3f: {  	_ =	shalt  }
0x40: {  	_ =	shalt  }
0x41: {  	_ =	shalt  }
0x42: {  	_ =	shalt  }
0x43: {  	_ =	shalt  }
0x44: {  	_ =	shalt  }
0x45: {  	_ =	shalt  }
0x46: {  	_ =	shalt  }
0x47: {  	_ =	shalt  }
0x48: {  	_ =	shalt  }
0x49: {  	_ =	shalt  }
0x4a: {  	_ =	shalt  }
0x4b: {  	_ =	shalt  }
0x4c: {  	_ =	shalt  }
0x4d: {  	_ =	shalt  }
0x4e: {  	_ =	shalt  }
0x4f: {  	_ =	shalt  }
0x50: {  	_ =	shalt  }
0x51: {  	_ =	shalt  }
0x52: {  	_ =	shalt  }
0x53: {  	_ =	shalt  }
0x54: {  	_ =	shalt  }
0x55: {  	_ =	shalt  }
0x56: {  	_ =	shalt  }
0x57: {  	_ =	shalt  }
0x58: {  	_ =	shalt  }
0x59: {  	_ =	shalt  }
0x5a: {  	_ =	shalt  }
0x5b: {  	_ =	shalt  }
0x5c: {  	_ =	shalt  }
0x5d: {  	_ =	shalt  }
0x5e: {  	_ =	shalt  }
0x5f: {  	_ =	shalt  }
0x60: {  	_ =	shalt  }
0x61: {  	_ =	shalt  }
0x62: {  	_ =	shalt  }
0x63: {  	_ =	shalt  }
0x64: {  	_ =	shalt  }
0x65: {  	_ =	shalt  }
0x66: {  	_ =	shalt  }
0x67: {  	_ =	shalt  }
0x68: {  	_ =	shalt  }
0x69: {  	_ =	shalt  }
0x6a: {  	_ =	shalt  }
0x6b: {  	_ =	shalt  }
0x6c: {  	_ =	shalt  }
0x6d: {  	_ =	shalt  }
0x6e: {  	_ =	shalt  }
0x6f: {  	_ =	shalt  }
0x70: {  	_ =	shalt  }
0x71: {  	_ =	shalt  }
0x72: {  	_ =	shalt  }
0x73: {  	_ =	shalt  }
0x74: {  	_ =	shalt  }
0x75: {  	_ =	shalt  }
0x76: {  	_ =	shalt  }
0x77: {  	_ =	shalt  }
0x78: {  	_ =	shalt  }
0x79: {  	_ =	shalt  }
0x7a: {  	_ =	shalt  }
0x7b: {  	_ =	shalt  }
0x7c: {  	_ =	shalt  }
0x7d: {  	_ =	shalt  }
0x7e: {  	_ =	shalt  }
0x7f: {  	_ =	shalt  }
0x80: {  	_ =	shalt  }
0x81: {  	_ =	shalt  }
0x82: {  	_ =	shalt  }
0x83: {  	_ =	shalt  }
0x84: {  	_ =	shalt  }
0x85: {  	_ =	shalt  }
0x86: {  	_ =	shalt  }
0x87: {  	_ =	shalt  }
.Lfunc_end0:
.L_simem_size_0:
called_computation.1_lowered:
.L_overlay_start_0:
0x88: {  	s2 =	sld [smem:$0x3FD9]  }
0x89: {  	s3 =	sld [smem:$0x3FFE];
	_ =	sdelay $0x1  }
0x8a: {  	s1 =	srdreg.scid  }
0x8b: {  	s0 =	sand.u32 $0x1, s1  }
0x8c: {  	s17 =	sshll.u32 s0, $0xA;
	s2 =	sadd.s32 s3, s2  }
0x8d: {  	s2 =	sadd.s32 s2, s17  }
0x8e: {  	[smem:$0x3FBE] =	sst s2  }
0x8f: {  	_ = 	snop  }
0x90: {  	s2 =	sld [smem:$0x3FD0];
	(tm) =	ssettm $0x1  }
0x91: {  	s18 =	sld [smem:$0x3FFB];
	_ =	sdelay $0x3  }
0x92: {  	_ =	strace s18  }
0x93: {  	s3 =	sld [smem:$0x3FFC];
	_ =	sdelay $0x3  }
0x94: {  	_ =	strace s3  }
0x95: {  	s3 =	sld [smem:$0x3FFD];
	_ =	sdelay $0x3  }
0x96: {  	_ =	strace s3  }
0x97: {  	_ =	strace $0x8FFFFFFF  }
0x98: {  	s19 =	sld [smem:$0x3FDB];
	_ =	sdelay $0x1  }
0x99: {  	s4 =	simm.s32 $_scs_section_size  }
0x9a: {  	s5 =	simm.s32 $_size__tile_overlayer_lowered;
	s6 =	simm.s32 $_tile_overlayer_lowered  }
0x9b: {  	s22 =	simm.s32 $0x1BFF;
	s21 =	sshll.u32 s6, $0x1;
	s3 =	sadd.s32 s4, s19  }
0x9c: {  	s7 =	simm.s32 $0x0;
	s20 =	sshll.u32 s5, $0x1;
	s5 =	sadd.s32 s21, s3  }
0x9d: {  	[timem:s7], [sflag:s22] =	dma.local [hbm:s5], s20  }
0x9e: {  	_ =	swait.ge [sflag:s22], s20  }
0x9f: {  	s4 =	ssub.s32 $0x0, s20;
	[sflag:s22] =	ssyncset.done $0x0  }
0xa0: {  	[sflag:s22] =	ssyncadd.s32 s4;
	_ =	sdelay $0x1  }
0xa1: {  	s23 =	simm.s32 $0x1B8B  }
0xa2: {  	_ =	swait.ge [sflag:s23], $0x1  }
0xa3: {  	[sflag:s23] =	ssyncset.done $0x0  }
0xa4: {  	s25 =	simm.s32 $0x1B8E;
	s24 =	sld [smem:$0x3FFE];
	[sflag:s23] =	ssyncadd.s32 $0xFFFFFFFF  }
0xa5: {  	s26 =	simm.s32 $execute0_lowered;
	[smem:$0x3FD2] =	sst s25  }
0xa6: {  	s5 =	sshll.u32 s26, $0x1;
	_ =	strace $0x80000049;
	[dreg:$0x1] =	wrdreg $0xFFFFFFFF  }
0xa7: {  	s28 =	simm.s32 $_size_execute0_lowered;
	s3 =	sadd.s32 s3, s5;
	[dreg:$0x0] =	wrdreg $0x0  }
0xa8: {  	s5 =	sshll.u32 s28, $0x1;
	[dreg:$0x2] =	wrdreg s3  }
0xa9: {  	[dreg:$0x3] =	wrdreg s5  }
0xaa: {  	[dreg:$0x4] =	wrdreg $0xC0  }
0xab: {  	_ =	task [dreg:s7], $0x5FFFF  }
0xac: {  	[dreg:$0x1] =	wrdreg $0xFFFFFFFF  }
0xad: {  	[dreg:$0x0] =	wrdreg $0x60  }
0xae: {  	[dreg:$0x2] =	wrdreg s24  }
0xaf: {  	[dreg:$0x3] =	wrdreg s2  }
0xb0: {  	[dreg:$0x4] =	wrdreg $0x9  }
0xb1: {  	_ =	task.clear_ibuf [dreg:s7], $0x5FFFF;
	_ =	strace $0x90000049  }
0xb2: {  	s29 =	simm.s32 $0x9;
	_ =	strace $0x8000004B  }
0xb3: {  	_ =	swait.ge [sflag:s29], $0x1  }
0xb4: {  	[sflag:s29] =	ssyncadd.s32 $0xFFFFFFFF  }
0xb5: {  	_ =	strace $0x9000004B  }
0xb6: {  	_ =	sfence  }
0xb7: {  	s30 =	sld [smem:$0x0];
	_ =	sdelay $0x2  }
0xb8: {  	s31 =	sshll.u32 s1, $0xD;
	s1 =	sshrl.u32 s1, $0x2  }
0xb9: {  	s3 =	sand.u32 $0x4000, s31;
	s1 =	sadd.s32 s1, s30  }
0xba: {  	s0 =	sor.u32 s3, s0;
	s1 =	sshll.u32 s1, $0x11  }
0xbb: {  	s0 =	sor.u32 s1, s0  }
0xbc: {  	s0 =	sadd.s32 $0x8F2B, s0  }
0xbd: {  	[sflag:s0] =	ssyncadd.remote.s32 $0x1  }
0xbe: {  	_ =	sfence.sel $0xFFFF  }
0xbf: {  	[dreg:$0x0] =	wrdreg $0xFFFFFFFF;
	(pc) =	sbr.abs _section_cstart, $3  }
0xc0: {  	[dreg:$0x1] =	wrdreg $0xFFFFFFFF  }
0xc1: {  	_ =	task.clear_ibuf [dreg:s7], $0x2FFFF;
	_ =	strace $0x9FFFFFFF  }
0xc2: {  	(tm) =	ssettm $0x7FFFFFFF  }
0xc3: {  	_ =	shalt  }
tec
execute0_lowered:
.L_overlay_start_1:
0x0: {  	(tag) =	ssettag $0x1  }
0x1: {  	s0 =	rddreg [dreg:$0x0]  }
0x2: {  	s1 =	rddreg [dreg:$0x1]  }
0x3: {  	s2 =	srdreg.scid;
	s3 =	stileid.u32  }
0x4: {  	s4 =	simm.s32 $0x0;
	s2 =	sand.u32 $0x1, s2;
	s3 =	sshll.u32 s3, $0x1  }
0x5: {  	[smem:$0x7FF] =	sst s4;
	s26 =	sadd.s32 $0xBC00, s0;
	s9 =	sadd.s32 $0x9D9A00, s0  }
0x6: {  	s3 =	sor.u32 s2, s3;
	_ =	strace $0x8000004A;
	s2 =	ssub.s32 $0x2, s2  }
0x7: {  	[dreg:$0x4] =	wrdreg s26;
	s5 =	smul.u32 $0x1400, s3;
	s25 =	sshrl.u32 s2, $0x1  }
0x8: {  	[dreg:$0x5] =	wrdreg s9;
	s4 =	smul.u32 $0x140, s3;
	s2 =	ssub.s32 s2, s25  }
.Ltmp0:
0x9: {  	s0 =	sadd.s32 s5, s0;
	s31 =	smax.u32 s2, $0x1;
	(pc) =	sbr.rel .LBB2_1-.Ltmp0, $4  }
0xa: {  	s28 =	sadd.s32 $0x15A00, s0;
	[dreg:$0x9] =	wrdreg s31  }
0xb: {  	s29 =	sshrl.u32 s4, $0x3;
	s0 =	sadd.s32 $0x3DA00, s0;
	[dreg:$0x6] =	wrdreg s28  }
0xc: {  	v1 =	vimm.f32 $0.0e+00;
	vm0 =	vcmask $0x300;
	v2 =	vimm.f32 $-3.000000010e+38;
	s30 =	sadd.s32 s1, s29;
	[dreg:$0x7] =	wrdreg s0  }
0xd: {  	v3 =	vimm.s32 $0x0;
	v4 =	vsel vm0, $0x3F800000, v1;
	v0 =	vmov s4;
	s1 =	simm.s32 $0x0;
	[dreg:$0x8] =	wrdreg s30  }
.LBB2_33:
0xe: {  	s0 =	simm.s32 $0x0;
	s1 =	rddreg [dreg:$0x6];
	s2 =	simm.s32 $0x7  }
0xf: {  	[hbm4b:s1+s0] =	stream.linear.scatter [tilespmem:s0], [sflag:$0x7], $0xA000, $0x38;
	[tilespmem:$0x1F780] =	vst v63  }
0x10: {  	_ =	swait.ge [sflag:s2], $0xA000  }
0x11: {  	[sflag:s2] =	ssyncset.done $0x0  }
0x12: {  	s3 =	simm.s32 $0xA000;
	s25 =	rddreg [dreg:$0x7];
	[sflag:s2] =	ssyncadd.s32 $0xFFFF6000  }
0x13: {  	[hbm4b:s25+s0] =	stream.linear.scatter [tilespmem:s3], [sflag:$0x7], $0xA000, $0x38;
	[tilespmem:$0x1F780] =	vst v63  }
0x14: {  	_ =	swait.ge [sflag:s2], $0xA000  }
0x15: {  	[sflag:s2] =	ssyncset.done $0x0  }
0x16: {  	s29 =	simm.s32 $0x14000;
	s28 =	rddreg [dreg:$0x8];
	[sflag:s2] =	ssyncadd.s32 $0xFFFF6000  }
0x17: {  	[hbm4b:s28+s0] =	stream.linear.scatter [tilespmem:s29], [sflag:$0x7], $0x140, $0x38;
	[tilespmem:$0x1F780] =	vst v63  }
0x18: {  	_ =	swait.ge [sflag:s2], $0x140  }
0x19: {  	s30 =	rddreg [dreg:$0xa]  }
0x1a: {  	s31 =	rddreg [dreg:$0x9];
	s1 =	sadd.s32 $0x1, s30  }
0x1b: {  	p0 =	sne.s32 s1, s31  }
.Ltmp1:
0x1c: {  	_ = 	snop;
	(pc) =	sbr.rel @!p0 .LBB2_34-.Ltmp1, $3  }
0x1d: {  	_ =	sdelay $0x1  }
0x1e: {  	[sflag:s2] =	ssyncset.done $0x0  }
0x1f: {  	[sflag:s2] =	ssyncadd.s32 $0xFFFFFEC0  }
.LBB2_1:
0x20: {  	[dreg:$0xa] =	wrdreg s1;
	s0 =	simm.s32 $0x0;
	s1 =	simm.s32 $0x200  }
.LBB2_2:
0x21: {  	p0 =	sne.s32 s1, $0x27E00;
	[tilespmem:s0+$0xA070] =	vst v2  }
0x22: {  	[tilespmem:s0+$0x0] =	vst v1  }
0x23: {  	[tilespmem:s0+$0xA000] =	vst v2  }
0x24: {  	[tilespmem:s0+$0x10] =	vst v1  }
0x25: {  	[tilespmem:s0+$0xA010] =	vst v2  }
0x26: {  	[tilespmem:s0+$0x20] =	vst v1  }
0x27: {  	[tilespmem:s0+$0xA020] =	vst v2  }
0x28: {  	[tilespmem:s0+$0x30] =	vst v1  }
0x29: {  	[tilespmem:s0+$0xA030] =	vst v2  }
0x2a: {  	[tilespmem:s0+$0x40] =	vst v1  }
0x2b: {  	[tilespmem:s0+$0xA040] =	vst v2  }
.Ltmp2:
0x2c: {  	[tilespmem:s0+$0x50] =	vst v1;
	(pc) =	sbr.rel @p0 .LBB2_2-.Ltmp2, $4  }
0x2d: {  	[tilespmem:s0+$0xA050] =	vst v2  }
0x2e: {  	[tilespmem:s0+$0x60] =	vst v1  }
0x2f: {  	[tilespmem:s0+$0xA060] =	vst v2  }
0x30: {  	[tilespmem:s0+$0x70] =	vst v1;
	s0 =	sshra.s32 s1, $0x2;
	s1 =	sadd.s32 $0x200, s1  }
0x31: {  	[tilespmem:s0+$0xA070] =	vst v2  }
0x32: {  	[tilespmem:s0+$0x0] =	vst v1  }
0x33: {  	[tilespmem:s0+$0xA000] =	vst v2  }
0x34: {  	[tilespmem:s0+$0x10] =	vst v1  }
0x35: {  	[tilespmem:s0+$0xA010] =	vst v2  }
0x36: {  	[tilespmem:s0+$0x20] =	vst v1  }
0x37: {  	[tilespmem:s0+$0xA020] =	vst v2  }
0x38: {  	[tilespmem:s0+$0x30] =	vst v1  }
0x39: {  	[tilespmem:s0+$0xA030] =	vst v2  }
0x3a: {  	[tilespmem:s0+$0x40] =	vst v1  }
0x3b: {  	[tilespmem:s0+$0xA040] =	vst v2  }
0x3c: {  	[tilespmem:s0+$0x50] =	vst v1  }
0x3d: {  	[tilespmem:s0+$0xA050] =	vst v2  }
0x3e: {  	[tilespmem:s0+$0x60] =	vst v1  }
0x3f: {  	[tilespmem:s0+$0xA060] =	vst v2  }
0x40: {  	[tilespmem:s0+$0x70] =	vst v1  }
0x41: {  	[tilespmem:$0x14000] =	vst v1  }
0x42: {  	[tilespmem:$0x14010] =	vst v1  }
0x43: {  	[tilespmem:$0x14020] =	vst v1  }
0x44: {  	[tilespmem:$0x14030] =	vst v1  }
0x45: {  	[tilespmem:$0x14040] =	vst v1  }
0x46: {  	[tilespmem:$0x14050] =	vst v1  }
0x47: {  	[tilespmem:$0x14060] =	vst v1  }
0x48: {  	[tilespmem:$0x14070] =	vst v1  }
0x49: {  	[tilespmem:$0x14080] =	vst v1  }
0x4a: {  	[tilespmem:$0x14090] =	vst v1  }
0x4b: {  	[tilespmem:$0x140A0] =	vst v1  }
0x4c: {  	[tilespmem:$0x140B0] =	vst v1  }
0x4d: {  	[tilespmem:$0x140C0] =	vst v1  }
0x4e: {  	[tilespmem:$0x140D0] =	vst v1  }
0x4f: {  	[tilespmem:$0x140E0] =	vst v1  }
0x50: {  	[tilespmem:$0x140F0] =	vst v1  }
0x51: {  	[tilespmem:$0x14100] =	vst v1  }
0x52: {  	[tilespmem:$0x14110] =	vst v1  }
0x53: {  	[tilespmem:$0x14120] =	vst v1  }
0x54: {  	[tilespmem:$0x14130] =	vst v1  }
0x55: {  	s10 =	simm.s32 $0x0;
	s0 =	simm.s32 $0x40;
	s1 =	simm.s32 $0x0;
	[tilespmem:$0x14140] =	vst v1  }
.LBB2_4:
0x56: {  	p0 =	sne.s32 s0, $0x32C0;
	[tilespmem:s1+$0x15B80] =	vst v3;
	s2 =	smov.u32 s0;
	s0 =	sadd.s32 $0x40, s0  }
.Ltmp3:
0x57: {  	[tilespmem:s1+$0x16880] =	vst v3;
	(pc) =	sbr.rel @p0 .LBB2_4-.Ltmp3, $2  }
0x58: {  	_ =	sdelay $0x2  }
0x59: {  	s1 =	sshra.s32 s2, $0x2  }
.Ltmp4:
0x5a: {  	(pc) =	sbr.rel .LBB2_6-.Ltmp4, $3  }
0x5b: {  	_ =	sdelay $0x1  }
0x5c: {  	[tilespmem:s1+$0x15B80] =	vst v3  }
0x5d: {  	[tilespmem:s1+$0x16880] =	vst v3;
	s0 =	simm.s32 $0x0  }
.LBB2_32:
0x5e: {  	s0 =	rddreg [dreg:$0xb]  }
0x5f: {  	s0 =	sadd.s32 $0x1, s0  }
0x60: {  	p0 =	sne.s32 s0, $0x32  }
.Ltmp5:
0x61: {  	_ = 	snop;
	(pc) =	sbr.rel @!p0 .LBB2_33-.Ltmp5, $3  }
0x62: {  	_ =	sdelay $0x1  }
0x63: {  	s10 =	rddreg [dreg:$0x3]  }
0x64: {  	s10 =	sadd.s32 $0x1900, s10  }
.LBB2_6:
0x65: {  	s24 =	smul.u32 $0x1900, s0;
	_ =	sdelay $0x1  }
0x66: {  	[dreg:$0xb] =	wrdreg s0;
	s0 =	sshrl.u32 s24, $0x3  }
0x67: {  	s6 =	simm.s32 $0x0;
	s2 =	simm.s32 $0x14180;
	s0 =	sadd.s32 s26, s0  }
0x68: {  	[tilespmem:s2], [sflag:$0x1] =	stream.linear.gather [hbm4b:s0+s6], $0xC80, $0x38;
	[tilespmem:$0x1F780] =	vst v63  }
0x69: {  	s1 =	simm.s32 $0x14E80;
	s25 =	simm.s32 $0x1;
	s0 =	sadd.s32 $0x190, s0  }
0x6a: {  	[tilespmem:s1], [sflag:$0x2] =	stream.linear.gather [hbm4b:s0+s6], $0xC80, $0x38;
	[tilespmem:$0x1F780] =	vst v63  }
0x6b: {  	_ =	swait.ge [sflag:s25], $0xC80  }
0x6c: {  	[sflag:s25] =	ssyncset.done $0x0  }
0x6d: {  	[sflag:s25] =	ssyncadd.s32 $0xFFFFF380  }
0x6e: {  	v5 =	vld [tilespmem:s2+$0x0];
	_ =	sdelay $0x4  }
0x6f: {  	v5 =	vsub.s32 v5, v0  }
0x70: {  	vm0 =	vlt.u32 v5, $0x140  }
0x71: {  	v5 =	vsel vm0, $0x1, v3  }
0x72: {  	(v2sf) =	vpush v5, $0x0  }
0x73: {  	(v2sf) =	vpush v5, $0x1  }
0x74: {  	(v2sf) =	vpush v5, $0x2  }
0x75: {  	(v2sf) =	vpush v5, $0x3  }
0x76: {  	(v2sf) =	vpush v5, $0x4  }
0x77: {  	(v2sf) =	vpush v5, $0x5  }
0x78: {  	(v2sf) =	vpush v5, $0x6  }
0x79: {  	(v2sf) =	vpush v5, $0x7  }
0x7a: {  	(v2sf) =	vpush v5, $0x8  }
0x7b: {  	(v2sf) =	vpush v5, $0x9  }
0x7c: {  	(v2sf) =	vpush v5, $0xA  }
0x7d: {  	(v2sf) =	vpush v5, $0xB  }
0x7e: {  	(v2sf) =	vpush v5, $0xC  }
0x7f: {  	(v2sf) =	vpush v5, $0xD  }
0x80: {  	s0 =	sadd.s32 $0x0, s10;
	(v2sf) =	vpush v5, $0xE  }
0x81: {  	v6 =	vmov s0;
	s28 =	sadd.s32 $0x1, s0;
	s3 =	spop (v2sf);
	(v2sf) =	vpush v5, $0xF  }
0x82: {  	s5 =	sadd.s32 $0x2, s0;
	[tilespmem:s6+$0x15B80] =	vst v6;
	v5 =	vmov s28;
	s3 =	sadd.s32 $0x0, s3;
	s29 =	spop (v2sf)  }
0x83: {  	s7 =	sadd.s32 $0x3, s0;
	[tilespmem:s3+$0x15B80] =	vst v5;
	s1 =	sadd.s32 s29, s3;
	v5 =	vmov s5;
	s30 =	spop (v2sf)  }
0x84: {  	s31 =	sadd.s32 $0x4, s0;
	[tilespmem:s1+$0x15B80] =	vst v5;
	s1 =	sadd.s32 s30, s1;
	v5 =	vmov s7;
	s7 =	spop (v2sf)  }
0x85: {  	s8 =	sadd.s32 $0x5, s0;
	[tilespmem:s1+$0x15B80] =	vst v5;
	s1 =	sadd.s32 s7, s1;
	v5 =	vmov s31;
	s9 =	spop (v2sf)  }
0x86: {  	s11 =	sadd.s32 $0x6, s0;
	[tilespmem:s1+$0x15B80] =	vst v5;
	s1 =	sadd.s32 s9, s1;
	v5 =	vmov s8;
	s12 =	spop (v2sf)  }
0x87: {  	s13 =	sadd.s32 $0x7, s0;
	[tilespmem:s1+$0x15B80] =	vst v5;
	s1 =	sadd.s32 s12, s1;
	v5 =	vmov s11;
	s14 =	spop (v2sf)  }
0x88: {  	s15 =	sadd.s32 $0x8, s0;
	[tilespmem:s1+$0x15B80] =	vst v5;
	s1 =	sadd.s32 s14, s1;
	v5 =	vmov s13;
	s16 =	spop (v2sf)  }
0x89: {  	s17 =	sadd.s32 $0x9, s0;
	[tilespmem:s1+$0x15B80] =	vst v5;
	s1 =	sadd.s32 s16, s1;
	v5 =	vmov s15;
	s18 =	spop (v2sf)  }
0x8a: {  	s19 =	sadd.s32 $0xA, s0;
	[tilespmem:s1+$0x15B80] =	vst v5;
	s1 =	sadd.s32 s18, s1;
	v5 =	vmov s17;
	s20 =	spop (v2sf)  }
0x8b: {  	s21 =	sadd.s32 $0xB, s0;
	[tilespmem:s1+$0x15B80] =	vst v5;
	s1 =	sadd.s32 s20, s1;
	v5 =	vmov s19;
	s22 =	spop (v2sf)  }
0x8c: {  	s23 =	sadd.s32 $0xC, s0;
	[tilespmem:s1+$0x15B80] =	vst v5;
	s1 =	sadd.s32 s22, s1;
	v5 =	vmov s21;
	s24 =	spop (v2sf)  }
0x8d: {  	s25 =	sadd.s32 $0xD, s0;
	[tilespmem:s1+$0x15B80] =	vst v5;
	s1 =	sadd.s32 s24, s1;
	v5 =	vmov s23;
	s28 =	spop (v2sf)  }
0x8e: {  	s29 =	sadd.s32 $0xE, s0;
	[tilespmem:s1+$0x15B80] =	vst v5;
	s1 =	sadd.s32 s28, s1;
	v5 =	vmov s25;
	s30 =	spop (v2sf)  }
0x8f: {  	s0 =	sadd.s32 $0xF, s0;
	[tilespmem:s1+$0x15B80] =	vst v5;
	s1 =	sadd.s32 s30, s1;
	v5 =	vmov s29;
	s31 =	spop (v2sf)  }
0x90: {  	s7 =	simm.s32 $0x10;
	[tilespmem:s1+$0x15B80] =	vst v5;
	s8 =	sadd.s32 s31, s1;
	v5 =	vmov s0;
	s1 =	spop (v2sf)  }
.LBB2_7:
0x91: {  	s11 =	smov.u32 s6  }
0x92: {  	p0 =	sne.s32 s7, $0xC70;
	s6 =	sadd.s32 s1, s8;
	s2 =	sadd.s32 $0x10, s2;
	[tilespmem:s8+$0x15B80] =	vst v5  }
0x93: {  	s0 =	smov.u32 s7;
	s7 =	sadd.s32 $0x10, s7;
	v5 =	vld [tilespmem:s2+$0x0];
	_ =	sdelay $0x4  }
0x94: {  	v5 =	vsub.s32 v5, v0  }
0x95: {  	vm0 =	vlt.u32 v5, $0x140  }
0x96: {  	v5 =	vsel vm0, $0x1, v3  }
0x97: {  	(v2sf) =	vpush v5, $0x0  }
0x98: {  	(v2sf) =	vpush v5, $0x1  }
0x99: {  	(v2sf) =	vpush v5, $0x2  }
0x9a: {  	(v2sf) =	vpush v5, $0x3  }
0x9b: {  	(v2sf) =	vpush v5, $0x4  }
0x9c: {  	(v2sf) =	vpush v5, $0x5  }
0x9d: {  	(v2sf) =	vpush v5, $0x6  }
0x9e: {  	(v2sf) =	vpush v5, $0x7  }
0x9f: {  	(v2sf) =	vpush v5, $0x8  }
0xa0: {  	(v2sf) =	vpush v5, $0x9  }
0xa1: {  	(v2sf) =	vpush v5, $0xA  }
0xa2: {  	(v2sf) =	vpush v5, $0xB  }
0xa3: {  	(v2sf) =	vpush v5, $0xC  }
0xa4: {  	(v2sf) =	vpush v5, $0xD  }
0xa5: {  	s1 =	sadd.s32 s0, s10;
	(v2sf) =	vpush v5, $0xE  }
0xa6: {  	v6 =	vmov s1;
	s0 =	sadd.s32 $0x1, s1;
	s3 =	sadd.s32 $0x2, s1;
	s12 =	spop (v2sf);
	(v2sf) =	vpush v5, $0xF  }
0xa7: {  	v5 =	vmov s0;
	s0 =	sadd.s32 $0x3, s1;
	[tilespmem:s6+$0x15B80] =	vst v6;
	s5 =	sadd.s32 s6, s12;
	s13 =	spop (v2sf)  }
0xa8: {  	[tilespmem:s5+$0x15B80] =	vst v5;
	s5 =	sadd.s32 s13, s5;
	v5 =	vmov s3;
	s3 =	sadd.s32 $0x4, s1;
	s15 =	spop (v2sf)  }
0xa9: {  	[tilespmem:s5+$0x15B80] =	vst v5;
	s5 =	sadd.s32 s15, s5;
	v5 =	vmov s0;
	s0 =	sadd.s32 $0x5, s1;
	s17 =	spop (v2sf)  }
0xaa: {  	[tilespmem:s5+$0x15B80] =	vst v5;
	s5 =	sadd.s32 s17, s5;
	v5 =	vmov s3;
	s3 =	sadd.s32 $0x6, s1;
	s18 =	spop (v2sf)  }
0xab: {  	[tilespmem:s5+$0x15B80] =	vst v5;
	s5 =	sadd.s32 s18, s5;
	v5 =	vmov s0;
	s0 =	sadd.s32 $0x7, s1;
	s19 =	spop (v2sf)  }
0xac: {  	[tilespmem:s5+$0x15B80] =	vst v5;
	s5 =	sadd.s32 s19, s5;
	v5 =	vmov s3;
	s3 =	sadd.s32 $0x8, s1;
	s20 =	spop (v2sf)  }
0xad: {  	[tilespmem:s5+$0x15B80] =	vst v5;
	s8 =	sadd.s32 s20, s5;
	v5 =	vmov s0;
	s0 =	sadd.s32 $0x9, s1;
	s5 =	spop (v2sf)  }
0xae: {  	s9 =	sadd.s32 $0xA, s1;
	[tilespmem:s8+$0x15B80] =	vst v5;
	s8 =	sadd.s32 s5, s8;
	v5 =	vmov s3;
	s21 =	spop (v2sf)  }
0xaf: {  	[tilespmem:s8+$0x15B80] =	vst v5;
	s8 =	sadd.s32 s21, s8;
	v5 =	vmov s0;
	s0 =	sadd.s32 $0xB, s1;
	s3 =	spop (v2sf)  }
0xb0: {  	[tilespmem:s8+$0x15B80] =	vst v5;
	s8 =	sadd.s32 s3, s8;
	v5 =	vmov s9;
	s9 =	sadd.s32 $0xC, s1;
	s16 =	spop (v2sf)  }
.Ltmp6:
0xb1: {  	[tilespmem:s8+$0x15B80] =	vst v5;
	s8 =	sadd.s32 s16, s8;
	v5 =	vmov s0;
	s29 =	spop (v2sf);
	(pc) =	sbr.rel @p0 .LBB2_7-.Ltmp6, $4  }
0xb2: {  	[tilespmem:s8+$0x15B80] =	vst v5;
	s8 =	sadd.s32 s29, s8;
	v5 =	vmov s9;
	s9 =	sadd.s32 $0xD, s1;
	s0 =	spop (v2sf)  }
0xb3: {  	[tilespmem:s8+$0x15B80] =	vst v5;
	s8 =	sadd.s32 s0, s8;
	v5 =	vmov s9;
	s9 =	sadd.s32 $0xE, s1;
	s14 =	spop (v2sf)  }
0xb4: {  	s1 =	sadd.s32 $0xF, s1;
	[tilespmem:s8+$0x15B80] =	vst v5;
	s8 =	sadd.s32 s14, s8;
	v5 =	vmov s9;
	s25 =	spop (v2sf)  }
0xb5: {  	[tilespmem:s8+$0x15B80] =	vst v5;
	s8 =	sadd.s32 s25, s8;
	v5 =	vmov s1;
	s1 =	spop (v2sf)  }
0xb6: {  	[dreg:$0x1f] =	wrdreg s21  }
0xb7: {  	[dreg:$0x1e] =	wrdreg s5  }
0xb8: {  	[dreg:$0x1d] =	wrdreg s20  }
0xb9: {  	[dreg:$0x1c] =	wrdreg s19  }
0xba: {  	[dreg:$0x1b] =	wrdreg s18  }
0xbb: {  	[dreg:$0x1a] =	wrdreg s17  }
0xbc: {  	[dreg:$0x19] =	wrdreg s15  }
0xbd: {  	[dreg:$0x18] =	wrdreg s13  }
0xbe: {  	[dreg:$0x17] =	wrdreg s12  }
0xbf: {  	s2 =	rddreg [dreg:$0x5]  }
0xc0: {  	[tilespmem:s8+$0x15B80] =	vst v5;
	s6 =	simm.s32 $0x80;
	s7 =	simm.s32 $0x15B80;
	s9 =	simm.s32 $0x17780  }
0xc1: {  	[tilespmem:s9], [sflag:$0x3] =	stream.indirect.gather [hbm4b:s2+s6], $0x80, s7, s6, $0xb8;
	[tilespmem:$0x1F780] =	vst v63  }
0xc2: {  	[dreg:$0x16] =	wrdreg s11;
	s11 =	simm.s32 $0x2;
	s9 =	simm.s32 $0x17580  }
0xc3: {  	[tilespmem:s9], [sflag:$0x5] =	stream.indirect.gather [hbm4b:s26+s6], $0x1, s7, s6, $0xb8;
	[tilespmem:$0x1F780] =	vst v63  }
0xc4: {  	_ =	swait.ge [sflag:s11], $0xC80  }
0xc5: {  	[sflag:s11] =	ssyncset.done $0x0  }
0xc6: {  	s26 =	simm.s32 $0x14E80;
	[sflag:s11] =	ssyncadd.s32 $0xFFFFF380  }
0xc7: {  	v5 =	vld [tilespmem:s26+$0x0];
	_ =	sdelay $0x4  }
0xc8: {  	v5 =	vsub.s32 v5, v0  }
0xc9: {  	vm0 =	vlt.u32 v5, $0x140  }
0xca: {  	v5 =	vsel vm0, $0x1, v3  }
0xcb: {  	(v2sf) =	vpush v5, $0x0  }
0xcc: {  	(v2sf) =	vpush v5, $0x1  }
0xcd: {  	(v2sf) =	vpush v5, $0x2  }
0xce: {  	(v2sf) =	vpush v5, $0x3  }
0xcf: {  	(v2sf) =	vpush v5, $0x4  }
0xd0: {  	(v2sf) =	vpush v5, $0x5  }
0xd1: {  	(v2sf) =	vpush v5, $0x6  }
0xd2: {  	(v2sf) =	vpush v5, $0x7  }
0xd3: {  	(v2sf) =	vpush v5, $0x8  }
0xd4: {  	(v2sf) =	vpush v5, $0x9  }
0xd5: {  	(v2sf) =	vpush v5, $0xA  }
0xd6: {  	(v2sf) =	vpush v5, $0xB  }
0xd7: {  	(v2sf) =	vpush v5, $0xC  }
0xd8: {  	s12 =	sadd.s32 s1, s8;
	s2 =	sadd.s32 $0x0, s10;
	(v2sf) =	vpush v5, $0xD  }
0xd9: {  	s13 =	sadd.s32 $0xC80, s2;
	s15 =	sadd.s32 $0xC81, s2;
	s18 =	sadd.s32 $0xC82, s2;
	(v2sf) =	vpush v5, $0xE  }
0xda: {  	s20 =	sadd.s32 $0xC83, s2;
	s6 =	simm.s32 $0x0;
	v6 =	vmov s13;
	s17 =	spop (v2sf);
	(v2sf) =	vpush v5, $0xF  }
0xdb: {  	s22 =	sadd.s32 $0xC84, s2;
	[tilespmem:s6+$0x16880] =	vst v6;
	v5 =	vmov s15;
	s7 =	sadd.s32 $0x0, s17;
	s19 =	spop (v2sf)  }
0xdc: {  	s24 =	sadd.s32 $0xC85, s2;
	[tilespmem:s7+$0x16880] =	vst v5;
	s7 =	sadd.s32 s19, s7;
	v5 =	vmov s18;
	s21 =	spop (v2sf)  }
0xdd: {  	s30 =	sadd.s32 $0xC86, s2;
	[tilespmem:s7+$0x16880] =	vst v5;
	s7 =	sadd.s32 s21, s7;
	v5 =	vmov s20;
	s23 =	spop (v2sf)  }
0xde: {  	s5 =	sadd.s32 $0xC87, s2;
	[tilespmem:s7+$0x16880] =	vst v5;
	s7 =	sadd.s32 s23, s7;
	v5 =	vmov s22;
	s28 =	spop (v2sf)  }
0xdf: {  	s13 =	sadd.s32 $0xC89, s2;
	[tilespmem:s7+$0x16880] =	vst v5;
	s7 =	sadd.s32 s28, s7;
	v5 =	vmov s24;
	s31 =	spop (v2sf)  }
0xe0: {  	[dreg:$0x15] =	wrdreg s12;
	[tilespmem:s7+$0x16880] =	vst v5;
	s7 =	sadd.s32 s31, s7;
	v5 =	vmov s30;
	s9 =	spop (v2sf)  }
0xe1: {  	s11 =	sadd.s32 $0xC88, s2;
	[tilespmem:s7+$0x16880] =	vst v5;
	s7 =	sadd.s32 s9, s7;
	v5 =	vmov s5;
	s12 =	spop (v2sf)  }
0xe2: {  	[dreg:$0x3] =	wrdreg s10;
	[tilespmem:s7+$0x16880] =	vst v5;
	s7 =	sadd.s32 s12, s7;
	v5 =	vmov s11;
	s15 =	spop (v2sf)  }
0xe3: {  	s17 =	sadd.s32 $0xC8A, s2;
	[tilespmem:s7+$0x16880] =	vst v5;
	s7 =	sadd.s32 s15, s7;
	v5 =	vmov s13;
	s18 =	spop (v2sf)  }
0xe4: {  	s19 =	sadd.s32 $0xC8B, s2;
	[tilespmem:s7+$0x16880] =	vst v5;
	s7 =	sadd.s32 s18, s7;
	v5 =	vmov s17;
	s20 =	spop (v2sf)  }
0xe5: {  	s21 =	sadd.s32 $0xC8C, s2;
	[tilespmem:s7+$0x16880] =	vst v5;
	s7 =	sadd.s32 s20, s7;
	v5 =	vmov s19;
	s22 =	spop (v2sf)  }
0xe6: {  	s23 =	sadd.s32 $0xC8D, s2;
	[tilespmem:s7+$0x16880] =	vst v5;
	s7 =	sadd.s32 s22, s7;
	v5 =	vmov s21;
	s24 =	spop (v2sf)  }
0xe7: {  	s28 =	sadd.s32 $0xC8E, s2;
	[tilespmem:s7+$0x16880] =	vst v5;
	s7 =	sadd.s32 s24, s7;
	v5 =	vmov s23;
	s30 =	spop (v2sf)  }
0xe8: {  	s2 =	sadd.s32 $0xC8F, s2;
	[tilespmem:s7+$0x16880] =	vst v5;
	s8 =	sadd.s32 s30, s7;
	v5 =	vmov s28;
	s31 =	spop (v2sf)  }
0xe9: {  	s7 =	simm.s32 $0x10;
	[tilespmem:s8+$0x16880] =	vst v5;
	s8 =	sadd.s32 s31, s8;
	v5 =	vmov s2;
	s17 =	spop (v2sf)  }
.LBB2_9:
0xea: {  	[tilespmem:s8+$0x16880] =	vst v5;
	s26 =	sadd.s32 $0x10, s26  }
0xeb: {  	v5 =	vld [tilespmem:s26+$0x0];
	_ =	sdelay $0x4  }
0xec: {  	v5 =	vsub.s32 v5, v0  }
0xed: {  	vm0 =	vlt.u32 v5, $0x140  }
0xee: {  	v5 =	vsel vm0, $0x1, v3  }
0xef: {  	(v2sf) =	vpush v5, $0x0  }
0xf0: {  	(v2sf) =	vpush v5, $0x1  }
0xf1: {  	(v2sf) =	vpush v5, $0x2  }
0xf2: {  	(v2sf) =	vpush v5, $0x3  }
0xf3: {  	(v2sf) =	vpush v5, $0x4  }
0xf4: {  	(v2sf) =	vpush v5, $0x5  }
0xf5: {  	(v2sf) =	vpush v5, $0x6  }
0xf6: {  	(v2sf) =	vpush v5, $0x7  }
0xf7: {  	(v2sf) =	vpush v5, $0x8  }
0xf8: {  	(v2sf) =	vpush v5, $0x9  }
0xf9: {  	(v2sf) =	vpush v5, $0xA  }
0xfa: {  	(v2sf) =	vpush v5, $0xB  }
0xfb: {  	s2 =	smov.u32 s7;
	s5 =	rddreg [dreg:$0x3];
	(v2sf) =	vpush v5, $0xC  }
0xfc: {  	s24 =	smov.u32 s6;
	s6 =	sadd.s32 s17, s8;
	s8 =	sadd.s32 s2, s5;
	(v2sf) =	vpush v5, $0xD  }
0xfd: {  	p0 =	sne.s32 s7, $0xC70;
	s2 =	sadd.s32 $0xC80, s8;
	(v2sf) =	vpush v5, $0xE  }
0xfe: {  	s9 =	sadd.s32 $0xC81, s8;
	s10 =	sadd.s32 $0xC82, s8;
	v6 =	vmov s2;
	s31 =	spop (v2sf);
	(v2sf) =	vpush v5, $0xF  }
0xff: {  	s20 =	sadd.s32 $0xC83, s8;
	[tilespmem:s6+$0x16880] =	vst v6;
	v5 =	vmov s9;
	s13 =	sadd.s32 s6, s31;
	s19 =	spop (v2sf)  }
0x100: {  	s11 =	sadd.s32 $0xC84, s8;
	[tilespmem:s13+$0x16880] =	vst v5;
	s13 =	sadd.s32 s19, s13;
	v5 =	vmov s10;
	s18 =	spop (v2sf)  }
0x101: {  	s21 =	sadd.s32 $0xC85, s8;
	[tilespmem:s13+$0x16880] =	vst v5;
	s13 =	sadd.s32 s18, s13;
	v5 =	vmov s20;
	s12 =	spop (v2sf)  }
0x102: {  	s22 =	sadd.s32 $0xC86, s8;
	[tilespmem:s13+$0x16880] =	vst v5;
	s13 =	sadd.s32 s12, s13;
	v5 =	vmov s11;
	s20 =	spop (v2sf)  }
0x103: {  	s23 =	sadd.s32 $0xC87, s8;
	[tilespmem:s13+$0x16880] =	vst v5;
	s13 =	sadd.s32 s20, s13;
	v5 =	vmov s21;
	s21 =	spop (v2sf)  }
0x104: {  	s5 =	sadd.s32 $0xC89, s8;
	[tilespmem:s13+$0x16880] =	vst v5;
	s13 =	sadd.s32 s21, s13;
	v5 =	vmov s22;
	s22 =	spop (v2sf)  }
0x105: {  	s11 =	sadd.s32 $0xC88, s8;
	[tilespmem:s13+$0x16880] =	vst v5;
	s13 =	sadd.s32 s22, s13;
	v5 =	vmov s23;
	s23 =	spop (v2sf)  }
0x106: {  	s17 =	sadd.s32 $0xC8A, s8;
	[tilespmem:s13+$0x16880] =	vst v5;
	s13 =	sadd.s32 s23, s13;
	v5 =	vmov s11;
	s28 =	spop (v2sf)  }
0x107: {  	s15 =	sadd.s32 $0xC8B, s8;
	[tilespmem:s13+$0x16880] =	vst v5;
	s13 =	sadd.s32 s28, s13;
	v5 =	vmov s5;
	s5 =	spop (v2sf)  }
0x108: {  	s2 =	sadd.s32 $0xC8C, s8;
	[tilespmem:s13+$0x16880] =	vst v5;
	s13 =	sadd.s32 s5, s13;
	v5 =	vmov s17;
	s30 =	spop (v2sf)  }
.Ltmp7:
0x109: {  	[tilespmem:s13+$0x16880] =	vst v5;
	s13 =	sadd.s32 s30, s13;
	v5 =	vmov s15;
	s15 =	spop (v2sf);
	(pc) =	sbr.rel @p0 .LBB2_9-.Ltmp7, $4  }
0x10a: {  	s9 =	sadd.s32 $0xC8D, s8;
	[tilespmem:s13+$0x16880] =	vst v5;
	s13 =	sadd.s32 s15, s13;
	v5 =	vmov s2;
	s10 =	spop (v2sf)  }
0x10b: {  	s17 =	sadd.s32 $0xC8E, s8;
	[tilespmem:s13+$0x16880] =	vst v5;
	s11 =	sadd.s32 s10, s13;
	v5 =	vmov s9;
	s13 =	spop (v2sf)  }
0x10c: {  	s2 =	sadd.s32 $0xC8F, s8;
	[tilespmem:s11+$0x16880] =	vst v5;
	s8 =	sadd.s32 s13, s11;
	v5 =	vmov s17;
	s11 =	spop (v2sf)  }
0x10d: {  	s7 =	sadd.s32 $0x10, s7;
	[tilespmem:s8+$0x16880] =	vst v5;
	s8 =	sadd.s32 s11, s8;
	v5 =	vmov s2;
	s17 =	spop (v2sf)  }
0x10e: {  	[dreg:$0x14] =	wrdreg s5  }
0x10f: {  	[dreg:$0x13] =	wrdreg s23  }
0x110: {  	[dreg:$0x12] =	wrdreg s22  }
0x111: {  	[dreg:$0x11] =	wrdreg s21  }
0x112: {  	[dreg:$0x10] =	wrdreg s20  }
0x113: {  	[dreg:$0xf] =	wrdreg s12  }
0x114: {  	[dreg:$0xe] =	wrdreg s19  }
0x115: {  	[dreg:$0xd] =	wrdreg s31  }
0x116: {  	s9 =	rddreg [dreg:$0x5]  }
0x117: {  	[tilespmem:s8+$0x16880] =	vst v5;
	s2 =	simm.s32 $0x80;
	s6 =	simm.s32 $0x16880;
	s7 =	simm.s32 $0x1B780  }
0x118: {  	[tilespmem:s7], [sflag:$0x4] =	stream.indirect.gather [hbm4b:s9+s2], $0x80, s6, s2, $0xb8;
	[tilespmem:$0x1F780] =	vst v63  }
0x119: {  	s26 =	rddreg [dreg:$0x4];
	s21 =	simm.s32 $0x17680;
	s22 =	simm.s32 $0x3  }
0x11a: {  	[tilespmem:s21], [sflag:$0x6] =	stream.indirect.gather [hbm4b:s26+s2], $0x1, s6, s2, $0xb8;
	[tilespmem:$0x1F780] =	vst v63  }
0x11b: {  	_ =	swait.ge [sflag:s22], $0x4000  }
0x11c: {  	[sflag:s22] =	ssyncset.done $0x0  }
0x11d: {  	s23 =	simm.s32 $0x5;
	[sflag:s22] =	ssyncadd.s32 $0xFFFFC000  }
0x11e: {  	_ =	swait.ge [sflag:s23], $0x80  }
0x11f: {  	s12 =	rddreg [dreg:$0x15]  }
0x120: {  	p0 =	slt.s32 s12, $0x1  }
.Ltmp8:
0x121: {  	_ = 	snop;
	(pc) =	sbr.rel @p0 .LBB2_14-.Ltmp8, $3  }
0x122: {  	_ =	sdelay $0x1  }
0x123: {  	s31 =	sadd.s32 s17, s8;
	[sflag:s23] =	ssyncset.done $0x0  }
0x124: {  	s19 =	smov.u32 s18;
	[dreg:$0xc] =	wrdreg s31;
	[sflag:s23] =	ssyncadd.s32 $0xFFFFFF80  }
0x125: {  	s26 =	simm.s32 $0x17580  }
0x126: {  	v5 =	vld [tilespmem:s26+$0x0];
	_ =	sdelay $0x4  }
0x127: {  	(v2sf) =	vpush v5, $0x0;
	_ =	sdelay $0xe  }
0x128: {  	s2 =	spop (v2sf)  }
0x129: {  	s6 =	simm.s32 $0x177C0;
	s7 =	ssub.s32 s2, s4  }
0x12a: {  	v5 =	vld [tilespmem:s6+$0xFFFFFFC0];
	s2 =	sshll.u32 s7, $0x7  }
0x12b: {  	v6 =	vld [tilespmem:s2+$0x0]  }
0x12c: {  	v7 =	vld [tilespmem:s2+$0xA000];
	_ =	sdelay $0x4  }
0x12d: {  	v6 =	vadd.f32 v6, v5;
	v5 =	vmax.f32 v7, v5  }
0x12e: {  	[tilespmem:s2+$0xA000] =	vst v5;
	v5 =	vld [tilespmem:s2+$0x10]  }
0x12f: {  	[tilespmem:s2+$0x0] =	vst v6;
	v6 =	vld [tilespmem:s2+$0xA010]  }
0x130: {  	v7 =	vld [tilespmem:s6+$0xFFFFFFD0];
	_ =	sdelay $0x4  }
0x131: {  	v5 =	vadd.f32 v5, v7;
	v6 =	vmax.f32 v6, v7  }
0x132: {  	[tilespmem:s2+$0xA010] =	vst v6;
	v6 =	vld [tilespmem:s2+$0xA020]  }
0x133: {  	[tilespmem:s2+$0x10] =	vst v5;
	v5 =	vld [tilespmem:s2+$0x20]  }
0x134: {  	v7 =	vld [tilespmem:s6+$0xFFFFFFE0];
	_ =	sdelay $0x4  }
0x135: {  	v5 =	vadd.f32 v5, v7;
	v6 =	vmax.f32 v6, v7  }
0x136: {  	[tilespmem:s2+$0xA020] =	vst v6;
	v6 =	vld [tilespmem:s2+$0xA030]  }
0x137: {  	[tilespmem:s2+$0x20] =	vst v5;
	v5 =	vld [tilespmem:s2+$0x30]  }
0x138: {  	v7 =	vld [tilespmem:s6+$0xFFFFFFF0];
	_ =	sdelay $0x4  }
0x139: {  	v5 =	vadd.f32 v5, v7;
	v6 =	vmax.f32 v6, v7  }
0x13a: {  	[tilespmem:s2+$0xA030] =	vst v6;
	v6 =	vld [tilespmem:s2+$0xA040]  }
0x13b: {  	[tilespmem:s2+$0x30] =	vst v5;
	v5 =	vld [tilespmem:s2+$0x40]  }
0x13c: {  	v7 =	vld [tilespmem:s6+$0x0];
	_ =	sdelay $0x4  }
0x13d: {  	v5 =	vadd.f32 v5, v7;
	v6 =	vmax.f32 v6, v7  }
0x13e: {  	[tilespmem:s2+$0xA040] =	vst v6;
	v6 =	vld [tilespmem:s2+$0xA050]  }
0x13f: {  	[tilespmem:s2+$0x40] =	vst v5;
	v5 =	vld [tilespmem:s2+$0x50]  }
0x140: {  	v7 =	vld [tilespmem:s6+$0x10];
	_ =	sdelay $0x4  }
0x141: {  	v5 =	vadd.f32 v5, v7;
	v6 =	vmax.f32 v6, v7  }
0x142: {  	[tilespmem:s2+$0xA050] =	vst v6;
	v6 =	vld [tilespmem:s2+$0xA060]  }
0x143: {  	[tilespmem:s2+$0x50] =	vst v5;
	v5 =	vld [tilespmem:s2+$0x60]  }
0x144: {  	v7 =	vld [tilespmem:s6+$0x20];
	_ =	sdelay $0x4  }
0x145: {  	v5 =	vadd.f32 v5, v7;
	v6 =	vmax.f32 v6, v7  }
0x146: {  	[tilespmem:s2+$0xA060] =	vst v6;
	v6 =	vld [tilespmem:s2+$0xA070]  }
0x147: {  	[tilespmem:s2+$0x60] =	vst v5;
	v5 =	vld [tilespmem:s2+$0x70]  }
0x148: {  	v7 =	vld [tilespmem:s6+$0x30];
	_ =	sdelay $0x4  }
0x149: {  	v5 =	vadd.f32 v5, v7;
	v6 =	vmax.f32 v6, v7  }
0x14a: {  	[tilespmem:s2+$0xA070] =	vst v6  }
0x14b: {  	s31 =	smin.u32 s12, $0x80;
	[tilespmem:s2+$0x70] =	vst v5  }
0x14c: {  	p0 =	sne.s32 s31, $0x1;
	v5 =	vld [tilespmem:s7+$0x14000]  }
.Ltmp9:
0x14d: {  	_ = 	snop;
	(pc) =	sbr.rel @!p0 .LBB2_13-.Ltmp9, $2  }
0x14e: {  	_ =	sdelay $0x2  }
0x14f: {  	s8 =	sadd.s32 $0xFFFFFFFF, s31;
	v5 =	vadd.f32 v4, v5  }
.LBB2_12:
0x150: {  	p0 =	sne.s32 s8, $0x1;
	s26 =	sadd.s32 $0x1, s26;
	s6 =	sadd.s32 $0x80, s6  }
0x151: {  	s8 =	sadd.s32 $0xFFFFFFFF, s8;
	[tilespmem:s7+$0x14000] =	vst v5  }
0x152: {  	v5 =	vld [tilespmem:s26+$0x0];
	_ =	sdelay $0x4  }
0x153: {  	(v2sf) =	vpush v5, $0x0;
	_ =	sdelay $0xe  }
0x154: {  	s2 =	spop (v2sf)  }
0x155: {  	s7 =	ssub.s32 s2, s4  }
0x156: {  	v5 =	vld [tilespmem:s6+$0xFFFFFFC0];
	s9 =	sshll.u32 s7, $0x7  }
0x157: {  	v6 =	vld [tilespmem:s9+$0x0]  }
0x158: {  	v7 =	vld [tilespmem:s9+$0xA000];
	_ =	sdelay $0x3  }
0x159: {  	v6 =	vadd.f32 v6, v5  }
0x15a: {  	v5 =	vmax.f32 v7, v5  }
0x15b: {  	[tilespmem:s9+$0x0] =	vst v6;
	v6 =	vld [tilespmem:s9+$0xA010]  }
0x15c: {  	[tilespmem:s9+$0xA000] =	vst v5;
	v5 =	vld [tilespmem:s9+$0x10]  }
0x15d: {  	v7 =	vld [tilespmem:s6+$0xFFFFFFD0];
	_ =	sdelay $0x4  }
0x15e: {  	v5 =	vadd.f32 v5, v7;
	v6 =	vmax.f32 v6, v7  }
0x15f: {  	[tilespmem:s9+$0xA010] =	vst v6;
	v6 =	vld [tilespmem:s9+$0xA020]  }
0x160: {  	[tilespmem:s9+$0x10] =	vst v5;
	v5 =	vld [tilespmem:s9+$0x20]  }
0x161: {  	v7 =	vld [tilespmem:s6+$0xFFFFFFE0];
	_ =	sdelay $0x4  }
0x162: {  	v5 =	vadd.f32 v5, v7;
	v6 =	vmax.f32 v6, v7  }
0x163: {  	[tilespmem:s9+$0xA020] =	vst v6;
	v6 =	vld [tilespmem:s9+$0xA030]  }
0x164: {  	[tilespmem:s9+$0x20] =	vst v5;
	v5 =	vld [tilespmem:s9+$0x30]  }
0x165: {  	v7 =	vld [tilespmem:s6+$0xFFFFFFF0];
	_ =	sdelay $0x4  }
0x166: {  	v5 =	vadd.f32 v5, v7;
	v6 =	vmax.f32 v6, v7  }
0x167: {  	[tilespmem:s9+$0xA030] =	vst v6;
	v6 =	vld [tilespmem:s9+$0xA040]  }
0x168: {  	[tilespmem:s9+$0x30] =	vst v5;
	v5 =	vld [tilespmem:s9+$0x40]  }
0x169: {  	v7 =	vld [tilespmem:s6+$0x0];
	_ =	sdelay $0x4  }
0x16a: {  	v5 =	vadd.f32 v5, v7;
	v6 =	vmax.f32 v6, v7  }
0x16b: {  	[tilespmem:s9+$0xA040] =	vst v6;
	v6 =	vld [tilespmem:s9+$0xA050]  }
0x16c: {  	[tilespmem:s9+$0x40] =	vst v5;
	v5 =	vld [tilespmem:s9+$0x50]  }
0x16d: {  	v7 =	vld [tilespmem:s6+$0x10];
	_ =	sdelay $0x4  }
0x16e: {  	v5 =	vadd.f32 v5, v7;
	v6 =	vmax.f32 v6, v7  }
0x16f: {  	[tilespmem:s9+$0xA050] =	vst v6;
	v6 =	vld [tilespmem:s9+$0xA060]  }
0x170: {  	[tilespmem:s9+$0x50] =	vst v5;
	v5 =	vld [tilespmem:s9+$0x60]  }
0x171: {  	v7 =	vld [tilespmem:s6+$0x20];
	_ =	sdelay $0x4  }
0x172: {  	v5 =	vadd.f32 v5, v7;
	v6 =	vmax.f32 v6, v7  }
0x173: {  	[tilespmem:s9+$0xA060] =	vst v6;
	v6 =	vld [tilespmem:s9+$0xA070]  }
0x174: {  	[tilespmem:s9+$0x60] =	vst v5;
	v5 =	vld [tilespmem:s9+$0x70]  }
0x175: {  	v7 =	vld [tilespmem:s6+$0x30];
	_ =	sdelay $0x4  }
0x176: {  	v5 =	vadd.f32 v5, v7;
	v6 =	vmax.f32 v6, v7  }
0x177: {  	[tilespmem:s9+$0xA070] =	vst v6  }
0x178: {  	[tilespmem:s9+$0x70] =	vst v5  }
0x179: {  	v5 =	vld [tilespmem:s7+$0x14000]  }
.Ltmp10:
0x17a: {  	(pc) =	sbr.rel @p0 .LBB2_12-.Ltmp10, $2  }
0x17b: {  	_ =	sdelay $0x2  }
0x17c: {  	v5 =	vadd.f32 v4, v5  }
.LBB2_13:
0x17d: {  	s26 =	rddreg [dreg:$0x4]  }
0x17e: {  	s9 =	rddreg [dreg:$0x5];
	[tilespmem:s7+$0x14000] =	vst v5  }
.LBB2_14:
0x17f: {  	s2 =	sadd.s32 $0x7F, s12  }
0x180: {  	s6 =	sand.u32 $0x7F, s2  }
0x181: {  	s7 =	sshra.s32 s2, $0x1F;
	p0 =	slt.s32 s2, $0x1;
	p1 =	sne.s32 s6, $0x0  }
0x182: {  	s31 =	sshrl.u32 s7, $0x19;
	p0 =	por !p0, !p1  }
0x183: {  	s6 =	simm.s32 $0x1;
	s2 =	sadd.s32 s31, s2;
	p0 =	por !p0, !p0  }
0x184: {  	s2 =	sshra.s32 s2, $0x7;
	s6 =	simm.s32 @!p0 $0x0  }
0x185: {  	s18 =	ssub.s32 s2, s6  }
0x186: {  	p0 =	slt.s32 s18, $0x2  }
.Ltmp11:
0x187: {  	_ = 	snop;
	(pc) =	sbr.rel @p0 .LBB2_21-.Ltmp11, $1  }
0x188: {  	_ =	sdelay $0x3  }
0x189: {  	s2 =	rddreg [dreg:$0x17]  }
0x18a: {  	s5 =	rddreg [dreg:$0x18]  }
0x18b: {  	s6 =	rddreg [dreg:$0x19];
	s2 =	sadd.s32 s2, s5  }
0x18c: {  	s7 =	rddreg [dreg:$0x1a];
	s2 =	sadd.s32 s2, s6  }
0x18d: {  	s8 =	rddreg [dreg:$0x1b];
	s2 =	sadd.s32 s2, s7  }
0x18e: {  	s20 =	rddreg [dreg:$0x1c];
	s2 =	sadd.s32 s2, s8  }
0x18f: {  	s21 =	rddreg [dreg:$0x1d];
	s2 =	sadd.s32 s2, s20  }
0x190: {  	s22 =	rddreg [dreg:$0x1e];
	s2 =	sadd.s32 s2, s21  }
0x191: {  	s23 =	rddreg [dreg:$0x1f];
	s2 =	sadd.s32 s22, s2  }
0x192: {  	s2 =	sadd.s32 s23, s2  }
0x193: {  	s2 =	sadd.s32 s3, s2  }
0x194: {  	s2 =	sadd.s32 s16, s2  }
0x195: {  	s2 =	sadd.s32 s29, s2  }
0x196: {  	s0 =	sadd.s32 s0, s2  }
.Ltmp12:
0x197: {  	s0 =	sadd.s32 s14, s0;
	(pc) =	sbr.rel .LBB2_16-.Ltmp12, $4  }
0x198: {  	s0 =	sadd.s32 s25, s0  }
0x199: {  	s31 =	rddreg [dreg:$0x16];
	s0 =	sadd.s32 s1, s0  }
0x19a: {  	s0 =	sadd.s32 s31, s0  }
0x19b: {  	s1 =	simm.s32 $0x1;
	s0 =	sadd.s32 $0xFFFFFF80, s0  }
.LBB2_19:
0x19c: {  	[tilespmem:s6+$0x14000] =	vst v5  }
.LBB2_20:
0x19d: {  	s1 =	sadd.s32 $0x1, s1  }
0x19e: {  	p0 =	sne.s32 s1, s18  }
.Ltmp13:
0x19f: {  	_ = 	snop;
	(pc) =	sbr.rel @!p0 .LBB2_21-.Ltmp13, $2  }
0x1a0: {  	_ =	sdelay $0x2  }
0x1a1: {  	s0 =	sadd.s32 $0xFFFFFF80, s0  }
.LBB2_16:
0x1a2: {  	s2 =	sshll.u32 s1, $0x9  }
0x1a3: {  	s2 =	sshra.s32 s2, $0x2  }
0x1a4: {  	s5 =	simm.s32 $0x80;
	s3 =	simm.s32 $0x17780;
	s2 =	sadd.s32 $0x15B80, s2  }
0x1a5: {  	[tilespmem:s3], [sflag:$0x3] =	stream.indirect.gather [hbm4b:s9+s5], $0x80, s2, s5, $0xb8;
	[tilespmem:$0x1F780] =	vst v63  }
0x1a6: {  	s29 =	sshll.u32 s1, $0x7;
	s3 =	simm.s32 $0x17580  }
0x1a7: {  	[tilespmem:s3], [sflag:$0x5] =	stream.indirect.gather [hbm4b:s26+s5], $0x1, s2, s5, $0xb8;
	[tilespmem:$0x1F780] =	vst v63  }
0x1a8: {  	s25 =	simm.s32 $0x3;
	s2 =	ssub.s32 s12, s29  }
0x1a9: {  	_ =	swait.ge [sflag:s25], $0x4000;
	p0 =	slt.s32 s2, $0x1  }
.Ltmp14:
0x1aa: {  	[sflag:s25] =	ssyncset.done $0x0;
	(pc) =	sbr.rel @p0 .LBB2_20-.Ltmp14, $4  }
0x1ab: {  	s31 =	simm.s32 $0x5;
	[sflag:s25] =	ssyncadd.s32 $0xFFFFC000  }
0x1ac: {  	_ =	swait.ge [sflag:s31], $0x80  }
0x1ad: {  	[sflag:s31] =	ssyncset.done $0x0  }
0x1ae: {  	[sflag:s31] =	ssyncadd.s32 $0xFFFFFF80  }
0x1af: {  	v5 =	vld [tilespmem:s3+$0x0];
	_ =	sdelay $0x4  }
0x1b0: {  	(v2sf) =	vpush v5, $0x0;
	_ =	sdelay $0xe  }
0x1b1: {  	s2 =	spop (v2sf)  }
0x1b2: {  	s5 =	simm.s32 $0x177C0;
	s6 =	ssub.s32 s2, s4  }
0x1b3: {  	v5 =	vld [tilespmem:s5+$0xFFFFFFC0];
	s2 =	sshll.u32 s6, $0x7  }
0x1b4: {  	v6 =	vld [tilespmem:s2+$0x0]  }
0x1b5: {  	v7 =	vld [tilespmem:s2+$0xA000];
	_ =	sdelay $0x4  }
0x1b6: {  	v6 =	vadd.f32 v6, v5;
	v5 =	vmax.f32 v7, v5  }
0x1b7: {  	[tilespmem:s2+$0xA000] =	vst v5;
	v5 =	vld [tilespmem:s2+$0x10]  }
0x1b8: {  	[tilespmem:s2+$0x0] =	vst v6;
	v6 =	vld [tilespmem:s2+$0xA010]  }
0x1b9: {  	v7 =	vld [tilespmem:s5+$0xFFFFFFD0];
	_ =	sdelay $0x4  }
0x1ba: {  	v5 =	vadd.f32 v5, v7;
	v6 =	vmax.f32 v6, v7  }
0x1bb: {  	[tilespmem:s2+$0xA010] =	vst v6;
	v6 =	vld [tilespmem:s2+$0xA020]  }
0x1bc: {  	[tilespmem:s2+$0x10] =	vst v5;
	v5 =	vld [tilespmem:s2+$0x20]  }
0x1bd: {  	v7 =	vld [tilespmem:s5+$0xFFFFFFE0];
	_ =	sdelay $0x4  }
0x1be: {  	v5 =	vadd.f32 v5, v7;
	v6 =	vmax.f32 v6, v7  }
0x1bf: {  	[tilespmem:s2+$0xA020] =	vst v6;
	v6 =	vld [tilespmem:s2+$0xA030]  }
0x1c0: {  	[tilespmem:s2+$0x20] =	vst v5;
	v5 =	vld [tilespmem:s2+$0x30]  }
0x1c1: {  	v7 =	vld [tilespmem:s5+$0xFFFFFFF0];
	_ =	sdelay $0x4  }
0x1c2: {  	v5 =	vadd.f32 v5, v7;
	v6 =	vmax.f32 v6, v7  }
0x1c3: {  	[tilespmem:s2+$0xA030] =	vst v6;
	v6 =	vld [tilespmem:s2+$0xA040]  }
0x1c4: {  	[tilespmem:s2+$0x30] =	vst v5;
	v5 =	vld [tilespmem:s2+$0x40]  }
0x1c5: {  	v7 =	vld [tilespmem:s5+$0x0];
	_ =	sdelay $0x4  }
0x1c6: {  	v5 =	vadd.f32 v5, v7;
	v6 =	vmax.f32 v6, v7  }
0x1c7: {  	[tilespmem:s2+$0xA040] =	vst v6;
	v6 =	vld [tilespmem:s2+$0xA050]  }
0x1c8: {  	[tilespmem:s2+$0x40] =	vst v5;
	v5 =	vld [tilespmem:s2+$0x50]  }
0x1c9: {  	v7 =	vld [tilespmem:s5+$0x10];
	_ =	sdelay $0x4  }
0x1ca: {  	v5 =	vadd.f32 v5, v7;
	v6 =	vmax.f32 v6, v7  }
0x1cb: {  	[tilespmem:s2+$0xA050] =	vst v6;
	v6 =	vld [tilespmem:s2+$0xA060]  }
0x1cc: {  	[tilespmem:s2+$0x50] =	vst v5;
	v5 =	vld [tilespmem:s2+$0x60]  }
0x1cd: {  	v7 =	vld [tilespmem:s5+$0x20];
	_ =	sdelay $0x4  }
0x1ce: {  	v5 =	vadd.f32 v5, v7;
	v6 =	vmax.f32 v6, v7  }
0x1cf: {  	[tilespmem:s2+$0xA060] =	vst v6;
	v6 =	vld [tilespmem:s2+$0xA070]  }
0x1d0: {  	[tilespmem:s2+$0x60] =	vst v5;
	v5 =	vld [tilespmem:s2+$0x70]  }
0x1d1: {  	v7 =	vld [tilespmem:s5+$0x30];
	_ =	sdelay $0x4  }
0x1d2: {  	v5 =	vadd.f32 v5, v7;
	v6 =	vmax.f32 v6, v7  }
0x1d3: {  	[tilespmem:s2+$0xA070] =	vst v6  }
0x1d4: {  	p0 =	sgt.s32 s0, $0x1;
	[tilespmem:s2+$0x70] =	vst v5;
	s2 =	smov.u32 s0  }
0x1d5: {  	s2 =	simm.s32 @!p0 $0x1  }
0x1d6: {  	v5 =	vld [tilespmem:s6+$0x14000];
	s2 =	smin.u32 s2, $0x80  }
0x1d7: {  	p0 =	sne.s32 s2, $0x1  }
.Ltmp15:
0x1d8: {  	_ = 	snop;
	(pc) =	sbr.rel @!p0 .LBB2_19-.Ltmp15, $3  }
0x1d9: {  	_ =	sdelay $0x1  }
0x1da: {  	v5 =	vadd.f32 v4, v5  }
0x1db: {  	s7 =	sadd.s32 $0xFFFFFFFF, s2  }
.LBB2_18:
0x1dc: {  	p0 =	sne.s32 s7, $0x1;
	s3 =	sadd.s32 $0x1, s3;
	s5 =	sadd.s32 $0x80, s5  }
0x1dd: {  	s7 =	sadd.s32 $0xFFFFFFFF, s7;
	[tilespmem:s6+$0x14000] =	vst v5  }
0x1de: {  	v5 =	vld [tilespmem:s3+$0x0];
	_ =	sdelay $0x4  }
0x1df: {  	(v2sf) =	vpush v5, $0x0;
	_ =	sdelay $0xe  }
0x1e0: {  	s2 =	spop (v2sf)  }
0x1e1: {  	s6 =	ssub.s32 s2, s4  }
0x1e2: {  	v5 =	vld [tilespmem:s5+$0xFFFFFFC0];
	s8 =	sshll.u32 s6, $0x7  }
0x1e3: {  	v6 =	vld [tilespmem:s8+$0x0]  }
0x1e4: {  	v7 =	vld [tilespmem:s8+$0xA000];
	_ =	sdelay $0x3  }
0x1e5: {  	v6 =	vadd.f32 v6, v5  }
0x1e6: {  	v5 =	vmax.f32 v7, v5  }
0x1e7: {  	[tilespmem:s8+$0x0] =	vst v6;
	v6 =	vld [tilespmem:s8+$0xA010]  }
0x1e8: {  	[tilespmem:s8+$0xA000] =	vst v5;
	v5 =	vld [tilespmem:s8+$0x10]  }
0x1e9: {  	v7 =	vld [tilespmem:s5+$0xFFFFFFD0];
	_ =	sdelay $0x4  }
0x1ea: {  	v5 =	vadd.f32 v5, v7;
	v6 =	vmax.f32 v6, v7  }
0x1eb: {  	[tilespmem:s8+$0xA010] =	vst v6;
	v6 =	vld [tilespmem:s8+$0xA020]  }
0x1ec: {  	[tilespmem:s8+$0x10] =	vst v5;
	v5 =	vld [tilespmem:s8+$0x20]  }
0x1ed: {  	v7 =	vld [tilespmem:s5+$0xFFFFFFE0];
	_ =	sdelay $0x4  }
0x1ee: {  	v5 =	vadd.f32 v5, v7;
	v6 =	vmax.f32 v6, v7  }
0x1ef: {  	[tilespmem:s8+$0xA020] =	vst v6;
	v6 =	vld [tilespmem:s8+$0xA030]  }
0x1f0: {  	[tilespmem:s8+$0x20] =	vst v5;
	v5 =	vld [tilespmem:s8+$0x30]  }
0x1f1: {  	v7 =	vld [tilespmem:s5+$0xFFFFFFF0];
	_ =	sdelay $0x4  }
0x1f2: {  	v5 =	vadd.f32 v5, v7;
	v6 =	vmax.f32 v6, v7  }
0x1f3: {  	[tilespmem:s8+$0xA030] =	vst v6;
	v6 =	vld [tilespmem:s8+$0xA040]  }
0x1f4: {  	[tilespmem:s8+$0x30] =	vst v5;
	v5 =	vld [tilespmem:s8+$0x40]  }
0x1f5: {  	v7 =	vld [tilespmem:s5+$0x0];
	_ =	sdelay $0x4  }
0x1f6: {  	v5 =	vadd.f32 v5, v7;
	v6 =	vmax.f32 v6, v7  }
0x1f7: {  	[tilespmem:s8+$0xA040] =	vst v6;
	v6 =	vld [tilespmem:s8+$0xA050]  }
0x1f8: {  	[tilespmem:s8+$0x40] =	vst v5;
	v5 =	vld [tilespmem:s8+$0x50]  }
0x1f9: {  	v7 =	vld [tilespmem:s5+$0x10];
	_ =	sdelay $0x4  }
0x1fa: {  	v5 =	vadd.f32 v5, v7;
	v6 =	vmax.f32 v6, v7  }
0x1fb: {  	[tilespmem:s8+$0xA050] =	vst v6;
	v6 =	vld [tilespmem:s8+$0xA060]  }
0x1fc: {  	[tilespmem:s8+$0x50] =	vst v5;
	v5 =	vld [tilespmem:s8+$0x60]  }
0x1fd: {  	v7 =	vld [tilespmem:s5+$0x20];
	_ =	sdelay $0x4  }
0x1fe: {  	v5 =	vadd.f32 v5, v7;
	v6 =	vmax.f32 v6, v7  }
0x1ff: {  	[tilespmem:s8+$0xA060] =	vst v6;
	v6 =	vld [tilespmem:s8+$0xA070]  }
0x200: {  	[tilespmem:s8+$0x60] =	vst v5;
	v5 =	vld [tilespmem:s8+$0x70]  }
0x201: {  	v7 =	vld [tilespmem:s5+$0x30];
	_ =	sdelay $0x4  }
0x202: {  	v5 =	vadd.f32 v5, v7;
	v6 =	vmax.f32 v6, v7  }
0x203: {  	[tilespmem:s8+$0xA070] =	vst v6  }
0x204: {  	[tilespmem:s8+$0x70] =	vst v5  }
0x205: {  	v5 =	vld [tilespmem:s6+$0x14000]  }
.Ltmp16:
0x206: {  	(pc) =	sbr.rel @p0 .LBB2_18-.Ltmp16, $2  }
0x207: {  	_ =	sdelay $0x2  }
0x208: {  	v5 =	vadd.f32 v4, v5  }
.Ltmp17:
0x209: {  	_ = 	snop;
	(pc) =	sbr.rel .LBB2_19-.Ltmp17, $1  }
0x20a: {  	_ =	sdelay $0x3  }
.LBB2_21:
0x20b: {  	s14 =	simm.s32 $0x4  }
0x20c: {  	_ =	swait.ge [sflag:s14], $0x4000  }
0x20d: {  	[sflag:s14] =	ssyncset.done $0x0  }
0x20e: {  	s16 =	simm.s32 $0x6;
	[sflag:s14] =	ssyncadd.s32 $0xFFFFC000  }
0x20f: {  	_ =	swait.ge [sflag:s16], $0x80  }
0x210: {  	s18 =	rddreg [dreg:$0xc]  }
0x211: {  	s7 =	rddreg [dreg:$0xd]  }
0x212: {  	s8 =	rddreg [dreg:$0xe]  }
0x213: {  	s20 =	rddreg [dreg:$0xf];
	p0 =	slt.s32 s18, $0x1  }
.Ltmp18:
0x214: {  	s21 =	rddreg [dreg:$0x10];
	(pc) =	sbr.rel @p0 .LBB2_25-.Ltmp18, $4  }
0x215: {  	s22 =	rddreg [dreg:$0x11]  }
0x216: {  	s23 =	rddreg [dreg:$0x12]  }
0x217: {  	[sflag:s16] =	ssyncset.done $0x0;
	s25 =	rddreg [dreg:$0x13]  }
0x218: {  	s12 =	simm.s32 $0x1B780;
	s29 =	rddreg [dreg:$0x14];
	[sflag:s16] =	ssyncadd.s32 $0xFFFFFF80  }
0x219: {  	s0 =	simm.s32 $0x17680  }
0x21a: {  	v5 =	vld [tilespmem:s0+$0x0];
	_ =	sdelay $0x4  }
0x21b: {  	(v2sf) =	vpush v5, $0x0;
	_ =	sdelay $0xe  }
0x21c: {  	s2 =	spop (v2sf)  }
0x21d: {  	s1 =	simm.s32 $0x1B7C0;
	s3 =	ssub.s32 s2, s4  }
0x21e: {  	v5 =	vld [tilespmem:s1+$0xFFFFFFC0];
	s2 =	sshll.u32 s3, $0x7  }
0x21f: {  	v6 =	vld [tilespmem:s2+$0x0]  }
0x220: {  	v7 =	vld [tilespmem:s2+$0xA000];
	_ =	sdelay $0x4  }
0x221: {  	v6 =	vadd.f32 v6, v5;
	v5 =	vmax.f32 v7, v5  }
0x222: {  	[tilespmem:s2+$0xA000] =	vst v5;
	v5 =	vld [tilespmem:s2+$0x10]  }
0x223: {  	[tilespmem:s2+$0x0] =	vst v6;
	v6 =	vld [tilespmem:s2+$0xA010]  }
0x224: {  	v7 =	vld [tilespmem:s1+$0xFFFFFFD0];
	_ =	sdelay $0x4  }
0x225: {  	v5 =	vadd.f32 v5, v7;
	v6 =	vmax.f32 v6, v7  }
0x226: {  	[tilespmem:s2+$0xA010] =	vst v6;
	v6 =	vld [tilespmem:s2+$0xA020]  }
0x227: {  	[tilespmem:s2+$0x10] =	vst v5;
	v5 =	vld [tilespmem:s2+$0x20]  }
0x228: {  	v7 =	vld [tilespmem:s1+$0xFFFFFFE0];
	_ =	sdelay $0x4  }
0x229: {  	v5 =	vadd.f32 v5, v7;
	v6 =	vmax.f32 v6, v7  }
0x22a: {  	[tilespmem:s2+$0xA020] =	vst v6;
	v6 =	vld [tilespmem:s2+$0xA030]  }
0x22b: {  	[tilespmem:s2+$0x20] =	vst v5;
	v5 =	vld [tilespmem:s2+$0x30]  }
0x22c: {  	v7 =	vld [tilespmem:s1+$0xFFFFFFF0];
	_ =	sdelay $0x4  }
0x22d: {  	v5 =	vadd.f32 v5, v7;
	v6 =	vmax.f32 v6, v7  }
0x22e: {  	[tilespmem:s2+$0xA030] =	vst v6;
	v6 =	vld [tilespmem:s2+$0xA040]  }
0x22f: {  	[tilespmem:s2+$0x30] =	vst v5;
	v5 =	vld [tilespmem:s2+$0x40]  }
0x230: {  	v7 =	vld [tilespmem:s1+$0x0];
	_ =	sdelay $0x4  }
0x231: {  	v5 =	vadd.f32 v5, v7;
	v6 =	vmax.f32 v6, v7  }
0x232: {  	[tilespmem:s2+$0xA040] =	vst v6;
	v6 =	vld [tilespmem:s2+$0xA050]  }
0x233: {  	[tilespmem:s2+$0x40] =	vst v5;
	v5 =	vld [tilespmem:s2+$0x50]  }
0x234: {  	v7 =	vld [tilespmem:s1+$0x10];
	_ =	sdelay $0x4  }
0x235: {  	v5 =	vadd.f32 v5, v7;
	v6 =	vmax.f32 v6, v7  }
0x236: {  	[tilespmem:s2+$0xA050] =	vst v6;
	v6 =	vld [tilespmem:s2+$0xA060]  }
0x237: {  	[tilespmem:s2+$0x50] =	vst v5;
	v5 =	vld [tilespmem:s2+$0x60]  }
0x238: {  	v7 =	vld [tilespmem:s1+$0x20];
	_ =	sdelay $0x4  }
0x239: {  	v5 =	vadd.f32 v5, v7;
	v6 =	vmax.f32 v6, v7  }
0x23a: {  	[tilespmem:s2+$0xA060] =	vst v6;
	v6 =	vld [tilespmem:s2+$0xA070]  }
0x23b: {  	[tilespmem:s2+$0x60] =	vst v5;
	v5 =	vld [tilespmem:s2+$0x70]  }
0x23c: {  	v7 =	vld [tilespmem:s1+$0x30];
	_ =	sdelay $0x4  }
0x23d: {  	v5 =	vadd.f32 v5, v7;
	v6 =	vmax.f32 v6, v7  }
0x23e: {  	[tilespmem:s2+$0xA070] =	vst v6  }
0x23f: {  	s31 =	smin.u32 s18, $0x80;
	[tilespmem:s2+$0x70] =	vst v5  }
0x240: {  	p0 =	sne.s32 s31, $0x1;
	v5 =	vld [tilespmem:s3+$0x14000]  }
.Ltmp19:
0x241: {  	_ = 	snop;
	(pc) =	sbr.rel @!p0 .LBB2_24-.Ltmp19, $2  }
0x242: {  	_ =	sdelay $0x2  }
0x243: {  	s5 =	sadd.s32 $0xFFFFFFFF, s31;
	v5 =	vadd.f32 v4, v5  }
.LBB2_23:
0x244: {  	p0 =	sne.s32 s5, $0x1;
	s0 =	sadd.s32 $0x1, s0;
	s1 =	sadd.s32 $0x80, s1  }
0x245: {  	s5 =	sadd.s32 $0xFFFFFFFF, s5;
	[tilespmem:s3+$0x14000] =	vst v5  }
0x246: {  	v5 =	vld [tilespmem:s0+$0x0];
	_ =	sdelay $0x4  }
0x247: {  	(v2sf) =	vpush v5, $0x0;
	_ =	sdelay $0xe  }
0x248: {  	s2 =	spop (v2sf)  }
0x249: {  	s3 =	ssub.s32 s2, s4  }
0x24a: {  	v5 =	vld [tilespmem:s1+$0xFFFFFFC0];
	s6 =	sshll.u32 s3, $0x7  }
0x24b: {  	v6 =	vld [tilespmem:s6+$0x0]  }
0x24c: {  	v7 =	vld [tilespmem:s6+$0xA000];
	_ =	sdelay $0x3  }
0x24d: {  	v6 =	vadd.f32 v6, v5  }
0x24e: {  	v5 =	vmax.f32 v7, v5  }
0x24f: {  	[tilespmem:s6+$0x0] =	vst v6;
	v6 =	vld [tilespmem:s6+$0xA010]  }
0x250: {  	[tilespmem:s6+$0xA000] =	vst v5;
	v5 =	vld [tilespmem:s6+$0x10]  }
0x251: {  	v7 =	vld [tilespmem:s1+$0xFFFFFFD0];
	_ =	sdelay $0x4  }
0x252: {  	v5 =	vadd.f32 v5, v7;
	v6 =	vmax.f32 v6, v7  }
0x253: {  	[tilespmem:s6+$0xA010] =	vst v6;
	v6 =	vld [tilespmem:s6+$0xA020]  }
0x254: {  	[tilespmem:s6+$0x10] =	vst v5;
	v5 =	vld [tilespmem:s6+$0x20]  }
0x255: {  	v7 =	vld [tilespmem:s1+$0xFFFFFFE0];
	_ =	sdelay $0x4  }
0x256: {  	v5 =	vadd.f32 v5, v7;
	v6 =	vmax.f32 v6, v7  }
0x257: {  	[tilespmem:s6+$0xA020] =	vst v6;
	v6 =	vld [tilespmem:s6+$0xA030]  }
0x258: {  	[tilespmem:s6+$0x20] =	vst v5;
	v5 =	vld [tilespmem:s6+$0x30]  }
0x259: {  	v7 =	vld [tilespmem:s1+$0xFFFFFFF0];
	_ =	sdelay $0x4  }
0x25a: {  	v5 =	vadd.f32 v5, v7;
	v6 =	vmax.f32 v6, v7  }
0x25b: {  	[tilespmem:s6+$0xA030] =	vst v6;
	v6 =	vld [tilespmem:s6+$0xA040]  }
0x25c: {  	[tilespmem:s6+$0x30] =	vst v5;
	v5 =	vld [tilespmem:s6+$0x40]  }
0x25d: {  	v7 =	vld [tilespmem:s1+$0x0];
	_ =	sdelay $0x4  }
0x25e: {  	v5 =	vadd.f32 v5, v7;
	v6 =	vmax.f32 v6, v7  }
0x25f: {  	[tilespmem:s6+$0xA040] =	vst v6;
	v6 =	vld [tilespmem:s6+$0xA050]  }
0x260: {  	[tilespmem:s6+$0x40] =	vst v5;
	v5 =	vld [tilespmem:s6+$0x50]  }
0x261: {  	v7 =	vld [tilespmem:s1+$0x10];
	_ =	sdelay $0x4  }
0x262: {  	v5 =	vadd.f32 v5, v7;
	v6 =	vmax.f32 v6, v7  }
0x263: {  	[tilespmem:s6+$0xA050] =	vst v6;
	v6 =	vld [tilespmem:s6+$0xA060]  }
0x264: {  	[tilespmem:s6+$0x50] =	vst v5;
	v5 =	vld [tilespmem:s6+$0x60]  }
0x265: {  	v7 =	vld [tilespmem:s1+$0x20];
	_ =	sdelay $0x4  }
0x266: {  	v5 =	vadd.f32 v5, v7;
	v6 =	vmax.f32 v6, v7  }
0x267: {  	[tilespmem:s6+$0xA060] =	vst v6;
	v6 =	vld [tilespmem:s6+$0xA070]  }
0x268: {  	[tilespmem:s6+$0x60] =	vst v5;
	v5 =	vld [tilespmem:s6+$0x70]  }
0x269: {  	v7 =	vld [tilespmem:s1+$0x30];
	_ =	sdelay $0x4  }
0x26a: {  	v5 =	vadd.f32 v5, v7;
	v6 =	vmax.f32 v6, v7  }
0x26b: {  	[tilespmem:s6+$0xA070] =	vst v6  }
0x26c: {  	[tilespmem:s6+$0x70] =	vst v5  }
0x26d: {  	v5 =	vld [tilespmem:s3+$0x14000]  }
.Ltmp20:
0x26e: {  	(pc) =	sbr.rel @p0 .LBB2_23-.Ltmp20, $2  }
0x26f: {  	_ =	sdelay $0x2  }
0x270: {  	v5 =	vadd.f32 v4, v5  }
.LBB2_24:
0x271: {  	_ = 	snop  }
0x272: {  	[tilespmem:s3+$0x14000] =	vst v5  }
.LBB2_25:
0x273: {  	s0 =	sadd.s32 $0x7F, s18  }
0x274: {  	s1 =	sand.u32 $0x7F, s0  }
0x275: {  	s2 =	sshra.s32 s0, $0x1F;
	p0 =	slt.s32 s0, $0x1;
	p1 =	sne.s32 s1, $0x0  }
0x276: {  	s31 =	sshrl.u32 s2, $0x19;
	p0 =	por !p0, !p1  }
0x277: {  	s1 =	simm.s32 $0x1;
	s0 =	sadd.s32 s31, s0;
	p0 =	por !p0, !p0  }
0x278: {  	s0 =	sshra.s32 s0, $0x7;
	s1 =	simm.s32 @!p0 $0x0  }
0x279: {  	s0 =	ssub.s32 s0, s1  }
0x27a: {  	p0 =	slt.s32 s0, $0x2  }
.Ltmp21:
0x27b: {  	_ = 	snop;
	(pc) =	sbr.rel @p0 .LBB2_32-.Ltmp21, $1  }
0x27c: {  	_ =	sdelay $0x3  }
0x27d: {  	s1 =	sadd.s32 s7, s8  }
0x27e: {  	s1 =	sadd.s32 s1, s19  }
0x27f: {  	s1 =	sadd.s32 s1, s20  }
0x280: {  	s1 =	sadd.s32 s1, s21  }
0x281: {  	s1 =	sadd.s32 s1, s22  }
0x282: {  	s1 =	sadd.s32 s1, s23  }
0x283: {  	s1 =	sadd.s32 s25, s1  }
0x284: {  	s1 =	sadd.s32 s28, s1  }
0x285: {  	s1 =	sadd.s32 s29, s1  }
0x286: {  	s1 =	sadd.s32 s30, s1  }
0x287: {  	s1 =	sadd.s32 s15, s1  }
0x288: {  	s1 =	sadd.s32 s10, s1  }
.Ltmp22:
0x289: {  	s1 =	sadd.s32 s13, s1;
	(pc) =	sbr.rel .LBB2_27-.Ltmp22, $4  }
0x28a: {  	s1 =	sadd.s32 s11, s1  }
0x28b: {  	s1 =	sadd.s32 s17, s1  }
0x28c: {  	s1 =	sadd.s32 s24, s1  }
0x28d: {  	s2 =	simm.s32 $0x1;
	s1 =	sadd.s32 $0xFFFFFF80, s1  }
.LBB2_30:
0x28e: {  	[tilespmem:s6+$0x14000] =	vst v5  }
.LBB2_31:
0x28f: {  	s2 =	sadd.s32 $0x1, s2  }
0x290: {  	p0 =	sne.s32 s2, s0  }
.Ltmp23:
0x291: {  	_ = 	snop;
	(pc) =	sbr.rel @!p0 .LBB2_32-.Ltmp23, $2  }
0x292: {  	_ =	sdelay $0x2  }
0x293: {  	s1 =	sadd.s32 $0xFFFFFF80, s1  }
.LBB2_27:
0x294: {  	s3 =	sshll.u32 s2, $0x9  }
0x295: {  	s3 =	sshra.s32 s3, $0x2  }
0x296: {  	s6 =	simm.s32 $0x80;
	s5 =	sadd.s32 $0x16880, s3  }
0x297: {  	[tilespmem:s12], [sflag:$0x4] =	stream.indirect.gather [hbm4b:s9+s6], $0x80, s5, s6, $0xb8;
	[tilespmem:$0x1F780] =	vst v63  }
0x298: {  	s31 =	sshll.u32 s2, $0x7;
	s3 =	simm.s32 $0x17680  }
0x299: {  	[tilespmem:s3], [sflag:$0x6] =	stream.indirect.gather [hbm4b:s26+s6], $0x1, s5, s6, $0xb8;
	[tilespmem:$0x1F780] =	vst v63  }
0x29a: {  	s5 =	ssub.s32 s18, s31  }
0x29b: {  	_ =	swait.ge [sflag:s14], $0x4000;
	p0 =	slt.s32 s5, $0x1  }
.Ltmp24:
0x29c: {  	[sflag:s14] =	ssyncset.done $0x0;
	(pc) =	sbr.rel @p0 .LBB2_31-.Ltmp24, $4  }
0x29d: {  	[sflag:s14] =	ssyncadd.s32 $0xFFFFC000  }
0x29e: {  	_ =	swait.ge [sflag:s16], $0x80  }
0x29f: {  	[sflag:s16] =	ssyncset.done $0x0  }
0x2a0: {  	[sflag:s16] =	ssyncadd.s32 $0xFFFFFF80  }
0x2a1: {  	v5 =	vld [tilespmem:s3+$0x0];
	_ =	sdelay $0x4  }
0x2a2: {  	(v2sf) =	vpush v5, $0x0;
	_ =	sdelay $0xe  }
0x2a3: {  	s6 =	spop (v2sf)  }
0x2a4: {  	s5 =	simm.s32 $0x1B7C0;
	s6 =	ssub.s32 s6, s4  }
0x2a5: {  	v5 =	vld [tilespmem:s5+$0xFFFFFFC0];
	s7 =	sshll.u32 s6, $0x7  }
0x2a6: {  	v6 =	vld [tilespmem:s7+$0x0]  }
0x2a7: {  	v7 =	vld [tilespmem:s7+$0xA000];
	_ =	sdelay $0x4  }
0x2a8: {  	v6 =	vadd.f32 v6, v5;
	v5 =	vmax.f32 v7, v5  }
0x2a9: {  	[tilespmem:s7+$0xA000] =	vst v5;
	v5 =	vld [tilespmem:s7+$0x10]  }
0x2aa: {  	[tilespmem:s7+$0x0] =	vst v6;
	v6 =	vld [tilespmem:s7+$0xA010]  }
0x2ab: {  	v7 =	vld [tilespmem:s5+$0xFFFFFFD0];
	_ =	sdelay $0x4  }
0x2ac: {  	v5 =	vadd.f32 v5, v7;
	v6 =	vmax.f32 v6, v7  }
0x2ad: {  	[tilespmem:s7+$0xA010] =	vst v6;
	v6 =	vld [tilespmem:s7+$0xA020]  }
0x2ae: {  	[tilespmem:s7+$0x10] =	vst v5;
	v5 =	vld [tilespmem:s7+$0x20]  }
0x2af: {  	v7 =	vld [tilespmem:s5+$0xFFFFFFE0];
	_ =	sdelay $0x4  }
0x2b0: {  	v5 =	vadd.f32 v5, v7;
	v6 =	vmax.f32 v6, v7  }
0x2b1: {  	[tilespmem:s7+$0xA020] =	vst v6;
	v6 =	vld [tilespmem:s7+$0xA030]  }
0x2b2: {  	[tilespmem:s7+$0x20] =	vst v5;
	v5 =	vld [tilespmem:s7+$0x30]  }
0x2b3: {  	v7 =	vld [tilespmem:s5+$0xFFFFFFF0];
	_ =	sdelay $0x4  }
0x2b4: {  	v5 =	vadd.f32 v5, v7;
	v6 =	vmax.f32 v6, v7  }
0x2b5: {  	[tilespmem:s7+$0xA030] =	vst v6;
	v6 =	vld [tilespmem:s7+$0xA040]  }
0x2b6: {  	[tilespmem:s7+$0x30] =	vst v5;
	v5 =	vld [tilespmem:s7+$0x40]  }
0x2b7: {  	v7 =	vld [tilespmem:s5+$0x0];
	_ =	sdelay $0x4  }
0x2b8: {  	v5 =	vadd.f32 v5, v7;
	v6 =	vmax.f32 v6, v7  }
0x2b9: {  	[tilespmem:s7+$0xA040] =	vst v6;
	v6 =	vld [tilespmem:s7+$0xA050]  }
0x2ba: {  	[tilespmem:s7+$0x40] =	vst v5;
	v5 =	vld [tilespmem:s7+$0x50]  }
0x2bb: {  	v7 =	vld [tilespmem:s5+$0x10];
	_ =	sdelay $0x4  }
0x2bc: {  	v5 =	vadd.f32 v5, v7;
	v6 =	vmax.f32 v6, v7  }
0x2bd: {  	[tilespmem:s7+$0xA050] =	vst v6;
	v6 =	vld [tilespmem:s7+$0xA060]  }
0x2be: {  	[tilespmem:s7+$0x50] =	vst v5;
	v5 =	vld [tilespmem:s7+$0x60]  }
0x2bf: {  	v7 =	vld [tilespmem:s5+$0x20];
	_ =	sdelay $0x4  }
0x2c0: {  	v5 =	vadd.f32 v5, v7;
	v6 =	vmax.f32 v6, v7  }
0x2c1: {  	[tilespmem:s7+$0xA060] =	vst v6;
	v6 =	vld [tilespmem:s7+$0xA070]  }
0x2c2: {  	[tilespmem:s7+$0x60] =	vst v5;
	v5 =	vld [tilespmem:s7+$0x70]  }
0x2c3: {  	v7 =	vld [tilespmem:s5+$0x30];
	_ =	sdelay $0x4  }
0x2c4: {  	v5 =	vadd.f32 v5, v7;
	v6 =	vmax.f32 v6, v7  }
0x2c5: {  	[tilespmem:s7+$0xA070] =	vst v6  }
0x2c6: {  	p0 =	sgt.s32 s1, $0x1;
	[tilespmem:s7+$0x70] =	vst v5;
	s7 =	smov.u32 s1  }
0x2c7: {  	s7 =	simm.s32 @!p0 $0x1  }
0x2c8: {  	v5 =	vld [tilespmem:s6+$0x14000];
	s7 =	smin.u32 s7, $0x80  }
0x2c9: {  	p0 =	sne.s32 s7, $0x1  }
.Ltmp25:
0x2ca: {  	_ = 	snop;
	(pc) =	sbr.rel @!p0 .LBB2_30-.Ltmp25, $3  }
0x2cb: {  	_ =	sdelay $0x1  }
0x2cc: {  	v5 =	vadd.f32 v4, v5  }
0x2cd: {  	s7 =	sadd.s32 $0xFFFFFFFF, s7  }
.LBB2_29:
0x2ce: {  	p0 =	sne.s32 s7, $0x1;
	s3 =	sadd.s32 $0x1, s3;
	s5 =	sadd.s32 $0x80, s5  }
0x2cf: {  	s7 =	sadd.s32 $0xFFFFFFFF, s7;
	[tilespmem:s6+$0x14000] =	vst v5  }
0x2d0: {  	v5 =	vld [tilespmem:s3+$0x0];
	_ =	sdelay $0x4  }
0x2d1: {  	(v2sf) =	vpush v5, $0x0;
	_ =	sdelay $0xe  }
0x2d2: {  	s6 =	spop (v2sf)  }
0x2d3: {  	s6 =	ssub.s32 s6, s4  }
0x2d4: {  	v5 =	vld [tilespmem:s5+$0xFFFFFFC0];
	s8 =	sshll.u32 s6, $0x7  }
0x2d5: {  	v6 =	vld [tilespmem:s8+$0x0]  }
0x2d6: {  	v7 =	vld [tilespmem:s8+$0xA000];
	_ =	sdelay $0x3  }
0x2d7: {  	v6 =	vadd.f32 v6, v5  }
0x2d8: {  	v5 =	vmax.f32 v7, v5  }
0x2d9: {  	[tilespmem:s8+$0x0] =	vst v6;
	v6 =	vld [tilespmem:s8+$0xA010]  }
0x2da: {  	[tilespmem:s8+$0xA000] =	vst v5;
	v5 =	vld [tilespmem:s8+$0x10]  }
0x2db: {  	v7 =	vld [tilespmem:s5+$0xFFFFFFD0];
	_ =	sdelay $0x4  }
0x2dc: {  	v5 =	vadd.f32 v5, v7;
	v6 =	vmax.f32 v6, v7  }
0x2dd: {  	[tilespmem:s8+$0xA010] =	vst v6;
	v6 =	vld [tilespmem:s8+$0xA020]  }
0x2de: {  	[tilespmem:s8+$0x10] =	vst v5;
	v5 =	vld [tilespmem:s8+$0x20]  }
0x2df: {  	v7 =	vld [tilespmem:s5+$0xFFFFFFE0];
	_ =	sdelay $0x4  }
0x2e0: {  	v5 =	vadd.f32 v5, v7;
	v6 =	vmax.f32 v6, v7  }
0x2e1: {  	[tilespmem:s8+$0xA020] =	vst v6;
	v6 =	vld [tilespmem:s8+$0xA030]  }
0x2e2: {  	[tilespmem:s8+$0x20] =	vst v5;
	v5 =	vld [tilespmem:s8+$0x30]  }
0x2e3: {  	v7 =	vld [tilespmem:s5+$0xFFFFFFF0];
	_ =	sdelay $0x4  }
0x2e4: {  	v5 =	vadd.f32 v5, v7;
	v6 =	vmax.f32 v6, v7  }
0x2e5: {  	[tilespmem:s8+$0xA030] =	vst v6;
	v6 =	vld [tilespmem:s8+$0xA040]  }
0x2e6: {  	[tilespmem:s8+$0x30] =	vst v5;
	v5 =	vld [tilespmem:s8+$0x40]  }
0x2e7: {  	v7 =	vld [tilespmem:s5+$0x0];
	_ =	sdelay $0x4  }
0x2e8: {  	v5 =	vadd.f32 v5, v7;
	v6 =	vmax.f32 v6, v7  }
0x2e9: {  	[tilespmem:s8+$0xA040] =	vst v6;
	v6 =	vld [tilespmem:s8+$0xA050]  }
0x2ea: {  	[tilespmem:s8+$0x40] =	vst v5;
	v5 =	vld [tilespmem:s8+$0x50]  }
0x2eb: {  	v7 =	vld [tilespmem:s5+$0x10];
	_ =	sdelay $0x4  }
0x2ec: {  	v5 =	vadd.f32 v5, v7;
	v6 =	vmax.f32 v6, v7  }
0x2ed: {  	[tilespmem:s8+$0xA050] =	vst v6;
	v6 =	vld [tilespmem:s8+$0xA060]  }
0x2ee: {  	[tilespmem:s8+$0x50] =	vst v5;
	v5 =	vld [tilespmem:s8+$0x60]  }
0x2ef: {  	v7 =	vld [tilespmem:s5+$0x20];
	_ =	sdelay $0x4  }
0x2f0: {  	v5 =	vadd.f32 v5, v7;
	v6 =	vmax.f32 v6, v7  }
0x2f1: {  	[tilespmem:s8+$0xA060] =	vst v6;
	v6 =	vld [tilespmem:s8+$0xA070]  }
0x2f2: {  	[tilespmem:s8+$0x60] =	vst v5;
	v5 =	vld [tilespmem:s8+$0x70]  }
0x2f3: {  	v7 =	vld [tilespmem:s5+$0x30];
	_ =	sdelay $0x4  }
0x2f4: {  	v5 =	vadd.f32 v5, v7;
	v6 =	vmax.f32 v6, v7  }
0x2f5: {  	[tilespmem:s8+$0xA070] =	vst v6  }
0x2f6: {  	[tilespmem:s8+$0x70] =	vst v5  }
0x2f7: {  	v5 =	vld [tilespmem:s6+$0x14000]  }
.Ltmp26:
0x2f8: {  	(pc) =	sbr.rel @p0 .LBB2_29-.Ltmp26, $2  }
0x2f9: {  	_ =	sdelay $0x2  }
0x2fa: {  	v5 =	vadd.f32 v4, v5  }
.Ltmp27:
0x2fb: {  	_ = 	snop;
	(pc) =	sbr.rel .LBB2_30-.Ltmp27, $1  }
0x2fc: {  	_ =	sdelay $0x3  }
.LBB2_34:
0x2fd: {  	_ =	sfence.sel $0x180000  }
0x2fe: {  	[bflag:$0x0] =	sbarrier.arrive $0xFFFF  }
0x2ff: {  	_ =	strace $0x9000004A  }
0x300: {  	s0 =	stileid.u32;
	[bflag:$0x2] =	sbarrier.arrive $0xFFFF  }
0x301: {  	p0 =	sne.s32 s0, $0x0;
	s0 =	rddreg [dreg:$0x2]  }
0x302: {  	s0 =	sadd.s32 @!p0 $0x100000, s0  }
0x303: {  	[sflag:s0] =	ssyncadd.tile.s32 @!p0 $0x1;
	_ =	shalt  }
.Lfunc_end2:
_tile_overlayer_lowered:
.L_overlay_start_2:
0x304: {  	(tag) =	ssettag $0x2  }
0x305: {  	s0 =	rddreg [dreg:$0x0];
	s2 =	stileid.u32  }
0x306: {  	s1 =	rddreg [dreg:$0x1];
	p0 =	sne.s32 s2, $0x0  }
0x307: {  	s3 =	rddreg [dreg:$0x2];
	[bflag:$0x3] =	sbarrier.arrive $0xFFFF;
	s2 =	simm.s32 @!p0 $0x1C07  }
0x308: {  	[timem:s3], [sflag:s2] =	dma.local @!p0 [hbm:s0], s1  }
0x309: {  	s0 =	simm.s32 @!p0 $0x7  }
0x30a: {  	_ =	swait.ge @!p0 [sflag:s0], s1  }
0x30b: {  	s1 =	ssub.s32 @!p0 $0x0, s1;
	[sflag:s0] =	ssyncset.done @!p0 $0x0  }
0x30c: {  	[sflag:s0] =	ssyncadd.s32 @!p0 s1  }
0x30d: {  	[bflag:$0x3] =	sbarrier.arrive $0xFFFF  }
0x30e: {  	_ =	shalt  }

// kernel: kernel.7.cloned.1.call-start
scs
__scs_entry_jumppad:
0x0: {  	(pc) =	sbr.rel $0x88, $3  }
0x1: {  	(tag) =	ssettag $0x0;
	lr =	simm.s32 $0x1  }
0x2: {  	[smem:$0x3F97] =	sst lr;
	_ =	strace $0xD0000000  }
0x3: {  	_ = 	snop  }
0x4: {  	_ = 	snop  }
0x5: {  	_ = 	snop  }
0x6: {  	_ = 	snop  }
0x7: {  	_ = 	snop  }
__scs_overlays_trampoline_lowered:
0x8: {  	[smem:$0x3FA6] =	sst s0  }
0x9: {  	[smem:$0x3FA7] =	sst s1  }
0xa: {  	[smem:$0x3FA8] =	sst s2  }
0xb: {  	[smem:$0x3FA9] =	sst s3  }
0xc: {  	[smem:$0x3FAA] =	sst s4  }
0xd: {  	[smem:$0x3FAB] =	sst s5  }
0xe: {  	[smem:$0x3FAC] =	sst s6  }
0xf: {  	[smem:$0x3FAD] =	sst s7  }
0x10: {  	[smem:$0x3FAE] =	sst s8  }
0x11: {  	[smem:$0x3FAF] =	sst s9;
	s0 =	simm.s32 @!p0 $0x0  }
0x12: {  	s1 =	sld [smem:$0x3F95];
	s0 =	simm.s32 @p0 $0x1  }
0x13: {  	[smem:$0x3FB0] =	sst s0;
	s0 =	simm.s32 @!p1 $0x0  }
0x14: {  	s2 =	sld [smem:$0x3F94];
	s0 =	simm.s32 @p1 $0x1  }
0x15: {  	[smem:$0x3FB1] =	sst s0;
	s0 =	simm.s32 @!p2 $0x0  }
0x16: {  	s3 =	sld [smem:$0x3FDB];
	s0 =	simm.s32 @p2 $0x1  }
0x17: {  	s4 =	simm.s32 $0x1BF5;
	[smem:$0x3FB3] =	sst s0  }
0x18: {  	s0 =	sld [smem:$0x3F96];
	_ =	swait.ge [sflag:s4], $0x0  }
0x19: {  	s7 =	sld [smem:$0x3F97]  }
0x1a: {  	s8 =	sadd.s32 $0xFFFFE003, lr  }
0x1b: {  	s9 =	sadd.s32 $0xFFFFFEF7, lr;
	s5 =	simm.s32 $0xFFFFFFFF;
	p2 =	slt.u32 s8, $0xFFFFF086  }
0x1c: {  	p1 =	slt.u32 s9, $0xF7A;
	s5 =	simm.s32 @!p2 $0x0  }
0x1d: {  	s5 =	simm.s32 @p1 $0x1;
	p0 =	seq.s32 s7, s2  }
0x1e: {  	s7 =	smul.u32 @!p0 $0xF7A, s2;
	p2 =	seq.s32 @!p0 s5, $0x0  }
0x1f: {  	s9 =	smul.u32 $0xF7A, s1;
	s8 =	simm.s32 @!p0 $0x1BF5;
	p2 =	por !p2, p0  }
0x20: {  	[sflag:s8] =	ssyncset.s32 @!p0 $0xFFFFF086;
	s6 =	sadd.s32 @!p0 s3, s7;
	s7 =	simm.s32 @!p0 $0x108  }
0x21: {  	s3 =	sadd.s32 s3, s9;
	s6 =	sadd.s32 @!p0 $0x88, s6;
	s7 =	simm.s32 @p2 $0x1082  }
0x22: {  	[simem:s7], [sflag:s8] =	dma.local @!p0 [hbm:s6], $0xF7A  }
0x23: {  	s9 =	sor.u32 $0xD0000000, s2;
	s6 =	simm.s32 $0x108;
	_ =	swait.ge @!p0 [sflag:s8], $0x0  }
0x24: {  	s3 =	sadd.s32 $0x88, s3;
	s6 =	simm.s32 @!p1 $0x1082;
	[sflag:s4] =	ssyncset.s32 $0xFFFFF086  }
0x25: {  	[simem:s6], [sflag:s4] =	dma.local [hbm:s3], $0xF7A  }
0x26: {  	[smem:$0x3F97] =	sst s1;
	(tag) =	ssettag s2;
	_ =	strace s9  }
0x27: {  	s1 =	sld [smem:$0x3FA7]  }
0x28: {  	s2 =	sld [smem:$0x3FA8]  }
0x29: {  	s4 =	sld [smem:$0x3FAA]  }
0x2a: {  	p0 =	seq.s32 s5, $0x0;
	s5 =	sld [smem:$0x3FAB]  }
0x2b: {  	s6 =	sld [smem:$0x3FAC]  }
0x2c: {  	s7 =	sld [smem:$0x3FAD]  }
0x2d: {  	s3 =	simm.s32 $0x108;
	s8 =	sld [smem:$0x3FAE]  }
0x2e: {  	s3 =	simm.s32 @!p0 $0x1082;
	s9 =	sld [smem:$0x3FAF]  }
0x2f: {  	lr =	sadd.s32 s0, s3;
	s0 =	sld [smem:$0x3FA6]  }
0x30: {  	s3 =	sld [smem:$0x3FA9]  }
0x31: {  	[smem:$0x3FB2] =	sst s10  }
0x32: {  	s10 =	sld [smem:$0x3FB0];
	_ =	sdelay $0x3  }
0x33: {  	p0 =	seq.s32 s10, $0x1;
	s10 =	sld [smem:$0x3FB2];
	_ =	sdelay $0x3  }
0x34: {  	[smem:$0x3FB2] =	sst s10  }
0x35: {  	s10 =	sld [smem:$0x3FB1];
	_ =	sdelay $0x3  }
0x36: {  	p1 =	seq.s32 s10, $0x1;
	s10 =	sld [smem:$0x3FB2];
	_ =	sdelay $0x3  }
0x37: {  	[smem:$0x3FB2] =	sst s10  }
0x38: {  	s10 =	sld [smem:$0x3FB3]  }
0x39: {  	_ = 	snop;
	(pc) =	sbr.ind lr, $3  }
0x3a: {  	_ = 	snop  }
0x3b: {  	_ = 	snop  }
0x3c: {  	p2 =	seq.s32 s10, $0x1;
	s10 =	sld [smem:$0x3FB2]  }
0x3d: {  	_ =	shalt  }
0x3e: {  	_ =	shalt  }
0x3f: {  	_ =	shalt  }
0x40: {  	_ =	shalt  }
0x41: {  	_ =	shalt  }
0x42: {  	_ =	shalt  }
0x43: {  	_ =	shalt  }
0x44: {  	_ =	shalt  }
0x45: {  	_ =	shalt  }
0x46: {  	_ =	shalt  }
0x47: {  	_ =	shalt  }
0x48: {  	_ =	shalt  }
0x49: {  	_ =	shalt  }
0x4a: {  	_ =	shalt  }
0x4b: {  	_ =	shalt  }
0x4c: {  	_ =	shalt  }
0x4d: {  	_ =	shalt  }
0x4e: {  	_ =	shalt  }
0x4f: {  	_ =	shalt  }
0x50: {  	_ =	shalt  }
0x51: {  	_ =	shalt  }
0x52: {  	_ =	shalt  }
0x53: {  	_ =	shalt  }
0x54: {  	_ =	shalt  }
0x55: {  	_ =	shalt  }
0x56: {  	_ =	shalt  }
0x57: {  	_ =	shalt  }
0x58: {  	_ =	shalt  }
0x59: {  	_ =	shalt  }
0x5a: {  	_ =	shalt  }
0x5b: {  	_ =	shalt  }
0x5c: {  	_ =	shalt  }
0x5d: {  	_ =	shalt  }
0x5e: {  	_ =	shalt  }
0x5f: {  	_ =	shalt  }
0x60: {  	_ =	shalt  }
0x61: {  	_ =	shalt  }
0x62: {  	_ =	shalt  }
0x63: {  	_ =	shalt  }
0x64: {  	_ =	shalt  }
0x65: {  	_ =	shalt  }
0x66: {  	_ =	shalt  }
0x67: {  	_ =	shalt  }
0x68: {  	_ =	shalt  }
0x69: {  	_ =	shalt  }
0x6a: {  	_ =	shalt  }
0x6b: {  	_ =	shalt  }
0x6c: {  	_ =	shalt  }
0x6d: {  	_ =	shalt  }
0x6e: {  	_ =	shalt  }
0x6f: {  	_ =	shalt  }
0x70: {  	_ =	shalt  }
0x71: {  	_ =	shalt  }
0x72: {  	_ =	shalt  }
0x73: {  	_ =	shalt  }
0x74: {  	_ =	shalt  }
0x75: {  	_ =	shalt  }
0x76: {  	_ =	shalt  }
0x77: {  	_ =	shalt  }
0x78: {  	_ =	shalt  }
0x79: {  	_ =	shalt  }
0x7a: {  	_ =	shalt  }
0x7b: {  	_ =	shalt  }
0x7c: {  	_ =	shalt  }
0x7d: {  	_ =	shalt  }
0x7e: {  	_ =	shalt  }
0x7f: {  	_ =	shalt  }
0x80: {  	_ =	shalt  }
0x81: {  	_ =	shalt  }
0x82: {  	_ =	shalt  }
0x83: {  	_ =	shalt  }
0x84: {  	_ =	shalt  }
0x85: {  	_ =	shalt  }
0x86: {  	_ =	shalt  }
0x87: {  	_ =	shalt  }
.Lfunc_end0:
.L_simem_size_0:
called_computation_lowered:
.L_overlay_start_0:
0x88: {  	s2 =	sld [smem:$0x3FD9]  }
0x89: {  	s3 =	sld [smem:$0x3FFE];
	_ =	sdelay $0x1  }
0x8a: {  	s1 =	srdreg.scid  }
0x8b: {  	s0 =	sand.u32 $0x1, s1  }
0x8c: {  	s17 =	sshll.u32 s0, $0xA;
	s2 =	sadd.s32 s3, s2  }
0x8d: {  	s2 =	sadd.s32 s2, s17  }
0x8e: {  	[smem:$0x3FBE] =	sst s2  }
0x8f: {  	_ = 	snop  }
0x90: {  	s2 =	sld [smem:$0x3FC9]  }
0x91: {  	s18 =	sld [smem:$0x3FC7]  }
0x92: {  	s4 =	sld [smem:$0x3FC3]  }
0x93: {  	s5 =	sld [smem:$0x3FD0];
	(tm) =	ssettm $0x1  }
0x94: {  	s6 =	sld [smem:$0x3FFB];
	_ =	sdelay $0x3  }
0x95: {  	_ =	strace s6  }
0x96: {  	s6 =	sld [smem:$0x3FFC];
	_ =	sdelay $0x3  }
0x97: {  	_ =	strace s6  }
0x98: {  	s6 =	sld [smem:$0x3FFD];
	_ =	sdelay $0x3  }
0x99: {  	_ =	strace s6  }
0x9a: {  	_ =	strace $0x8FFFFFFF  }
0x9b: {  	s19 =	sld [smem:$0x3FDB];
	_ =	sdelay $0x1  }
0x9c: {  	s7 =	simm.s32 $_scs_section_size  }
0x9d: {  	s8 =	simm.s32 $_size__tile_overlayer_lowered;
	s9 =	simm.s32 $_tile_overlayer_lowered  }
0x9e: {  	s22 =	simm.s32 $0x1BFF;
	s21 =	sshll.u32 s9, $0x1;
	s6 =	sadd.s32 s7, s19  }
0x9f: {  	s10 =	simm.s32 $0x0;
	s20 =	sshll.u32 s8, $0x1;
	s8 =	sadd.s32 s21, s6  }
0xa0: {  	[timem:s10], [sflag:s22] =	dma.local [hbm:s8], s20  }
0xa1: {  	_ =	swait.ge [sflag:s22], s20  }
0xa2: {  	s7 =	ssub.s32 $0x0, s20;
	[sflag:s22] =	ssyncset.done $0x0  }
0xa3: {  	[sflag:s22] =	ssyncadd.s32 s7;
	_ =	sdelay $0x1  }
0xa4: {  	s23 =	simm.s32 $0x1B8B  }
0xa5: {  	_ =	swait.ge [sflag:s23], $0x1  }
0xa6: {  	[sflag:s23] =	ssyncset.done $0x0  }
0xa7: {  	s25 =	simm.s32 $0x1B8E;
	s24 =	sld [smem:$0x3FFE];
	[sflag:s23] =	ssyncadd.s32 $0xFFFFFFFF  }
0xa8: {  	s26 =	simm.s32 $execute0_lowered;
	[smem:$0x3FD2] =	sst s25  }
0xa9: {  	s8 =	sshll.u32 s26, $0x1;
	_ =	strace $0x80000046;
	[dreg:$0x1] =	wrdreg $0xFFFFFFFF  }
0xaa: {  	s28 =	simm.s32 $_size_execute0_lowered;
	s6 =	sadd.s32 s6, s8;
	[dreg:$0x0] =	wrdreg $0x0  }
0xab: {  	s8 =	sshll.u32 s28, $0x1;
	[dreg:$0x2] =	wrdreg s6  }
0xac: {  	[dreg:$0x3] =	wrdreg s8  }
0xad: {  	[dreg:$0x4] =	wrdreg $0xC0  }
0xae: {  	_ =	task [dreg:s10], $0x5FFFF  }
0xaf: {  	[dreg:$0x1] =	wrdreg $0xFFFFFFFF  }
0xb0: {  	[dreg:$0x0] =	wrdreg $0x60  }
0xb1: {  	[dreg:$0x2] =	wrdreg s2  }
0xb2: {  	[dreg:$0x3] =	wrdreg s5  }
0xb3: {  	[dreg:$0x4] =	wrdreg s4  }
0xb4: {  	[dreg:$0x5] =	wrdreg s24  }
0xb5: {  	[dreg:$0x6] =	wrdreg s18  }
0xb6: {  	[dreg:$0x7] =	wrdreg $0x9  }
0xb7: {  	_ =	task.clear_ibuf [dreg:s10], $0x8FFFF;
	_ =	strace $0x90000046  }
0xb8: {  	s29 =	simm.s32 $0x9;
	_ =	strace $0x80000048  }
0xb9: {  	_ =	swait.ge [sflag:s29], $0x1  }
0xba: {  	[sflag:s29] =	ssyncadd.s32 $0xFFFFFFFF  }
0xbb: {  	_ =	strace $0x90000048  }
0xbc: {  	_ =	sfence  }
0xbd: {  	s30 =	sld [smem:$0x0];
	_ =	sdelay $0x2  }
0xbe: {  	s31 =	sshll.u32 s1, $0xD;
	s1 =	sshrl.u32 s1, $0x2  }
0xbf: {  	s3 =	sand.u32 $0x4000, s31;
	s1 =	sadd.s32 s1, s30  }
0xc0: {  	s0 =	sor.u32 s3, s0;
	s1 =	sshll.u32 s1, $0x11  }
0xc1: {  	s0 =	sor.u32 s1, s0  }
0xc2: {  	s0 =	sadd.s32 $0x8F2B, s0  }
0xc3: {  	[sflag:s0] =	ssyncadd.remote.s32 $0x1  }
0xc4: {  	_ =	sfence.sel $0xFFFF  }
0xc5: {  	[dreg:$0x0] =	wrdreg $0xFFFFFFFF;
	(pc) =	sbr.abs _section_cstart, $3  }
0xc6: {  	[dreg:$0x1] =	wrdreg $0xFFFFFFFF  }
0xc7: {  	_ =	task.clear_ibuf [dreg:s10], $0x2FFFF;
	_ =	strace $0x9FFFFFFF  }
0xc8: {  	(tm) =	ssettm $0x7FFFFFFF  }
0xc9: {  	_ =	shalt  }
tec
execute0_lowered:
.L_overlay_start_1:
0x0: {  	(tag) =	ssettag $0x1  }
0x1: {  	s1 =	rddreg [dreg:$0x0]  }
0x2: {  	s2 =	rddreg [dreg:$0x1]  }
0x3: {  	s3 =	rddreg [dreg:$0x2]  }
0x4: {  	s10 =	rddreg [dreg:$0x3]  }
0x5: {  	s4 =	rddreg [dreg:$0x4]  }
0x6: {  	s0 =	rddreg [dreg:$0x5];
	s5 =	simm.s32 $0x0  }
0x7: {  	s8 =	srdreg.scid;
	s6 =	stileid.u32;
	s15 =	simm.s32 $0x1  }
0x8: {  	s16 =	simm.s32 $0xC8;
	s17 =	simm.s32 $0x300;
	s18 =	simm.s32 $0x2  }
0x9: {  	s19 =	simm.s32 $0x6700;
	s20 =	simm.s32 $0x3;
	s21 =	simm.s32 $0xCB00  }
0xa: {  	s22 =	simm.s32 $0x4;
	s23 =	simm.s32 $0x0;
	[smem:$0x7FF] =	sst s5  }
0xb: {  	s7 =	sadd.s32 $0x1E00, s10;
	s11 =	sand.u32 $0x1, s8;
	s8 =	sadd.s32 $0xBC00, s10  }
0xc: {  	s13 =	sshll.u32 s6, $0x1;
	s9 =	sadd.s32 $0x15A00, s10;
	s12 =	ssub.s32 $0x2, s11  }
0xd: {  	s10 =	sadd.s32 $0x4F7A00, s10;
	_ =	strace $0x80000047;
	s14 =	sshrl.u32 s12, $0x1  }
0xe: {  	s11 =	sor.u32 s11, s13;
	s13 =	simm.s32 $0x100;
	s12 =	ssub.s32 s12, s14  }
0xf: {  	s11 =	smul.u32 $0x2710, s11;
	s14 =	simm.s32 $0x200;
	s12 =	smax.u32 s12, $0x1  }
.LBB2_1:
0x10: {  	s24 =	simm.s32 $0x0  }
.LBB2_2:
0x11: {  	s25 =	smul.u32 $0xC8, s24;
	_ =	sdelay $0x1  }
0x12: {  	s25 =	sadd.s32 s11, s25  }
0x13: {  	s26 =	sshrl.u32 s25, $0x3  }
0x14: {  	s29 =	simm.s32 $0x0;
	s28 =	sadd.s32 s7, s26  }
0x15: {  	[tilespmem:s29], [sflag:$0x1] =	stream.linear.gather [hbm4b:s28+s29], $0xC8, $0x38;
	[tilespmem:$0x12F00] =	vst v63  }
0x16: {  	s28 =	sadd.s32 s4, s26  }
0x17: {  	[tilespmem:s13], [sflag:$0x2] =	stream.linear.gather [hbm4b:s28+s29], $0xC8, $0x38;
	[tilespmem:$0x12F00] =	vst v63  }
0x18: {  	s26 =	sadd.s32 s8, s26  }
0x19: {  	[tilespmem:s14], [sflag:$0x3] =	stream.linear.gather [hbm4b:s26+s29], $0xC8, $0x38;
	[tilespmem:$0x12F00] =	vst v63  }
0x1a: {  	_ =	swait.ge [sflag:s15], $0xC8  }
0x1b: {  	[sflag:s15] =	ssyncset.done $0x0  }
0x1c: {  	[sflag:s15] =	ssyncadd.s32 $0xFFFFFF38  }
0x1d: {  	[tilespmem:s17], [sflag:$0x1] =	stream.indirect.gather [hbm4b:s1+s16], $0x80, s29, s16, $0xb8;
	[tilespmem:$0x12F00] =	vst v63  }
0x1e: {  	_ =	swait.ge [sflag:s18], $0xC8  }
0x1f: {  	[sflag:s18] =	ssyncset.done $0x0  }
0x20: {  	[sflag:s18] =	ssyncadd.s32 $0xFFFFFF38  }
0x21: {  	[tilespmem:s19], [sflag:$0x2] =	stream.indirect.gather [hbm4b:s3+s16], $0x80, s13, s16, $0xb8;
	[tilespmem:$0x12F00] =	vst v63  }
0x22: {  	_ =	swait.ge [sflag:s20], $0xC8  }
0x23: {  	[sflag:s20] =	ssyncset.done $0x0  }
0x24: {  	[sflag:s20] =	ssyncadd.s32 $0xFFFFFF38  }
0x25: {  	[tilespmem:s21], [sflag:$0x3] =	stream.indirect.gather [hbm4b:s2+s16], $0x80, s14, s16, $0xb8;
	[tilespmem:$0x12F00] =	vst v63  }
0x26: {  	_ =	swait.ge [sflag:s15], $0x6400  }
0x27: {  	[sflag:s15] =	ssyncset.done $0x0  }
0x28: {  	[sflag:s15] =	ssyncadd.s32 $0xFFFF9C00  }
0x29: {  	_ =	swait.ge [sflag:s18], $0x6400  }
0x2a: {  	[sflag:s18] =	ssyncset.done $0x0  }
0x2b: {  	s26 =	simm.s32 $0x0;
	[sflag:s18] =	ssyncadd.s32 $0xFFFF9C00  }
0x2c: {  	v7 =	vld [tilespmem:s26+$0x6700]  }
0x2d: {  	v11 =	vld [tilespmem:s26+$0x6710]  }
0x2e: {  	v5 =	vld [tilespmem:s26+$0x6720]  }
0x2f: {  	v4 =	vld [tilespmem:s26+$0x6730]  }
0x30: {  	v3 =	vld [tilespmem:s26+$0x6740]  }
0x31: {  	v2 =	vld [tilespmem:s26+$0x6750]  }
0x32: {  	v1 =	vld [tilespmem:s26+$0x6760]  }
0x33: {  	v0 =	vld [tilespmem:s26+$0x6770]  }
0x34: {  	v12 =	vld [tilespmem:s26+$0x300]  }
0x35: {  	v13 =	vld [tilespmem:s26+$0x310]  }
0x36: {  	v10 =	vld [tilespmem:s26+$0x320]  }
0x37: {  	v9 =	vld [tilespmem:s26+$0x330]  }
0x38: {  	v8 =	vld [tilespmem:s26+$0x340]  }
0x39: {  	v6 =	vld [tilespmem:s26+$0x350];
	v12 =	vmul.f32 v7, v12  }
0x3a: {  	s28 =	simm.s32 $0x200;
	v11 =	vmul.f32 v11, v13;
	v7 =	vld [tilespmem:s26+$0x360]  }
.LBB2_3:
0x3b: {  	s29 =	sshra.s32 s28, $0x2;
	p0 =	sne.s32 s28, $0x18E00;
	[tilespmem:s26+$0x300] =	vst v12;
	v5 =	vmul.f32 v5, v10;
	v10 =	vld [tilespmem:s26+$0x370]  }
0x3c: {  	v12 =	vld [tilespmem:s29+$0x6700];
	[tilespmem:s26+$0x310] =	vst v11;
	v4 =	vmul.f32 v4, v9  }
0x3d: {  	v11 =	vld [tilespmem:s29+$0x6710];
	[tilespmem:s26+$0x320] =	vst v5;
	v3 =	vmul.f32 v3, v8  }
0x3e: {  	v5 =	vld [tilespmem:s29+$0x6720];
	[tilespmem:s26+$0x330] =	vst v4;
	v2 =	vmul.f32 v2, v6  }
0x3f: {  	v4 =	vld [tilespmem:s29+$0x6730];
	[tilespmem:s26+$0x340] =	vst v3;
	v1 =	vmul.f32 v1, v7  }
0x40: {  	v3 =	vld [tilespmem:s29+$0x6740];
	[tilespmem:s26+$0x350] =	vst v2;
	v0 =	vmul.f32 v0, v10  }
0x41: {  	v2 =	vld [tilespmem:s29+$0x6750];
	[tilespmem:s26+$0x360] =	vst v1  }
0x42: {  	v1 =	vld [tilespmem:s29+$0x6760];
	[tilespmem:s26+$0x370] =	vst v0;
	s26 =	smov.u32 s29  }
0x43: {  	v0 =	vld [tilespmem:s26+$0x6770]  }
0x44: {  	v6 =	vld [tilespmem:s26+$0x300]  }
0x45: {  	v7 =	vld [tilespmem:s26+$0x310]  }
.Ltmp0:
0x46: {  	v10 =	vld [tilespmem:s26+$0x320];
	(pc) =	sbr.rel @p0 .LBB2_3-.Ltmp0, $4  }
0x47: {  	v9 =	vld [tilespmem:s26+$0x330]  }
0x48: {  	v8 =	vld [tilespmem:s26+$0x340]  }
0x49: {  	v12 =	vmul.f32 v12, v6;
	v6 =	vld [tilespmem:s26+$0x350]  }
0x4a: {  	s28 =	sadd.s32 $0x200, s28;
	v11 =	vmul.f32 v11, v7;
	v7 =	vld [tilespmem:s26+$0x360]  }
0x4b: {  	[tilespmem:s26+$0x300] =	vst v12;
	v5 =	vmul.f32 v5, v10;
	v63 =	vld [tilespmem:s26+$0x370]  }
0x4c: {  	[tilespmem:s26+$0x310] =	vst v11;
	v4 =	vmul.f32 v4, v9  }
0x4d: {  	[tilespmem:s26+$0x320] =	vst v5;
	v3 =	vmul.f32 v3, v8  }
0x4e: {  	[tilespmem:s26+$0x330] =	vst v4;
	v2 =	vmul.f32 v2, v6  }
0x4f: {  	[tilespmem:s26+$0x340] =	vst v3;
	v1 =	vmul.f32 v1, v7  }
0x50: {  	[tilespmem:s26+$0x350] =	vst v2;
	v0 =	vmul.f32 v0, v63  }
0x51: {  	s25 =	sshll.u32 s25, $0x4;
	[tilespmem:s26+$0x360] =	vst v1  }
0x52: {  	s31 =	sadd.s32 s9, s25;
	[tilespmem:s26+$0x370] =	vst v0  }
0x53: {  	[hbm4b:s31+s5] =	stream.linear.scatter [tilespmem:s17], [sflag:$0x4], $0x6400, $0x38;
	[tilespmem:$0x12F00] =	vst v63  }
0x54: {  	_ =	swait.ge [sflag:s22], $0x6400  }
0x55: {  	[sflag:s22] =	ssyncset.done $0x0  }
0x56: {  	[sflag:s22] =	ssyncadd.s32 $0xFFFF9C00  }
0x57: {  	s24 =	sadd.s32 $0x1, s24;
	_ =	swait.ge [sflag:s20], $0x6400  }
0x58: {  	p0 =	sne.s32 s24, $0x32;
	[sflag:s20] =	ssyncset.done $0x0  }
.Ltmp1:
0x59: {  	s25 =	sadd.s32 s10, s25;
	[sflag:s20] =	ssyncadd.s32 $0xFFFF9C00;
	(pc) =	sbr.rel @p0 .LBB2_2-.Ltmp1, $4  }
0x5a: {  	[hbm4b:s25+s5] =	stream.linear.scatter [tilespmem:s21], [sflag:$0x4], $0x6400, $0x38;
	[tilespmem:$0x12F00] =	vst v63  }
0x5b: {  	_ =	swait.ge [sflag:s22], $0x6400  }
0x5c: {  	[sflag:s22] =	ssyncset.done $0x0  }
0x5d: {  	[sflag:s22] =	ssyncadd.s32 $0xFFFF9C00  }
0x5e: {  	s23 =	sadd.s32 $0x1, s23  }
0x5f: {  	p0 =	sne.s32 s23, s12  }
.Ltmp2:
0x60: {  	_ = 	snop;
	(pc) =	sbr.rel @p0 .LBB2_1-.Ltmp2, $1  }
0x61: {  	_ =	sdelay $0x3  }
0x62: {  	_ =	sfence.sel $0x180000  }
0x63: {  	[bflag:$0x0] =	sbarrier.arrive $0xFFFF  }
0x64: {  	p0 =	sne.s32 s6, $0x0;
	_ =	strace $0x90000047  }
0x65: {  	s0 =	sadd.s32 @!p0 $0x100000, s0;
	[bflag:$0x2] =	sbarrier.arrive $0xFFFF  }
0x66: {  	[sflag:s0] =	ssyncadd.tile.s32 @!p0 $0x1;
	_ =	shalt  }
.Lfunc_end2:
_tile_overlayer_lowered:
.L_overlay_start_2:
0x67: {  	(tag) =	ssettag $0x2  }
0x68: {  	s0 =	rddreg [dreg:$0x0];
	s2 =	stileid.u32  }
0x69: {  	s1 =	rddreg [dreg:$0x1];
	p0 =	sne.s32 s2, $0x0  }
0x6a: {  	s3 =	rddreg [dreg:$0x2];
	[bflag:$0x3] =	sbarrier.arrive $0xFFFF;
	s2 =	simm.s32 @!p0 $0x1C04  }
0x6b: {  	[timem:s3], [sflag:s2] =	dma.local @!p0 [hbm:s0], s1  }
0x6c: {  	s0 =	simm.s32 @!p0 $0x4  }
0x6d: {  	_ =	swait.ge @!p0 [sflag:s0], s1  }
0x6e: {  	s1 =	ssub.s32 @!p0 $0x0, s1;
	[sflag:s0] =	ssyncset.done @!p0 $0x0  }
0x6f: {  	[sflag:s0] =	ssyncadd.s32 @!p0 s1  }
0x70: {  	[bflag:$0x3] =	sbarrier.arrive $0xFFFF  }
0x71: {  	_ =	shalt  }

</sc_bundles>
